<compile_context>
chip_gen: v7x
topology: tpu7x:2x2x1
jax: 0.10.2.dev20260603
libtpu: 0.0.44.dev20260713+nightly
codegen_flags: <defaults>
</compile_context>

<pallas_src>
import functools

import jax
import jax.numpy as jnp
from jax import lax
from jax.experimental import pallas as pl
from jax.experimental.pallas import tpu as pltpu
from jax.experimental.pallas import tpu_sc as plsc

NC = 2
NS = 16
NW = NC * NS
LANES = 16

NBUF = 4
GB = 2


def _sc_partials(pred, gt, b_start, bpw, nj, h, w):
    imgs = bpw * nj
    vecs_r = w // LANES
    acc_w = nj * LANES

    mesh = plsc.VectorSubcoreMesh(core_axis_name="c", subcore_axis_name="s")

    @functools.partial(
        pl.kernel,
        out_type=jax.ShapeDtypeStruct((NW, 4 * acc_w), jnp.float32),
        mesh=mesh,
        scratch_types=(
            [pltpu.VMEM((h, w), jnp.float32)] * (2 * NBUF)
            + [pltpu.VMEM((4 * acc_w,), jnp.float32)]
            + [pltpu.SemaphoreType.DMA] * (2 * NBUF)
        ),
    )
    def body(pred_hbm, gt_hbm, out_hbm, *rest):
        pbufs = rest[0:NBUF]
        gbufs = rest[NBUF:2 * NBUF]
        acc = rest[2 * NBUF]
        psems = rest[2 * NBUF + 1:3 * NBUF + 1]
        gsems = rest[3 * NBUF + 1:4 * NBUF + 1]
        wid = lax.axis_index("s") * NC + lax.axis_index("c")
        b0 = b_start + wid * bpw

        def start(i_local, slot):
            bi = b0 + i_local // nj
            ji = i_local % nj
            pltpu.make_async_copy(pred_hbm.at[bi, ji], pbufs[slot],
                                  psems[slot]).start()
            pltpu.make_async_copy(gt_hbm.at[bi, ji], gbufs[slot],
                                  gsems[slot]).start()

        def wait(i_local, slot):
            bi = b0 + i_local // nj
            ji = i_local % nj
            pltpu.make_async_copy(pred_hbm.at[bi, ji], pbufs[slot],
                                  psems[slot]).wait()
            pltpu.make_async_copy(gt_hbm.at[bi, ji], gbufs[slot],
                                  gsems[slot]).wait()

        zero16 = jnp.zeros((LANES,), jnp.float32)
        ninf16 = jnp.full((LANES,), -jnp.inf, jnp.float32)
        pinf16 = jnp.full((LANES,), jnp.inf, jnp.float32)
        for j in range(nj):
            acc[pl.ds(0 * acc_w + j * LANES, LANES)] = zero16
            acc[pl.ds(1 * acc_w + j * LANES, LANES)] = zero16
            acc[pl.ds(2 * acc_w + j * LANES, LANES)] = ninf16
            acc[pl.ds(3 * acc_w + j * LANES, LANES)] = pinf16

        for s in range(NBUF):
            start(s, s)

        def do_img(i_local, slot):
            wait(i_local, slot)
            j = i_local % nj

            def inner(r, carry, _slot=slot):
                ps, pc, nm, ma = carry
                for u in range(vecs_r):
                    p = pbufs[_slot][r, pl.ds(u * LANES, LANES)]
                    g = gbufs[_slot][r, pl.ds(u * LANES, LANES)]
                    d = p - g
                    sq = d * d
                    posm = g > 0.0
                    ps = ps + jnp.where(posm, sq, 0.0)
                    pc = pc + jnp.where(posm, 1.0, 0.0)
                    negm = g == 0.0
                    nm = jnp.maximum(nm, jnp.where(negm, p, -jnp.inf))
                    ma = jnp.minimum(ma, jnp.abs(g))
                return ps, pc, nm, ma

            ps, pc, nm, ma = lax.fori_loop(
                0, h, inner, (zero16, zero16, ninf16, pinf16))
            s0 = pl.ds(0 * acc_w + j * LANES, LANES)
            s1 = pl.ds(1 * acc_w + j * LANES, LANES)
            s2 = pl.ds(2 * acc_w + j * LANES, LANES)
            s3 = pl.ds(3 * acc_w + j * LANES, LANES)
            acc[s0] = acc[s0] + ps
            acc[s1] = acc[s1] + pc
            acc[s2] = jnp.maximum(acc[s2], nm)
            acc[s3] = jnp.minimum(acc[s3], ma)

            @pl.when(i_local + NBUF < imgs)
            def _():
                start(i_local + NBUF, slot)

        def outer(i2, carry):
            for s in range(NBUF):
                do_img(i2 * NBUF + s, s)
            return carry

        lax.fori_loop(0, imgs // NBUF, outer, 0)
        for s in range(imgs % NBUF):
            do_img(jnp.int32((imgs // NBUF) * NBUF + s), s)

        pltpu.sync_copy(acc, out_hbm.at[wid])

    return body(pred, gt)


NQ = 4


def _tc_partials(pred, gt, b_tc, nj, h, w):
    nch = b_tc // GB
    nstep = nch // NQ
    rows = pred.shape[0] * pred.shape[1]
    crows = GB * nj
    predr = pred.reshape(rows, h, w)
    gtr = gt.reshape(rows, h, w)

    def tc_body(*refs):
        prefs = refs[0:NQ]
        grefs = refs[NQ:2 * NQ]
        ops_ref, opc_ref, onm_ref, oma_ref = refs[2 * NQ:2 * NQ + 4]
        bg = pl.program_id(0)

        def red(x, op):
            r = op(x, axis=2, keepdims=True)
            r = op(r, axis=0, keepdims=True)
            r = op(r, axis=3, keepdims=True)
            return jnp.broadcast_to(r.reshape(nj, 1), (nj, 128))

        ps = jnp.zeros((nj, 128), jnp.float32)
        pc = jnp.zeros((nj, 128), jnp.float32)
        nm = jnp.full((nj, 128), -jnp.inf, jnp.float32)
        ma = jnp.full((nj, 128), jnp.inf, jnp.float32)
        for q in range(NQ):
            p = prefs[q][...].reshape(GB, nj, h, w)
            g = grefs[q][...].reshape(GB, nj, h, w)
            posm = g > 0.0
            d = p - g
            sq = d * d
            ps = ps + red(jnp.where(posm, sq, 0.0), jnp.sum)
            pc = pc + red(jnp.where(posm, 1.0, 0.0), jnp.sum)
            nm = jnp.maximum(nm, red(jnp.where(g == 0.0, p, -jnp.inf),
                                     jnp.max))
            ma = jnp.minimum(ma, red(jnp.abs(g), jnp.min))

        @pl.when(bg == 0)
        def _():
            ops_ref[...] = ps
            opc_ref[...] = pc
            onm_ref[...] = nm
            oma_ref[...] = ma

        @pl.when(bg > 0)
        def _():
            ops_ref[...] = ops_ref[...] + ps
            opc_ref[...] = opc_ref[...] + pc
            onm_ref[...] = jnp.maximum(onm_ref[...], nm)
            oma_ref[...] = jnp.minimum(oma_ref[...], ma)

    def make_spec(q):
        return pl.BlockSpec((crows, h, w),
                            lambda bg, _q=q: (_q * nstep + bg, 0, 0))

    in_specs = [make_spec(q) for q in range(NQ)] * 2
    o_spec = pl.BlockSpec((nj, 128), lambda bg: (0, 0))
    o_type = jax.ShapeDtypeStruct((nj, 128), jnp.float32)
    return pl.pallas_call(
        tc_body,
        grid=(nstep,),
        in_specs=in_specs,
        out_specs=[o_spec, o_spec, o_spec, o_spec],
        out_shape=[o_type, o_type, o_type, o_type],
    )(*([predr] * NQ + [gtr] * NQ))


def _finalize(parts, tps, tpc, tnm, tma, nj):

    def fin_body(x_ref, tps_ref, tpc_ref, tnm_ref, tma_ref, o_ref):
        x = x_ref[...]
        ps = (jnp.sum(x[0 * nj:1 * nj, :], axis=1, keepdims=True)
              + tps_ref[...][:, 0:1])
        pc = (jnp.sum(x[1 * nj:2 * nj, :], axis=1, keepdims=True)
              + tpc_ref[...][:, 0:1])
        nm = jnp.maximum(jnp.max(x[2 * nj:3 * nj, :], axis=1, keepdims=True),
                         tnm_ref[...][:, 0:1])
        ma = jnp.minimum(jnp.min(x[3 * nj:4 * nj, :], axis=1, keepdims=True),
                         tma_ref[...][:, 0:1])
        present = ma == 0.0
        nm_safe = jnp.where(present, nm, 0.0)
        loss_j = ps / jnp.maximum(pc, 1.0) + nm_safe * nm_safe
        o_ref[...] = jnp.sum(loss_j, axis=0, keepdims=True) / nj

    return pl.pallas_call(
        fin_body,
        out_shape=jax.ShapeDtypeStruct((1, 1), jnp.float32),
    )(parts, tps, tpc, tnm, tma)


BTC = 64


@jax.jit
def kernel(output, target):
    b, nj, h, w = output.shape
    bpw = (b - BTC) // NW

    parts = _sc_partials(output, target, BTC, bpw, nj, h, w)
    if BTC > 0:
        tps, tpc, tnm, tma = _tc_partials(output, target, BTC, nj, h, w)
    else:
        tps = jnp.zeros((nj, 128), jnp.float32)
        tpc = jnp.zeros((nj, 128), jnp.float32)
        tnm = jnp.full((nj, 128), -jnp.inf, jnp.float32)
        tma = jnp.full((nj, 128), jnp.inf, jnp.float32)
    parts = parts.reshape(NW, 4, nj, LANES)
    parts = parts.transpose(1, 2, 0, 3).reshape(4 * nj, NW * LANES)
    loss = _finalize(parts, tps, tpc, tnm, tma, nj)
    return loss[0, 0]

# --- scband reference (transcript-rebuilt; emitter-appended) ---
"""Pipeline reference for scband-hard-mining-joints-mseloss-11312943858183 (READ-ONLY COPY).

The authoritative reference and input builder live on the scoring server;
editing this copy changes nothing except your own understanding.
"""

import jax, jax.numpy as jnp
import numpy as np


def setup_inputs(seed: int = 0) -> dict:
    key = jax.random.key(seed)
    k1, k2 = jax.random.split(key)
    output = jax.random.normal(k1, (128, 17, 96, 96), dtype=jnp.float32)
    target = jax.random.normal(k2, (128, 17, 96, 96), dtype=jnp.float32)
    return {"output": output, "target": target}


def reference(output, target):
    # Faithful translation of Hard_mining_JointsMSELoss.forward.
    # For each joint j (flattened over batch*HW):
    #   pos = elements where gt > 0 ; neg = elements where gt == 0
    #   loss_j = MSE(pos_pred, pos_gt)  [mean over positive elements]
    #   if any negatives exist (and k = min(#neg, #pos, 1) == 1):
    #     hardest negative = top-1 of neg_pred; its gt is exactly 0,
    #     so MSE term = (max_neg_pred)**2
    # final loss = sum_j loss_j / num_joints
    batch_size = output.shape[0]
    num_joints = output.shape[1]
    pred = output.reshape(batch_size, num_joints, -1)
    gt = target.reshape(batch_size, num_joints, -1)

    pos_mask = (gt > 0)
    neg_mask = (gt == 0)

    sq = (pred - gt) ** 2
    pos_count = jnp.sum(pos_mask.astype(pred.dtype), axis=(0, 2))  # [J]
    pos_loss = jnp.sum(jnp.where(pos_mask, sq, 0.0), axis=(0, 2)) / jnp.maximum(pos_count, 1.0)

    neg_count = jnp.sum(neg_mask.astype(pred.dtype), axis=(0, 2))  # [J]
    neg_top = jnp.max(jnp.where(neg_mask, pred, -jnp.inf), axis=(0, 2))  # hardest negative per joint
    neg_top_safe = jnp.where(neg_count > 0, neg_top, 0.0)
    neg_loss = jnp.where(neg_count > 0, neg_top_safe ** 2, 0.0)

    loss = jnp.sum(pos_loss + neg_loss) / num_joints
    return loss

if __name__ == "__main__":
    import jax
    _d = setup_inputs()
    print(jax.jit(kernel)(*tuple(_d.values())))

</pallas_src>

<mosaic_0001>
#map = affine_map<(d0, d1) -> (0, 0, 0, 0)>
#map1 = affine_map<(d0, d1) -> (0, 0)>
module attributes {stable_mosaic.version = 14 : i64} {
  func.func @body(%arg0: i32, %arg1: i32, %arg2: memref<128x17x96x96xf32, #tpu.memory_space<hbm>>, %arg3: memref<128x17x96x96xf32, #tpu.memory_space<hbm>>, %arg4: memref<32x1088xf32, #tpu.memory_space<hbm>>, %arg5: memref<96x96xf32, #tpu.memory_space<vmem>>, %arg6: memref<96x96xf32, #tpu.memory_space<vmem>>, %arg7: memref<96x96xf32, #tpu.memory_space<vmem>>, %arg8: memref<96x96xf32, #tpu.memory_space<vmem>>, %arg9: memref<96x96xf32, #tpu.memory_space<vmem>>, %arg10: memref<96x96xf32, #tpu.memory_space<vmem>>, %arg11: memref<96x96xf32, #tpu.memory_space<vmem>>, %arg12: memref<96x96xf32, #tpu.memory_space<vmem>>, %arg13: memref<1088xf32, #tpu.memory_space<vmem>>, %arg14: memref<!tpu.dma_semaphore, #tpu.memory_space<semaphore_mem>>, %arg15: memref<!tpu.dma_semaphore, #tpu.memory_space<semaphore_mem>>, %arg16: memref<!tpu.dma_semaphore, #tpu.memory_space<semaphore_mem>>, %arg17: memref<!tpu.dma_semaphore, #tpu.memory_space<semaphore_mem>>, %arg18: memref<!tpu.dma_semaphore, #tpu.memory_space<semaphore_mem>>, %arg19: memref<!tpu.dma_semaphore, #tpu.memory_space<semaphore_mem>>, %arg20: memref<!tpu.dma_semaphore, #tpu.memory_space<semaphore_mem>>, %arg21: memref<!tpu.dma_semaphore, #tpu.memory_space<semaphore_mem>>) attributes {dimension_semantics = [#tpu.dimension_semantics<core_parallel>, #tpu.dimension_semantics<subcore_parallel>], iteration_bounds = array<i64: 2, 16>, scalar_prefetch = 0 : i64, scratch_operands = 17 : i64, tpu.core_type = #tpu.core_type<sc_vector_subcore>, window_params = [{transform_indices = #map}, {transform_indices = #map}, {transform_indices = #map1}]} {
    %mul3A = arith.constant 2 : i32
    %mul3A_0 = arith.muli %arg1, %mul3A : i32
    %add3A = arith.addi %mul3A_0, %arg0 : i32
    %mul3A_1 = arith.constant 2 : i32
    %mul3A_2 = arith.muli %add3A, %mul3A_1 : i32
    %add3A_3 = arith.constant 64 : i32
    %add3A_4 = arith.addi %add3A_3, %mul3A_2 : i32
    %broadcast_in_dim3A = arith.constant 0.000000e+00 : f32
    %broadcast_in_dim3A_5 = vector.broadcast %broadcast_in_dim3A : f32 to vector<16xf32>
    %broadcast_in_dim3A_6 = arith.constant 0xFF800000 : f32
    %broadcast_in_dim3A_7 = vector.broadcast %broadcast_in_dim3A_6 : f32 to vector<16xf32>
    %broadcast_in_dim3A_8 = arith.constant 0x7F800000 : f32
    %broadcast_in_dim3A_9 = vector.broadcast %broadcast_in_dim3A_8 : f32 to vector<16xf32>
    %swap3A = arith.constant 0 : index
    %swap3A_10 = tpu.vector_load %arg13[%swap3A] {strides = array<i32>} : memref<1088xf32, #tpu.memory_space<vmem>>, vector<16xf32>,
    %swap3A_11 = vector.shape_cast %swap3A_10 : vector<16xf32> to vector<16xf32>
    %swap3A_12 = vector.shape_cast %broadcast_in_dim3A_5 : vector<16xf32> to vector<16xf32>
    tpu.vector_store %arg13[%swap3A], %swap3A_12 {strides = array<i32>} : memref<1088xf32, #tpu.memory_space<vmem>>, vector<16xf32>,
    %swap3A_13 = arith.constant 272 : index
    %swap3A_14 = tpu.vector_load %arg13[%swap3A_13] {strides = array<i32>} : memref<1088xf32, #tpu.memory_space<vmem>>, vector<16xf32>,
    %swap3A_15 = vector.shape_cast %swap3A_14 : vector<16xf32> to vector<16xf32>
    %swap3A_16 = vector.shape_cast %broadcast_in_dim3A_5 : vector<16xf32> to vector<16xf32>
    tpu.vector_store %arg13[%swap3A_13], %swap3A_16 {strides = array<i32>} : memref<1088xf32, #tpu.memory_space<vmem>>, vector<16xf32>,
    %swap3A_17 = arith.constant 544 : index
    %swap3A_18 = tpu.vector_load %arg13[%swap3A_17] {strides = array<i32>} : memref<1088xf32, #tpu.memory_space<vmem>>, vector<16xf32>,
    %swap3A_19 = vector.shape_cast %swap3A_18 : vector<16xf32> to vector<16xf32>
    %swap3A_20 = vector.shape_cast %broadcast_in_dim3A_7 : vector<16xf32> to vector<16xf32>
    tpu.vector_store %arg13[%swap3A_17], %swap3A_20 {strides = array<i32>} : memref<1088xf32, #tpu.memory_space<vmem>>, vector<16xf32>,
    %swap3A_21 = arith.constant 816 : index
    %swap3A_22 = tpu.vector_load %arg13[%swap3A_21] {strides = array<i32>} : memref<1088xf32, #tpu.memory_space<vmem>>, vector<16xf32>,
    %swap3A_23 = vector.shape_cast %swap3A_22 : vector<16xf32> to vector<16xf32>
    %swap3A_24 = vector.shape_cast %broadcast_in_dim3A_9 : vector<16xf32> to vector<16xf32>
    tpu.vector_store %arg13[%swap3A_21], %swap3A_24 {strides = array<i32>} : memref<1088xf32, #tpu.memory_space<vmem>>, vector<16xf32>,
    %swap3A_25 = arith.constant 16 : index
    %swap3A_26 = tpu.vector_load %arg13[%swap3A_25] {strides = array<i32>} : memref<1088xf32, #tpu.memory_space<vmem>>, vector<16xf32>,
    %swap3A_27 = vector.shape_cast %swap3A_26 : vector<16xf32> to vector<16xf32>
    %swap3A_28 = vector.shape_cast %broadcast_in_dim3A_5 : vector<16xf32> to vector<16xf32>
    tpu.vector_store %arg13[%swap3A_25], %swap3A_28 {strides = array<i32>} : memref<1088xf32, #tpu.memory_space<vmem>>, vector<16xf32>,
    %swap3A_29 = arith.constant 288 : index
    %swap3A_30 = tpu.vector_load %arg13[%swap3A_29] {strides = array<i32>} : memref<1088xf32, #tpu.memory_space<vmem>>, vector<16xf32>,
    %swap3A_31 = vector.shape_cast %swap3A_30 : vector<16xf32> to vector<16xf32>
    %swap3A_32 = vector.shape_cast %broadcast_in_dim3A_5 : vector<16xf32> to vector<16xf32>
    tpu.vector_store %arg13[%swap3A_29], %swap3A_32 {strides = array<i32>} : memref<1088xf32, #tpu.memory_space<vmem>>, vector<16xf32>,
    %swap3A_33 = arith.constant 560 : index
    %swap3A_34 = tpu.vector_load %arg13[%swap3A_33] {strides = array<i32>} : memref<1088xf32, #tpu.memory_space<vmem>>, vector<16xf32>,
    %swap3A_35 = vector.shape_cast %swap3A_34 : vector<16xf32> to vector<16xf32>
    %swap3A_36 = vector.shape_cast %broadcast_in_dim3A_7 : vector<16xf32> to vector<16xf32>
    tpu.vector_store %arg13[%swap3A_33], %swap3A_36 {strides = array<i32>} : memref<1088xf32, #tpu.memory_space<vmem>>, vector<16xf32>,
    %swap3A_37 = arith.constant 832 : index
    %swap3A_38 = tpu.vector_load %arg13[%swap3A_37] {strides = array<i32>} : memref<1088xf32, #tpu.memory_space<vmem>>, vector<16xf32>,
    %swap3A_39 = vector.shape_cast %swap3A_38 : vector<16xf32> to vector<16xf32>
    %swap3A_40 = vector.shape_cast %broadcast_in_dim3A_9 : vector<16xf32> to vector<16xf32>
    tpu.vector_store %arg13[%swap3A_37], %swap3A_40 {strides = array<i32>} : memref<1088xf32, #tpu.memory_space<vmem>>, vector<16xf32>,
    %swap3A_41 = arith.constant 32 : index
    %swap3A_42 = tpu.vector_load %arg13[%swap3A_41] {strides = array<i32>} : memref<1088xf32, #tpu.memory_space<vmem>>, vector<16xf32>,
    %swap3A_43 = vector.shape_cast %swap3A_42 : vector<16xf32> to vector<16xf32>
    %swap3A_44 = vector.shape_cast %broadcast_in_dim3A_5 : vector<16xf32> to vector<16xf32>
    tpu.vector_store %arg13[%swap3A_41], %swap3A_44 {strides = array<i32>} : memref<1088xf32, #tpu.memory_space<vmem>>, vector<16xf32>,
    %swap3A_45 = arith.constant 304 : index
    %swap3A_46 = tpu.vector_load %arg13[%swap3A_45] {strides = array<i32>} : memref<1088xf32, #tpu.memory_space<vmem>>, vector<16xf32>,
    %swap3A_47 = vector.shape_cast %swap3A_46 : vector<16xf32> to vector<16xf32>
    %swap3A_48 = vector.shape_cast %broadcast_in_dim3A_5 : vector<16xf32> to vector<16xf32>
    tpu.vector_store %arg13[%swap3A_45], %swap3A_48 {strides = array<i32>} : memref<1088xf32, #tpu.memory_space<vmem>>, vector<16xf32>,
    %swap3A_49 = arith.constant 576 : index
    %swap3A_50 = tpu.vector_load %arg13[%swap3A_49] {strides = array<i32>} : memref<1088xf32, #tpu.memory_space<vmem>>, vector<16xf32>,
    %swap3A_51 = vector.shape_cast %swap3A_50 : vector<16xf32> to vector<16xf32>
    %swap3A_52 = vector.shape_cast %broadcast_in_dim3A_7 : vector<16xf32> to vector<16xf32>
    tpu.vector_store %arg13[%swap3A_49], %swap3A_52 {strides = array<i32>} : memref<1088xf32, #tpu.memory_space<vmem>>, vector<16xf32>,
    %swap3A_53 = arith.constant 848 : index
    %swap3A_54 = tpu.vector_load %arg13[%swap3A_53] {strides = array<i32>} : memref<1088xf32, #tpu.memory_space<vmem>>, vector<16xf32>,
    %swap3A_55 = vector.shape_cast %swap3A_54 : vector<16xf32> to vector<16xf32>
    %swap3A_56 = vector.shape_cast %broadcast_in_dim3A_9 : vector<16xf32> to vector<16xf32>
    tpu.vector_store %arg13[%swap3A_53], %swap3A_56 {strides = array<i32>} : memref<1088xf32, #tpu.memory_space<vmem>>, vector<16xf32>,
    %swap3A_57 = arith.constant 48 : index
    %swap3A_58 = tpu.vector_load %arg13[%swap3A_57] {strides = array<i32>} : memref<1088xf32, #tpu.memory_space<vmem>>, vector<16xf32>,
    %swap3A_59 = vector.shape_cast %swap3A_58 : vector<16xf32> to vector<16xf32>
    %swap3A_60 = vector.shape_cast %broadcast_in_dim3A_5 : vector<16xf32> to vector<16xf32>
    tpu.vector_store %arg13[%swap3A_57], %swap3A_60 {strides = array<i32>} : memref<1088xf32, #tpu.memory_space<vmem>>, vector<16xf32>,
    %swap3A_61 = arith.constant 320 : index
    %swap3A_62 = tpu.vector_load %arg13[%swap3A_61] {strides = array<i32>} : memref<1088xf32, #tpu.memory_space<vmem>>, vector<16xf32>,
    %swap3A_63 = vector.shape_cast %swap3A_62 : vector<16xf32> to vector<16xf32>
    %swap3A_64 = vector.shape_cast %broadcast_in_dim3A_5 : vector<16xf32> to vector<16xf32>
    tpu.vector_store %arg13[%swap3A_61], %swap3A_64 {strides = array<i32>} : memref<1088xf32, #tpu.memory_space<vmem>>, vector<16xf32>,
    %swap3A_65 = arith.constant 592 : index
    %swap3A_66 = tpu.vector_load %arg13[%swap3A_65] {strides = array<i32>} : memref<1088xf32, #tpu.memory_space<vmem>>, vector<16xf32>,
    %swap3A_67 = vector.shape_cast %swap3A_66 : vector<16xf32> to vector<16xf32>
    %swap3A_68 = vector.shape_cast %broadcast_in_dim3A_7 : vector<16xf32> to vector<16xf32>
    tpu.vector_store %arg13[%swap3A_65], %swap3A_68 {strides = array<i32>} : memref<1088xf32, #tpu.memory_space<vmem>>, vector<16xf32>,
    %swap3A_69 = arith.constant 864 : index
    %swap3A_70 = tpu.vector_load %arg13[%swap3A_69] {strides = array<i32>} : memref<1088xf32, #tpu.memory_space<vmem>>, vector<16xf32>,
    %swap3A_71 = vector.shape_cast %swap3A_70 : vector<16xf32> to vector<16xf32>
    %swap3A_72 = vector.shape_cast %broadcast_in_dim3A_9 : vector<16xf32> to vector<16xf32>
    tpu.vector_store %arg13[%swap3A_69], %swap3A_72 {strides = array<i32>} : memref<1088xf32, #tpu.memory_space<vmem>>, vector<16xf32>,
    %swap3A_73 = arith.constant 64 : index
    %swap3A_74 = tpu.vector_load %arg13[%swap3A_73] {strides = array<i32>} : memref<1088xf32, #tpu.memory_space<vmem>>, vector<16xf32>,
    %swap3A_75 = vector.shape_cast %swap3A_74 : vector<16xf32> to vector<16xf32>
    %swap3A_76 = vector.shape_cast %broadcast_in_dim3A_5 : vector<16xf32> to vector<16xf32>
    tpu.vector_store %arg13[%swap3A_73], %swap3A_76 {strides = array<i32>} : memref<1088xf32, #tpu.memory_space<vmem>>, vector<16xf32>,
    %swap3A_77 = arith.constant 336 : index
    %swap3A_78 = tpu.vector_load %arg13[%swap3A_77] {strides = array<i32>} : memref<1088xf32, #tpu.memory_space<vmem>>, vector<16xf32>,
    %swap3A_79 = vector.shape_cast %swap3A_78 : vector<16xf32> to vector<16xf32>
    %swap3A_80 = vector.shape_cast %broadcast_in_dim3A_5 : vector<16xf32> to vector<16xf32>
    tpu.vector_store %arg13[%swap3A_77], %swap3A_80 {strides = array<i32>} : memref<1088xf32, #tpu.memory_space<vmem>>, vector<16xf32>,
    %swap3A_81 = arith.constant 608 : index
    %swap3A_82 = tpu.vector_load %arg13[%swap3A_81] {strides = array<i32>} : memref<1088xf32, #tpu.memory_space<vmem>>, vector<16xf32>,
    %swap3A_83 = vector.shape_cast %swap3A_82 : vector<16xf32> to vector<16xf32>
    %swap3A_84 = vector.shape_cast %broadcast_in_dim3A_7 : vector<16xf32> to vector<16xf32>
    tpu.vector_store %arg13[%swap3A_81], %swap3A_84 {strides = array<i32>} : memref<1088xf32, #tpu.memory_space<vmem>>, vector<16xf32>,
    %swap3A_85 = arith.constant 880 : index
    %swap3A_86 = tpu.vector_load %arg13[%swap3A_85] {strides = array<i32>} : memref<1088xf32, #tpu.memory_space<vmem>>, vector<16xf32>,
    %swap3A_87 = vector.shape_cast %swap3A_86 : vector<16xf32> to vector<16xf32>
    %swap3A_88 = vector.shape_cast %broadcast_in_dim3A_9 : vector<16xf32> to vector<16xf32>
    tpu.vector_store %arg13[%swap3A_85], %swap3A_88 {strides = array<i32>} : memref<1088xf32, #tpu.memory_space<vmem>>, vector<16xf32>,
    %swap3A_89 = arith.constant 80 : index
    %swap3A_90 = tpu.vector_load %arg13[%swap3A_89] {strides = array<i32>} : memref<1088xf32, #tpu.memory_space<vmem>>, vector<16xf32>,
    %swap3A_91 = vector.shape_cast %swap3A_90 : vector<16xf32> to vector<16xf32>
    %swap3A_92 = vector.shape_cast %broadcast_in_dim3A_5 : vector<16xf32> to vector<16xf32>
    tpu.vector_store %arg13[%swap3A_89], %swap3A_92 {strides = array<i32>} : memref<1088xf32, #tpu.memory_space<vmem>>, vector<16xf32>,
    %swap3A_93 = arith.constant 352 : index
    %swap3A_94 = tpu.vector_load %arg13[%swap3A_93] {strides = array<i32>} : memref<1088xf32, #tpu.memory_space<vmem>>, vector<16xf32>,
    %swap3A_95 = vector.shape_cast %swap3A_94 : vector<16xf32> to vector<16xf32>
    %swap3A_96 = vector.shape_cast %broadcast_in_dim3A_5 : vector<16xf32> to vector<16xf32>
    tpu.vector_store %arg13[%swap3A_93], %swap3A_96 {strides = array<i32>} : memref<1088xf32, #tpu.memory_space<vmem>>, vector<16xf32>,
    %swap3A_97 = arith.constant 624 : index
    %swap3A_98 = tpu.vector_load %arg13[%swap3A_97] {strides = array<i32>} : memref<1088xf32, #tpu.memory_space<vmem>>, vector<16xf32>,
    %swap3A_99 = vector.shape_cast %swap3A_98 : vector<16xf32> to vector<16xf32>
    %swap3A_100 = vector.shape_cast %broadcast_in_dim3A_7 : vector<16xf32> to vector<16xf32>
    tpu.vector_store %arg13[%swap3A_97], %swap3A_100 {strides = array<i32>} : memref<1088xf32, #tpu.memory_space<vmem>>, vector<16xf32>,
    %swap3A_101 = arith.constant 896 : index
    %swap3A_102 = tpu.vector_load %arg13[%swap3A_101] {strides = array<i32>} : memref<1088xf32, #tpu.memory_space<vmem>>, vector<16xf32>,
    %swap3A_103 = vector.shape_cast %swap3A_102 : vector<16xf32> to vector<16xf32>
    %swap3A_104 = vector.shape_cast %broadcast_in_dim3A_9 : vector<16xf32> to vector<16xf32>
    tpu.vector_store %arg13[%swap3A_101], %swap3A_104 {strides = array<i32>} : memref<1088xf32, #tpu.memory_space<vmem>>, vector<16xf32>,
    %swap3A_105 = arith.constant 96 : index
    %swap3A_106 = tpu.vector_load %arg13[%swap3A_105] {strides = array<i32>} : memref<1088xf32, #tpu.memory_space<vmem>>, vector<16xf32>,
    %swap3A_107 = vector.shape_cast %swap3A_106 : vector<16xf32> to vector<16xf32>
    %swap3A_108 = vector.shape_cast %broadcast_in_dim3A_5 : vector<16xf32> to vector<16xf32>
    tpu.vector_store %arg13[%swap3A_105], %swap3A_108 {strides = array<i32>} : memref<1088xf32, #tpu.memory_space<vmem>>, vector<16xf32>,
    %swap3A_109 = arith.constant 368 : index
    %swap3A_110 = tpu.vector_load %arg13[%swap3A_109] {strides = array<i32>} : memref<1088xf32, #tpu.memory_space<vmem>>, vector<16xf32>,
    %swap3A_111 = vector.shape_cast %swap3A_110 : vector<16xf32> to vector<16xf32>
    %swap3A_112 = vector.shape_cast %broadcast_in_dim3A_5 : vector<16xf32> to vector<16xf32>
    tpu.vector_store %arg13[%swap3A_109], %swap3A_112 {strides = array<i32>} : memref<1088xf32, #tpu.memory_space<vmem>>, vector<16xf32>,
    %swap3A_113 = arith.constant 640 : index
    %swap3A_114 = tpu.vector_load %arg13[%swap3A_113] {strides = array<i32>} : memref<1088xf32, #tpu.memory_space<vmem>>, vector<16xf32>,
    %swap3A_115 = vector.shape_cast %swap3A_114 : vector<16xf32> to vector<16xf32>
    %swap3A_116 = vector.shape_cast %broadcast_in_dim3A_7 : vector<16xf32> to vector<16xf32>
    tpu.vector_store %arg13[%swap3A_113], %swap3A_116 {strides = array<i32>} : memref<1088xf32, #tpu.memory_space<vmem>>, vector<16xf32>,
    %swap3A_117 = arith.constant 912 : index
    %swap3A_118 = tpu.vector_load %arg13[%swap3A_117] {strides = array<i32>} : memref<1088xf32, #tpu.memory_space<vmem>>, vector<16xf32>,
    %swap3A_119 = vector.shape_cast %swap3A_118 : vector<16xf32> to vector<16xf32>
    %swap3A_120 = vector.shape_cast %broadcast_in_dim3A_9 : vector<16xf32> to vector<16xf32>
    tpu.vector_store %arg13[%swap3A_117], %swap3A_120 {strides = array<i32>} : memref<1088xf32, #tpu.memory_space<vmem>>, vector<16xf32>,
    %swap3A_121 = arith.constant 112 : index
    %swap3A_122 = tpu.vector_load %arg13[%swap3A_121] {strides = array<i32>} : memref<1088xf32, #tpu.memory_space<vmem>>, vector<16xf32>,
    %swap3A_123 = vector.shape_cast %swap3A_122 : vector<16xf32> to vector<16xf32>
    %swap3A_124 = vector.shape_cast %broadcast_in_dim3A_5 : vector<16xf32> to vector<16xf32>
    tpu.vector_store %arg13[%swap3A_121], %swap3A_124 {strides = array<i32>} : memref<1088xf32, #tpu.memory_space<vmem>>, vector<16xf32>,
    %swap3A_125 = arith.constant 384 : index
    %swap3A_126 = tpu.vector_load %arg13[%swap3A_125] {strides = array<i32>} : memref<1088xf32, #tpu.memory_space<vmem>>, vector<16xf32>,
    %swap3A_127 = vector.shape_cast %swap3A_126 : vector<16xf32> to vector<16xf32>
    %swap3A_128 = vector.shape_cast %broadcast_in_dim3A_5 : vector<16xf32> to vector<16xf32>
    tpu.vector_store %arg13[%swap3A_125], %swap3A_128 {strides = array<i32>} : memref<1088xf32, #tpu.memory_space<vmem>>, vector<16xf32>,
    %swap3A_129 = arith.constant 656 : index
    %swap3A_130 = tpu.vector_load %arg13[%swap3A_129] {strides = array<i32>} : memref<1088xf32, #tpu.memory_space<vmem>>, vector<16xf32>,
    %swap3A_131 = vector.shape_cast %swap3A_130 : vector<16xf32> to vector<16xf32>
    %swap3A_132 = vector.shape_cast %broadcast_in_dim3A_7 : vector<16xf32> to vector<16xf32>
    tpu.vector_store %arg13[%swap3A_129], %swap3A_132 {strides = array<i32>} : memref<1088xf32, #tpu.memory_space<vmem>>, vector<16xf32>,
    %swap3A_133 = arith.constant 928 : index
    %swap3A_134 = tpu.vector_load %arg13[%swap3A_133] {strides = array<i32>} : memref<1088xf32, #tpu.memory_space<vmem>>, vector<16xf32>,
    %swap3A_135 = vector.shape_cast %swap3A_134 : vector<16xf32> to vector<16xf32>
    %swap3A_136 = vector.shape_cast %broadcast_in_dim3A_9 : vector<16xf32> to vector<16xf32>
    tpu.vector_store %arg13[%swap3A_133], %swap3A_136 {strides = array<i32>} : memref<1088xf32, #tpu.memory_space<vmem>>, vector<16xf32>,
    %swap3A_137 = arith.constant 128 : index
    %swap3A_138 = tpu.vector_load %arg13[%swap3A_137] {strides = array<i32>} : memref<1088xf32, #tpu.memory_space<vmem>>, vector<16xf32>,
    %swap3A_139 = vector.shape_cast %swap3A_138 : vector<16xf32> to vector<16xf32>
    %swap3A_140 = vector.shape_cast %broadcast_in_dim3A_5 : vector<16xf32> to vector<16xf32>
    tpu.vector_store %arg13[%swap3A_137], %swap3A_140 {strides = array<i32>} : memref<1088xf32, #tpu.memory_space<vmem>>, vector<16xf32>,
    %swap3A_141 = arith.constant 400 : index
    %swap3A_142 = tpu.vector_load %arg13[%swap3A_141] {strides = array<i32>} : memref<1088xf32, #tpu.memory_space<vmem>>, vector<16xf32>,
    %swap3A_143 = vector.shape_cast %swap3A_142 : vector<16xf32> to vector<16xf32>
    %swap3A_144 = vector.shape_cast %broadcast_in_dim3A_5 : vector<16xf32> to vector<16xf32>
    tpu.vector_store %arg13[%swap3A_141], %swap3A_144 {strides = array<i32>} : memref<1088xf32, #tpu.memory_space<vmem>>, vector<16xf32>,
    %swap3A_145 = arith.constant 672 : index
    %swap3A_146 = tpu.vector_load %arg13[%swap3A_145] {strides = array<i32>} : memref<1088xf32, #tpu.memory_space<vmem>>, vector<16xf32>,
    %swap3A_147 = vector.shape_cast %swap3A_146 : vector<16xf32> to vector<16xf32>
    %swap3A_148 = vector.shape_cast %broadcast_in_dim3A_7 : vector<16xf32> to vector<16xf32>
    tpu.vector_store %arg13[%swap3A_145], %swap3A_148 {strides = array<i32>} : memref<1088xf32, #tpu.memory_space<vmem>>, vector<16xf32>,
    %swap3A_149 = arith.constant 944 : index
    %swap3A_150 = tpu.vector_load %arg13[%swap3A_149] {strides = array<i32>} : memref<1088xf32, #tpu.memory_space<vmem>>, vector<16xf32>,
    %swap3A_151 = vector.shape_cast %swap3A_150 : vector<16xf32> to vector<16xf32>
    %swap3A_152 = vector.shape_cast %broadcast_in_dim3A_9 : vector<16xf32> to vector<16xf32>
    tpu.vector_store %arg13[%swap3A_149], %swap3A_152 {strides = array<i32>} : memref<1088xf32, #tpu.memory_space<vmem>>, vector<16xf32>,
    %swap3A_153 = arith.constant 144 : index
    %swap3A_154 = tpu.vector_load %arg13[%swap3A_153] {strides = array<i32>} : memref<1088xf32, #tpu.memory_space<vmem>>, vector<16xf32>,
    %swap3A_155 = vector.shape_cast %swap3A_154 : vector<16xf32> to vector<16xf32>
    %swap3A_156 = vector.shape_cast %broadcast_in_dim3A_5 : vector<16xf32> to vector<16xf32>
    tpu.vector_store %arg13[%swap3A_153], %swap3A_156 {strides = array<i32>} : memref<1088xf32, #tpu.memory_space<vmem>>, vector<16xf32>,
    %swap3A_157 = arith.constant 416 : index
    %swap3A_158 = tpu.vector_load %arg13[%swap3A_157] {strides = array<i32>} : memref<1088xf32, #tpu.memory_space<vmem>>, vector<16xf32>,
    %swap3A_159 = vector.shape_cast %swap3A_158 : vector<16xf32> to vector<16xf32>
    %swap3A_160 = vector.shape_cast %broadcast_in_dim3A_5 : vector<16xf32> to vector<16xf32>
    tpu.vector_store %arg13[%swap3A_157], %swap3A_160 {strides = array<i32>} : memref<1088xf32, #tpu.memory_space<vmem>>, vector<16xf32>,
    %swap3A_161 = arith.constant 688 : index
    %swap3A_162 = tpu.vector_load %arg13[%swap3A_161] {strides = array<i32>} : memref<1088xf32, #tpu.memory_space<vmem>>, vector<16xf32>,
    %swap3A_163 = vector.shape_cast %swap3A_162 : vector<16xf32> to vector<16xf32>
    %swap3A_164 = vector.shape_cast %broadcast_in_dim3A_7 : vector<16xf32> to vector<16xf32>
    tpu.vector_store %arg13[%swap3A_161], %swap3A_164 {strides = array<i32>} : memref<1088xf32, #tpu.memory_space<vmem>>, vector<16xf32>,
    %swap3A_165 = arith.constant 960 : index
    %swap3A_166 = tpu.vector_load %arg13[%swap3A_165] {strides = array<i32>} : memref<1088xf32, #tpu.memory_space<vmem>>, vector<16xf32>,
    %swap3A_167 = vector.shape_cast %swap3A_166 : vector<16xf32> to vector<16xf32>
    %swap3A_168 = vector.shape_cast %broadcast_in_dim3A_9 : vector<16xf32> to vector<16xf32>
    tpu.vector_store %arg13[%swap3A_165], %swap3A_168 {strides = array<i32>} : memref<1088xf32, #tpu.memory_space<vmem>>, vector<16xf32>,
    %swap3A_169 = arith.constant 160 : index
    %swap3A_170 = tpu.vector_load %arg13[%swap3A_169] {strides = array<i32>} : memref<1088xf32, #tpu.memory_space<vmem>>, vector<16xf32>,
    %swap3A_171 = vector.shape_cast %swap3A_170 : vector<16xf32> to vector<16xf32>
    %swap3A_172 = vector.shape_cast %broadcast_in_dim3A_5 : vector<16xf32> to vector<16xf32>
    tpu.vector_store %arg13[%swap3A_169], %swap3A_172 {strides = array<i32>} : memref<1088xf32, #tpu.memory_space<vmem>>, vector<16xf32>,
    %swap3A_173 = arith.constant 432 : index
    %swap3A_174 = tpu.vector_load %arg13[%swap3A_173] {strides = array<i32>} : memref<1088xf32, #tpu.memory_space<vmem>>, vector<16xf32>,
    %swap3A_175 = vector.shape_cast %swap3A_174 : vector<16xf32> to vector<16xf32>
    %swap3A_176 = vector.shape_cast %broadcast_in_dim3A_5 : vector<16xf32> to vector<16xf32>
    tpu.vector_store %arg13[%swap3A_173], %swap3A_176 {strides = array<i32>} : memref<1088xf32, #tpu.memory_space<vmem>>, vector<16xf32>,
    %swap3A_177 = arith.constant 704 : index
    %swap3A_178 = tpu.vector_load %arg13[%swap3A_177] {strides = array<i32>} : memref<1088xf32, #tpu.memory_space<vmem>>, vector<16xf32>,
    %swap3A_179 = vector.shape_cast %swap3A_178 : vector<16xf32> to vector<16xf32>
    %swap3A_180 = vector.shape_cast %broadcast_in_dim3A_7 : vector<16xf32> to vector<16xf32>
    tpu.vector_store %arg13[%swap3A_177], %swap3A_180 {strides = array<i32>} : memref<1088xf32, #tpu.memory_space<vmem>>, vector<16xf32>,
    %swap3A_181 = arith.constant 976 : index
    %swap3A_182 = tpu.vector_load %arg13[%swap3A_181] {strides = array<i32>} : memref<1088xf32, #tpu.memory_space<vmem>>, vector<16xf32>,
    %swap3A_183 = vector.shape_cast %swap3A_182 : vector<16xf32> to vector<16xf32>
    %swap3A_184 = vector.shape_cast %broadcast_in_dim3A_9 : vector<16xf32> to vector<16xf32>
    tpu.vector_store %arg13[%swap3A_181], %swap3A_184 {strides = array<i32>} : memref<1088xf32, #tpu.memory_space<vmem>>, vector<16xf32>,
    %swap3A_185 = arith.constant 176 : index
    %swap3A_186 = tpu.vector_load %arg13[%swap3A_185] {strides = array<i32>} : memref<1088xf32, #tpu.memory_space<vmem>>, vector<16xf32>,
    %swap3A_187 = vector.shape_cast %swap3A_186 : vector<16xf32> to vector<16xf32>
    %swap3A_188 = vector.shape_cast %broadcast_in_dim3A_5 : vector<16xf32> to vector<16xf32>
    tpu.vector_store %arg13[%swap3A_185], %swap3A_188 {strides = array<i32>} : memref<1088xf32, #tpu.memory_space<vmem>>, vector<16xf32>,
    %swap3A_189 = arith.constant 448 : index
    %swap3A_190 = tpu.vector_load %arg13[%swap3A_189] {strides = array<i32>} : memref<1088xf32, #tpu.memory_space<vmem>>, vector<16xf32>,
    %swap3A_191 = vector.shape_cast %swap3A_190 : vector<16xf32> to vector<16xf32>
    %swap3A_192 = vector.shape_cast %broadcast_in_dim3A_5 : vector<16xf32> to vector<16xf32>
    tpu.vector_store %arg13[%swap3A_189], %swap3A_192 {strides = array<i32>} : memref<1088xf32, #tpu.memory_space<vmem>>, vector<16xf32>,
    %swap3A_193 = arith.constant 720 : index
    %swap3A_194 = tpu.vector_load %arg13[%swap3A_193] {strides = array<i32>} : memref<1088xf32, #tpu.memory_space<vmem>>, vector<16xf32>,
    %swap3A_195 = vector.shape_cast %swap3A_194 : vector<16xf32> to vector<16xf32>
    %swap3A_196 = vector.shape_cast %broadcast_in_dim3A_7 : vector<16xf32> to vector<16xf32>
    tpu.vector_store %arg13[%swap3A_193], %swap3A_196 {strides = array<i32>} : memref<1088xf32, #tpu.memory_space<vmem>>, vector<16xf32>,
    %swap3A_197 = arith.constant 992 : index
    %swap3A_198 = tpu.vector_load %arg13[%swap3A_197] {strides = array<i32>} : memref<1088xf32, #tpu.memory_space<vmem>>, vector<16xf32>,
    %swap3A_199 = vector.shape_cast %swap3A_198 : vector<16xf32> to vector<16xf32>
    %swap3A_200 = vector.shape_cast %broadcast_in_dim3A_9 : vector<16xf32> to vector<16xf32>
    tpu.vector_store %arg13[%swap3A_197], %swap3A_200 {strides = array<i32>} : memref<1088xf32, #tpu.memory_space<vmem>>, vector<16xf32>,
    %swap3A_201 = arith.constant 192 : index
    %swap3A_202 = tpu.vector_load %arg13[%swap3A_201] {strides = array<i32>} : memref<1088xf32, #tpu.memory_space<vmem>>, vector<16xf32>,
    %swap3A_203 = vector.shape_cast %swap3A_202 : vector<16xf32> to vector<16xf32>
    %swap3A_204 = vector.shape_cast %broadcast_in_dim3A_5 : vector<16xf32> to vector<16xf32>
    tpu.vector_store %arg13[%swap3A_201], %swap3A_204 {strides = array<i32>} : memref<1088xf32, #tpu.memory_space<vmem>>, vector<16xf32>,
    %swap3A_205 = arith.constant 464 : index
    %swap3A_206 = tpu.vector_load %arg13[%swap3A_205] {strides = array<i32>} : memref<1088xf32, #tpu.memory_space<vmem>>, vector<16xf32>,
    %swap3A_207 = vector.shape_cast %swap3A_206 : vector<16xf32> to vector<16xf32>
    %swap3A_208 = vector.shape_cast %broadcast_in_dim3A_5 : vector<16xf32> to vector<16xf32>
    tpu.vector_store %arg13[%swap3A_205], %swap3A_208 {strides = array<i32>} : memref<1088xf32, #tpu.memory_space<vmem>>, vector<16xf32>,
    %swap3A_209 = arith.constant 736 : index
    %swap3A_210 = tpu.vector_load %arg13[%swap3A_209] {strides = array<i32>} : memref<1088xf32, #tpu.memory_space<vmem>>, vector<16xf32>,
    %swap3A_211 = vector.shape_cast %swap3A_210 : vector<16xf32> to vector<16xf32>
    %swap3A_212 = vector.shape_cast %broadcast_in_dim3A_7 : vector<16xf32> to vector<16xf32>
    tpu.vector_store %arg13[%swap3A_209], %swap3A_212 {strides = array<i32>} : memref<1088xf32, #tpu.memory_space<vmem>>, vector<16xf32>,
    %swap3A_213 = arith.constant 1008 : index
    %swap3A_214 = tpu.vector_load %arg13[%swap3A_213] {strides = array<i32>} : memref<1088xf32, #tpu.memory_space<vmem>>, vector<16xf32>,
    %swap3A_215 = vector.shape_cast %swap3A_214 : vector<16xf32> to vector<16xf32>
    %swap3A_216 = vector.shape_cast %broadcast_in_dim3A_9 : vector<16xf32> to vector<16xf32>
    tpu.vector_store %arg13[%swap3A_213], %swap3A_216 {strides = array<i32>} : memref<1088xf32, #tpu.memory_space<vmem>>, vector<16xf32>,
    %swap3A_217 = arith.constant 208 : index
    %swap3A_218 = tpu.vector_load %arg13[%swap3A_217] {strides = array<i32>} : memref<1088xf32, #tpu.memory_space<vmem>>, vector<16xf32>,
    %swap3A_219 = vector.shape_cast %swap3A_218 : vector<16xf32> to vector<16xf32>
    %swap3A_220 = vector.shape_cast %broadcast_in_dim3A_5 : vector<16xf32> to vector<16xf32>
    tpu.vector_store %arg13[%swap3A_217], %swap3A_220 {strides = array<i32>} : memref<1088xf32, #tpu.memory_space<vmem>>, vector<16xf32>,
    %swap3A_221 = arith.constant 480 : index
    %swap3A_222 = tpu.vector_load %arg13[%swap3A_221] {strides = array<i32>} : memref<1088xf32, #tpu.memory_space<vmem>>, vector<16xf32>,
    %swap3A_223 = vector.shape_cast %swap3A_222 : vector<16xf32> to vector<16xf32>
    %swap3A_224 = vector.shape_cast %broadcast_in_dim3A_5 : vector<16xf32> to vector<16xf32>
    tpu.vector_store %arg13[%swap3A_221], %swap3A_224 {strides = array<i32>} : memref<1088xf32, #tpu.memory_space<vmem>>, vector<16xf32>,
    %swap3A_225 = arith.constant 752 : index
    %swap3A_226 = tpu.vector_load %arg13[%swap3A_225] {strides = array<i32>} : memref<1088xf32, #tpu.memory_space<vmem>>, vector<16xf32>,
    %swap3A_227 = vector.shape_cast %swap3A_226 : vector<16xf32> to vector<16xf32>
    %swap3A_228 = vector.shape_cast %broadcast_in_dim3A_7 : vector<16xf32> to vector<16xf32>
    tpu.vector_store %arg13[%swap3A_225], %swap3A_228 {strides = array<i32>} : memref<1088xf32, #tpu.memory_space<vmem>>, vector<16xf32>,
    %swap3A_229 = arith.constant 1024 : index
    %swap3A_230 = tpu.vector_load %arg13[%swap3A_229] {strides = array<i32>} : memref<1088xf32, #tpu.memory_space<vmem>>, vector<16xf32>,
    %swap3A_231 = vector.shape_cast %swap3A_230 : vector<16xf32> to vector<16xf32>
    %swap3A_232 = vector.shape_cast %broadcast_in_dim3A_9 : vector<16xf32> to vector<16xf32>
    tpu.vector_store %arg13[%swap3A_229], %swap3A_232 {strides = array<i32>} : memref<1088xf32, #tpu.memory_space<vmem>>, vector<16xf32>,
    %swap3A_233 = arith.constant 224 : index
    %swap3A_234 = tpu.vector_load %arg13[%swap3A_233] {strides = array<i32>} : memref<1088xf32, #tpu.memory_space<vmem>>, vector<16xf32>,
    %swap3A_235 = vector.shape_cast %swap3A_234 : vector<16xf32> to vector<16xf32>
    %swap3A_236 = vector.shape_cast %broadcast_in_dim3A_5 : vector<16xf32> to vector<16xf32>
    tpu.vector_store %arg13[%swap3A_233], %swap3A_236 {strides = array<i32>} : memref<1088xf32, #tpu.memory_space<vmem>>, vector<16xf32>,
    %swap3A_237 = arith.constant 496 : index
    %swap3A_238 = tpu.vector_load %arg13[%swap3A_237] {strides = array<i32>} : memref<1088xf32, #tpu.memory_space<vmem>>, vector<16xf32>,
    %swap3A_239 = vector.shape_cast %swap3A_238 : vector<16xf32> to vector<16xf32>
    %swap3A_240 = vector.shape_cast %broadcast_in_dim3A_5 : vector<16xf32> to vector<16xf32>
    tpu.vector_store %arg13[%swap3A_237], %swap3A_240 {strides = array<i32>} : memref<1088xf32, #tpu.memory_space<vmem>>, vector<16xf32>,
    %swap3A_241 = arith.constant 768 : index
    %swap3A_242 = tpu.vector_load %arg13[%swap3A_241] {strides = array<i32>} : memref<1088xf32, #tpu.memory_space<vmem>>, vector<16xf32>,
    %swap3A_243 = vector.shape_cast %swap3A_242 : vector<16xf32> to vector<16xf32>
    %swap3A_244 = vector.shape_cast %broadcast_in_dim3A_7 : vector<16xf32> to vector<16xf32>
    tpu.vector_store %arg13[%swap3A_241], %swap3A_244 {strides = array<i32>} : memref<1088xf32, #tpu.memory_space<vmem>>, vector<16xf32>,
    %swap3A_245 = arith.constant 1040 : index
    %swap3A_246 = tpu.vector_load %arg13[%swap3A_245] {strides = array<i32>} : memref<1088xf32, #tpu.memory_space<vmem>>, vector<16xf32>,
    %swap3A_247 = vector.shape_cast %swap3A_246 : vector<16xf32> to vector<16xf32>
    %swap3A_248 = vector.shape_cast %broadcast_in_dim3A_9 : vector<16xf32> to vector<16xf32>
    tpu.vector_store %arg13[%swap3A_245], %swap3A_248 {strides = array<i32>} : memref<1088xf32, #tpu.memory_space<vmem>>, vector<16xf32>,
    %swap3A_249 = arith.constant 240 : index
    %swap3A_250 = tpu.vector_load %arg13[%swap3A_249] {strides = array<i32>} : memref<1088xf32, #tpu.memory_space<vmem>>, vector<16xf32>,
    %swap3A_251 = vector.shape_cast %swap3A_250 : vector<16xf32> to vector<16xf32>
    %swap3A_252 = vector.shape_cast %broadcast_in_dim3A_5 : vector<16xf32> to vector<16xf32>
    tpu.vector_store %arg13[%swap3A_249], %swap3A_252 {strides = array<i32>} : memref<1088xf32, #tpu.memory_space<vmem>>, vector<16xf32>,
    %swap3A_253 = arith.constant 512 : index
    %swap3A_254 = tpu.vector_load %arg13[%swap3A_253] {strides = array<i32>} : memref<1088xf32, #tpu.memory_space<vmem>>, vector<16xf32>,
    %swap3A_255 = vector.shape_cast %swap3A_254 : vector<16xf32> to vector<16xf32>
    %swap3A_256 = vector.shape_cast %broadcast_in_dim3A_5 : vector<16xf32> to vector<16xf32>
    tpu.vector_store %arg13[%swap3A_253], %swap3A_256 {strides = array<i32>} : memref<1088xf32, #tpu.memory_space<vmem>>, vector<16xf32>,
    %swap3A_257 = arith.constant 784 : index
    %swap3A_258 = tpu.vector_load %arg13[%swap3A_257] {strides = array<i32>} : memref<1088xf32, #tpu.memory_space<vmem>>, vector<16xf32>,
    %swap3A_259 = vector.shape_cast %swap3A_258 : vector<16xf32> to vector<16xf32>
    %swap3A_260 = vector.shape_cast %broadcast_in_dim3A_7 : vector<16xf32> to vector<16xf32>
    tpu.vector_store %arg13[%swap3A_257], %swap3A_260 {strides = array<i32>} : memref<1088xf32, #tpu.memory_space<vmem>>, vector<16xf32>,
    %swap3A_261 = arith.constant 1056 : index
    %swap3A_262 = tpu.vector_load %arg13[%swap3A_261] {strides = array<i32>} : memref<1088xf32, #tpu.memory_space<vmem>>, vector<16xf32>,
    %swap3A_263 = vector.shape_cast %swap3A_262 : vector<16xf32> to vector<16xf32>
    %swap3A_264 = vector.shape_cast %broadcast_in_dim3A_9 : vector<16xf32> to vector<16xf32>
    tpu.vector_store %arg13[%swap3A_261], %swap3A_264 {strides = array<i32>} : memref<1088xf32, #tpu.memory_space<vmem>>, vector<16xf32>,
    %swap3A_265 = arith.constant 256 : index
    %swap3A_266 = tpu.vector_load %arg13[%swap3A_265] {strides = array<i32>} : memref<1088xf32, #tpu.memory_space<vmem>>, vector<16xf32>,
    %swap3A_267 = vector.shape_cast %swap3A_266 : vector<16xf32> to vector<16xf32>
    %swap3A_268 = vector.shape_cast %broadcast_in_dim3A_5 : vector<16xf32> to vector<16xf32>
    tpu.vector_store %arg13[%swap3A_265], %swap3A_268 {strides = array<i32>} : memref<1088xf32, #tpu.memory_space<vmem>>, vector<16xf32>,
    %swap3A_269 = arith.constant 528 : index
    %swap3A_270 = tpu.vector_load %arg13[%swap3A_269] {strides = array<i32>} : memref<1088xf32, #tpu.memory_space<vmem>>, vector<16xf32>,
    %swap3A_271 = vector.shape_cast %swap3A_270 : vector<16xf32> to vector<16xf32>
    %swap3A_272 = vector.shape_cast %broadcast_in_dim3A_5 : vector<16xf32> to vector<16xf32>
    tpu.vector_store %arg13[%swap3A_269], %swap3A_272 {strides = array<i32>} : memref<1088xf32, #tpu.memory_space<vmem>>, vector<16xf32>,
    %swap3A_273 = arith.constant 800 : index
    %swap3A_274 = tpu.vector_load %arg13[%swap3A_273] {strides = array<i32>} : memref<1088xf32, #tpu.memory_space<vmem>>, vector<16xf32>,
    %swap3A_275 = vector.shape_cast %swap3A_274 : vector<16xf32> to vector<16xf32>
    %swap3A_276 = vector.shape_cast %broadcast_in_dim3A_7 : vector<16xf32> to vector<16xf32>
    tpu.vector_store %arg13[%swap3A_273], %swap3A_276 {strides = array<i32>} : memref<1088xf32, #tpu.memory_space<vmem>>, vector<16xf32>,
    %swap3A_277 = arith.constant 1072 : index
    %swap3A_278 = tpu.vector_load %arg13[%swap3A_277] {strides = array<i32>} : memref<1088xf32, #tpu.memory_space<vmem>>, vector<16xf32>,
    %swap3A_279 = vector.shape_cast %swap3A_278 : vector<16xf32> to vector<16xf32>
    %swap3A_280 = vector.shape_cast %broadcast_in_dim3A_9 : vector<16xf32> to vector<16xf32>
    tpu.vector_store %arg13[%swap3A_277], %swap3A_280 {strides = array<i32>} : memref<1088xf32, #tpu.memory_space<vmem>>, vector<16xf32>,
    %add3A_281 = arith.constant 0 : i32
    %add3A_282 = arith.addi %add3A_4, %add3A_281 : i32
    %dma_start3A = arith.constant 0 : i32
    %dma_start3A_283 = arith.constant 0 : i32
    %dma_start3A_284 = arith.constant 0 : i32
    %dma_start3A_285 = tpu.memref_slice %arg2[%add3A_282, %dma_start3A, %dma_start3A_283, %dma_start3A_284] : memref<128x17x96x96xf32, #tpu.memory_space<hbm>> -> memref<1x1x96x96xf32, #tpu.memory_space<hbm>>
    %dma_start3A_286 = tpu.memref_squeeze %dma_start3A_285 : memref<1x1x96x96xf32, #tpu.memory_space<hbm>> -> memref<96x96xf32, #tpu.memory_space<hbm>>
    %dma_start3A_287 = arith.constant 0 : i32
    %dma_start3A_288 = arith.constant 0 : i32
    %dma_start3A_289 = tpu.memref_slice %arg2[%add3A_282, %dma_start3A, %dma_start3A_287, %dma_start3A_288] : memref<128x17x96x96xf32, #tpu.memory_space<hbm>> -> memref<1x1x96x96xf32, #tpu.memory_space<hbm>>
    %dma_start3A_290 = tpu.memref_squeeze %dma_start3A_289 : memref<1x1x96x96xf32, #tpu.memory_space<hbm>> -> memref<96x96xf32, #tpu.memory_space<hbm>>
    tpu.enqueue_dma source(%dma_start3A_290 : memref<96x96xf32, #tpu.memory_space<hbm>>) target(%arg5 : memref<96x96xf32, #tpu.memory_space<vmem>>) target_semaphore(%arg14 : memref<!tpu.dma_semaphore, #tpu.memory_space<semaphore_mem>>)
    %dma_start3A_291 = arith.constant 0 : i32
    %dma_start3A_292 = arith.constant 0 : i32
    %dma_start3A_293 = arith.constant 0 : i32
    %dma_start3A_294 = tpu.memref_slice %arg3[%add3A_282, %dma_start3A_291, %dma_start3A_292, %dma_start3A_293] : memref<128x17x96x96xf32, #tpu.memory_space<hbm>> -> memref<1x1x96x96xf32, #tpu.memory_space<hbm>>
    %dma_start3A_295 = tpu.memref_squeeze %dma_start3A_294 : memref<1x1x96x96xf32, #tpu.memory_space<hbm>> -> memref<96x96xf32, #tpu.memory_space<hbm>>
    %dma_start3A_296 = arith.constant 0 : i32
    %dma_start3A_297 = arith.constant 0 : i32
    %dma_start3A_298 = tpu.memref_slice %arg3[%add3A_282, %dma_start3A_291, %dma_start3A_296, %dma_start3A_297] : memref<128x17x96x96xf32, #tpu.memory_space<hbm>> -> memref<1x1x96x96xf32, #tpu.memory_space<hbm>>
    %dma_start3A_299 = tpu.memref_squeeze %dma_start3A_298 : memref<1x1x96x96xf32, #tpu.memory_space<hbm>> -> memref<96x96xf32, #tpu.memory_space<hbm>>
    tpu.enqueue_dma source(%dma_start3A_299 : memref<96x96xf32, #tpu.memory_space<hbm>>) target(%arg9 : memref<96x96xf32, #tpu.memory_space<vmem>>) target_semaphore(%arg18 : memref<!tpu.dma_semaphore, #tpu.memory_space<semaphore_mem>>)
    %add3A_300 = arith.constant 0 : i32
    %add3A_301 = arith.addi %add3A_4, %add3A_300 : i32
    %dma_start3A_302 = arith.constant 1 : i32
    %dma_start3A_303 = arith.constant 0 : i32
    %dma_start3A_304 = arith.constant 0 : i32
    %dma_start3A_305 = tpu.memref_slice %arg2[%add3A_301, %dma_start3A_302, %dma_start3A_303, %dma_start3A_304] : memref<128x17x96x96xf32, #tpu.memory_space<hbm>> -> memref<1x1x96x96xf32, #tpu.memory_space<hbm>>
    %dma_start3A_306 = tpu.memref_squeeze %dma_start3A_305 : memref<1x1x96x96xf32, #tpu.memory_space<hbm>> -> memref<96x96xf32, #tpu.memory_space<hbm>>
    %dma_start3A_307 = arith.constant 0 : i32
    %dma_start3A_308 = arith.constant 0 : i32
    %dma_start3A_309 = tpu.memref_slice %arg2[%add3A_301, %dma_start3A_302, %dma_start3A_307, %dma_start3A_308] : memref<128x17x96x96xf32, #tpu.memory_space<hbm>> -> memref<1x1x96x96xf32, #tpu.memory_space<hbm>>
    %dma_start3A_310 = tpu.memref_squeeze %dma_start3A_309 : memref<1x1x96x96xf32, #tpu.memory_space<hbm>> -> memref<96x96xf32, #tpu.memory_space<hbm>>
    tpu.enqueue_dma source(%dma_start3A_310 : memref<96x96xf32, #tpu.memory_space<hbm>>) target(%arg6 : memref<96x96xf32, #tpu.memory_space<vmem>>) target_semaphore(%arg15 : memref<!tpu.dma_semaphore, #tpu.memory_space<semaphore_mem>>)
    %dma_start3A_311 = arith.constant 1 : i32
    %dma_start3A_312 = arith.constant 0 : i32
    %dma_start3A_313 = arith.constant 0 : i32
    %dma_start3A_314 = tpu.memref_slice %arg3[%add3A_301, %dma_start3A_311, %dma_start3A_312, %dma_start3A_313] : memref<128x17x96x96xf32, #tpu.memory_space<hbm>> -> memref<1x1x96x96xf32, #tpu.memory_space<hbm>>
    %dma_start3A_315 = tpu.memref_squeeze %dma_start3A_314 : memref<1x1x96x96xf32, #tpu.memory_space<hbm>> -> memref<96x96xf32, #tpu.memory_space<hbm>>
    %dma_start3A_316 = arith.constant 0 : i32
    %dma_start3A_317 = arith.constant 0 : i32
    %dma_start3A_318 = tpu.memref_slice %arg3[%add3A_301, %dma_start3A_311, %dma_start3A_316, %dma_start3A_317] : memref<128x17x96x96xf32, #tpu.memory_space<hbm>> -> memref<1x1x96x96xf32, #tpu.memory_space<hbm>>
    %dma_start3A_319 = tpu.memref_squeeze %dma_start3A_318 : memref<1x1x96x96xf32, #tpu.memory_space<hbm>> -> memref<96x96xf32, #tpu.memory_space<hbm>>
    tpu.enqueue_dma source(%dma_start3A_319 : memref<96x96xf32, #tpu.memory_space<hbm>>) target(%arg10 : memref<96x96xf32, #tpu.memory_space<vmem>>) target_semaphore(%arg19 : memref<!tpu.dma_semaphore, #tpu.memory_space<semaphore_mem>>)
    %add3A_320 = arith.constant 0 : i32
    %add3A_321 = arith.addi %add3A_4, %add3A_320 : i32
    %dma_start3A_322 = arith.constant 2 : i32
    %dma_start3A_323 = arith.constant 0 : i32
    %dma_start3A_324 = arith.constant 0 : i32
    %dma_start3A_325 = tpu.memref_slice %arg2[%add3A_321, %dma_start3A_322, %dma_start3A_323, %dma_start3A_324] : memref<128x17x96x96xf32, #tpu.memory_space<hbm>> -> memref<1x1x96x96xf32, #tpu.memory_space<hbm>>
    %dma_start3A_326 = tpu.memref_squeeze %dma_start3A_325 : memref<1x1x96x96xf32, #tpu.memory_space<hbm>> -> memref<96x96xf32, #tpu.memory_space<hbm>>
    %dma_start3A_327 = arith.constant 0 : i32
    %dma_start3A_328 = arith.constant 0 : i32
    %dma_start3A_329 = tpu.memref_slice %arg2[%add3A_321, %dma_start3A_322, %dma_start3A_327, %dma_start3A_328] : memref<128x17x96x96xf32, #tpu.memory_space<hbm>> -> memref<1x1x96x96xf32, #tpu.memory_space<hbm>>
    %dma_start3A_330 = tpu.memref_squeeze %dma_start3A_329 : memref<1x1x96x96xf32, #tpu.memory_space<hbm>> -> memref<96x96xf32, #tpu.memory_space<hbm>>
    tpu.enqueue_dma source(%dma_start3A_330 : memref<96x96xf32, #tpu.memory_space<hbm>>) target(%arg7 : memref<96x96xf32, #tpu.memory_space<vmem>>) target_semaphore(%arg16 : memref<!tpu.dma_semaphore, #tpu.memory_space<semaphore_mem>>)
    %dma_start3A_331 = arith.constant 2 : i32
    %dma_start3A_332 = arith.constant 0 : i32
    %dma_start3A_333 = arith.constant 0 : i32
    %dma_start3A_334 = tpu.memref_slice %arg3[%add3A_321, %dma_start3A_331, %dma_start3A_332, %dma_start3A_333] : memref<128x17x96x96xf32, #tpu.memory_space<hbm>> -> memref<1x1x96x96xf32, #tpu.memory_space<hbm>>
    %dma_start3A_335 = tpu.memref_squeeze %dma_start3A_334 : memref<1x1x96x96xf32, #tpu.memory_space<hbm>> -> memref<96x96xf32, #tpu.memory_space<hbm>>
    %dma_start3A_336 = arith.constant 0 : i32
    %dma_start3A_337 = arith.constant 0 : i32
    %dma_start3A_338 = tpu.memref_slice %arg3[%add3A_321, %dma_start3A_331, %dma_start3A_336, %dma_start3A_337] : memref<128x17x96x96xf32, #tpu.memory_space<hbm>> -> memref<1x1x96x96xf32, #tpu.memory_space<hbm>>
    %dma_start3A_339 = tpu.memref_squeeze %dma_start3A_338 : memref<1x1x96x96xf32, #tpu.memory_space<hbm>> -> memref<96x96xf32, #tpu.memory_space<hbm>>
    tpu.enqueue_dma source(%dma_start3A_339 : memref<96x96xf32, #tpu.memory_space<hbm>>) target(%arg11 : memref<96x96xf32, #tpu.memory_space<vmem>>) target_semaphore(%arg20 : memref<!tpu.dma_semaphore, #tpu.memory_space<semaphore_mem>>)
    %add3A_340 = arith.constant 0 : i32
    %add3A_341 = arith.addi %add3A_4, %add3A_340 : i32
    %dma_start3A_342 = arith.constant 3 : i32
    %dma_start3A_343 = arith.constant 0 : i32
    %dma_start3A_344 = arith.constant 0 : i32
    %dma_start3A_345 = tpu.memref_slice %arg2[%add3A_341, %dma_start3A_342, %dma_start3A_343, %dma_start3A_344] : memref<128x17x96x96xf32, #tpu.memory_space<hbm>> -> memref<1x1x96x96xf32, #tpu.memory_space<hbm>>
    %dma_start3A_346 = tpu.memref_squeeze %dma_start3A_345 : memref<1x1x96x96xf32, #tpu.memory_space<hbm>> -> memref<96x96xf32, #tpu.memory_space<hbm>>
    %dma_start3A_347 = arith.constant 0 : i32
    %dma_start3A_348 = arith.constant 0 : i32
    %dma_start3A_349 = tpu.memref_slice %arg2[%add3A_341, %dma_start3A_342, %dma_start3A_347, %dma_start3A_348] : memref<128x17x96x96xf32, #tpu.memory_space<hbm>> -> memref<1x1x96x96xf32, #tpu.memory_space<hbm>>
    %dma_start3A_350 = tpu.memref_squeeze %dma_start3A_349 : memref<1x1x96x96xf32, #tpu.memory_space<hbm>> -> memref<96x96xf32, #tpu.memory_space<hbm>>
    tpu.enqueue_dma source(%dma_start3A_350 : memref<96x96xf32, #tpu.memory_space<hbm>>) target(%arg8 : memref<96x96xf32, #tpu.memory_space<vmem>>) target_semaphore(%arg17 : memref<!tpu.dma_semaphore, #tpu.memory_space<semaphore_mem>>)
    %dma_start3A_351 = arith.constant 3 : i32
    %dma_start3A_352 = arith.constant 0 : i32
    %dma_start3A_353 = arith.constant 0 : i32
    %dma_start3A_354 = tpu.memref_slice %arg3[%add3A_341, %dma_start3A_351, %dma_start3A_352, %dma_start3A_353] : memref<128x17x96x96xf32, #tpu.memory_space<hbm>> -> memref<1x1x96x96xf32, #tpu.memory_space<hbm>>
    %dma_start3A_355 = tpu.memref_squeeze %dma_start3A_354 : memref<1x1x96x96xf32, #tpu.memory_space<hbm>> -> memref<96x96xf32, #tpu.memory_space<hbm>>
    %dma_start3A_356 = arith.constant 0 : i32
    %dma_start3A_357 = arith.constant 0 : i32
    %dma_start3A_358 = tpu.memref_slice %arg3[%add3A_341, %dma_start3A_351, %dma_start3A_356, %dma_start3A_357] : memref<128x17x96x96xf32, #tpu.memory_space<hbm>> -> memref<1x1x96x96xf32, #tpu.memory_space<hbm>>
    %dma_start3A_359 = tpu.memref_squeeze %dma_start3A_358 : memref<1x1x96x96xf32, #tpu.memory_space<hbm>> -> memref<96x96xf32, #tpu.memory_space<hbm>>
    tpu.enqueue_dma source(%dma_start3A_359 : memref<96x96xf32, #tpu.memory_space<hbm>>) target(%arg12 : memref<96x96xf32, #tpu.memory_space<vmem>>) target_semaphore(%arg21 : memref<!tpu.dma_semaphore, #tpu.memory_space<semaphore_mem>>)
    %scan3A = arith.constant 0 : i32
    %scan3A_360 = arith.constant 0 : i32
    %scan3A_361 = arith.constant 8 : i32
    %scan3A_362 = arith.addi %scan3A_360, %scan3A_361 : i32
    %scan3A_363 = arith.constant 1 : i32
    scf.for %scan3A_627 = %scan3A_360 to %scan3A_362 step %scan3A_363  : i32 {
      %mul3A_628 = arith.constant 4 : i32
      %mul3A_629 = arith.muli %scan3A_627, %mul3A_628 : i32
      %add3A_630 = arith.constant 0 : i32
      %add3A_631 = arith.addi %mul3A_629, %add3A_630 : i32
      %jit3A_632 = arith.constant 17 : i32
      %div3A_633 = arith.divsi %add3A_631, %jit3A_632 : i32
      %sign3A_634 = arith.constant 0 : i32
      %sign3A_635 = arith.cmpi sgt, %add3A_631, %sign3A_634 : i32
      %sign3A_636 = arith.extui %sign3A_635 : i1 to i32
      %sign3A_637 = arith.constant 0 : i32
      %sign3A_638 = arith.cmpi slt, %add3A_631, %sign3A_637 : i32
      %sign3A_639 = arith.extui %sign3A_638 : i1 to i32
      %sign3A_640 = arith.subi %sign3A_636, %sign3A_639 : i32
      %sign3A_641 = arith.constant 0 : i32
      %sign3A_642 = arith.cmpi sgt, %jit3A_632, %sign3A_641 : i32
      %sign3A_643 = arith.extui %sign3A_642 : i1 to i32
      %sign3A_644 = arith.constant 0 : i32
      %sign3A_645 = arith.cmpi slt, %jit3A_632, %sign3A_644 : i32
      %sign3A_646 = arith.extui %sign3A_645 : i1 to i32
      %sign3A_647 = arith.subi %sign3A_643, %sign3A_646 : i32
      %ne3A_648 = arith.cmpi ne, %sign3A_640, %sign3A_647 : i32
      %rem3A_649 = arith.remsi %add3A_631, %jit3A_632 : i32
      %ne3A_650 = arith.constant 0 : i32
      %ne3A_651 = arith.cmpi ne, %rem3A_649, %ne3A_650 : i32
      %and3A_652 = arith.andi %ne3A_648, %ne3A_651 : i1
      %sub3A_653 = arith.constant 1 : i32
      %sub3A_654 = arith.subi %div3A_633, %sub3A_653 : i32
      %select_n3A_655 = arith.select %and3A_652, %sub3A_654, %div3A_633 : i32
      %add3A_656 = arith.addi %add3A_4, %select_n3A_655 : i32
      %jit3A_657 = arith.constant 17 : i32
      %eq3A_658 = arith.constant 0 : i32
      %eq3A_659 = arith.cmpi eq, %jit3A_657, %eq3A_658 : i32
      %jit3A_660 = arith.constant 1 : i32
      %select_n3A_661 = arith.select %eq3A_659, %jit3A_660, %jit3A_657 : i32
      %rem3A_662 = arith.remsi %add3A_631, %select_n3A_661 : i32
      %ne3A_663 = arith.constant 0 : i32
      %ne3A_664 = arith.cmpi ne, %rem3A_662, %ne3A_663 : i32
      %lt3A_665 = arith.constant 0 : i32
      %lt3A_666 = arith.cmpi slt, %rem3A_662, %lt3A_665 : i32
      %lt3A_667 = arith.constant 0 : i32
      %lt3A_668 = arith.cmpi slt, %select_n3A_661, %lt3A_667 : i32
      %ne3A_669 = arith.xori %lt3A_666, %lt3A_668 : i1
      %and3A_670 = arith.andi %ne3A_669, %ne3A_664 : i1
      %add3A_671 = arith.addi %rem3A_662, %select_n3A_661 : i32
      %select_n3A_672 = arith.select %and3A_670, %add3A_671, %rem3A_662 : i32
      %dma_wait3A_673 = arith.constant 0 : i32
      %dma_wait3A_674 = arith.constant 0 : i32
      %dma_wait3A_675 = tpu.memref_slice %arg2[%add3A_656, %select_n3A_672, %dma_wait3A_673, %dma_wait3A_674] : memref<128x17x96x96xf32, #tpu.memory_space<hbm>> -> memref<1x1x96x96xf32, #tpu.memory_space<hbm>>
      %dma_wait3A_676 = tpu.memref_squeeze %dma_wait3A_675 : memref<1x1x96x96xf32, #tpu.memory_space<hbm>> -> memref<96x96xf32, #tpu.memory_space<hbm>>
      %dma_wait3A_677 = arith.constant 0 : i32
      %dma_wait3A_678 = arith.constant 0 : i32
      %dma_wait3A_679 = tpu.memref_slice %arg2[%add3A_656, %select_n3A_672, %dma_wait3A_677, %dma_wait3A_678] : memref<128x17x96x96xf32, #tpu.memory_space<hbm>> -> memref<1x1x96x96xf32, #tpu.memory_space<hbm>>
      %dma_wait3A_680 = tpu.memref_squeeze %dma_wait3A_679 : memref<1x1x96x96xf32, #tpu.memory_space<hbm>> -> memref<96x96xf32, #tpu.memory_space<hbm>>
      tpu.wait_dma2 semaphore(%arg14 : memref<!tpu.dma_semaphore, #tpu.memory_space<semaphore_mem>>) src(%dma_wait3A_680 : memref<96x96xf32, #tpu.memory_space<hbm>>) dst(%arg5 : memref<96x96xf32, #tpu.memory_space<vmem>>)
      %dma_wait3A_681 = arith.constant 0 : i32
      %dma_wait3A_682 = arith.constant 0 : i32
      %dma_wait3A_683 = tpu.memref_slice %arg3[%add3A_656, %select_n3A_672, %dma_wait3A_681, %dma_wait3A_682] : memref<128x17x96x96xf32, #tpu.memory_space<hbm>> -> memref<1x1x96x96xf32, #tpu.memory_space<hbm>>
      %dma_wait3A_684 = tpu.memref_squeeze %dma_wait3A_683 : memref<1x1x96x96xf32, #tpu.memory_space<hbm>> -> memref<96x96xf32, #tpu.memory_space<hbm>>
      %dma_wait3A_685 = arith.constant 0 : i32
      %dma_wait3A_686 = arith.constant 0 : i32
      %dma_wait3A_687 = tpu.memref_slice %arg3[%add3A_656, %select_n3A_672, %dma_wait3A_685, %dma_wait3A_686] : memref<128x17x96x96xf32, #tpu.memory_space<hbm>> -> memref<1x1x96x96xf32, #tpu.memory_space<hbm>>
      %dma_wait3A_688 = tpu.memref_squeeze %dma_wait3A_687 : memref<1x1x96x96xf32, #tpu.memory_space<hbm>> -> memref<96x96xf32, #tpu.memory_space<hbm>>
      tpu.wait_dma2 semaphore(%arg18 : memref<!tpu.dma_semaphore, #tpu.memory_space<semaphore_mem>>) src(%dma_wait3A_688 : memref<96x96xf32, #tpu.memory_space<hbm>>) dst(%arg9 : memref<96x96xf32, #tpu.memory_space<vmem>>)
      %jit3A_689 = arith.constant 17 : i32
      %eq3A_690 = arith.constant 0 : i32
      %eq3A_691 = arith.cmpi eq, %jit3A_689, %eq3A_690 : i32
      %jit3A_692 = arith.constant 1 : i32
      %select_n3A_693 = arith.select %eq3A_691, %jit3A_692, %jit3A_689 : i32
      %rem3A_694 = arith.remsi %add3A_631, %select_n3A_693 : i32
      %ne3A_695 = arith.constant 0 : i32
      %ne3A_696 = arith.cmpi ne, %rem3A_694, %ne3A_695 : i32
      %lt3A_697 = arith.constant 0 : i32
      %lt3A_698 = arith.cmpi slt, %rem3A_694, %lt3A_697 : i32
      %lt3A_699 = arith.constant 0 : i32
      %lt3A_700 = arith.cmpi slt, %select_n3A_693, %lt3A_699 : i32
      %ne3A_701 = arith.xori %lt3A_698, %lt3A_700 : i1
      %and3A_702 = arith.andi %ne3A_701, %ne3A_696 : i1
      %add3A_703 = arith.addi %rem3A_694, %select_n3A_693 : i32
      %select_n3A_704 = arith.select %and3A_702, %add3A_703, %rem3A_694 : i32
      %scan3A_705 = arith.constant 0 : i32
      %scan3A_706 = arith.constant 96 : i32
      %scan3A_707 = arith.addi %scan3A_705, %scan3A_706 : i32
      %scan3A_708 = arith.constant 1 : i32
      %scan3A_709:4 = scf.for %scan3A_1180 = %scan3A_705 to %scan3A_707 step %scan3A_708 iter_args(%scan3A_1181 = %broadcast_in_dim3A_5, %scan3A_1182 = %broadcast_in_dim3A_5, %scan3A_1183 = %broadcast_in_dim3A_7, %scan3A_1184 = %broadcast_in_dim3A_9) -> (vector<16xf32>, vector<16xf32>, vector<16xf32>, vector<16xf32>)  : i32 {
        %get3A_1185 = arith.index_cast %scan3A_1180 : i32 to index
        %get3A_1186 = arith.constant 0 : index
        %get3A_1187 = tpu.vector_load %arg5[%get3A_1185, %get3A_1186] {strides = array<i32>} : memref<96x96xf32, #tpu.memory_space<vmem>>, vector<1x16xf32>,
        %get3A_1188 = vector.shape_cast %get3A_1187 : vector<1x16xf32> to vector<16xf32>
        %get3A_1189 = arith.index_cast %scan3A_1180 : i32 to index
        %get3A_1190 = arith.constant 0 : index
        %get3A_1191 = tpu.vector_load %arg9[%get3A_1189, %get3A_1190] {strides = array<i32>} : memref<96x96xf32, #tpu.memory_space<vmem>>, vector<1x16xf32>,
        %get3A_1192 = vector.shape_cast %get3A_1191 : vector<1x16xf32> to vector<16xf32>
        %sub3A_1193 = arith.subf %get3A_1188, %get3A_1192 : vector<16xf32>
        %mul3A_1194 = arith.mulf %sub3A_1193, %sub3A_1193 : vector<16xf32>
        %gt3A = arith.constant 0.000000e+00 : f32
        %gt3A_1195 = vector.broadcast %gt3A : f32 to vector<16xf32>
        %gt3A_1196 = arith.cmpf ogt, %get3A_1192, %gt3A_1195 : vector<16xf32>
        %jit3A_1197 = arith.constant 0.000000e+00 : f32
        %broadcast_in_dim3A_1198 = vector.broadcast %jit3A_1197 : f32 to vector<16xf32>
        %select_n3A_1199 = arith.select %gt3A_1196, %mul3A_1194, %broadcast_in_dim3A_1198 : vector<16xi1>, vector<16xf32>
        %add3A_1200 = arith.addf %scan3A_1181, %select_n3A_1199 : vector<16xf32>
        %jit3A_1201 = arith.constant 1.000000e+00 : f32
        %jit3A_1202 = arith.constant 0.000000e+00 : f32
        %broadcast_in_dim3A_1203 = vector.broadcast %jit3A_1201 : f32 to vector<16xf32>
        %broadcast_in_dim3A_1204 = vector.broadcast %jit3A_1202 : f32 to vector<16xf32>
        %select_n3A_1205 = arith.select %gt3A_1196, %broadcast_in_dim3A_1203, %broadcast_in_dim3A_1204 : vector<16xi1>, vector<16xf32>
        %add3A_1206 = arith.addf %scan3A_1182, %select_n3A_1205 : vector<16xf32>
        %eq3A_1207 = arith.constant 0.000000e+00 : f32
        %eq3A_1208 = vector.broadcast %eq3A_1207 : f32 to vector<16xf32>
        %eq3A_1209 = arith.cmpf oeq, %get3A_1192, %eq3A_1208 : vector<16xf32>
        %jit3A_1210 = arith.constant 0xFF800000 : f32
        %broadcast_in_dim3A_1211 = vector.broadcast %jit3A_1210 : f32 to vector<16xf32>
        %select_n3A_1212 = arith.select %eq3A_1209, %get3A_1188, %broadcast_in_dim3A_1211 : vector<16xi1>, vector<16xf32>
        %max3A_1213 = arith.maximumf %scan3A_1183, %select_n3A_1212 : vector<16xf32>
        %abs3A = math.absf %get3A_1192 : vector<16xf32>
        %min3A_1214 = arith.minimumf %scan3A_1184, %abs3A : vector<16xf32>
        %get3A_1215 = arith.index_cast %scan3A_1180 : i32 to index
        %get3A_1216 = arith.constant 16 : index
        %get3A_1217 = tpu.vector_load %arg5[%get3A_1215, %get3A_1216] {strides = array<i32>} : memref<96x96xf32, #tpu.memory_space<vmem>>, vector<1x16xf32>,
        %get3A_1218 = vector.shape_cast %get3A_1217 : vector<1x16xf32> to vector<16xf32>
        %get3A_1219 = arith.index_cast %scan3A_1180 : i32 to index
        %get3A_1220 = arith.constant 16 : index
        %get3A_1221 = tpu.vector_load %arg9[%get3A_1219, %get3A_1220] {strides = array<i32>} : memref<96x96xf32, #tpu.memory_space<vmem>>, vector<1x16xf32>,
        %get3A_1222 = vector.shape_cast %get3A_1221 : vector<1x16xf32> to vector<16xf32>
        %sub3A_1223 = arith.subf %get3A_1218, %get3A_1222 : vector<16xf32>
        %mul3A_1224 = arith.mulf %sub3A_1223, %sub3A_1223 : vector<16xf32>
        %gt3A_1225 = arith.constant 0.000000e+00 : f32
        %gt3A_1226 = vector.broadcast %gt3A_1225 : f32 to vector<16xf32>
        %gt3A_1227 = arith.cmpf ogt, %get3A_1222, %gt3A_1226 : vector<16xf32>
        %jit3A_1228 = arith.constant 0.000000e+00 : f32
        %broadcast_in_dim3A_1229 = vector.broadcast %jit3A_1228 : f32 to vector<16xf32>
        %select_n3A_1230 = arith.select %gt3A_1227, %mul3A_1224, %broadcast_in_dim3A_1229 : vector<16xi1>, vector<16xf32>
        %add3A_1231 = arith.addf %add3A_1200, %select_n3A_1230 : vector<16xf32>
        %jit3A_1232 = arith.constant 1.000000e+00 : f32
        %jit3A_1233 = arith.constant 0.000000e+00 : f32
        %broadcast_in_dim3A_1234 = vector.broadcast %jit3A_1232 : f32 to vector<16xf32>
        %broadcast_in_dim3A_1235 = vector.broadcast %jit3A_1233 : f32 to vector<16xf32>
        %select_n3A_1236 = arith.select %gt3A_1227, %broadcast_in_dim3A_1234, %broadcast_in_dim3A_1235 : vector<16xi1>, vector<16xf32>
        %add3A_1237 = arith.addf %add3A_1206, %select_n3A_1236 : vector<16xf32>
        %eq3A_1238 = arith.constant 0.000000e+00 : f32
        %eq3A_1239 = vector.broadcast %eq3A_1238 : f32 to vector<16xf32>
        %eq3A_1240 = arith.cmpf oeq, %get3A_1222, %eq3A_1239 : vector<16xf32>
        %jit3A_1241 = arith.constant 0xFF800000 : f32
        %broadcast_in_dim3A_1242 = vector.broadcast %jit3A_1241 : f32 to vector<16xf32>
        %select_n3A_1243 = arith.select %eq3A_1240, %get3A_1218, %broadcast_in_dim3A_1242 : vector<16xi1>, vector<16xf32>
        %max3A_1244 = arith.maximumf %max3A_1213, %select_n3A_1243 : vector<16xf32>
        %abs3A_1245 = math.absf %get3A_1222 : vector<16xf32>
        %min3A_1246 = arith.minimumf %min3A_1214, %abs3A_1245 : vector<16xf32>
        %get3A_1247 = arith.index_cast %scan3A_1180 : i32 to index
        %get3A_1248 = arith.constant 32 : index
        %get3A_1249 = tpu.vector_load %arg5[%get3A_1247, %get3A_1248] {strides = array<i32>} : memref<96x96xf32, #tpu.memory_space<vmem>>, vector<1x16xf32>,
        %get3A_1250 = vector.shape_cast %get3A_1249 : vector<1x16xf32> to vector<16xf32>
        %get3A_1251 = arith.index_cast %scan3A_1180 : i32 to index
        %get3A_1252 = arith.constant 32 : index
        %get3A_1253 = tpu.vector_load %arg9[%get3A_1251, %get3A_1252] {strides = array<i32>} : memref<96x96xf32, #tpu.memory_space<vmem>>, vector<1x16xf32>,
        %get3A_1254 = vector.shape_cast %get3A_1253 : vector<1x16xf32> to vector<16xf32>
        %sub3A_1255 = arith.subf %get3A_1250, %get3A_1254 : vector<16xf32>
        %mul3A_1256 = arith.mulf %sub3A_1255, %sub3A_1255 : vector<16xf32>
        %gt3A_1257 = arith.constant 0.000000e+00 : f32
        %gt3A_1258 = vector.broadcast %gt3A_1257 : f32 to vector<16xf32>
        %gt3A_1259 = arith.cmpf ogt, %get3A_1254, %gt3A_1258 : vector<16xf32>
        %jit3A_1260 = arith.constant 0.000000e+00 : f32
        %broadcast_in_dim3A_1261 = vector.broadcast %jit3A_1260 : f32 to vector<16xf32>
        %select_n3A_1262 = arith.select %gt3A_1259, %mul3A_1256, %broadcast_in_dim3A_1261 : vector<16xi1>, vector<16xf32>
        %add3A_1263 = arith.addf %add3A_1231, %select_n3A_1262 : vector<16xf32>
        %jit3A_1264 = arith.constant 1.000000e+00 : f32
        %jit3A_1265 = arith.constant 0.000000e+00 : f32
        %broadcast_in_dim3A_1266 = vector.broadcast %jit3A_1264 : f32 to vector<16xf32>
        %broadcast_in_dim3A_1267 = vector.broadcast %jit3A_1265 : f32 to vector<16xf32>
        %select_n3A_1268 = arith.select %gt3A_1259, %broadcast_in_dim3A_1266, %broadcast_in_dim3A_1267 : vector<16xi1>, vector<16xf32>
        %add3A_1269 = arith.addf %add3A_1237, %select_n3A_1268 : vector<16xf32>
        %eq3A_1270 = arith.constant 0.000000e+00 : f32
        %eq3A_1271 = vector.broadcast %eq3A_1270 : f32 to vector<16xf32>
        %eq3A_1272 = arith.cmpf oeq, %get3A_1254, %eq3A_1271 : vector<16xf32>
        %jit3A_1273 = arith.constant 0xFF800000 : f32
        %broadcast_in_dim3A_1274 = vector.broadcast %jit3A_1273 : f32 to vector<16xf32>
        %select_n3A_1275 = arith.select %eq3A_1272, %get3A_1250, %broadcast_in_dim3A_1274 : vector<16xi1>, vector<16xf32>
        %max3A_1276 = arith.maximumf %max3A_1244, %select_n3A_1275 : vector<16xf32>
        %abs3A_1277 = math.absf %get3A_1254 : vector<16xf32>
        %min3A_1278 = arith.minimumf %min3A_1246, %abs3A_1277 : vector<16xf32>
        %get3A_1279 = arith.index_cast %scan3A_1180 : i32 to index
        %get3A_1280 = arith.constant 48 : index
        %get3A_1281 = tpu.vector_load %arg5[%get3A_1279, %get3A_1280] {strides = array<i32>} : memref<96x96xf32, #tpu.memory_space<vmem>>, vector<1x16xf32>,
        %get3A_1282 = vector.shape_cast %get3A_1281 : vector<1x16xf32> to vector<16xf32>
        %get3A_1283 = arith.index_cast %scan3A_1180 : i32 to index
        %get3A_1284 = arith.constant 48 : index
        %get3A_1285 = tpu.vector_load %arg9[%get3A_1283, %get3A_1284] {strides = array<i32>} : memref<96x96xf32, #tpu.memory_space<vmem>>, vector<1x16xf32>,
        %get3A_1286 = vector.shape_cast %get3A_1285 : vector<1x16xf32> to vector<16xf32>
        %sub3A_1287 = arith.subf %get3A_1282, %get3A_1286 : vector<16xf32>
        %mul3A_1288 = arith.mulf %sub3A_1287, %sub3A_1287 : vector<16xf32>
        %gt3A_1289 = arith.constant 0.000000e+00 : f32
        %gt3A_1290 = vector.broadcast %gt3A_1289 : f32 to vector<16xf32>
        %gt3A_1291 = arith.cmpf ogt, %get3A_1286, %gt3A_1290 : vector<16xf32>
        %jit3A_1292 = arith.constant 0.000000e+00 : f32
        %broadcast_in_dim3A_1293 = vector.broadcast %jit3A_1292 : f32 to vector<16xf32>
        %select_n3A_1294 = arith.select %gt3A_1291, %mul3A_1288, %broadcast_in_dim3A_1293 : vector<16xi1>, vector<16xf32>
        %add3A_1295 = arith.addf %add3A_1263, %select_n3A_1294 : vector<16xf32>
        %jit3A_1296 = arith.constant 1.000000e+00 : f32
        %jit3A_1297 = arith.constant 0.000000e+00 : f32
        %broadcast_in_dim3A_1298 = vector.broadcast %jit3A_1296 : f32 to vector<16xf32>
        %broadcast_in_dim3A_1299 = vector.broadcast %jit3A_1297 : f32 to vector<16xf32>
        %select_n3A_1300 = arith.select %gt3A_1291, %broadcast_in_dim3A_1298, %broadcast_in_dim3A_1299 : vector<16xi1>, vector<16xf32>
        %add3A_1301 = arith.addf %add3A_1269, %select_n3A_1300 : vector<16xf32>
        %eq3A_1302 = arith.constant 0.000000e+00 : f32
        %eq3A_1303 = vector.broadcast %eq3A_1302 : f32 to vector<16xf32>
        %eq3A_1304 = arith.cmpf oeq, %get3A_1286, %eq3A_1303 : vector<16xf32>
        %jit3A_1305 = arith.constant 0xFF800000 : f32
        %broadcast_in_dim3A_1306 = vector.broadcast %jit3A_1305 : f32 to vector<16xf32>
        %select_n3A_1307 = arith.select %eq3A_1304, %get3A_1282, %broadcast_in_dim3A_1306 : vector<16xi1>, vector<16xf32>
        %max3A_1308 = arith.maximumf %max3A_1276, %select_n3A_1307 : vector<16xf32>
        %abs3A_1309 = math.absf %get3A_1286 : vector<16xf32>
        %min3A_1310 = arith.minimumf %min3A_1278, %abs3A_1309 : vector<16xf32>
        %get3A_1311 = arith.index_cast %scan3A_1180 : i32 to index
        %get3A_1312 = arith.constant 64 : index
        %get3A_1313 = tpu.vector_load %arg5[%get3A_1311, %get3A_1312] {strides = array<i32>} : memref<96x96xf32, #tpu.memory_space<vmem>>, vector<1x16xf32>,
        %get3A_1314 = vector.shape_cast %get3A_1313 : vector<1x16xf32> to vector<16xf32>
        %get3A_1315 = arith.index_cast %scan3A_1180 : i32 to index
        %get3A_1316 = arith.constant 64 : index
        %get3A_1317 = tpu.vector_load %arg9[%get3A_1315, %get3A_1316] {strides = array<i32>} : memref<96x96xf32, #tpu.memory_space<vmem>>, vector<1x16xf32>,
        %get3A_1318 = vector.shape_cast %get3A_1317 : vector<1x16xf32> to vector<16xf32>
        %sub3A_1319 = arith.subf %get3A_1314, %get3A_1318 : vector<16xf32>
        %mul3A_1320 = arith.mulf %sub3A_1319, %sub3A_1319 : vector<16xf32>
        %gt3A_1321 = arith.constant 0.000000e+00 : f32
        %gt3A_1322 = vector.broadcast %gt3A_1321 : f32 to vector<16xf32>
        %gt3A_1323 = arith.cmpf ogt, %get3A_1318, %gt3A_1322 : vector<16xf32>
        %jit3A_1324 = arith.constant 0.000000e+00 : f32
        %broadcast_in_dim3A_1325 = vector.broadcast %jit3A_1324 : f32 to vector<16xf32>
        %select_n3A_1326 = arith.select %gt3A_1323, %mul3A_1320, %broadcast_in_dim3A_1325 : vector<16xi1>, vector<16xf32>
        %add3A_1327 = arith.addf %add3A_1295, %select_n3A_1326 : vector<16xf32>
        %jit3A_1328 = arith.constant 1.000000e+00 : f32
        %jit3A_1329 = arith.constant 0.000000e+00 : f32
        %broadcast_in_dim3A_1330 = vector.broadcast %jit3A_1328 : f32 to vector<16xf32>
        %broadcast_in_dim3A_1331 = vector.broadcast %jit3A_1329 : f32 to vector<16xf32>
        %select_n3A_1332 = arith.select %gt3A_1323, %broadcast_in_dim3A_1330, %broadcast_in_dim3A_1331 : vector<16xi1>, vector<16xf32>
        %add3A_1333 = arith.addf %add3A_1301, %select_n3A_1332 : vector<16xf32>
        %eq3A_1334 = arith.constant 0.000000e+00 : f32
        %eq3A_1335 = vector.broadcast %eq3A_1334 : f32 to vector<16xf32>
        %eq3A_1336 = arith.cmpf oeq, %get3A_1318, %eq3A_1335 : vector<16xf32>
        %jit3A_1337 = arith.constant 0xFF800000 : f32
        %broadcast_in_dim3A_1338 = vector.broadcast %jit3A_1337 : f32 to vector<16xf32>
        %select_n3A_1339 = arith.select %eq3A_1336, %get3A_1314, %broadcast_in_dim3A_1338 : vector<16xi1>, vector<16xf32>
        %max3A_1340 = arith.maximumf %max3A_1308, %select_n3A_1339 : vector<16xf32>
        %abs3A_1341 = math.absf %get3A_1318 : vector<16xf32>
        %min3A_1342 = arith.minimumf %min3A_1310, %abs3A_1341 : vector<16xf32>
        %get3A_1343 = arith.index_cast %scan3A_1180 : i32 to index
        %get3A_1344 = arith.constant 80 : index
        %get3A_1345 = tpu.vector_load %arg5[%get3A_1343, %get3A_1344] {strides = array<i32>} : memref<96x96xf32, #tpu.memory_space<vmem>>, vector<1x16xf32>,
        %get3A_1346 = vector.shape_cast %get3A_1345 : vector<1x16xf32> to vector<16xf32>
        %get3A_1347 = arith.index_cast %scan3A_1180 : i32 to index
        %get3A_1348 = arith.constant 80 : index
        %get3A_1349 = tpu.vector_load %arg9[%get3A_1347, %get3A_1348] {strides = array<i32>} : memref<96x96xf32, #tpu.memory_space<vmem>>, vector<1x16xf32>,
        %get3A_1350 = vector.shape_cast %get3A_1349 : vector<1x16xf32> to vector<16xf32>
        %sub3A_1351 = arith.subf %get3A_1346, %get3A_1350 : vector<16xf32>
        %mul3A_1352 = arith.mulf %sub3A_1351, %sub3A_1351 : vector<16xf32>
        %gt3A_1353 = arith.constant 0.000000e+00 : f32
        %gt3A_1354 = vector.broadcast %gt3A_1353 : f32 to vector<16xf32>
        %gt3A_1355 = arith.cmpf ogt, %get3A_1350, %gt3A_1354 : vector<16xf32>
        %jit3A_1356 = arith.constant 0.000000e+00 : f32
        %broadcast_in_dim3A_1357 = vector.broadcast %jit3A_1356 : f32 to vector<16xf32>
        %select_n3A_1358 = arith.select %gt3A_1355, %mul3A_1352, %broadcast_in_dim3A_1357 : vector<16xi1>, vector<16xf32>
        %add3A_1359 = arith.addf %add3A_1327, %select_n3A_1358 : vector<16xf32>
        %jit3A_1360 = arith.constant 1.000000e+00 : f32
        %jit3A_1361 = arith.constant 0.000000e+00 : f32
        %broadcast_in_dim3A_1362 = vector.broadcast %jit3A_1360 : f32 to vector<16xf32>
        %broadcast_in_dim3A_1363 = vector.broadcast %jit3A_1361 : f32 to vector<16xf32>
        %select_n3A_1364 = arith.select %gt3A_1355, %broadcast_in_dim3A_1362, %broadcast_in_dim3A_1363 : vector<16xi1>, vector<16xf32>
        %add3A_1365 = arith.addf %add3A_1333, %select_n3A_1364 : vector<16xf32>
        %eq3A_1366 = arith.constant 0.000000e+00 : f32
        %eq3A_1367 = vector.broadcast %eq3A_1366 : f32 to vector<16xf32>
        %eq3A_1368 = arith.cmpf oeq, %get3A_1350, %eq3A_1367 : vector<16xf32>
        %jit3A_1369 = arith.constant 0xFF800000 : f32
        %broadcast_in_dim3A_1370 = vector.broadcast %jit3A_1369 : f32 to vector<16xf32>
        %select_n3A_1371 = arith.select %eq3A_1368, %get3A_1346, %broadcast_in_dim3A_1370 : vector<16xi1>, vector<16xf32>
        %max3A_1372 = arith.maximumf %max3A_1340, %select_n3A_1371 : vector<16xf32>
        %abs3A_1373 = math.absf %get3A_1350 : vector<16xf32>
        %min3A_1374 = arith.minimumf %min3A_1342, %abs3A_1373 : vector<16xf32>
        scf.yield %add3A_1359, %add3A_1365, %max3A_1372, %min3A_1374 : vector<16xf32>, vector<16xf32>, vector<16xf32>, vector<16xf32>
      }
      %scan3A_710 = arith.constant 96 : i32
      %mul3A_711 = arith.constant 16 : i32
      %mul3A_712 = arith.muli %select_n3A_704, %mul3A_711 : i32
      %add3A_713 = arith.constant 0 : i32
      %add3A_714 = arith.addi %add3A_713, %mul3A_712 : i32
      %mul3A_715 = arith.constant 16 : i32
      %mul3A_716 = arith.muli %select_n3A_704, %mul3A_715 : i32
      %add3A_717 = arith.constant 272 : i32
      %add3A_718 = arith.addi %add3A_717, %mul3A_716 : i32
      %mul3A_719 = arith.constant 16 : i32
      %mul3A_720 = arith.muli %select_n3A_704, %mul3A_719 : i32
      %add3A_721 = arith.constant 544 : i32
      %add3A_722 = arith.addi %add3A_721, %mul3A_720 : i32
      %mul3A_723 = arith.constant 16 : i32
      %mul3A_724 = arith.muli %select_n3A_704, %mul3A_723 : i32
      %add3A_725 = arith.constant 816 : i32
      %add3A_726 = arith.addi %add3A_725, %mul3A_724 : i32
      %get3A_727 = arith.index_cast %add3A_714 : i32 to index
      %get3A_728 = tpu.vector_load %arg13[%get3A_727] {strides = array<i32>} : memref<1088xf32, #tpu.memory_space<vmem>>, vector<16xf32>,
      %get3A_729 = vector.shape_cast %get3A_728 : vector<16xf32> to vector<16xf32>
      %add3A_730 = arith.addf %get3A_729, %scan3A_709#0 : vector<16xf32>
      %swap3A_731 = arith.index_cast %add3A_714 : i32 to index
      %swap3A_732 = tpu.vector_load %arg13[%swap3A_731] {strides = array<i32>} : memref<1088xf32, #tpu.memory_space<vmem>>, vector<16xf32>,
      %swap3A_733 = vector.shape_cast %swap3A_732 : vector<16xf32> to vector<16xf32>
      %swap3A_734 = vector.shape_cast %add3A_730 : vector<16xf32> to vector<16xf32>
      tpu.vector_store %arg13[%swap3A_731], %swap3A_734 {strides = array<i32>} : memref<1088xf32, #tpu.memory_space<vmem>>, vector<16xf32>,
      %get3A_735 = arith.index_cast %add3A_718 : i32 to index
      %get3A_736 = tpu.vector_load %arg13[%get3A_735] {strides = array<i32>} : memref<1088xf32, #tpu.memory_space<vmem>>, vector<16xf32>,
      %get3A_737 = vector.shape_cast %get3A_736 : vector<16xf32> to vector<16xf32>
      %add3A_738 = arith.addf %get3A_737, %scan3A_709#1 : vector<16xf32>
      %swap3A_739 = arith.index_cast %add3A_718 : i32 to index
      %swap3A_740 = tpu.vector_load %arg13[%swap3A_739] {strides = array<i32>} : memref<1088xf32, #tpu.memory_space<vmem>>, vector<16xf32>,
      %swap3A_741 = vector.shape_cast %swap3A_740 : vector<16xf32> to vector<16xf32>
      %swap3A_742 = vector.shape_cast %add3A_738 : vector<16xf32> to vector<16xf32>
      tpu.vector_store %arg13[%swap3A_739], %swap3A_742 {strides = array<i32>} : memref<1088xf32, #tpu.memory_space<vmem>>, vector<16xf32>,
      %get3A_743 = arith.index_cast %add3A_722 : i32 to index
      %get3A_744 = tpu.vector_load %arg13[%get3A_743] {strides = array<i32>} : memref<1088xf32, #tpu.memory_space<vmem>>, vector<16xf32>,
      %get3A_745 = vector.shape_cast %get3A_744 : vector<16xf32> to vector<16xf32>
      %max3A_746 = arith.maximumf %get3A_745, %scan3A_709#2 : vector<16xf32>
      %swap3A_747 = arith.index_cast %add3A_722 : i32 to index
      %swap3A_748 = tpu.vector_load %arg13[%swap3A_747] {strides = array<i32>} : memref<1088xf32, #tpu.memory_space<vmem>>, vector<16xf32>,
      %swap3A_749 = vector.shape_cast %swap3A_748 : vector<16xf32> to vector<16xf32>
      %swap3A_750 = vector.shape_cast %max3A_746 : vector<16xf32> to vector<16xf32>
      tpu.vector_store %arg13[%swap3A_747], %swap3A_750 {strides = array<i32>} : memref<1088xf32, #tpu.memory_space<vmem>>, vector<16xf32>,
      %get3A_751 = arith.index_cast %add3A_726 : i32 to index
      %get3A_752 = tpu.vector_load %arg13[%get3A_751] {strides = array<i32>} : memref<1088xf32, #tpu.memory_space<vmem>>, vector<16xf32>,
      %get3A_753 = vector.shape_cast %get3A_752 : vector<16xf32> to vector<16xf32>
      %min3A_754 = arith.minimumf %get3A_753, %scan3A_709#3 : vector<16xf32>
      %swap3A_755 = arith.index_cast %add3A_726 : i32 to index
      %swap3A_756 = tpu.vector_load %arg13[%swap3A_755] {strides = array<i32>} : memref<1088xf32, #tpu.memory_space<vmem>>, vector<16xf32>,
      %swap3A_757 = vector.shape_cast %swap3A_756 : vector<16xf32> to vector<16xf32>
      %swap3A_758 = vector.shape_cast %min3A_754 : vector<16xf32> to vector<16xf32>
      tpu.vector_store %arg13[%swap3A_755], %swap3A_758 {strides = array<i32>} : memref<1088xf32, #tpu.memory_space<vmem>>, vector<16xf32>,
      %add3A_759 = arith.constant 4 : i32
      %add3A_760 = arith.addi %add3A_631, %add3A_759 : i32
      %lt3A_761 = arith.constant 34 : i32
      %lt3A_762 = arith.cmpi slt, %add3A_760, %lt3A_761 : i32
      %convert_element_type3A_763 = arith.extui %lt3A_762 : i1 to i32
      %cond3A_764 = arith.constant 0 : i32
      %cond3A_765 = arith.cmpi ne, %convert_element_type3A_763, %cond3A_764 : i32
      scf.if %cond3A_765 {
        %add3A_1180 = arith.constant 4 : i32
        %add3A_1181 = arith.addi %add3A_631, %add3A_1180 : i32
        %jit3A_1182 = arith.constant 17 : i32
        %div3A_1183 = arith.divsi %add3A_1181, %jit3A_1182 : i32
        %sign3A_1184 = arith.constant 0 : i32
        %sign3A_1185 = arith.cmpi sgt, %add3A_1181, %sign3A_1184 : i32
        %sign3A_1186 = arith.extui %sign3A_1185 : i1 to i32
        %sign3A_1187 = arith.constant 0 : i32
        %sign3A_1188 = arith.cmpi slt, %add3A_1181, %sign3A_1187 : i32
        %sign3A_1189 = arith.extui %sign3A_1188 : i1 to i32
        %sign3A_1190 = arith.subi %sign3A_1186, %sign3A_1189 : i32
        %sign3A_1191 = arith.constant 0 : i32
        %sign3A_1192 = arith.cmpi sgt, %jit3A_1182, %sign3A_1191 : i32
        %sign3A_1193 = arith.extui %sign3A_1192 : i1 to i32
        %sign3A_1194 = arith.constant 0 : i32
        %sign3A_1195 = arith.cmpi slt, %jit3A_1182, %sign3A_1194 : i32
        %sign3A_1196 = arith.extui %sign3A_1195 : i1 to i32
        %sign3A_1197 = arith.subi %sign3A_1193, %sign3A_1196 : i32
        %ne3A_1198 = arith.cmpi ne, %sign3A_1190, %sign3A_1197 : i32
        %rem3A_1199 = arith.remsi %add3A_1181, %jit3A_1182 : i32
        %ne3A_1200 = arith.constant 0 : i32
        %ne3A_1201 = arith.cmpi ne, %rem3A_1199, %ne3A_1200 : i32
        %and3A_1202 = arith.andi %ne3A_1198, %ne3A_1201 : i1
        %sub3A_1203 = arith.constant 1 : i32
        %sub3A_1204 = arith.subi %div3A_1183, %sub3A_1203 : i32
        %select_n3A_1205 = arith.select %and3A_1202, %sub3A_1204, %div3A_1183 : i32
        %add3A_1206 = arith.addi %add3A_4, %select_n3A_1205 : i32
        %jit3A_1207 = arith.constant 17 : i32
        %eq3A_1208 = arith.constant 0 : i32
        %eq3A_1209 = arith.cmpi eq, %jit3A_1207, %eq3A_1208 : i32
        %jit3A_1210 = arith.constant 1 : i32
        %select_n3A_1211 = arith.select %eq3A_1209, %jit3A_1210, %jit3A_1207 : i32
        %rem3A_1212 = arith.remsi %add3A_1181, %select_n3A_1211 : i32
        %ne3A_1213 = arith.constant 0 : i32
        %ne3A_1214 = arith.cmpi ne, %rem3A_1212, %ne3A_1213 : i32
        %lt3A_1215 = arith.constant 0 : i32
        %lt3A_1216 = arith.cmpi slt, %rem3A_1212, %lt3A_1215 : i32
        %lt3A_1217 = arith.constant 0 : i32
        %lt3A_1218 = arith.cmpi slt, %select_n3A_1211, %lt3A_1217 : i32
        %ne3A_1219 = arith.xori %lt3A_1216, %lt3A_1218 : i1
        %and3A_1220 = arith.andi %ne3A_1219, %ne3A_1214 : i1
        %add3A_1221 = arith.addi %rem3A_1212, %select_n3A_1211 : i32
        %select_n3A_1222 = arith.select %and3A_1220, %add3A_1221, %rem3A_1212 : i32
        %dma_start3A_1223 = arith.constant 0 : i32
        %dma_start3A_1224 = arith.constant 0 : i32
        %dma_start3A_1225 = tpu.memref_slice %arg2[%add3A_1206, %select_n3A_1222, %dma_start3A_1223, %dma_start3A_1224] : memref<128x17x96x96xf32, #tpu.memory_space<hbm>> -> memref<1x1x96x96xf32, #tpu.memory_space<hbm>>
        %dma_start3A_1226 = tpu.memref_squeeze %dma_start3A_1225 : memref<1x1x96x96xf32, #tpu.memory_space<hbm>> -> memref<96x96xf32, #tpu.memory_space<hbm>>
        %dma_start3A_1227 = arith.constant 0 : i32
        %dma_start3A_1228 = arith.constant 0 : i32
        %dma_start3A_1229 = tpu.memref_slice %arg2[%add3A_1206, %select_n3A_1222, %dma_start3A_1227, %dma_start3A_1228] : memref<128x17x96x96xf32, #tpu.memory_space<hbm>> -> memref<1x1x96x96xf32, #tpu.memory_space<hbm>>
        %dma_start3A_1230 = tpu.memref_squeeze %dma_start3A_1229 : memref<1x1x96x96xf32, #tpu.memory_space<hbm>> -> memref<96x96xf32, #tpu.memory_space<hbm>>
        tpu.enqueue_dma source(%dma_start3A_1230 : memref<96x96xf32, #tpu.memory_space<hbm>>) target(%arg5 : memref<96x96xf32, #tpu.memory_space<vmem>>) target_semaphore(%arg14 : memref<!tpu.dma_semaphore, #tpu.memory_space<semaphore_mem>>)
        %dma_start3A_1231 = arith.constant 0 : i32
        %dma_start3A_1232 = arith.constant 0 : i32
        %dma_start3A_1233 = tpu.memref_slice %arg3[%add3A_1206, %select_n3A_1222, %dma_start3A_1231, %dma_start3A_1232] : memref<128x17x96x96xf32, #tpu.memory_space<hbm>> -> memref<1x1x96x96xf32, #tpu.memory_space<hbm>>
        %dma_start3A_1234 = tpu.memref_squeeze %dma_start3A_1233 : memref<1x1x96x96xf32, #tpu.memory_space<hbm>> -> memref<96x96xf32, #tpu.memory_space<hbm>>
        %dma_start3A_1235 = arith.constant 0 : i32
        %dma_start3A_1236 = arith.constant 0 : i32
        %dma_start3A_1237 = tpu.memref_slice %arg3[%add3A_1206, %select_n3A_1222, %dma_start3A_1235, %dma_start3A_1236] : memref<128x17x96x96xf32, #tpu.memory_space<hbm>> -> memref<1x1x96x96xf32, #tpu.memory_space<hbm>>
        %dma_start3A_1238 = tpu.memref_squeeze %dma_start3A_1237 : memref<1x1x96x96xf32, #tpu.memory_space<hbm>> -> memref<96x96xf32, #tpu.memory_space<hbm>>
        tpu.enqueue_dma source(%dma_start3A_1238 : memref<96x96xf32, #tpu.memory_space<hbm>>) target(%arg9 : memref<96x96xf32, #tpu.memory_space<vmem>>) target_semaphore(%arg18 : memref<!tpu.dma_semaphore, #tpu.memory_space<semaphore_mem>>)
      } else {
      }
      %mul3A_766 = arith.constant 4 : i32
      %mul3A_767 = arith.muli %scan3A_627, %mul3A_766 : i32
      %add3A_768 = arith.constant 1 : i32
      %add3A_769 = arith.addi %mul3A_767, %add3A_768 : i32
      %jit3A_770 = arith.constant 17 : i32
      %div3A_771 = arith.divsi %add3A_769, %jit3A_770 : i32
      %sign3A_772 = arith.constant 0 : i32
      %sign3A_773 = arith.cmpi sgt, %add3A_769, %sign3A_772 : i32
      %sign3A_774 = arith.extui %sign3A_773 : i1 to i32
      %sign3A_775 = arith.constant 0 : i32
      %sign3A_776 = arith.cmpi slt, %add3A_769, %sign3A_775 : i32
      %sign3A_777 = arith.extui %sign3A_776 : i1 to i32
      %sign3A_778 = arith.subi %sign3A_774, %sign3A_777 : i32
      %sign3A_779 = arith.constant 0 : i32
      %sign3A_780 = arith.cmpi sgt, %jit3A_770, %sign3A_779 : i32
      %sign3A_781 = arith.extui %sign3A_780 : i1 to i32
      %sign3A_782 = arith.constant 0 : i32
      %sign3A_783 = arith.cmpi slt, %jit3A_770, %sign3A_782 : i32
      %sign3A_784 = arith.extui %sign3A_783 : i1 to i32
      %sign3A_785 = arith.subi %sign3A_781, %sign3A_784 : i32
      %ne3A_786 = arith.cmpi ne, %sign3A_778, %sign3A_785 : i32
      %rem3A_787 = arith.remsi %add3A_769, %jit3A_770 : i32
      %ne3A_788 = arith.constant 0 : i32
      %ne3A_789 = arith.cmpi ne, %rem3A_787, %ne3A_788 : i32
      %and3A_790 = arith.andi %ne3A_786, %ne3A_789 : i1
      %sub3A_791 = arith.constant 1 : i32
      %sub3A_792 = arith.subi %div3A_771, %sub3A_791 : i32
      %select_n3A_793 = arith.select %and3A_790, %sub3A_792, %div3A_771 : i32
      %add3A_794 = arith.addi %add3A_4, %select_n3A_793 : i32
      %jit3A_795 = arith.constant 17 : i32
      %eq3A_796 = arith.constant 0 : i32
      %eq3A_797 = arith.cmpi eq, %jit3A_795, %eq3A_796 : i32
      %jit3A_798 = arith.constant 1 : i32
      %select_n3A_799 = arith.select %eq3A_797, %jit3A_798, %jit3A_795 : i32
      %rem3A_800 = arith.remsi %add3A_769, %select_n3A_799 : i32
      %ne3A_801 = arith.constant 0 : i32
      %ne3A_802 = arith.cmpi ne, %rem3A_800, %ne3A_801 : i32
      %lt3A_803 = arith.constant 0 : i32
      %lt3A_804 = arith.cmpi slt, %rem3A_800, %lt3A_803 : i32
      %lt3A_805 = arith.constant 0 : i32
      %lt3A_806 = arith.cmpi slt, %select_n3A_799, %lt3A_805 : i32
      %ne3A_807 = arith.xori %lt3A_804, %lt3A_806 : i1
      %and3A_808 = arith.andi %ne3A_807, %ne3A_802 : i1
      %add3A_809 = arith.addi %rem3A_800, %select_n3A_799 : i32
      %select_n3A_810 = arith.select %and3A_808, %add3A_809, %rem3A_800 : i32
      %dma_wait3A_811 = arith.constant 0 : i32
      %dma_wait3A_812 = arith.constant 0 : i32
      %dma_wait3A_813 = tpu.memref_slice %arg2[%add3A_794, %select_n3A_810, %dma_wait3A_811, %dma_wait3A_812] : memref<128x17x96x96xf32, #tpu.memory_space<hbm>> -> memref<1x1x96x96xf32, #tpu.memory_space<hbm>>
      %dma_wait3A_814 = tpu.memref_squeeze %dma_wait3A_813 : memref<1x1x96x96xf32, #tpu.memory_space<hbm>> -> memref<96x96xf32, #tpu.memory_space<hbm>>
      %dma_wait3A_815 = arith.constant 0 : i32
      %dma_wait3A_816 = arith.constant 0 : i32
      %dma_wait3A_817 = tpu.memref_slice %arg2[%add3A_794, %select_n3A_810, %dma_wait3A_815, %dma_wait3A_816] : memref<128x17x96x96xf32, #tpu.memory_space<hbm>> -> memref<1x1x96x96xf32, #tpu.memory_space<hbm>>
      %dma_wait3A_818 = tpu.memref_squeeze %dma_wait3A_817 : memref<1x1x96x96xf32, #tpu.memory_space<hbm>> -> memref<96x96xf32, #tpu.memory_space<hbm>>
      tpu.wait_dma2 semaphore(%arg15 : memref<!tpu.dma_semaphore, #tpu.memory_space<semaphore_mem>>) src(%dma_wait3A_818 : memref<96x96xf32, #tpu.memory_space<hbm>>) dst(%arg6 : memref<96x96xf32, #tpu.memory_space<vmem>>)
      %dma_wait3A_819 = arith.constant 0 : i32
      %dma_wait3A_820 = arith.constant 0 : i32
      %dma_wait3A_821 = tpu.memref_slice %arg3[%add3A_794, %select_n3A_810, %dma_wait3A_819, %dma_wait3A_820] : memref<128x17x96x96xf32, #tpu.memory_space<hbm>> -> memref<1x1x96x96xf32, #tpu.memory_space<hbm>>
      %dma_wait3A_822 = tpu.memref_squeeze %dma_wait3A_821 : memref<1x1x96x96xf32, #tpu.memory_space<hbm>> -> memref<96x96xf32, #tpu.memory_space<hbm>>
      %dma_wait3A_823 = arith.constant 0 : i32
      %dma_wait3A_824 = arith.constant 0 : i32
      %dma_wait3A_825 = tpu.memref_slice %arg3[%add3A_794, %select_n3A_810, %dma_wait3A_823, %dma_wait3A_824] : memref<128x17x96x96xf32, #tpu.memory_space<hbm>> -> memref<1x1x96x96xf32, #tpu.memory_space<hbm>>
      %dma_wait3A_826 = tpu.memref_squeeze %dma_wait3A_825 : memref<1x1x96x96xf32, #tpu.memory_space<hbm>> -> memref<96x96xf32, #tpu.memory_space<hbm>>
      tpu.wait_dma2 semaphore(%arg19 : memref<!tpu.dma_semaphore, #tpu.memory_space<semaphore_mem>>) src(%dma_wait3A_826 : memref<96x96xf32, #tpu.memory_space<hbm>>) dst(%arg10 : memref<96x96xf32, #tpu.memory_space<vmem>>)
      %jit3A_827 = arith.constant 17 : i32
      %eq3A_828 = arith.constant 0 : i32
      %eq3A_829 = arith.cmpi eq, %jit3A_827, %eq3A_828 : i32
      %jit3A_830 = arith.constant 1 : i32
      %select_n3A_831 = arith.select %eq3A_829, %jit3A_830, %jit3A_827 : i32
      %rem3A_832 = arith.remsi %add3A_769, %select_n3A_831 : i32
      %ne3A_833 = arith.constant 0 : i32
      %ne3A_834 = arith.cmpi ne, %rem3A_832, %ne3A_833 : i32
      %lt3A_835 = arith.constant 0 : i32
      %lt3A_836 = arith.cmpi slt, %rem3A_832, %lt3A_835 : i32
      %lt3A_837 = arith.constant 0 : i32
      %lt3A_838 = arith.cmpi slt, %select_n3A_831, %lt3A_837 : i32
      %ne3A_839 = arith.xori %lt3A_836, %lt3A_838 : i1
      %and3A_840 = arith.andi %ne3A_839, %ne3A_834 : i1
      %add3A_841 = arith.addi %rem3A_832, %select_n3A_831 : i32
      %select_n3A_842 = arith.select %and3A_840, %add3A_841, %rem3A_832 : i32
      %scan3A_843 = arith.constant 0 : i32
      %scan3A_844 = arith.constant 96 : i32
      %scan3A_845 = arith.addi %scan3A_843, %scan3A_844 : i32
      %scan3A_846 = arith.constant 1 : i32
      %scan3A_847:4 = scf.for %scan3A_1180 = %scan3A_843 to %scan3A_845 step %scan3A_846 iter_args(%scan3A_1181 = %broadcast_in_dim3A_5, %scan3A_1182 = %broadcast_in_dim3A_5, %scan3A_1183 = %broadcast_in_dim3A_7, %scan3A_1184 = %broadcast_in_dim3A_9) -> (vector<16xf32>, vector<16xf32>, vector<16xf32>, vector<16xf32>)  : i32 {
        %get3A_1185 = arith.index_cast %scan3A_1180 : i32 to index
        %get3A_1186 = arith.constant 0 : index
        %get3A_1187 = tpu.vector_load %arg6[%get3A_1185, %get3A_1186] {strides = array<i32>} : memref<96x96xf32, #tpu.memory_space<vmem>>, vector<1x16xf32>,
        %get3A_1188 = vector.shape_cast %get3A_1187 : vector<1x16xf32> to vector<16xf32>
        %get3A_1189 = arith.index_cast %scan3A_1180 : i32 to index
        %get3A_1190 = arith.constant 0 : index
        %get3A_1191 = tpu.vector_load %arg10[%get3A_1189, %get3A_1190] {strides = array<i32>} : memref<96x96xf32, #tpu.memory_space<vmem>>, vector<1x16xf32>,
        %get3A_1192 = vector.shape_cast %get3A_1191 : vector<1x16xf32> to vector<16xf32>
        %sub3A_1193 = arith.subf %get3A_1188, %get3A_1192 : vector<16xf32>
        %mul3A_1194 = arith.mulf %sub3A_1193, %sub3A_1193 : vector<16xf32>
        %gt3A = arith.constant 0.000000e+00 : f32
        %gt3A_1195 = vector.broadcast %gt3A : f32 to vector<16xf32>
        %gt3A_1196 = arith.cmpf ogt, %get3A_1192, %gt3A_1195 : vector<16xf32>
        %jit3A_1197 = arith.constant 0.000000e+00 : f32
        %broadcast_in_dim3A_1198 = vector.broadcast %jit3A_1197 : f32 to vector<16xf32>
        %select_n3A_1199 = arith.select %gt3A_1196, %mul3A_1194, %broadcast_in_dim3A_1198 : vector<16xi1>, vector<16xf32>
        %add3A_1200 = arith.addf %scan3A_1181, %select_n3A_1199 : vector<16xf32>
        %jit3A_1201 = arith.constant 1.000000e+00 : f32
        %jit3A_1202 = arith.constant 0.000000e+00 : f32
        %broadcast_in_dim3A_1203 = vector.broadcast %jit3A_1201 : f32 to vector<16xf32>
        %broadcast_in_dim3A_1204 = vector.broadcast %jit3A_1202 : f32 to vector<16xf32>
        %select_n3A_1205 = arith.select %gt3A_1196, %broadcast_in_dim3A_1203, %broadcast_in_dim3A_1204 : vector<16xi1>, vector<16xf32>
        %add3A_1206 = arith.addf %scan3A_1182, %select_n3A_1205 : vector<16xf32>
        %eq3A_1207 = arith.constant 0.000000e+00 : f32
        %eq3A_1208 = vector.broadcast %eq3A_1207 : f32 to vector<16xf32>
        %eq3A_1209 = arith.cmpf oeq, %get3A_1192, %eq3A_1208 : vector<16xf32>
        %jit3A_1210 = arith.constant 0xFF800000 : f32
        %broadcast_in_dim3A_1211 = vector.broadcast %jit3A_1210 : f32 to vector<16xf32>
        %select_n3A_1212 = arith.select %eq3A_1209, %get3A_1188, %broadcast_in_dim3A_1211 : vector<16xi1>, vector<16xf32>
        %max3A_1213 = arith.maximumf %scan3A_1183, %select_n3A_1212 : vector<16xf32>
        %abs3A = math.absf %get3A_1192 : vector<16xf32>
        %min3A_1214 = arith.minimumf %scan3A_1184, %abs3A : vector<16xf32>
        %get3A_1215 = arith.index_cast %scan3A_1180 : i32 to index
        %get3A_1216 = arith.constant 16 : index
        %get3A_1217 = tpu.vector_load %arg6[%get3A_1215, %get3A_1216] {strides = array<i32>} : memref<96x96xf32, #tpu.memory_space<vmem>>, vector<1x16xf32>,
        %get3A_1218 = vector.shape_cast %get3A_1217 : vector<1x16xf32> to vector<16xf32>
        %get3A_1219 = arith.index_cast %scan3A_1180 : i32 to index
        %get3A_1220 = arith.constant 16 : index
        %get3A_1221 = tpu.vector_load %arg10[%get3A_1219, %get3A_1220] {strides = array<i32>} : memref<96x96xf32, #tpu.memory_space<vmem>>, vector<1x16xf32>,
        %get3A_1222 = vector.shape_cast %get3A_1221 : vector<1x16xf32> to vector<16xf32>
        %sub3A_1223 = arith.subf %get3A_1218, %get3A_1222 : vector<16xf32>
        %mul3A_1224 = arith.mulf %sub3A_1223, %sub3A_1223 : vector<16xf32>
        %gt3A_1225 = arith.constant 0.000000e+00 : f32
        %gt3A_1226 = vector.broadcast %gt3A_1225 : f32 to vector<16xf32>
        %gt3A_1227 = arith.cmpf ogt, %get3A_1222, %gt3A_1226 : vector<16xf32>
        %jit3A_1228 = arith.constant 0.000000e+00 : f32
        %broadcast_in_dim3A_1229 = vector.broadcast %jit3A_1228 : f32 to vector<16xf32>
        %select_n3A_1230 = arith.select %gt3A_1227, %mul3A_1224, %broadcast_in_dim3A_1229 : vector<16xi1>, vector<16xf32>
        %add3A_1231 = arith.addf %add3A_1200, %select_n3A_1230 : vector<16xf32>
        %jit3A_1232 = arith.constant 1.000000e+00 : f32
        %jit3A_1233 = arith.constant 0.000000e+00 : f32
        %broadcast_in_dim3A_1234 = vector.broadcast %jit3A_1232 : f32 to vector<16xf32>
        %broadcast_in_dim3A_1235 = vector.broadcast %jit3A_1233 : f32 to vector<16xf32>
        %select_n3A_1236 = arith.select %gt3A_1227, %broadcast_in_dim3A_1234, %broadcast_in_dim3A_1235 : vector<16xi1>, vector<16xf32>
        %add3A_1237 = arith.addf %add3A_1206, %select_n3A_1236 : vector<16xf32>
        %eq3A_1238 = arith.constant 0.000000e+00 : f32
        %eq3A_1239 = vector.broadcast %eq3A_1238 : f32 to vector<16xf32>
        %eq3A_1240 = arith.cmpf oeq, %get3A_1222, %eq3A_1239 : vector<16xf32>
        %jit3A_1241 = arith.constant 0xFF800000 : f32
        %broadcast_in_dim3A_1242 = vector.broadcast %jit3A_1241 : f32 to vector<16xf32>
        %select_n3A_1243 = arith.select %eq3A_1240, %get3A_1218, %broadcast_in_dim3A_1242 : vector<16xi1>, vector<16xf32>
        %max3A_1244 = arith.maximumf %max3A_1213, %select_n3A_1243 : vector<16xf32>
        %abs3A_1245 = math.absf %get3A_1222 : vector<16xf32>
        %min3A_1246 = arith.minimumf %min3A_1214, %abs3A_1245 : vector<16xf32>
        %get3A_1247 = arith.index_cast %scan3A_1180 : i32 to index
        %get3A_1248 = arith.constant 32 : index
        %get3A_1249 = tpu.vector_load %arg6[%get3A_1247, %get3A_1248] {strides = array<i32>} : memref<96x96xf32, #tpu.memory_space<vmem>>, vector<1x16xf32>,
        %get3A_1250 = vector.shape_cast %get3A_1249 : vector<1x16xf32> to vector<16xf32>
        %get3A_1251 = arith.index_cast %scan3A_1180 : i32 to index
        %get3A_1252 = arith.constant 32 : index
        %get3A_1253 = tpu.vector_load %arg10[%get3A_1251, %get3A_1252] {strides = array<i32>} : memref<96x96xf32, #tpu.memory_space<vmem>>, vector<1x16xf32>,
        %get3A_1254 = vector.shape_cast %get3A_1253 : vector<1x16xf32> to vector<16xf32>
        %sub3A_1255 = arith.subf %get3A_1250, %get3A_1254 : vector<16xf32>
        %mul3A_1256 = arith.mulf %sub3A_1255, %sub3A_1255 : vector<16xf32>
        %gt3A_1257 = arith.constant 0.000000e+00 : f32
        %gt3A_1258 = vector.broadcast %gt3A_1257 : f32 to vector<16xf32>
        %gt3A_1259 = arith.cmpf ogt, %get3A_1254, %gt3A_1258 : vector<16xf32>
        %jit3A_1260 = arith.constant 0.000000e+00 : f32
        %broadcast_in_dim3A_1261 = vector.broadcast %jit3A_1260 : f32 to vector<16xf32>
        %select_n3A_1262 = arith.select %gt3A_1259, %mul3A_1256, %broadcast_in_dim3A_1261 : vector<16xi1>, vector<16xf32>
        %add3A_1263 = arith.addf %add3A_1231, %select_n3A_1262 : vector<16xf32>
        %jit3A_1264 = arith.constant 1.000000e+00 : f32
        %jit3A_1265 = arith.constant 0.000000e+00 : f32
        %broadcast_in_dim3A_1266 = vector.broadcast %jit3A_1264 : f32 to vector<16xf32>
        %broadcast_in_dim3A_1267 = vector.broadcast %jit3A_1265 : f32 to vector<16xf32>
        %select_n3A_1268 = arith.select %gt3A_1259, %broadcast_in_dim3A_1266, %broadcast_in_dim3A_1267 : vector<16xi1>, vector<16xf32>
        %add3A_1269 = arith.addf %add3A_1237, %select_n3A_1268 : vector<16xf32>
        %eq3A_1270 = arith.constant 0.000000e+00 : f32
        %eq3A_1271 = vector.broadcast %eq3A_1270 : f32 to vector<16xf32>
        %eq3A_1272 = arith.cmpf oeq, %get3A_1254, %eq3A_1271 : vector<16xf32>
        %jit3A_1273 = arith.constant 0xFF800000 : f32
        %broadcast_in_dim3A_1274 = vector.broadcast %jit3A_1273 : f32 to vector<16xf32>
        %select_n3A_1275 = arith.select %eq3A_1272, %get3A_1250, %broadcast_in_dim3A_1274 : vector<16xi1>, vector<16xf32>
        %max3A_1276 = arith.maximumf %max3A_1244, %select_n3A_1275 : vector<16xf32>
        %abs3A_1277 = math.absf %get3A_1254 : vector<16xf32>
        %min3A_1278 = arith.minimumf %min3A_1246, %abs3A_1277 : vector<16xf32>
        %get3A_1279 = arith.index_cast %scan3A_1180 : i32 to index
        %get3A_1280 = arith.constant 48 : index
        %get3A_1281 = tpu.vector_load %arg6[%get3A_1279, %get3A_1280] {strides = array<i32>} : memref<96x96xf32, #tpu.memory_space<vmem>>, vector<1x16xf32>,
        %get3A_1282 = vector.shape_cast %get3A_1281 : vector<1x16xf32> to vector<16xf32>
        %get3A_1283 = arith.index_cast %scan3A_1180 : i32 to index
        %get3A_1284 = arith.constant 48 : index
        %get3A_1285 = tpu.vector_load %arg10[%get3A_1283, %get3A_1284] {strides = array<i32>} : memref<96x96xf32, #tpu.memory_space<vmem>>, vector<1x16xf32>,
        %get3A_1286 = vector.shape_cast %get3A_1285 : vector<1x16xf32> to vector<16xf32>
        %sub3A_1287 = arith.subf %get3A_1282, %get3A_1286 : vector<16xf32>
        %mul3A_1288 = arith.mulf %sub3A_1287, %sub3A_1287 : vector<16xf32>
        %gt3A_1289 = arith.constant 0.000000e+00 : f32
        %gt3A_1290 = vector.broadcast %gt3A_1289 : f32 to vector<16xf32>
        %gt3A_1291 = arith.cmpf ogt, %get3A_1286, %gt3A_1290 : vector<16xf32>
        %jit3A_1292 = arith.constant 0.000000e+00 : f32
        %broadcast_in_dim3A_1293 = vector.broadcast %jit3A_1292 : f32 to vector<16xf32>
        %select_n3A_1294 = arith.select %gt3A_1291, %mul3A_1288, %broadcast_in_dim3A_1293 : vector<16xi1>, vector<16xf32>
        %add3A_1295 = arith.addf %add3A_1263, %select_n3A_1294 : vector<16xf32>
        %jit3A_1296 = arith.constant 1.000000e+00 : f32
        %jit3A_1297 = arith.constant 0.000000e+00 : f32
        %broadcast_in_dim3A_1298 = vector.broadcast %jit3A_1296 : f32 to vector<16xf32>
        %broadcast_in_dim3A_1299 = vector.broadcast %jit3A_1297 : f32 to vector<16xf32>
        %select_n3A_1300 = arith.select %gt3A_1291, %broadcast_in_dim3A_1298, %broadcast_in_dim3A_1299 : vector<16xi1>, vector<16xf32>
        %add3A_1301 = arith.addf %add3A_1269, %select_n3A_1300 : vector<16xf32>
        %eq3A_1302 = arith.constant 0.000000e+00 : f32
        %eq3A_1303 = vector.broadcast %eq3A_1302 : f32 to vector<16xf32>
        %eq3A_1304 = arith.cmpf oeq, %get3A_1286, %eq3A_1303 : vector<16xf32>
        %jit3A_1305 = arith.constant 0xFF800000 : f32
        %broadcast_in_dim3A_1306 = vector.broadcast %jit3A_1305 : f32 to vector<16xf32>
        %select_n3A_1307 = arith.select %eq3A_1304, %get3A_1282, %broadcast_in_dim3A_1306 : vector<16xi1>, vector<16xf32>
        %max3A_1308 = arith.maximumf %max3A_1276, %select_n3A_1307 : vector<16xf32>
        %abs3A_1309 = math.absf %get3A_1286 : vector<16xf32>
        %min3A_1310 = arith.minimumf %min3A_1278, %abs3A_1309 : vector<16xf32>
        %get3A_1311 = arith.index_cast %scan3A_1180 : i32 to index
        %get3A_1312 = arith.constant 64 : index
        %get3A_1313 = tpu.vector_load %arg6[%get3A_1311, %get3A_1312] {strides = array<i32>} : memref<96x96xf32, #tpu.memory_space<vmem>>, vector<1x16xf32>,
        %get3A_1314 = vector.shape_cast %get3A_1313 : vector<1x16xf32> to vector<16xf32>
        %get3A_1315 = arith.index_cast %scan3A_1180 : i32 to index
        %get3A_1316 = arith.constant 64 : index
        %get3A_1317 = tpu.vector_load %arg10[%get3A_1315, %get3A_1316] {strides = array<i32>} : memref<96x96xf32, #tpu.memory_space<vmem>>, vector<1x16xf32>,
        %get3A_1318 = vector.shape_cast %get3A_1317 : vector<1x16xf32> to vector<16xf32>
        %sub3A_1319 = arith.subf %get3A_1314, %get3A_1318 : vector<16xf32>
        %mul3A_1320 = arith.mulf %sub3A_1319, %sub3A_1319 : vector<16xf32>
        %gt3A_1321 = arith.constant 0.000000e+00 : f32
        %gt3A_1322 = vector.broadcast %gt3A_1321 : f32 to vector<16xf32>
        %gt3A_1323 = arith.cmpf ogt, %get3A_1318, %gt3A_1322 : vector<16xf32>
        %jit3A_1324 = arith.constant 0.000000e+00 : f32
        %broadcast_in_dim3A_1325 = vector.broadcast %jit3A_1324 : f32 to vector<16xf32>
        %select_n3A_1326 = arith.select %gt3A_1323, %mul3A_1320, %broadcast_in_dim3A_1325 : vector<16xi1>, vector<16xf32>
        %add3A_1327 = arith.addf %add3A_1295, %select_n3A_1326 : vector<16xf32>
        %jit3A_1328 = arith.constant 1.000000e+00 : f32
        %jit3A_1329 = arith.constant 0.000000e+00 : f32
        %broadcast_in_dim3A_1330 = vector.broadcast %jit3A_1328 : f32 to vector<16xf32>
        %broadcast_in_dim3A_1331 = vector.broadcast %jit3A_1329 : f32 to vector<16xf32>
        %select_n3A_1332 = arith.select %gt3A_1323, %broadcast_in_dim3A_1330, %broadcast_in_dim3A_1331 : vector<16xi1>, vector<16xf32>
        %add3A_1333 = arith.addf %add3A_1301, %select_n3A_1332 : vector<16xf32>
        %eq3A_1334 = arith.constant 0.000000e+00 : f32
        %eq3A_1335 = vector.broadcast %eq3A_1334 : f32 to vector<16xf32>
        %eq3A_1336 = arith.cmpf oeq, %get3A_1318, %eq3A_1335 : vector<16xf32>
        %jit3A_1337 = arith.constant 0xFF800000 : f32
        %broadcast_in_dim3A_1338 = vector.broadcast %jit3A_1337 : f32 to vector<16xf32>
        %select_n3A_1339 = arith.select %eq3A_1336, %get3A_1314, %broadcast_in_dim3A_1338 : vector<16xi1>, vector<16xf32>
        %max3A_1340 = arith.maximumf %max3A_1308, %select_n3A_1339 : vector<16xf32>
        %abs3A_1341 = math.absf %get3A_1318 : vector<16xf32>
        %min3A_1342 = arith.minimumf %min3A_1310, %abs3A_1341 : vector<16xf32>
        %get3A_1343 = arith.index_cast %scan3A_1180 : i32 to index
        %get3A_1344 = arith.constant 80 : index
        %get3A_1345 = tpu.vector_load %arg6[%get3A_1343, %get3A_1344] {strides = array<i32>} : memref<96x96xf32, #tpu.memory_space<vmem>>, vector<1x16xf32>,
        %get3A_1346 = vector.shape_cast %get3A_1345 : vector<1x16xf32> to vector<16xf32>
        %get3A_1347 = arith.index_cast %scan3A_1180 : i32 to index
        %get3A_1348 = arith.constant 80 : index
        %get3A_1349 = tpu.vector_load %arg10[%get3A_1347, %get3A_1348] {strides = array<i32>} : memref<96x96xf32, #tpu.memory_space<vmem>>, vector<1x16xf32>,
        %get3A_1350 = vector.shape_cast %get3A_1349 : vector<1x16xf32> to vector<16xf32>
        %sub3A_1351 = arith.subf %get3A_1346, %get3A_1350 : vector<16xf32>
        %mul3A_1352 = arith.mulf %sub3A_1351, %sub3A_1351 : vector<16xf32>
        %gt3A_1353 = arith.constant 0.000000e+00 : f32
        %gt3A_1354 = vector.broadcast %gt3A_1353 : f32 to vector<16xf32>
        %gt3A_1355 = arith.cmpf ogt, %get3A_1350, %gt3A_1354 : vector<16xf32>
        %jit3A_1356 = arith.constant 0.000000e+00 : f32
        %broadcast_in_dim3A_1357 = vector.broadcast %jit3A_1356 : f32 to vector<16xf32>
        %select_n3A_1358 = arith.select %gt3A_1355, %mul3A_1352, %broadcast_in_dim3A_1357 : vector<16xi1>, vector<16xf32>
        %add3A_1359 = arith.addf %add3A_1327, %select_n3A_1358 : vector<16xf32>
        %jit3A_1360 = arith.constant 1.000000e+00 : f32
        %jit3A_1361 = arith.constant 0.000000e+00 : f32
        %broadcast_in_dim3A_1362 = vector.broadcast %jit3A_1360 : f32 to vector<16xf32>
        %broadcast_in_dim3A_1363 = vector.broadcast %jit3A_1361 : f32 to vector<16xf32>
        %select_n3A_1364 = arith.select %gt3A_1355, %broadcast_in_dim3A_1362, %broadcast_in_dim3A_1363 : vector<16xi1>, vector<16xf32>
        %add3A_1365 = arith.addf %add3A_1333, %select_n3A_1364 : vector<16xf32>
        %eq3A_1366 = arith.constant 0.000000e+00 : f32
        %eq3A_1367 = vector.broadcast %eq3A_1366 : f32 to vector<16xf32>
        %eq3A_1368 = arith.cmpf oeq, %get3A_1350, %eq3A_1367 : vector<16xf32>
        %jit3A_1369 = arith.constant 0xFF800000 : f32
        %broadcast_in_dim3A_1370 = vector.broadcast %jit3A_1369 : f32 to vector<16xf32>
        %select_n3A_1371 = arith.select %eq3A_1368, %get3A_1346, %broadcast_in_dim3A_1370 : vector<16xi1>, vector<16xf32>
        %max3A_1372 = arith.maximumf %max3A_1340, %select_n3A_1371 : vector<16xf32>
        %abs3A_1373 = math.absf %get3A_1350 : vector<16xf32>
        %min3A_1374 = arith.minimumf %min3A_1342, %abs3A_1373 : vector<16xf32>
        scf.yield %add3A_1359, %add3A_1365, %max3A_1372, %min3A_1374 : vector<16xf32>, vector<16xf32>, vector<16xf32>, vector<16xf32>
      }
      %scan3A_848 = arith.constant 96 : i32
      %mul3A_849 = arith.constant 16 : i32
      %mul3A_850 = arith.muli %select_n3A_842, %mul3A_849 : i32
      %add3A_851 = arith.constant 0 : i32
      %add3A_852 = arith.addi %add3A_851, %mul3A_850 : i32
      %mul3A_853 = arith.constant 16 : i32
      %mul3A_854 = arith.muli %select_n3A_842, %mul3A_853 : i32
      %add3A_855 = arith.constant 272 : i32
      %add3A_856 = arith.addi %add3A_855, %mul3A_854 : i32
      %mul3A_857 = arith.constant 16 : i32
      %mul3A_858 = arith.muli %select_n3A_842, %mul3A_857 : i32
      %add3A_859 = arith.constant 544 : i32
      %add3A_860 = arith.addi %add3A_859, %mul3A_858 : i32
      %mul3A_861 = arith.constant 16 : i32
      %mul3A_862 = arith.muli %select_n3A_842, %mul3A_861 : i32
      %add3A_863 = arith.constant 816 : i32
      %add3A_864 = arith.addi %add3A_863, %mul3A_862 : i32
      %get3A_865 = arith.index_cast %add3A_852 : i32 to index
      %get3A_866 = tpu.vector_load %arg13[%get3A_865] {strides = array<i32>} : memref<1088xf32, #tpu.memory_space<vmem>>, vector<16xf32>,
      %get3A_867 = vector.shape_cast %get3A_866 : vector<16xf32> to vector<16xf32>
      %add3A_868 = arith.addf %get3A_867, %scan3A_847#0 : vector<16xf32>
      %swap3A_869 = arith.index_cast %add3A_852 : i32 to index
      %swap3A_870 = tpu.vector_load %arg13[%swap3A_869] {strides = array<i32>} : memref<1088xf32, #tpu.memory_space<vmem>>, vector<16xf32>,
      %swap3A_871 = vector.shape_cast %swap3A_870 : vector<16xf32> to vector<16xf32>
      %swap3A_872 = vector.shape_cast %add3A_868 : vector<16xf32> to vector<16xf32>
      tpu.vector_store %arg13[%swap3A_869], %swap3A_872 {strides = array<i32>} : memref<1088xf32, #tpu.memory_space<vmem>>, vector<16xf32>,
      %get3A_873 = arith.index_cast %add3A_856 : i32 to index
      %get3A_874 = tpu.vector_load %arg13[%get3A_873] {strides = array<i32>} : memref<1088xf32, #tpu.memory_space<vmem>>, vector<16xf32>,
      %get3A_875 = vector.shape_cast %get3A_874 : vector<16xf32> to vector<16xf32>
      %add3A_876 = arith.addf %get3A_875, %scan3A_847#1 : vector<16xf32>
      %swap3A_877 = arith.index_cast %add3A_856 : i32 to index
      %swap3A_878 = tpu.vector_load %arg13[%swap3A_877] {strides = array<i32>} : memref<1088xf32, #tpu.memory_space<vmem>>, vector<16xf32>,
      %swap3A_879 = vector.shape_cast %swap3A_878 : vector<16xf32> to vector<16xf32>
      %swap3A_880 = vector.shape_cast %add3A_876 : vector<16xf32> to vector<16xf32>
      tpu.vector_store %arg13[%swap3A_877], %swap3A_880 {strides = array<i32>} : memref<1088xf32, #tpu.memory_space<vmem>>, vector<16xf32>,
      %get3A_881 = arith.index_cast %add3A_860 : i32 to index
      %get3A_882 = tpu.vector_load %arg13[%get3A_881] {strides = array<i32>} : memref<1088xf32, #tpu.memory_space<vmem>>, vector<16xf32>,
      %get3A_883 = vector.shape_cast %get3A_882 : vector<16xf32> to vector<16xf32>
      %max3A_884 = arith.maximumf %get3A_883, %scan3A_847#2 : vector<16xf32>
      %swap3A_885 = arith.index_cast %add3A_860 : i32 to index
      %swap3A_886 = tpu.vector_load %arg13[%swap3A_885] {strides = array<i32>} : memref<1088xf32, #tpu.memory_space<vmem>>, vector<16xf32>,
      %swap3A_887 = vector.shape_cast %swap3A_886 : vector<16xf32> to vector<16xf32>
      %swap3A_888 = vector.shape_cast %max3A_884 : vector<16xf32> to vector<16xf32>
      tpu.vector_store %arg13[%swap3A_885], %swap3A_888 {strides = array<i32>} : memref<1088xf32, #tpu.memory_space<vmem>>, vector<16xf32>,
      %get3A_889 = arith.index_cast %add3A_864 : i32 to index
      %get3A_890 = tpu.vector_load %arg13[%get3A_889] {strides = array<i32>} : memref<1088xf32, #tpu.memory_space<vmem>>, vector<16xf32>,
      %get3A_891 = vector.shape_cast %get3A_890 : vector<16xf32> to vector<16xf32>
      %min3A_892 = arith.minimumf %get3A_891, %scan3A_847#3 : vector<16xf32>
      %swap3A_893 = arith.index_cast %add3A_864 : i32 to index
      %swap3A_894 = tpu.vector_load %arg13[%swap3A_893] {strides = array<i32>} : memref<1088xf32, #tpu.memory_space<vmem>>, vector<16xf32>,
      %swap3A_895 = vector.shape_cast %swap3A_894 : vector<16xf32> to vector<16xf32>
      %swap3A_896 = vector.shape_cast %min3A_892 : vector<16xf32> to vector<16xf32>
      tpu.vector_store %arg13[%swap3A_893], %swap3A_896 {strides = array<i32>} : memref<1088xf32, #tpu.memory_space<vmem>>, vector<16xf32>,
      %add3A_897 = arith.constant 4 : i32
      %add3A_898 = arith.addi %add3A_769, %add3A_897 : i32
      %lt3A_899 = arith.constant 34 : i32
      %lt3A_900 = arith.cmpi slt, %add3A_898, %lt3A_899 : i32
      %convert_element_type3A_901 = arith.extui %lt3A_900 : i1 to i32
      %cond3A_902 = arith.constant 0 : i32
      %cond3A_903 = arith.cmpi ne, %convert_element_type3A_901, %cond3A_902 : i32
      scf.if %cond3A_903 {
        %add3A_1180 = arith.constant 4 : i32
        %add3A_1181 = arith.addi %add3A_769, %add3A_1180 : i32
        %jit3A_1182 = arith.constant 17 : i32
        %div3A_1183 = arith.divsi %add3A_1181, %jit3A_1182 : i32
        %sign3A_1184 = arith.constant 0 : i32
        %sign3A_1185 = arith.cmpi sgt, %add3A_1181, %sign3A_1184 : i32
        %sign3A_1186 = arith.extui %sign3A_1185 : i1 to i32
        %sign3A_1187 = arith.constant 0 : i32
        %sign3A_1188 = arith.cmpi slt, %add3A_1181, %sign3A_1187 : i32
        %sign3A_1189 = arith.extui %sign3A_1188 : i1 to i32
        %sign3A_1190 = arith.subi %sign3A_1186, %sign3A_1189 : i32
        %sign3A_1191 = arith.constant 0 : i32
        %sign3A_1192 = arith.cmpi sgt, %jit3A_1182, %sign3A_1191 : i32
        %sign3A_1193 = arith.extui %sign3A_1192 : i1 to i32
        %sign3A_1194 = arith.constant 0 : i32
        %sign3A_1195 = arith.cmpi slt, %jit3A_1182, %sign3A_1194 : i32
        %sign3A_1196 = arith.extui %sign3A_1195 : i1 to i32
        %sign3A_1197 = arith.subi %sign3A_1193, %sign3A_1196 : i32
        %ne3A_1198 = arith.cmpi ne, %sign3A_1190, %sign3A_1197 : i32
        %rem3A_1199 = arith.remsi %add3A_1181, %jit3A_1182 : i32
        %ne3A_1200 = arith.constant 0 : i32
        %ne3A_1201 = arith.cmpi ne, %rem3A_1199, %ne3A_1200 : i32
        %and3A_1202 = arith.andi %ne3A_1198, %ne3A_1201 : i1
        %sub3A_1203 = arith.constant 1 : i32
        %sub3A_1204 = arith.subi %div3A_1183, %sub3A_1203 : i32
        %select_n3A_1205 = arith.select %and3A_1202, %sub3A_1204, %div3A_1183 : i32
        %add3A_1206 = arith.addi %add3A_4, %select_n3A_1205 : i32
        %jit3A_1207 = arith.constant 17 : i32
        %eq3A_1208 = arith.constant 0 : i32
        %eq3A_1209 = arith.cmpi eq, %jit3A_1207, %eq3A_1208 : i32
        %jit3A_1210 = arith.constant 1 : i32
        %select_n3A_1211 = arith.select %eq3A_1209, %jit3A_1210, %jit3A_1207 : i32
        %rem3A_1212 = arith.remsi %add3A_1181, %select_n3A_1211 : i32
        %ne3A_1213 = arith.constant 0 : i32
        %ne3A_1214 = arith.cmpi ne, %rem3A_1212, %ne3A_1213 : i32
        %lt3A_1215 = arith.constant 0 : i32
        %lt3A_1216 = arith.cmpi slt, %rem3A_1212, %lt3A_1215 : i32
        %lt3A_1217 = arith.constant 0 : i32
        %lt3A_1218 = arith.cmpi slt, %select_n3A_1211, %lt3A_1217 : i32
        %ne3A_1219 = arith.xori %lt3A_1216, %lt3A_1218 : i1
        %and3A_1220 = arith.andi %ne3A_1219, %ne3A_1214 : i1
        %add3A_1221 = arith.addi %rem3A_1212, %select_n3A_1211 : i32
        %select_n3A_1222 = arith.select %and3A_1220, %add3A_1221, %rem3A_1212 : i32
        %dma_start3A_1223 = arith.constant 0 : i32
        %dma_start3A_1224 = arith.constant 0 : i32
        %dma_start3A_1225 = tpu.memref_slice %arg2[%add3A_1206, %select_n3A_1222, %dma_start3A_1223, %dma_start3A_1224] : memref<128x17x96x96xf32, #tpu.memory_space<hbm>> -> memref<1x1x96x96xf32, #tpu.memory_space<hbm>>
        %dma_start3A_1226 = tpu.memref_squeeze %dma_start3A_1225 : memref<1x1x96x96xf32, #tpu.memory_space<hbm>> -> memref<96x96xf32, #tpu.memory_space<hbm>>
        %dma_start3A_1227 = arith.constant 0 : i32
        %dma_start3A_1228 = arith.constant 0 : i32
        %dma_start3A_1229 = tpu.memref_slice %arg2[%add3A_1206, %select_n3A_1222, %dma_start3A_1227, %dma_start3A_1228] : memref<128x17x96x96xf32, #tpu.memory_space<hbm>> -> memref<1x1x96x96xf32, #tpu.memory_space<hbm>>
        %dma_start3A_1230 = tpu.memref_squeeze %dma_start3A_1229 : memref<1x1x96x96xf32, #tpu.memory_space<hbm>> -> memref<96x96xf32, #tpu.memory_space<hbm>>
        tpu.enqueue_dma source(%dma_start3A_1230 : memref<96x96xf32, #tpu.memory_space<hbm>>) target(%arg6 : memref<96x96xf32, #tpu.memory_space<vmem>>) target_semaphore(%arg15 : memref<!tpu.dma_semaphore, #tpu.memory_space<semaphore_mem>>)
        %dma_start3A_1231 = arith.constant 0 : i32
        %dma_start3A_1232 = arith.constant 0 : i32
        %dma_start3A_1233 = tpu.memref_slice %arg3[%add3A_1206, %select_n3A_1222, %dma_start3A_1231, %dma_start3A_1232] : memref<128x17x96x96xf32, #tpu.memory_space<hbm>> -> memref<1x1x96x96xf32, #tpu.memory_space<hbm>>
        %dma_start3A_1234 = tpu.memref_squeeze %dma_start3A_1233 : memref<1x1x96x96xf32, #tpu.memory_space<hbm>> -> memref<96x96xf32, #tpu.memory_space<hbm>>
        %dma_start3A_1235 = arith.constant 0 : i32
        %dma_start3A_1236 = arith.constant 0 : i32
        %dma_start3A_1237 = tpu.memref_slice %arg3[%add3A_1206, %select_n3A_1222, %dma_start3A_1235, %dma_start3A_1236] : memref<128x17x96x96xf32, #tpu.memory_space<hbm>> -> memref<1x1x96x96xf32, #tpu.memory_space<hbm>>
        %dma_start3A_1238 = tpu.memref_squeeze %dma_start3A_1237 : memref<1x1x96x96xf32, #tpu.memory_space<hbm>> -> memref<96x96xf32, #tpu.memory_space<hbm>>
        tpu.enqueue_dma source(%dma_start3A_1238 : memref<96x96xf32, #tpu.memory_space<hbm>>) target(%arg10 : memref<96x96xf32, #tpu.memory_space<vmem>>) target_semaphore(%arg19 : memref<!tpu.dma_semaphore, #tpu.memory_space<semaphore_mem>>)
      } else {
      }
      %mul3A_904 = arith.constant 4 : i32
      %mul3A_905 = arith.muli %scan3A_627, %mul3A_904 : i32
      %add3A_906 = arith.constant 2 : i32
      %add3A_907 = arith.addi %mul3A_905, %add3A_906 : i32
      %jit3A_908 = arith.constant 17 : i32
      %div3A_909 = arith.divsi %add3A_907, %jit3A_908 : i32
      %sign3A_910 = arith.constant 0 : i32
      %sign3A_911 = arith.cmpi sgt, %add3A_907, %sign3A_910 : i32
      %sign3A_912 = arith.extui %sign3A_911 : i1 to i32
      %sign3A_913 = arith.constant 0 : i32
      %sign3A_914 = arith.cmpi slt, %add3A_907, %sign3A_913 : i32
      %sign3A_915 = arith.extui %sign3A_914 : i1 to i32
      %sign3A_916 = arith.subi %sign3A_912, %sign3A_915 : i32
      %sign3A_917 = arith.constant 0 : i32
      %sign3A_918 = arith.cmpi sgt, %jit3A_908, %sign3A_917 : i32
      %sign3A_919 = arith.extui %sign3A_918 : i1 to i32
      %sign3A_920 = arith.constant 0 : i32
      %sign3A_921 = arith.cmpi slt, %jit3A_908, %sign3A_920 : i32
      %sign3A_922 = arith.extui %sign3A_921 : i1 to i32
      %sign3A_923 = arith.subi %sign3A_919, %sign3A_922 : i32
      %ne3A_924 = arith.cmpi ne, %sign3A_916, %sign3A_923 : i32
      %rem3A_925 = arith.remsi %add3A_907, %jit3A_908 : i32
      %ne3A_926 = arith.constant 0 : i32
      %ne3A_927 = arith.cmpi ne, %rem3A_925, %ne3A_926 : i32
      %and3A_928 = arith.andi %ne3A_924, %ne3A_927 : i1
      %sub3A_929 = arith.constant 1 : i32
      %sub3A_930 = arith.subi %div3A_909, %sub3A_929 : i32
      %select_n3A_931 = arith.select %and3A_928, %sub3A_930, %div3A_909 : i32
      %add3A_932 = arith.addi %add3A_4, %select_n3A_931 : i32
      %jit3A_933 = arith.constant 17 : i32
      %eq3A_934 = arith.constant 0 : i32
      %eq3A_935 = arith.cmpi eq, %jit3A_933, %eq3A_934 : i32
      %jit3A_936 = arith.constant 1 : i32
      %select_n3A_937 = arith.select %eq3A_935, %jit3A_936, %jit3A_933 : i32
      %rem3A_938 = arith.remsi %add3A_907, %select_n3A_937 : i32
      %ne3A_939 = arith.constant 0 : i32
      %ne3A_940 = arith.cmpi ne, %rem3A_938, %ne3A_939 : i32
      %lt3A_941 = arith.constant 0 : i32
      %lt3A_942 = arith.cmpi slt, %rem3A_938, %lt3A_941 : i32
      %lt3A_943 = arith.constant 0 : i32
      %lt3A_944 = arith.cmpi slt, %select_n3A_937, %lt3A_943 : i32
      %ne3A_945 = arith.xori %lt3A_942, %lt3A_944 : i1
      %and3A_946 = arith.andi %ne3A_945, %ne3A_940 : i1
      %add3A_947 = arith.addi %rem3A_938, %select_n3A_937 : i32
      %select_n3A_948 = arith.select %and3A_946, %add3A_947, %rem3A_938 : i32
      %dma_wait3A_949 = arith.constant 0 : i32
      %dma_wait3A_950 = arith.constant 0 : i32
      %dma_wait3A_951 = tpu.memref_slice %arg2[%add3A_932, %select_n3A_948, %dma_wait3A_949, %dma_wait3A_950] : memref<128x17x96x96xf32, #tpu.memory_space<hbm>> -> memref<1x1x96x96xf32, #tpu.memory_space<hbm>>
      %dma_wait3A_952 = tpu.memref_squeeze %dma_wait3A_951 : memref<1x1x96x96xf32, #tpu.memory_space<hbm>> -> memref<96x96xf32, #tpu.memory_space<hbm>>
      %dma_wait3A_953 = arith.constant 0 : i32
      %dma_wait3A_954 = arith.constant 0 : i32
      %dma_wait3A_955 = tpu.memref_slice %arg2[%add3A_932, %select_n3A_948, %dma_wait3A_953, %dma_wait3A_954] : memref<128x17x96x96xf32, #tpu.memory_space<hbm>> -> memref<1x1x96x96xf32, #tpu.memory_space<hbm>>
      %dma_wait3A_956 = tpu.memref_squeeze %dma_wait3A_955 : memref<1x1x96x96xf32, #tpu.memory_space<hbm>> -> memref<96x96xf32, #tpu.memory_space<hbm>>
      tpu.wait_dma2 semaphore(%arg16 : memref<!tpu.dma_semaphore, #tpu.memory_space<semaphore_mem>>) src(%dma_wait3A_956 : memref<96x96xf32, #tpu.memory_space<hbm>>) dst(%arg7 : memref<96x96xf32, #tpu.memory_space<vmem>>)
      %dma_wait3A_957 = arith.constant 0 : i32
      %dma_wait3A_958 = arith.constant 0 : i32
      %dma_wait3A_959 = tpu.memref_slice %arg3[%add3A_932, %select_n3A_948, %dma_wait3A_957, %dma_wait3A_958] : memref<128x17x96x96xf32, #tpu.memory_space<hbm>> -> memref<1x1x96x96xf32, #tpu.memory_space<hbm>>
      %dma_wait3A_960 = tpu.memref_squeeze %dma_wait3A_959 : memref<1x1x96x96xf32, #tpu.memory_space<hbm>> -> memref<96x96xf32, #tpu.memory_space<hbm>>
      %dma_wait3A_961 = arith.constant 0 : i32
      %dma_wait3A_962 = arith.constant 0 : i32
      %dma_wait3A_963 = tpu.memref_slice %arg3[%add3A_932, %select_n3A_948, %dma_wait3A_961, %dma_wait3A_962] : memref<128x17x96x96xf32, #tpu.memory_space<hbm>> -> memref<1x1x96x96xf32, #tpu.memory_space<hbm>>
      %dma_wait3A_964 = tpu.memref_squeeze %dma_wait3A_963 : memref<1x1x96x96xf32, #tpu.memory_space<hbm>> -> memref<96x96xf32, #tpu.memory_space<hbm>>
      tpu.wait_dma2 semaphore(%arg20 : memref<!tpu.dma_semaphore, #tpu.memory_space<semaphore_mem>>) src(%dma_wait3A_964 : memref<96x96xf32, #tpu.memory_space<hbm>>) dst(%arg11 : memref<96x96xf32, #tpu.memory_space<vmem>>)
      %jit3A_965 = arith.constant 17 : i32
      %eq3A_966 = arith.constant 0 : i32
      %eq3A_967 = arith.cmpi eq, %jit3A_965, %eq3A_966 : i32
      %jit3A_968 = arith.constant 1 : i32
      %select_n3A_969 = arith.select %eq3A_967, %jit3A_968, %jit3A_965 : i32
      %rem3A_970 = arith.remsi %add3A_907, %select_n3A_969 : i32
      %ne3A_971 = arith.constant 0 : i32
      %ne3A_972 = arith.cmpi ne, %rem3A_970, %ne3A_971 : i32
      %lt3A_973 = arith.constant 0 : i32
      %lt3A_974 = arith.cmpi slt, %rem3A_970, %lt3A_973 : i32
      %lt3A_975 = arith.constant 0 : i32
      %lt3A_976 = arith.cmpi slt, %select_n3A_969, %lt3A_975 : i32
      %ne3A_977 = arith.xori %lt3A_974, %lt3A_976 : i1
      %and3A_978 = arith.andi %ne3A_977, %ne3A_972 : i1
      %add3A_979 = arith.addi %rem3A_970, %select_n3A_969 : i32
      %select_n3A_980 = arith.select %and3A_978, %add3A_979, %rem3A_970 : i32
      %scan3A_981 = arith.constant 0 : i32
      %scan3A_982 = arith.constant 96 : i32
      %scan3A_983 = arith.addi %scan3A_981, %scan3A_982 : i32
      %scan3A_984 = arith.constant 1 : i32
      %scan3A_985:4 = scf.for %scan3A_1180 = %scan3A_981 to %scan3A_983 step %scan3A_984 iter_args(%scan3A_1181 = %broadcast_in_dim3A_5, %scan3A_1182 = %broadcast_in_dim3A_5, %scan3A_1183 = %broadcast_in_dim3A_7, %scan3A_1184 = %broadcast_in_dim3A_9) -> (vector<16xf32>, vector<16xf32>, vector<16xf32>, vector<16xf32>)  : i32 {
        %get3A_1185 = arith.index_cast %scan3A_1180 : i32 to index
        %get3A_1186 = arith.constant 0 : index
        %get3A_1187 = tpu.vector_load %arg7[%get3A_1185, %get3A_1186] {strides = array<i32>} : memref<96x96xf32, #tpu.memory_space<vmem>>, vector<1x16xf32>,
        %get3A_1188 = vector.shape_cast %get3A_1187 : vector<1x16xf32> to vector<16xf32>
        %get3A_1189 = arith.index_cast %scan3A_1180 : i32 to index
        %get3A_1190 = arith.constant 0 : index
        %get3A_1191 = tpu.vector_load %arg11[%get3A_1189, %get3A_1190] {strides = array<i32>} : memref<96x96xf32, #tpu.memory_space<vmem>>, vector<1x16xf32>,
        %get3A_1192 = vector.shape_cast %get3A_1191 : vector<1x16xf32> to vector<16xf32>
        %sub3A_1193 = arith.subf %get3A_1188, %get3A_1192 : vector<16xf32>
        %mul3A_1194 = arith.mulf %sub3A_1193, %sub3A_1193 : vector<16xf32>
        %gt3A = arith.constant 0.000000e+00 : f32
        %gt3A_1195 = vector.broadcast %gt3A : f32 to vector<16xf32>
        %gt3A_1196 = arith.cmpf ogt, %get3A_1192, %gt3A_1195 : vector<16xf32>
        %jit3A_1197 = arith.constant 0.000000e+00 : f32
        %broadcast_in_dim3A_1198 = vector.broadcast %jit3A_1197 : f32 to vector<16xf32>
        %select_n3A_1199 = arith.select %gt3A_1196, %mul3A_1194, %broadcast_in_dim3A_1198 : vector<16xi1>, vector<16xf32>
        %add3A_1200 = arith.addf %scan3A_1181, %select_n3A_1199 : vector<16xf32>
        %jit3A_1201 = arith.constant 1.000000e+00 : f32
        %jit3A_1202 = arith.constant 0.000000e+00 : f32
        %broadcast_in_dim3A_1203 = vector.broadcast %jit3A_1201 : f32 to vector<16xf32>
        %broadcast_in_dim3A_1204 = vector.broadcast %jit3A_1202 : f32 to vector<16xf32>
        %select_n3A_1205 = arith.select %gt3A_1196, %broadcast_in_dim3A_1203, %broadcast_in_dim3A_1204 : vector<16xi1>, vector<16xf32>
        %add3A_1206 = arith.addf %scan3A_1182, %select_n3A_1205 : vector<16xf32>
        %eq3A_1207 = arith.constant 0.000000e+00 : f32
        %eq3A_1208 = vector.broadcast %eq3A_1207 : f32 to vector<16xf32>
        %eq3A_1209 = arith.cmpf oeq, %get3A_1192, %eq3A_1208 : vector<16xf32>
        %jit3A_1210 = arith.constant 0xFF800000 : f32
        %broadcast_in_dim3A_1211 = vector.broadcast %jit3A_1210 : f32 to vector<16xf32>
        %select_n3A_1212 = arith.select %eq3A_1209, %get3A_1188, %broadcast_in_dim3A_1211 : vector<16xi1>, vector<16xf32>
        %max3A_1213 = arith.maximumf %scan3A_1183, %select_n3A_1212 : vector<16xf32>
        %abs3A = math.absf %get3A_1192 : vector<16xf32>
        %min3A_1214 = arith.minimumf %scan3A_1184, %abs3A : vector<16xf32>
        %get3A_1215 = arith.index_cast %scan3A_1180 : i32 to index
        %get3A_1216 = arith.constant 16 : index
        %get3A_1217 = tpu.vector_load %arg7[%get3A_1215, %get3A_1216] {strides = array<i32>} : memref<96x96xf32, #tpu.memory_space<vmem>>, vector<1x16xf32>,
        %get3A_1218 = vector.shape_cast %get3A_1217 : vector<1x16xf32> to vector<16xf32>
        %get3A_1219 = arith.index_cast %scan3A_1180 : i32 to index
        %get3A_1220 = arith.constant 16 : index
        %get3A_1221 = tpu.vector_load %arg11[%get3A_1219, %get3A_1220] {strides = array<i32>} : memref<96x96xf32, #tpu.memory_space<vmem>>, vector<1x16xf32>,
        %get3A_1222 = vector.shape_cast %get3A_1221 : vector<1x16xf32> to vector<16xf32>
        %sub3A_1223 = arith.subf %get3A_1218, %get3A_1222 : vector<16xf32>
        %mul3A_1224 = arith.mulf %sub3A_1223, %sub3A_1223 : vector<16xf32>
        %gt3A_1225 = arith.constant 0.000000e+00 : f32
        %gt3A_1226 = vector.broadcast %gt3A_1225 : f32 to vector<16xf32>
        %gt3A_1227 = arith.cmpf ogt, %get3A_1222, %gt3A_1226 : vector<16xf32>
        %jit3A_1228 = arith.constant 0.000000e+00 : f32
        %broadcast_in_dim3A_1229 = vector.broadcast %jit3A_1228 : f32 to vector<16xf32>
        %select_n3A_1230 = arith.select %gt3A_1227, %mul3A_1224, %broadcast_in_dim3A_1229 : vector<16xi1>, vector<16xf32>
        %add3A_1231 = arith.addf %add3A_1200, %select_n3A_1230 : vector<16xf32>
        %jit3A_1232 = arith.constant 1.000000e+00 : f32
        %jit3A_1233 = arith.constant 0.000000e+00 : f32
        %broadcast_in_dim3A_1234 = vector.broadcast %jit3A_1232 : f32 to vector<16xf32>
        %broadcast_in_dim3A_1235 = vector.broadcast %jit3A_1233 : f32 to vector<16xf32>
        %select_n3A_1236 = arith.select %gt3A_1227, %broadcast_in_dim3A_1234, %broadcast_in_dim3A_1235 : vector<16xi1>, vector<16xf32>
        %add3A_1237 = arith.addf %add3A_1206, %select_n3A_1236 : vector<16xf32>
        %eq3A_1238 = arith.constant 0.000000e+00 : f32
        %eq3A_1239 = vector.broadcast %eq3A_1238 : f32 to vector<16xf32>
        %eq3A_1240 = arith.cmpf oeq, %get3A_1222, %eq3A_1239 : vector<16xf32>
        %jit3A_1241 = arith.constant 0xFF800000 : f32
        %broadcast_in_dim3A_1242 = vector.broadcast %jit3A_1241 : f32 to vector<16xf32>
        %select_n3A_1243 = arith.select %eq3A_1240, %get3A_1218, %broadcast_in_dim3A_1242 : vector<16xi1>, vector<16xf32>
        %max3A_1244 = arith.maximumf %max3A_1213, %select_n3A_1243 : vector<16xf32>
        %abs3A_1245 = math.absf %get3A_1222 : vector<16xf32>
        %min3A_1246 = arith.minimumf %min3A_1214, %abs3A_1245 : vector<16xf32>
        %get3A_1247 = arith.index_cast %scan3A_1180 : i32 to index
        %get3A_1248 = arith.constant 32 : index
        %get3A_1249 = tpu.vector_load %arg7[%get3A_1247, %get3A_1248] {strides = array<i32>} : memref<96x96xf32, #tpu.memory_space<vmem>>, vector<1x16xf32>,
        %get3A_1250 = vector.shape_cast %get3A_1249 : vector<1x16xf32> to vector<16xf32>
        %get3A_1251 = arith.index_cast %scan3A_1180 : i32 to index
        %get3A_1252 = arith.constant 32 : index
        %get3A_1253 = tpu.vector_load %arg11[%get3A_1251, %get3A_1252] {strides = array<i32>} : memref<96x96xf32, #tpu.memory_space<vmem>>, vector<1x16xf32>,
        %get3A_1254 = vector.shape_cast %get3A_1253 : vector<1x16xf32> to vector<16xf32>
        %sub3A_1255 = arith.subf %get3A_1250, %get3A_1254 : vector<16xf32>
        %mul3A_1256 = arith.mulf %sub3A_1255, %sub3A_1255 : vector<16xf32>
        %gt3A_1257 = arith.constant 0.000000e+00 : f32
        %gt3A_1258 = vector.broadcast %gt3A_1257 : f32 to vector<16xf32>
        %gt3A_1259 = arith.cmpf ogt, %get3A_1254, %gt3A_1258 : vector<16xf32>
        %jit3A_1260 = arith.constant 0.000000e+00 : f32
        %broadcast_in_dim3A_1261 = vector.broadcast %jit3A_1260 : f32 to vector<16xf32>
        %select_n3A_1262 = arith.select %gt3A_1259, %mul3A_1256, %broadcast_in_dim3A_1261 : vector<16xi1>, vector<16xf32>
        %add3A_1263 = arith.addf %add3A_1231, %select_n3A_1262 : vector<16xf32>
        %jit3A_1264 = arith.constant 1.000000e+00 : f32
        %jit3A_1265 = arith.constant 0.000000e+00 : f32
        %broadcast_in_dim3A_1266 = vector.broadcast %jit3A_1264 : f32 to vector<16xf32>
        %broadcast_in_dim3A_1267 = vector.broadcast %jit3A_1265 : f32 to vector<16xf32>
        %select_n3A_1268 = arith.select %gt3A_1259, %broadcast_in_dim3A_1266, %broadcast_in_dim3A_1267 : vector<16xi1>, vector<16xf32>
        %add3A_1269 = arith.addf %add3A_1237, %select_n3A_1268 : vector<16xf32>
        %eq3A_1270 = arith.constant 0.000000e+00 : f32
        %eq3A_1271 = vector.broadcast %eq3A_1270 : f32 to vector<16xf32>
        %eq3A_1272 = arith.cmpf oeq, %get3A_1254, %eq3A_1271 : vector<16xf32>
        %jit3A_1273 = arith.constant 0xFF800000 : f32
        %broadcast_in_dim3A_1274 = vector.broadcast %jit3A_1273 : f32 to vector<16xf32>
        %select_n3A_1275 = arith.select %eq3A_1272, %get3A_1250, %broadcast_in_dim3A_1274 : vector<16xi1>, vector<16xf32>
        %max3A_1276 = arith.maximumf %max3A_1244, %select_n3A_1275 : vector<16xf32>
        %abs3A_1277 = math.absf %get3A_1254 : vector<16xf32>
        %min3A_1278 = arith.minimumf %min3A_1246, %abs3A_1277 : vector<16xf32>
        %get3A_1279 = arith.index_cast %scan3A_1180 : i32 to index
        %get3A_1280 = arith.constant 48 : index
        %get3A_1281 = tpu.vector_load %arg7[%get3A_1279, %get3A_1280] {strides = array<i32>} : memref<96x96xf32, #tpu.memory_space<vmem>>, vector<1x16xf32>,
        %get3A_1282 = vector.shape_cast %get3A_1281 : vector<1x16xf32> to vector<16xf32>
        %get3A_1283 = arith.index_cast %scan3A_1180 : i32 to index
        %get3A_1284 = arith.constant 48 : index
        %get3A_1285 = tpu.vector_load %arg11[%get3A_1283, %get3A_1284] {strides = array<i32>} : memref<96x96xf32, #tpu.memory_space<vmem>>, vector<1x16xf32>,
        %get3A_1286 = vector.shape_cast %get3A_1285 : vector<1x16xf32> to vector<16xf32>
        %sub3A_1287 = arith.subf %get3A_1282, %get3A_1286 : vector<16xf32>
        %mul3A_1288 = arith.mulf %sub3A_1287, %sub3A_1287 : vector<16xf32>
        %gt3A_1289 = arith.constant 0.000000e+00 : f32
        %gt3A_1290 = vector.broadcast %gt3A_1289 : f32 to vector<16xf32>
        %gt3A_1291 = arith.cmpf ogt, %get3A_1286, %gt3A_1290 : vector<16xf32>
        %jit3A_1292 = arith.constant 0.000000e+00 : f32
        %broadcast_in_dim3A_1293 = vector.broadcast %jit3A_1292 : f32 to vector<16xf32>
        %select_n3A_1294 = arith.select %gt3A_1291, %mul3A_1288, %broadcast_in_dim3A_1293 : vector<16xi1>, vector<16xf32>
        %add3A_1295 = arith.addf %add3A_1263, %select_n3A_1294 : vector<16xf32>
        %jit3A_1296 = arith.constant 1.000000e+00 : f32
        %jit3A_1297 = arith.constant 0.000000e+00 : f32
        %broadcast_in_dim3A_1298 = vector.broadcast %jit3A_1296 : f32 to vector<16xf32>
        %broadcast_in_dim3A_1299 = vector.broadcast %jit3A_1297 : f32 to vector<16xf32>
        %select_n3A_1300 = arith.select %gt3A_1291, %broadcast_in_dim3A_1298, %broadcast_in_dim3A_1299 : vector<16xi1>, vector<16xf32>
        %add3A_1301 = arith.addf %add3A_1269, %select_n3A_1300 : vector<16xf32>
        %eq3A_1302 = arith.constant 0.000000e+00 : f32
        %eq3A_1303 = vector.broadcast %eq3A_1302 : f32 to vector<16xf32>
        %eq3A_1304 = arith.cmpf oeq, %get3A_1286, %eq3A_1303 : vector<16xf32>
        %jit3A_1305 = arith.constant 0xFF800000 : f32
        %broadcast_in_dim3A_1306 = vector.broadcast %jit3A_1305 : f32 to vector<16xf32>
        %select_n3A_1307 = arith.select %eq3A_1304, %get3A_1282, %broadcast_in_dim3A_1306 : vector<16xi1>, vector<16xf32>
        %max3A_1308 = arith.maximumf %max3A_1276, %select_n3A_1307 : vector<16xf32>
        %abs3A_1309 = math.absf %get3A_1286 : vector<16xf32>
        %min3A_1310 = arith.minimumf %min3A_1278, %abs3A_1309 : vector<16xf32>
        %get3A_1311 = arith.index_cast %scan3A_1180 : i32 to index
        %get3A_1312 = arith.constant 64 : index
        %get3A_1313 = tpu.vector_load %arg7[%get3A_1311, %get3A_1312] {strides = array<i32>} : memref<96x96xf32, #tpu.memory_space<vmem>>, vector<1x16xf32>,
        %get3A_1314 = vector.shape_cast %get3A_1313 : vector<1x16xf32> to vector<16xf32>
        %get3A_1315 = arith.index_cast %scan3A_1180 : i32 to index
        %get3A_1316 = arith.constant 64 : index
        %get3A_1317 = tpu.vector_load %arg11[%get3A_1315, %get3A_1316] {strides = array<i32>} : memref<96x96xf32, #tpu.memory_space<vmem>>, vector<1x16xf32>,
        %get3A_1318 = vector.shape_cast %get3A_1317 : vector<1x16xf32> to vector<16xf32>
        %sub3A_1319 = arith.subf %get3A_1314, %get3A_1318 : vector<16xf32>
        %mul3A_1320 = arith.mulf %sub3A_1319, %sub3A_1319 : vector<16xf32>
        %gt3A_1321 = arith.constant 0.000000e+00 : f32
        %gt3A_1322 = vector.broadcast %gt3A_1321 : f32 to vector<16xf32>
        %gt3A_1323 = arith.cmpf ogt, %get3A_1318, %gt3A_1322 : vector<16xf32>
        %jit3A_1324 = arith.constant 0.000000e+00 : f32
        %broadcast_in_dim3A_1325 = vector.broadcast %jit3A_1324 : f32 to vector<16xf32>
        %select_n3A_1326 = arith.select %gt3A_1323, %mul3A_1320, %broadcast_in_dim3A_1325 : vector<16xi1>, vector<16xf32>
        %add3A_1327 = arith.addf %add3A_1295, %select_n3A_1326 : vector<16xf32>
        %jit3A_1328 = arith.constant 1.000000e+00 : f32
        %jit3A_1329 = arith.constant 0.000000e+00 : f32
        %broadcast_in_dim3A_1330 = vector.broadcast %jit3A_1328 : f32 to vector<16xf32>
        %broadcast_in_dim3A_1331 = vector.broadcast %jit3A_1329 : f32 to vector<16xf32>
        %select_n3A_1332 = arith.select %gt3A_1323, %broadcast_in_dim3A_1330, %broadcast_in_dim3A_1331 : vector<16xi1>, vector<16xf32>
        %add3A_1333 = arith.addf %add3A_1301, %select_n3A_1332 : vector<16xf32>
        %eq3A_1334 = arith.constant 0.000000e+00 : f32
        %eq3A_1335 = vector.broadcast %eq3A_1334 : f32 to vector<16xf32>
        %eq3A_1336 = arith.cmpf oeq, %get3A_1318, %eq3A_1335 : vector<16xf32>
        %jit3A_1337 = arith.constant 0xFF800000 : f32
        %broadcast_in_dim3A_1338 = vector.broadcast %jit3A_1337 : f32 to vector<16xf32>
        %select_n3A_1339 = arith.select %eq3A_1336, %get3A_1314, %broadcast_in_dim3A_1338 : vector<16xi1>, vector<16xf32>
        %max3A_1340 = arith.maximumf %max3A_1308, %select_n3A_1339 : vector<16xf32>
        %abs3A_1341 = math.absf %get3A_1318 : vector<16xf32>
        %min3A_1342 = arith.minimumf %min3A_1310, %abs3A_1341 : vector<16xf32>
        %get3A_1343 = arith.index_cast %scan3A_1180 : i32 to index
        %get3A_1344 = arith.constant 80 : index
        %get3A_1345 = tpu.vector_load %arg7[%get3A_1343, %get3A_1344] {strides = array<i32>} : memref<96x96xf32, #tpu.memory_space<vmem>>, vector<1x16xf32>,
        %get3A_1346 = vector.shape_cast %get3A_1345 : vector<1x16xf32> to vector<16xf32>
        %get3A_1347 = arith.index_cast %scan3A_1180 : i32 to index
        %get3A_1348 = arith.constant 80 : index
        %get3A_1349 = tpu.vector_load %arg11[%get3A_1347, %get3A_1348] {strides = array<i32>} : memref<96x96xf32, #tpu.memory_space<vmem>>, vector<1x16xf32>,
        %get3A_1350 = vector.shape_cast %get3A_1349 : vector<1x16xf32> to vector<16xf32>
        %sub3A_1351 = arith.subf %get3A_1346, %get3A_1350 : vector<16xf32>
        %mul3A_1352 = arith.mulf %sub3A_1351, %sub3A_1351 : vector<16xf32>
        %gt3A_1353 = arith.constant 0.000000e+00 : f32
        %gt3A_1354 = vector.broadcast %gt3A_1353 : f32 to vector<16xf32>
        %gt3A_1355 = arith.cmpf ogt, %get3A_1350, %gt3A_1354 : vector<16xf32>
        %jit3A_1356 = arith.constant 0.000000e+00 : f32
        %broadcast_in_dim3A_1357 = vector.broadcast %jit3A_1356 : f32 to vector<16xf32>
        %select_n3A_1358 = arith.select %gt3A_1355, %mul3A_1352, %broadcast_in_dim3A_1357 : vector<16xi1>, vector<16xf32>
        %add3A_1359 = arith.addf %add3A_1327, %select_n3A_1358 : vector<16xf32>
        %jit3A_1360 = arith.constant 1.000000e+00 : f32
        %jit3A_1361 = arith.constant 0.000000e+00 : f32
        %broadcast_in_dim3A_1362 = vector.broadcast %jit3A_1360 : f32 to vector<16xf32>
        %broadcast_in_dim3A_1363 = vector.broadcast %jit3A_1361 : f32 to vector<16xf32>
        %select_n3A_1364 = arith.select %gt3A_1355, %broadcast_in_dim3A_1362, %broadcast_in_dim3A_1363 : vector<16xi1>, vector<16xf32>
        %add3A_1365 = arith.addf %add3A_1333, %select_n3A_1364 : vector<16xf32>
        %eq3A_1366 = arith.constant 0.000000e+00 : f32
        %eq3A_1367 = vector.broadcast %eq3A_1366 : f32 to vector<16xf32>
        %eq3A_1368 = arith.cmpf oeq, %get3A_1350, %eq3A_1367 : vector<16xf32>
        %jit3A_1369 = arith.constant 0xFF800000 : f32
        %broadcast_in_dim3A_1370 = vector.broadcast %jit3A_1369 : f32 to vector<16xf32>
        %select_n3A_1371 = arith.select %eq3A_1368, %get3A_1346, %broadcast_in_dim3A_1370 : vector<16xi1>, vector<16xf32>
        %max3A_1372 = arith.maximumf %max3A_1340, %select_n3A_1371 : vector<16xf32>
        %abs3A_1373 = math.absf %get3A_1350 : vector<16xf32>
        %min3A_1374 = arith.minimumf %min3A_1342, %abs3A_1373 : vector<16xf32>
        scf.yield %add3A_1359, %add3A_1365, %max3A_1372, %min3A_1374 : vector<16xf32>, vector<16xf32>, vector<16xf32>, vector<16xf32>
      }
      %scan3A_986 = arith.constant 96 : i32
      %mul3A_987 = arith.constant 16 : i32
      %mul3A_988 = arith.muli %select_n3A_980, %mul3A_987 : i32
      %add3A_989 = arith.constant 0 : i32
      %add3A_990 = arith.addi %add3A_989, %mul3A_988 : i32
      %mul3A_991 = arith.constant 16 : i32
      %mul3A_992 = arith.muli %select_n3A_980, %mul3A_991 : i32
      %add3A_993 = arith.constant 272 : i32
      %add3A_994 = arith.addi %add3A_993, %mul3A_992 : i32
      %mul3A_995 = arith.constant 16 : i32
      %mul3A_996 = arith.muli %select_n3A_980, %mul3A_995 : i32
      %add3A_997 = arith.constant 544 : i32
      %add3A_998 = arith.addi %add3A_997, %mul3A_996 : i32
      %mul3A_999 = arith.constant 16 : i32
      %mul3A_1000 = arith.muli %select_n3A_980, %mul3A_999 : i32
      %add3A_1001 = arith.constant 816 : i32
      %add3A_1002 = arith.addi %add3A_1001, %mul3A_1000 : i32
      %get3A_1003 = arith.index_cast %add3A_990 : i32 to index
      %get3A_1004 = tpu.vector_load %arg13[%get3A_1003] {strides = array<i32>} : memref<1088xf32, #tpu.memory_space<vmem>>, vector<16xf32>,
      %get3A_1005 = vector.shape_cast %get3A_1004 : vector<16xf32> to vector<16xf32>
      %add3A_1006 = arith.addf %get3A_1005, %scan3A_985#0 : vector<16xf32>
      %swap3A_1007 = arith.index_cast %add3A_990 : i32 to index
      %swap3A_1008 = tpu.vector_load %arg13[%swap3A_1007] {strides = array<i32>} : memref<1088xf32, #tpu.memory_space<vmem>>, vector<16xf32>,
      %swap3A_1009 = vector.shape_cast %swap3A_1008 : vector<16xf32> to vector<16xf32>
      %swap3A_1010 = vector.shape_cast %add3A_1006 : vector<16xf32> to vector<16xf32>
      tpu.vector_store %arg13[%swap3A_1007], %swap3A_1010 {strides = array<i32>} : memref<1088xf32, #tpu.memory_space<vmem>>, vector<16xf32>,
      %get3A_1011 = arith.index_cast %add3A_994 : i32 to index
      %get3A_1012 = tpu.vector_load %arg13[%get3A_1011] {strides = array<i32>} : memref<1088xf32, #tpu.memory_space<vmem>>, vector<16xf32>,
      %get3A_1013 = vector.shape_cast %get3A_1012 : vector<16xf32> to vector<16xf32>
      %add3A_1014 = arith.addf %get3A_1013, %scan3A_985#1 : vector<16xf32>
      %swap3A_1015 = arith.index_cast %add3A_994 : i32 to index
      %swap3A_1016 = tpu.vector_load %arg13[%swap3A_1015] {strides = array<i32>} : memref<1088xf32, #tpu.memory_space<vmem>>, vector<16xf32>,
      %swap3A_1017 = vector.shape_cast %swap3A_1016 : vector<16xf32> to vector<16xf32>
      %swap3A_1018 = vector.shape_cast %add3A_1014 : vector<16xf32> to vector<16xf32>
      tpu.vector_store %arg13[%swap3A_1015], %swap3A_1018 {strides = array<i32>} : memref<1088xf32, #tpu.memory_space<vmem>>, vector<16xf32>,
      %get3A_1019 = arith.index_cast %add3A_998 : i32 to index
      %get3A_1020 = tpu.vector_load %arg13[%get3A_1019] {strides = array<i32>} : memref<1088xf32, #tpu.memory_space<vmem>>, vector<16xf32>,
      %get3A_1021 = vector.shape_cast %get3A_1020 : vector<16xf32> to vector<16xf32>
      %max3A_1022 = arith.maximumf %get3A_1021, %scan3A_985#2 : vector<16xf32>
      %swap3A_1023 = arith.index_cast %add3A_998 : i32 to index
      %swap3A_1024 = tpu.vector_load %arg13[%swap3A_1023] {strides = array<i32>} : memref<1088xf32, #tpu.memory_space<vmem>>, vector<16xf32>,
      %swap3A_1025 = vector.shape_cast %swap3A_1024 : vector<16xf32> to vector<16xf32>
      %swap3A_1026 = vector.shape_cast %max3A_1022 : vector<16xf32> to vector<16xf32>
      tpu.vector_store %arg13[%swap3A_1023], %swap3A_1026 {strides = array<i32>} : memref<1088xf32, #tpu.memory_space<vmem>>, vector<16xf32>,
      %get3A_1027 = arith.index_cast %add3A_1002 : i32 to index
      %get3A_1028 = tpu.vector_load %arg13[%get3A_1027] {strides = array<i32>} : memref<1088xf32, #tpu.memory_space<vmem>>, vector<16xf32>,
      %get3A_1029 = vector.shape_cast %get3A_1028 : vector<16xf32> to vector<16xf32>
      %min3A_1030 = arith.minimumf %get3A_1029, %scan3A_985#3 : vector<16xf32>
      %swap3A_1031 = arith.index_cast %add3A_1002 : i32 to index
      %swap3A_1032 = tpu.vector_load %arg13[%swap3A_1031] {strides = array<i32>} : memref<1088xf32, #tpu.memory_space<vmem>>, vector<16xf32>,
      %swap3A_1033 = vector.shape_cast %swap3A_1032 : vector<16xf32> to vector<16xf32>
      %swap3A_1034 = vector.shape_cast %min3A_1030 : vector<16xf32> to vector<16xf32>
      tpu.vector_store %arg13[%swap3A_1031], %swap3A_1034 {strides = array<i32>} : memref<1088xf32, #tpu.memory_space<vmem>>, vector<16xf32>,
      %add3A_1035 = arith.constant 4 : i32
      %add3A_1036 = arith.addi %add3A_907, %add3A_1035 : i32
      %lt3A_1037 = arith.constant 34 : i32
      %lt3A_1038 = arith.cmpi slt, %add3A_1036, %lt3A_1037 : i32
      %convert_element_type3A_1039 = arith.extui %lt3A_1038 : i1 to i32
      %cond3A_1040 = arith.constant 0 : i32
      %cond3A_1041 = arith.cmpi ne, %convert_element_type3A_1039, %cond3A_1040 : i32
      scf.if %cond3A_1041 {
        %add3A_1180 = arith.constant 4 : i32
        %add3A_1181 = arith.addi %add3A_907, %add3A_1180 : i32
        %jit3A_1182 = arith.constant 17 : i32
        %div3A_1183 = arith.divsi %add3A_1181, %jit3A_1182 : i32
        %sign3A_1184 = arith.constant 0 : i32
        %sign3A_1185 = arith.cmpi sgt, %add3A_1181, %sign3A_1184 : i32
        %sign3A_1186 = arith.extui %sign3A_1185 : i1 to i32
        %sign3A_1187 = arith.constant 0 : i32
        %sign3A_1188 = arith.cmpi slt, %add3A_1181, %sign3A_1187 : i32
        %sign3A_1189 = arith.extui %sign3A_1188 : i1 to i32
        %sign3A_1190 = arith.subi %sign3A_1186, %sign3A_1189 : i32
        %sign3A_1191 = arith.constant 0 : i32
        %sign3A_1192 = arith.cmpi sgt, %jit3A_1182, %sign3A_1191 : i32
        %sign3A_1193 = arith.extui %sign3A_1192 : i1 to i32
        %sign3A_1194 = arith.constant 0 : i32
        %sign3A_1195 = arith.cmpi slt, %jit3A_1182, %sign3A_1194 : i32
        %sign3A_1196 = arith.extui %sign3A_1195 : i1 to i32
        %sign3A_1197 = arith.subi %sign3A_1193, %sign3A_1196 : i32
        %ne3A_1198 = arith.cmpi ne, %sign3A_1190, %sign3A_1197 : i32
        %rem3A_1199 = arith.remsi %add3A_1181, %jit3A_1182 : i32
        %ne3A_1200 = arith.constant 0 : i32
        %ne3A_1201 = arith.cmpi ne, %rem3A_1199, %ne3A_1200 : i32
        %and3A_1202 = arith.andi %ne3A_1198, %ne3A_1201 : i1
        %sub3A_1203 = arith.constant 1 : i32
        %sub3A_1204 = arith.subi %div3A_1183, %sub3A_1203 : i32
        %select_n3A_1205 = arith.select %and3A_1202, %sub3A_1204, %div3A_1183 : i32
        %add3A_1206 = arith.addi %add3A_4, %select_n3A_1205 : i32
        %jit3A_1207 = arith.constant 17 : i32
        %eq3A_1208 = arith.constant 0 : i32
        %eq3A_1209 = arith.cmpi eq, %jit3A_1207, %eq3A_1208 : i32
        %jit3A_1210 = arith.constant 1 : i32
        %select_n3A_1211 = arith.select %eq3A_1209, %jit3A_1210, %jit3A_1207 : i32
        %rem3A_1212 = arith.remsi %add3A_1181, %select_n3A_1211 : i32
        %ne3A_1213 = arith.constant 0 : i32
        %ne3A_1214 = arith.cmpi ne, %rem3A_1212, %ne3A_1213 : i32
        %lt3A_1215 = arith.constant 0 : i32
        %lt3A_1216 = arith.cmpi slt, %rem3A_1212, %lt3A_1215 : i32
        %lt3A_1217 = arith.constant 0 : i32
        %lt3A_1218 = arith.cmpi slt, %select_n3A_1211, %lt3A_1217 : i32
        %ne3A_1219 = arith.xori %lt3A_1216, %lt3A_1218 : i1
        %and3A_1220 = arith.andi %ne3A_1219, %ne3A_1214 : i1
        %add3A_1221 = arith.addi %rem3A_1212, %select_n3A_1211 : i32
        %select_n3A_1222 = arith.select %and3A_1220, %add3A_1221, %rem3A_1212 : i32
        %dma_start3A_1223 = arith.constant 0 : i32
        %dma_start3A_1224 = arith.constant 0 : i32
        %dma_start3A_1225 = tpu.memref_slice %arg2[%add3A_1206, %select_n3A_1222, %dma_start3A_1223, %dma_start3A_1224] : memref<128x17x96x96xf32, #tpu.memory_space<hbm>> -> memref<1x1x96x96xf32, #tpu.memory_space<hbm>>
        %dma_start3A_1226 = tpu.memref_squeeze %dma_start3A_1225 : memref<1x1x96x96xf32, #tpu.memory_space<hbm>> -> memref<96x96xf32, #tpu.memory_space<hbm>>
        %dma_start3A_1227 = arith.constant 0 : i32
        %dma_start3A_1228 = arith.constant 0 : i32
        %dma_start3A_1229 = tpu.memref_slice %arg2[%add3A_1206, %select_n3A_1222, %dma_start3A_1227, %dma_start3A_1228] : memref<128x17x96x96xf32, #tpu.memory_space<hbm>> -> memref<1x1x96x96xf32, #tpu.memory_space<hbm>>
        %dma_start3A_1230 = tpu.memref_squeeze %dma_start3A_1229 : memref<1x1x96x96xf32, #tpu.memory_space<hbm>> -> memref<96x96xf32, #tpu.memory_space<hbm>>
        tpu.enqueue_dma source(%dma_start3A_1230 : memref<96x96xf32, #tpu.memory_space<hbm>>) target(%arg7 : memref<96x96xf32, #tpu.memory_space<vmem>>) target_semaphore(%arg16 : memref<!tpu.dma_semaphore, #tpu.memory_space<semaphore_mem>>)
        %dma_start3A_1231 = arith.constant 0 : i32
        %dma_start3A_1232 = arith.constant 0 : i32
        %dma_start3A_1233 = tpu.memref_slice %arg3[%add3A_1206, %select_n3A_1222, %dma_start3A_1231, %dma_start3A_1232] : memref<128x17x96x96xf32, #tpu.memory_space<hbm>> -> memref<1x1x96x96xf32, #tpu.memory_space<hbm>>
        %dma_start3A_1234 = tpu.memref_squeeze %dma_start3A_1233 : memref<1x1x96x96xf32, #tpu.memory_space<hbm>> -> memref<96x96xf32, #tpu.memory_space<hbm>>
        %dma_start3A_1235 = arith.constant 0 : i32
        %dma_start3A_1236 = arith.constant 0 : i32
        %dma_start3A_1237 = tpu.memref_slice %arg3[%add3A_1206, %select_n3A_1222, %dma_start3A_1235, %dma_start3A_1236] : memref<128x17x96x96xf32, #tpu.memory_space<hbm>> -> memref<1x1x96x96xf32, #tpu.memory_space<hbm>>
        %dma_start3A_1238 = tpu.memref_squeeze %dma_start3A_1237 : memref<1x1x96x96xf32, #tpu.memory_space<hbm>> -> memref<96x96xf32, #tpu.memory_space<hbm>>
        tpu.enqueue_dma source(%dma_start3A_1238 : memref<96x96xf32, #tpu.memory_space<hbm>>) target(%arg11 : memref<96x96xf32, #tpu.memory_space<vmem>>) target_semaphore(%arg20 : memref<!tpu.dma_semaphore, #tpu.memory_space<semaphore_mem>>)
      } else {
      }
      %mul3A_1042 = arith.constant 4 : i32
      %mul3A_1043 = arith.muli %scan3A_627, %mul3A_1042 : i32
      %add3A_1044 = arith.constant 3 : i32
      %add3A_1045 = arith.addi %mul3A_1043, %add3A_1044 : i32
      %jit3A_1046 = arith.constant 17 : i32
      %div3A_1047 = arith.divsi %add3A_1045, %jit3A_1046 : i32
      %sign3A_1048 = arith.constant 0 : i32
      %sign3A_1049 = arith.cmpi sgt, %add3A_1045, %sign3A_1048 : i32
      %sign3A_1050 = arith.extui %sign3A_1049 : i1 to i32
      %sign3A_1051 = arith.constant 0 : i32
      %sign3A_1052 = arith.cmpi slt, %add3A_1045, %sign3A_1051 : i32
      %sign3A_1053 = arith.extui %sign3A_1052 : i1 to i32
      %sign3A_1054 = arith.subi %sign3A_1050, %sign3A_1053 : i32
      %sign3A_1055 = arith.constant 0 : i32
      %sign3A_1056 = arith.cmpi sgt, %jit3A_1046, %sign3A_1055 : i32
      %sign3A_1057 = arith.extui %sign3A_1056 : i1 to i32
      %sign3A_1058 = arith.constant 0 : i32
      %sign3A_1059 = arith.cmpi slt, %jit3A_1046, %sign3A_1058 : i32
      %sign3A_1060 = arith.extui %sign3A_1059 : i1 to i32
      %sign3A_1061 = arith.subi %sign3A_1057, %sign3A_1060 : i32
      %ne3A_1062 = arith.cmpi ne, %sign3A_1054, %sign3A_1061 : i32
      %rem3A_1063 = arith.remsi %add3A_1045, %jit3A_1046 : i32
      %ne3A_1064 = arith.constant 0 : i32
      %ne3A_1065 = arith.cmpi ne, %rem3A_1063, %ne3A_1064 : i32
      %and3A_1066 = arith.andi %ne3A_1062, %ne3A_1065 : i1
      %sub3A_1067 = arith.constant 1 : i32
      %sub3A_1068 = arith.subi %div3A_1047, %sub3A_1067 : i32
      %select_n3A_1069 = arith.select %and3A_1066, %sub3A_1068, %div3A_1047 : i32
      %add3A_1070 = arith.addi %add3A_4, %select_n3A_1069 : i32
      %jit3A_1071 = arith.constant 17 : i32
      %eq3A_1072 = arith.constant 0 : i32
      %eq3A_1073 = arith.cmpi eq, %jit3A_1071, %eq3A_1072 : i32
      %jit3A_1074 = arith.constant 1 : i32
      %select_n3A_1075 = arith.select %eq3A_1073, %jit3A_1074, %jit3A_1071 : i32
      %rem3A_1076 = arith.remsi %add3A_1045, %select_n3A_1075 : i32
      %ne3A_1077 = arith.constant 0 : i32
      %ne3A_1078 = arith.cmpi ne, %rem3A_1076, %ne3A_1077 : i32
      %lt3A_1079 = arith.constant 0 : i32
      %lt3A_1080 = arith.cmpi slt, %rem3A_1076, %lt3A_1079 : i32
      %lt3A_1081 = arith.constant 0 : i32
      %lt3A_1082 = arith.cmpi slt, %select_n3A_1075, %lt3A_1081 : i32
      %ne3A_1083 = arith.xori %lt3A_1080, %lt3A_1082 : i1
      %and3A_1084 = arith.andi %ne3A_1083, %ne3A_1078 : i1
      %add3A_1085 = arith.addi %rem3A_1076, %select_n3A_1075 : i32
      %select_n3A_1086 = arith.select %and3A_1084, %add3A_1085, %rem3A_1076 : i32
      %dma_wait3A_1087 = arith.constant 0 : i32
      %dma_wait3A_1088 = arith.constant 0 : i32
      %dma_wait3A_1089 = tpu.memref_slice %arg2[%add3A_1070, %select_n3A_1086, %dma_wait3A_1087, %dma_wait3A_1088] : memref<128x17x96x96xf32, #tpu.memory_space<hbm>> -> memref<1x1x96x96xf32, #tpu.memory_space<hbm>>
      %dma_wait3A_1090 = tpu.memref_squeeze %dma_wait3A_1089 : memref<1x1x96x96xf32, #tpu.memory_space<hbm>> -> memref<96x96xf32, #tpu.memory_space<hbm>>
      %dma_wait3A_1091 = arith.constant 0 : i32
      %dma_wait3A_1092 = arith.constant 0 : i32
      %dma_wait3A_1093 = tpu.memref_slice %arg2[%add3A_1070, %select_n3A_1086, %dma_wait3A_1091, %dma_wait3A_1092] : memref<128x17x96x96xf32, #tpu.memory_space<hbm>> -> memref<1x1x96x96xf32, #tpu.memory_space<hbm>>
      %dma_wait3A_1094 = tpu.memref_squeeze %dma_wait3A_1093 : memref<1x1x96x96xf32, #tpu.memory_space<hbm>> -> memref<96x96xf32, #tpu.memory_space<hbm>>
      tpu.wait_dma2 semaphore(%arg17 : memref<!tpu.dma_semaphore, #tpu.memory_space<semaphore_mem>>) src(%dma_wait3A_1094 : memref<96x96xf32, #tpu.memory_space<hbm>>) dst(%arg8 : memref<96x96xf32, #tpu.memory_space<vmem>>)
      %dma_wait3A_1095 = arith.constant 0 : i32
      %dma_wait3A_1096 = arith.constant 0 : i32
      %dma_wait3A_1097 = tpu.memref_slice %arg3[%add3A_1070, %select_n3A_1086, %dma_wait3A_1095, %dma_wait3A_1096] : memref<128x17x96x96xf32, #tpu.memory_space<hbm>> -> memref<1x1x96x96xf32, #tpu.memory_space<hbm>>
      %dma_wait3A_1098 = tpu.memref_squeeze %dma_wait3A_1097 : memref<1x1x96x96xf32, #tpu.memory_space<hbm>> -> memref<96x96xf32, #tpu.memory_space<hbm>>
      %dma_wait3A_1099 = arith.constant 0 : i32
      %dma_wait3A_1100 = arith.constant 0 : i32
      %dma_wait3A_1101 = tpu.memref_slice %arg3[%add3A_1070, %select_n3A_1086, %dma_wait3A_1099, %dma_wait3A_1100] : memref<128x17x96x96xf32, #tpu.memory_space<hbm>> -> memref<1x1x96x96xf32, #tpu.memory_space<hbm>>
      %dma_wait3A_1102 = tpu.memref_squeeze %dma_wait3A_1101 : memref<1x1x96x96xf32, #tpu.memory_space<hbm>> -> memref<96x96xf32, #tpu.memory_space<hbm>>
      tpu.wait_dma2 semaphore(%arg21 : memref<!tpu.dma_semaphore, #tpu.memory_space<semaphore_mem>>) src(%dma_wait3A_1102 : memref<96x96xf32, #tpu.memory_space<hbm>>) dst(%arg12 : memref<96x96xf32, #tpu.memory_space<vmem>>)
      %jit3A_1103 = arith.constant 17 : i32
      %eq3A_1104 = arith.constant 0 : i32
      %eq3A_1105 = arith.cmpi eq, %jit3A_1103, %eq3A_1104 : i32
      %jit3A_1106 = arith.constant 1 : i32
      %select_n3A_1107 = arith.select %eq3A_1105, %jit3A_1106, %jit3A_1103 : i32
      %rem3A_1108 = arith.remsi %add3A_1045, %select_n3A_1107 : i32
      %ne3A_1109 = arith.constant 0 : i32
      %ne3A_1110 = arith.cmpi ne, %rem3A_1108, %ne3A_1109 : i32
      %lt3A_1111 = arith.constant 0 : i32
      %lt3A_1112 = arith.cmpi slt, %rem3A_1108, %lt3A_1111 : i32
      %lt3A_1113 = arith.constant 0 : i32
      %lt3A_1114 = arith.cmpi slt, %select_n3A_1107, %lt3A_1113 : i32
      %ne3A_1115 = arith.xori %lt3A_1112, %lt3A_1114 : i1
      %and3A_1116 = arith.andi %ne3A_1115, %ne3A_1110 : i1
      %add3A_1117 = arith.addi %rem3A_1108, %select_n3A_1107 : i32
      %select_n3A_1118 = arith.select %and3A_1116, %add3A_1117, %rem3A_1108 : i32
      %scan3A_1119 = arith.constant 0 : i32
      %scan3A_1120 = arith.constant 96 : i32
      %scan3A_1121 = arith.addi %scan3A_1119, %scan3A_1120 : i32
      %scan3A_1122 = arith.constant 1 : i32
      %scan3A_1123:4 = scf.for %scan3A_1180 = %scan3A_1119 to %scan3A_1121 step %scan3A_1122 iter_args(%scan3A_1181 = %broadcast_in_dim3A_5, %scan3A_1182 = %broadcast_in_dim3A_5, %scan3A_1183 = %broadcast_in_dim3A_7, %scan3A_1184 = %broadcast_in_dim3A_9) -> (vector<16xf32>, vector<16xf32>, vector<16xf32>, vector<16xf32>)  : i32 {
        %get3A_1185 = arith.index_cast %scan3A_1180 : i32 to index
        %get3A_1186 = arith.constant 0 : index
        %get3A_1187 = tpu.vector_load %arg8[%get3A_1185, %get3A_1186] {strides = array<i32>} : memref<96x96xf32, #tpu.memory_space<vmem>>, vector<1x16xf32>,
        %get3A_1188 = vector.shape_cast %get3A_1187 : vector<1x16xf32> to vector<16xf32>
        %get3A_1189 = arith.index_cast %scan3A_1180 : i32 to index
        %get3A_1190 = arith.constant 0 : index
        %get3A_1191 = tpu.vector_load %arg12[%get3A_1189, %get3A_1190] {strides = array<i32>} : memref<96x96xf32, #tpu.memory_space<vmem>>, vector<1x16xf32>,
        %get3A_1192 = vector.shape_cast %get3A_1191 : vector<1x16xf32> to vector<16xf32>
        %sub3A_1193 = arith.subf %get3A_1188, %get3A_1192 : vector<16xf32>
        %mul3A_1194 = arith.mulf %sub3A_1193, %sub3A_1193 : vector<16xf32>
        %gt3A = arith.constant 0.000000e+00 : f32
        %gt3A_1195 = vector.broadcast %gt3A : f32 to vector<16xf32>
        %gt3A_1196 = arith.cmpf ogt, %get3A_1192, %gt3A_1195 : vector<16xf32>
        %jit3A_1197 = arith.constant 0.000000e+00 : f32
        %broadcast_in_dim3A_1198 = vector.broadcast %jit3A_1197 : f32 to vector<16xf32>
        %select_n3A_1199 = arith.select %gt3A_1196, %mul3A_1194, %broadcast_in_dim3A_1198 : vector<16xi1>, vector<16xf32>
        %add3A_1200 = arith.addf %scan3A_1181, %select_n3A_1199 : vector<16xf32>
        %jit3A_1201 = arith.constant 1.000000e+00 : f32
        %jit3A_1202 = arith.constant 0.000000e+00 : f32
        %broadcast_in_dim3A_1203 = vector.broadcast %jit3A_1201 : f32 to vector<16xf32>
        %broadcast_in_dim3A_1204 = vector.broadcast %jit3A_1202 : f32 to vector<16xf32>
        %select_n3A_1205 = arith.select %gt3A_1196, %broadcast_in_dim3A_1203, %broadcast_in_dim3A_1204 : vector<16xi1>, vector<16xf32>
        %add3A_1206 = arith.addf %scan3A_1182, %select_n3A_1205 : vector<16xf32>
        %eq3A_1207 = arith.constant 0.000000e+00 : f32
        %eq3A_1208 = vector.broadcast %eq3A_1207 : f32 to vector<16xf32>
        %eq3A_1209 = arith.cmpf oeq, %get3A_1192, %eq3A_1208 : vector<16xf32>
        %jit3A_1210 = arith.constant 0xFF800000 : f32
        %broadcast_in_dim3A_1211 = vector.broadcast %jit3A_1210 : f32 to vector<16xf32>
        %select_n3A_1212 = arith.select %eq3A_1209, %get3A_1188, %broadcast_in_dim3A_1211 : vector<16xi1>, vector<16xf32>
        %max3A_1213 = arith.maximumf %scan3A_1183, %select_n3A_1212 : vector<16xf32>
        %abs3A = math.absf %get3A_1192 : vector<16xf32>
        %min3A_1214 = arith.minimumf %scan3A_1184, %abs3A : vector<16xf32>
        %get3A_1215 = arith.index_cast %scan3A_1180 : i32 to index
        %get3A_1216 = arith.constant 16 : index
        %get3A_1217 = tpu.vector_load %arg8[%get3A_1215, %get3A_1216] {strides = array<i32>} : memref<96x96xf32, #tpu.memory_space<vmem>>, vector<1x16xf32>,
        %get3A_1218 = vector.shape_cast %get3A_1217 : vector<1x16xf32> to vector<16xf32>
        %get3A_1219 = arith.index_cast %scan3A_1180 : i32 to index
        %get3A_1220 = arith.constant 16 : index
        %get3A_1221 = tpu.vector_load %arg12[%get3A_1219, %get3A_1220] {strides = array<i32>} : memref<96x96xf32, #tpu.memory_space<vmem>>, vector<1x16xf32>,
        %get3A_1222 = vector.shape_cast %get3A_1221 : vector<1x16xf32> to vector<16xf32>
        %sub3A_1223 = arith.subf %get3A_1218, %get3A_1222 : vector<16xf32>
        %mul3A_1224 = arith.mulf %sub3A_1223, %sub3A_1223 : vector<16xf32>
        %gt3A_1225 = arith.constant 0.000000e+00 : f32
        %gt3A_1226 = vector.broadcast %gt3A_1225 : f32 to vector<16xf32>
        %gt3A_1227 = arith.cmpf ogt, %get3A_1222, %gt3A_1226 : vector<16xf32>
        %jit3A_1228 = arith.constant 0.000000e+00 : f32
        %broadcast_in_dim3A_1229 = vector.broadcast %jit3A_1228 : f32 to vector<16xf32>
        %select_n3A_1230 = arith.select %gt3A_1227, %mul3A_1224, %broadcast_in_dim3A_1229 : vector<16xi1>, vector<16xf32>
        %add3A_1231 = arith.addf %add3A_1200, %select_n3A_1230 : vector<16xf32>
        %jit3A_1232 = arith.constant 1.000000e+00 : f32
        %jit3A_1233 = arith.constant 0.000000e+00 : f32
        %broadcast_in_dim3A_1234 = vector.broadcast %jit3A_1232 : f32 to vector<16xf32>
        %broadcast_in_dim3A_1235 = vector.broadcast %jit3A_1233 : f32 to vector<16xf32>
        %select_n3A_1236 = arith.select %gt3A_1227, %broadcast_in_dim3A_1234, %broadcast_in_dim3A_1235 : vector<16xi1>, vector<16xf32>
        %add3A_1237 = arith.addf %add3A_1206, %select_n3A_1236 : vector<16xf32>
        %eq3A_1238 = arith.constant 0.000000e+00 : f32
        %eq3A_1239 = vector.broadcast %eq3A_1238 : f32 to vector<16xf32>
        %eq3A_1240 = arith.cmpf oeq, %get3A_1222, %eq3A_1239 : vector<16xf32>
        %jit3A_1241 = arith.constant 0xFF800000 : f32
        %broadcast_in_dim3A_1242 = vector.broadcast %jit3A_1241 : f32 to vector<16xf32>
        %select_n3A_1243 = arith.select %eq3A_1240, %get3A_1218, %broadcast_in_dim3A_1242 : vector<16xi1>, vector<16xf32>
        %max3A_1244 = arith.maximumf %max3A_1213, %select_n3A_1243 : vector<16xf32>
        %abs3A_1245 = math.absf %get3A_1222 : vector<16xf32>
        %min3A_1246 = arith.minimumf %min3A_1214, %abs3A_1245 : vector<16xf32>
        %get3A_1247 = arith.index_cast %scan3A_1180 : i32 to index
        %get3A_1248 = arith.constant 32 : index
        %get3A_1249 = tpu.vector_load %arg8[%get3A_1247, %get3A_1248] {strides = array<i32>} : memref<96x96xf32, #tpu.memory_space<vmem>>, vector<1x16xf32>,
        %get3A_1250 = vector.shape_cast %get3A_1249 : vector<1x16xf32> to vector<16xf32>
        %get3A_1251 = arith.index_cast %scan3A_1180 : i32 to index
        %get3A_1252 = arith.constant 32 : index
        %get3A_1253 = tpu.vector_load %arg12[%get3A_1251, %get3A_1252] {strides = array<i32>} : memref<96x96xf32, #tpu.memory_space<vmem>>, vector<1x16xf32>,
        %get3A_1254 = vector.shape_cast %get3A_1253 : vector<1x16xf32> to vector<16xf32>
        %sub3A_1255 = arith.subf %get3A_1250, %get3A_1254 : vector<16xf32>
        %mul3A_1256 = arith.mulf %sub3A_1255, %sub3A_1255 : vector<16xf32>
        %gt3A_1257 = arith.constant 0.000000e+00 : f32
        %gt3A_1258 = vector.broadcast %gt3A_1257 : f32 to vector<16xf32>
        %gt3A_1259 = arith.cmpf ogt, %get3A_1254, %gt3A_1258 : vector<16xf32>
        %jit3A_1260 = arith.constant 0.000000e+00 : f32
        %broadcast_in_dim3A_1261 = vector.broadcast %jit3A_1260 : f32 to vector<16xf32>
        %select_n3A_1262 = arith.select %gt3A_1259, %mul3A_1256, %broadcast_in_dim3A_1261 : vector<16xi1>, vector<16xf32>
        %add3A_1263 = arith.addf %add3A_1231, %select_n3A_1262 : vector<16xf32>
        %jit3A_1264 = arith.constant 1.000000e+00 : f32
        %jit3A_1265 = arith.constant 0.000000e+00 : f32
        %broadcast_in_dim3A_1266 = vector.broadcast %jit3A_1264 : f32 to vector<16xf32>
        %broadcast_in_dim3A_1267 = vector.broadcast %jit3A_1265 : f32 to vector<16xf32>
        %select_n3A_1268 = arith.select %gt3A_1259, %broadcast_in_dim3A_1266, %broadcast_in_dim3A_1267 : vector<16xi1>, vector<16xf32>
        %add3A_1269 = arith.addf %add3A_1237, %select_n3A_1268 : vector<16xf32>
        %eq3A_1270 = arith.constant 0.000000e+00 : f32
        %eq3A_1271 = vector.broadcast %eq3A_1270 : f32 to vector<16xf32>
        %eq3A_1272 = arith.cmpf oeq, %get3A_1254, %eq3A_1271 : vector<16xf32>
        %jit3A_1273 = arith.constant 0xFF800000 : f32
        %broadcast_in_dim3A_1274 = vector.broadcast %jit3A_1273 : f32 to vector<16xf32>
        %select_n3A_1275 = arith.select %eq3A_1272, %get3A_1250, %broadcast_in_dim3A_1274 : vector<16xi1>, vector<16xf32>
        %max3A_1276 = arith.maximumf %max3A_1244, %select_n3A_1275 : vector<16xf32>
        %abs3A_1277 = math.absf %get3A_1254 : vector<16xf32>
        %min3A_1278 = arith.minimumf %min3A_1246, %abs3A_1277 : vector<16xf32>
        %get3A_1279 = arith.index_cast %scan3A_1180 : i32 to index
        %get3A_1280 = arith.constant 48 : index
        %get3A_1281 = tpu.vector_load %arg8[%get3A_1279, %get3A_1280] {strides = array<i32>} : memref<96x96xf32, #tpu.memory_space<vmem>>, vector<1x16xf32>,
        %get3A_1282 = vector.shape_cast %get3A_1281 : vector<1x16xf32> to vector<16xf32>
        %get3A_1283 = arith.index_cast %scan3A_1180 : i32 to index
        %get3A_1284 = arith.constant 48 : index
        %get3A_1285 = tpu.vector_load %arg12[%get3A_1283, %get3A_1284] {strides = array<i32>} : memref<96x96xf32, #tpu.memory_space<vmem>>, vector<1x16xf32>,
        %get3A_1286 = vector.shape_cast %get3A_1285 : vector<1x16xf32> to vector<16xf32>
        %sub3A_1287 = arith.subf %get3A_1282, %get3A_1286 : vector<16xf32>
        %mul3A_1288 = arith.mulf %sub3A_1287, %sub3A_1287 : vector<16xf32>
        %gt3A_1289 = arith.constant 0.000000e+00 : f32
        %gt3A_1290 = vector.broadcast %gt3A_1289 : f32 to vector<16xf32>
        %gt3A_1291 = arith.cmpf ogt, %get3A_1286, %gt3A_1290 : vector<16xf32>
        %jit3A_1292 = arith.constant 0.000000e+00 : f32
        %broadcast_in_dim3A_1293 = vector.broadcast %jit3A_1292 : f32 to vector<16xf32>
        %select_n3A_1294 = arith.select %gt3A_1291, %mul3A_1288, %broadcast_in_dim3A_1293 : vector<16xi1>, vector<16xf32>
        %add3A_1295 = arith.addf %add3A_1263, %select_n3A_1294 : vector<16xf32>
        %jit3A_1296 = arith.constant 1.000000e+00 : f32
        %jit3A_1297 = arith.constant 0.000000e+00 : f32
        %broadcast_in_dim3A_1298 = vector.broadcast %jit3A_1296 : f32 to vector<16xf32>
        %broadcast_in_dim3A_1299 = vector.broadcast %jit3A_1297 : f32 to vector<16xf32>
        %select_n3A_1300 = arith.select %gt3A_1291, %broadcast_in_dim3A_1298, %broadcast_in_dim3A_1299 : vector<16xi1>, vector<16xf32>
        %add3A_1301 = arith.addf %add3A_1269, %select_n3A_1300 : vector<16xf32>
        %eq3A_1302 = arith.constant 0.000000e+00 : f32
        %eq3A_1303 = vector.broadcast %eq3A_1302 : f32 to vector<16xf32>
        %eq3A_1304 = arith.cmpf oeq, %get3A_1286, %eq3A_1303 : vector<16xf32>
        %jit3A_1305 = arith.constant 0xFF800000 : f32
        %broadcast_in_dim3A_1306 = vector.broadcast %jit3A_1305 : f32 to vector<16xf32>
        %select_n3A_1307 = arith.select %eq3A_1304, %get3A_1282, %broadcast_in_dim3A_1306 : vector<16xi1>, vector<16xf32>
        %max3A_1308 = arith.maximumf %max3A_1276, %select_n3A_1307 : vector<16xf32>
        %abs3A_1309 = math.absf %get3A_1286 : vector<16xf32>
        %min3A_1310 = arith.minimumf %min3A_1278, %abs3A_1309 : vector<16xf32>
        %get3A_1311 = arith.index_cast %scan3A_1180 : i32 to index
        %get3A_1312 = arith.constant 64 : index
        %get3A_1313 = tpu.vector_load %arg8[%get3A_1311, %get3A_1312] {strides = array<i32>} : memref<96x96xf32, #tpu.memory_space<vmem>>, vector<1x16xf32>,
        %get3A_1314 = vector.shape_cast %get3A_1313 : vector<1x16xf32> to vector<16xf32>
        %get3A_1315 = arith.index_cast %scan3A_1180 : i32 to index
        %get3A_1316 = arith.constant 64 : index
        %get3A_1317 = tpu.vector_load %arg12[%get3A_1315, %get3A_1316] {strides = array<i32>} : memref<96x96xf32, #tpu.memory_space<vmem>>, vector<1x16xf32>,
        %get3A_1318 = vector.shape_cast %get3A_1317 : vector<1x16xf32> to vector<16xf32>
        %sub3A_1319 = arith.subf %get3A_1314, %get3A_1318 : vector<16xf32>
        %mul3A_1320 = arith.mulf %sub3A_1319, %sub3A_1319 : vector<16xf32>
        %gt3A_1321 = arith.constant 0.000000e+00 : f32
        %gt3A_1322 = vector.broadcast %gt3A_1321 : f32 to vector<16xf32>
        %gt3A_1323 = arith.cmpf ogt, %get3A_1318, %gt3A_1322 : vector<16xf32>
        %jit3A_1324 = arith.constant 0.000000e+00 : f32
        %broadcast_in_dim3A_1325 = vector.broadcast %jit3A_1324 : f32 to vector<16xf32>
        %select_n3A_1326 = arith.select %gt3A_1323, %mul3A_1320, %broadcast_in_dim3A_1325 : vector<16xi1>, vector<16xf32>
        %add3A_1327 = arith.addf %add3A_1295, %select_n3A_1326 : vector<16xf32>
        %jit3A_1328 = arith.constant 1.000000e+00 : f32
        %jit3A_1329 = arith.constant 0.000000e+00 : f32
        %broadcast_in_dim3A_1330 = vector.broadcast %jit3A_1328 : f32 to vector<16xf32>
        %broadcast_in_dim3A_1331 = vector.broadcast %jit3A_1329 : f32 to vector<16xf32>
        %select_n3A_1332 = arith.select %gt3A_1323, %broadcast_in_dim3A_1330, %broadcast_in_dim3A_1331 : vector<16xi1>, vector<16xf32>
        %add3A_1333 = arith.addf %add3A_1301, %select_n3A_1332 : vector<16xf32>
        %eq3A_1334 = arith.constant 0.000000e+00 : f32
        %eq3A_1335 = vector.broadcast %eq3A_1334 : f32 to vector<16xf32>
        %eq3A_1336 = arith.cmpf oeq, %get3A_1318, %eq3A_1335 : vector<16xf32>
        %jit3A_1337 = arith.constant 0xFF800000 : f32
        %broadcast_in_dim3A_1338 = vector.broadcast %jit3A_1337 : f32 to vector<16xf32>
        %select_n3A_1339 = arith.select %eq3A_1336, %get3A_1314, %broadcast_in_dim3A_1338 : vector<16xi1>, vector<16xf32>
        %max3A_1340 = arith.maximumf %max3A_1308, %select_n3A_1339 : vector<16xf32>
        %abs3A_1341 = math.absf %get3A_1318 : vector<16xf32>
        %min3A_1342 = arith.minimumf %min3A_1310, %abs3A_1341 : vector<16xf32>
        %get3A_1343 = arith.index_cast %scan3A_1180 : i32 to index
        %get3A_1344 = arith.constant 80 : index
        %get3A_1345 = tpu.vector_load %arg8[%get3A_1343, %get3A_1344] {strides = array<i32>} : memref<96x96xf32, #tpu.memory_space<vmem>>, vector<1x16xf32>,
        %get3A_1346 = vector.shape_cast %get3A_1345 : vector<1x16xf32> to vector<16xf32>
        %get3A_1347 = arith.index_cast %scan3A_1180 : i32 to index
        %get3A_1348 = arith.constant 80 : index
        %get3A_1349 = tpu.vector_load %arg12[%get3A_1347, %get3A_1348] {strides = array<i32>} : memref<96x96xf32, #tpu.memory_space<vmem>>, vector<1x16xf32>,
        %get3A_1350 = vector.shape_cast %get3A_1349 : vector<1x16xf32> to vector<16xf32>
        %sub3A_1351 = arith.subf %get3A_1346, %get3A_1350 : vector<16xf32>
        %mul3A_1352 = arith.mulf %sub3A_1351, %sub3A_1351 : vector<16xf32>
        %gt3A_1353 = arith.constant 0.000000e+00 : f32
        %gt3A_1354 = vector.broadcast %gt3A_1353 : f32 to vector<16xf32>
        %gt3A_1355 = arith.cmpf ogt, %get3A_1350, %gt3A_1354 : vector<16xf32>
        %jit3A_1356 = arith.constant 0.000000e+00 : f32
        %broadcast_in_dim3A_1357 = vector.broadcast %jit3A_1356 : f32 to vector<16xf32>
        %select_n3A_1358 = arith.select %gt3A_1355, %mul3A_1352, %broadcast_in_dim3A_1357 : vector<16xi1>, vector<16xf32>
        %add3A_1359 = arith.addf %add3A_1327, %select_n3A_1358 : vector<16xf32>
        %jit3A_1360 = arith.constant 1.000000e+00 : f32
        %jit3A_1361 = arith.constant 0.000000e+00 : f32
        %broadcast_in_dim3A_1362 = vector.broadcast %jit3A_1360 : f32 to vector<16xf32>
        %broadcast_in_dim3A_1363 = vector.broadcast %jit3A_1361 : f32 to vector<16xf32>
        %select_n3A_1364 = arith.select %gt3A_1355, %broadcast_in_dim3A_1362, %broadcast_in_dim3A_1363 : vector<16xi1>, vector<16xf32>
        %add3A_1365 = arith.addf %add3A_1333, %select_n3A_1364 : vector<16xf32>
        %eq3A_1366 = arith.constant 0.000000e+00 : f32
        %eq3A_1367 = vector.broadcast %eq3A_1366 : f32 to vector<16xf32>
        %eq3A_1368 = arith.cmpf oeq, %get3A_1350, %eq3A_1367 : vector<16xf32>
        %jit3A_1369 = arith.constant 0xFF800000 : f32
        %broadcast_in_dim3A_1370 = vector.broadcast %jit3A_1369 : f32 to vector<16xf32>
        %select_n3A_1371 = arith.select %eq3A_1368, %get3A_1346, %broadcast_in_dim3A_1370 : vector<16xi1>, vector<16xf32>
        %max3A_1372 = arith.maximumf %max3A_1340, %select_n3A_1371 : vector<16xf32>
        %abs3A_1373 = math.absf %get3A_1350 : vector<16xf32>
        %min3A_1374 = arith.minimumf %min3A_1342, %abs3A_1373 : vector<16xf32>
        scf.yield %add3A_1359, %add3A_1365, %max3A_1372, %min3A_1374 : vector<16xf32>, vector<16xf32>, vector<16xf32>, vector<16xf32>
      }
      %scan3A_1124 = arith.constant 96 : i32
      %mul3A_1125 = arith.constant 16 : i32
      %mul3A_1126 = arith.muli %select_n3A_1118, %mul3A_1125 : i32
      %add3A_1127 = arith.constant 0 : i32
      %add3A_1128 = arith.addi %add3A_1127, %mul3A_1126 : i32
      %mul3A_1129 = arith.constant 16 : i32
      %mul3A_1130 = arith.muli %select_n3A_1118, %mul3A_1129 : i32
      %add3A_1131 = arith.constant 272 : i32
      %add3A_1132 = arith.addi %add3A_1131, %mul3A_1130 : i32
      %mul3A_1133 = arith.constant 16 : i32
      %mul3A_1134 = arith.muli %select_n3A_1118, %mul3A_1133 : i32
      %add3A_1135 = arith.constant 544 : i32
      %add3A_1136 = arith.addi %add3A_1135, %mul3A_1134 : i32
      %mul3A_1137 = arith.constant 16 : i32
      %mul3A_1138 = arith.muli %select_n3A_1118, %mul3A_1137 : i32
      %add3A_1139 = arith.constant 816 : i32
      %add3A_1140 = arith.addi %add3A_1139, %mul3A_1138 : i32
      %get3A_1141 = arith.index_cast %add3A_1128 : i32 to index
      %get3A_1142 = tpu.vector_load %arg13[%get3A_1141] {strides = array<i32>} : memref<1088xf32, #tpu.memory_space<vmem>>, vector<16xf32>,
      %get3A_1143 = vector.shape_cast %get3A_1142 : vector<16xf32> to vector<16xf32>
      %add3A_1144 = arith.addf %get3A_1143, %scan3A_1123#0 : vector<16xf32>
      %swap3A_1145 = arith.index_cast %add3A_1128 : i32 to index
      %swap3A_1146 = tpu.vector_load %arg13[%swap3A_1145] {strides = array<i32>} : memref<1088xf32, #tpu.memory_space<vmem>>, vector<16xf32>,
      %swap3A_1147 = vector.shape_cast %swap3A_1146 : vector<16xf32> to vector<16xf32>
      %swap3A_1148 = vector.shape_cast %add3A_1144 : vector<16xf32> to vector<16xf32>
      tpu.vector_store %arg13[%swap3A_1145], %swap3A_1148 {strides = array<i32>} : memref<1088xf32, #tpu.memory_space<vmem>>, vector<16xf32>,
      %get3A_1149 = arith.index_cast %add3A_1132 : i32 to index
      %get3A_1150 = tpu.vector_load %arg13[%get3A_1149] {strides = array<i32>} : memref<1088xf32, #tpu.memory_space<vmem>>, vector<16xf32>,
      %get3A_1151 = vector.shape_cast %get3A_1150 : vector<16xf32> to vector<16xf32>
      %add3A_1152 = arith.addf %get3A_1151, %scan3A_1123#1 : vector<16xf32>
      %swap3A_1153 = arith.index_cast %add3A_1132 : i32 to index
      %swap3A_1154 = tpu.vector_load %arg13[%swap3A_1153] {strides = array<i32>} : memref<1088xf32, #tpu.memory_space<vmem>>, vector<16xf32>,
      %swap3A_1155 = vector.shape_cast %swap3A_1154 : vector<16xf32> to vector<16xf32>
      %swap3A_1156 = vector.shape_cast %add3A_1152 : vector<16xf32> to vector<16xf32>
      tpu.vector_store %arg13[%swap3A_1153], %swap3A_1156 {strides = array<i32>} : memref<1088xf32, #tpu.memory_space<vmem>>, vector<16xf32>,
      %get3A_1157 = arith.index_cast %add3A_1136 : i32 to index
      %get3A_1158 = tpu.vector_load %arg13[%get3A_1157] {strides = array<i32>} : memref<1088xf32, #tpu.memory_space<vmem>>, vector<16xf32>,
      %get3A_1159 = vector.shape_cast %get3A_1158 : vector<16xf32> to vector<16xf32>
      %max3A_1160 = arith.maximumf %get3A_1159, %scan3A_1123#2 : vector<16xf32>
      %swap3A_1161 = arith.index_cast %add3A_1136 : i32 to index
      %swap3A_1162 = tpu.vector_load %arg13[%swap3A_1161] {strides = array<i32>} : memref<1088xf32, #tpu.memory_space<vmem>>, vector<16xf32>,
      %swap3A_1163 = vector.shape_cast %swap3A_1162 : vector<16xf32> to vector<16xf32>
      %swap3A_1164 = vector.shape_cast %max3A_1160 : vector<16xf32> to vector<16xf32>
      tpu.vector_store %arg13[%swap3A_1161], %swap3A_1164 {strides = array<i32>} : memref<1088xf32, #tpu.memory_space<vmem>>, vector<16xf32>,
      %get3A_1165 = arith.index_cast %add3A_1140 : i32 to index
      %get3A_1166 = tpu.vector_load %arg13[%get3A_1165] {strides = array<i32>} : memref<1088xf32, #tpu.memory_space<vmem>>, vector<16xf32>,
      %get3A_1167 = vector.shape_cast %get3A_1166 : vector<16xf32> to vector<16xf32>
      %min3A_1168 = arith.minimumf %get3A_1167, %scan3A_1123#3 : vector<16xf32>
      %swap3A_1169 = arith.index_cast %add3A_1140 : i32 to index
      %swap3A_1170 = tpu.vector_load %arg13[%swap3A_1169] {strides = array<i32>} : memref<1088xf32, #tpu.memory_space<vmem>>, vector<16xf32>,
      %swap3A_1171 = vector.shape_cast %swap3A_1170 : vector<16xf32> to vector<16xf32>
      %swap3A_1172 = vector.shape_cast %min3A_1168 : vector<16xf32> to vector<16xf32>
      tpu.vector_store %arg13[%swap3A_1169], %swap3A_1172 {strides = array<i32>} : memref<1088xf32, #tpu.memory_space<vmem>>, vector<16xf32>,
      %add3A_1173 = arith.constant 4 : i32
      %add3A_1174 = arith.addi %add3A_1045, %add3A_1173 : i32
      %lt3A_1175 = arith.constant 34 : i32
      %lt3A_1176 = arith.cmpi slt, %add3A_1174, %lt3A_1175 : i32
      %convert_element_type3A_1177 = arith.extui %lt3A_1176 : i1 to i32
      %cond3A_1178 = arith.constant 0 : i32
      %cond3A_1179 = arith.cmpi ne, %convert_element_type3A_1177, %cond3A_1178 : i32
      scf.if %cond3A_1179 {
        %add3A_1180 = arith.constant 4 : i32
        %add3A_1181 = arith.addi %add3A_1045, %add3A_1180 : i32
        %jit3A_1182 = arith.constant 17 : i32
        %div3A_1183 = arith.divsi %add3A_1181, %jit3A_1182 : i32
        %sign3A_1184 = arith.constant 0 : i32
        %sign3A_1185 = arith.cmpi sgt, %add3A_1181, %sign3A_1184 : i32
        %sign3A_1186 = arith.extui %sign3A_1185 : i1 to i32
        %sign3A_1187 = arith.constant 0 : i32
        %sign3A_1188 = arith.cmpi slt, %add3A_1181, %sign3A_1187 : i32
        %sign3A_1189 = arith.extui %sign3A_1188 : i1 to i32
        %sign3A_1190 = arith.subi %sign3A_1186, %sign3A_1189 : i32
        %sign3A_1191 = arith.constant 0 : i32
        %sign3A_1192 = arith.cmpi sgt, %jit3A_1182, %sign3A_1191 : i32
        %sign3A_1193 = arith.extui %sign3A_1192 : i1 to i32
        %sign3A_1194 = arith.constant 0 : i32
        %sign3A_1195 = arith.cmpi slt, %jit3A_1182, %sign3A_1194 : i32
        %sign3A_1196 = arith.extui %sign3A_1195 : i1 to i32
        %sign3A_1197 = arith.subi %sign3A_1193, %sign3A_1196 : i32
        %ne3A_1198 = arith.cmpi ne, %sign3A_1190, %sign3A_1197 : i32
        %rem3A_1199 = arith.remsi %add3A_1181, %jit3A_1182 : i32
        %ne3A_1200 = arith.constant 0 : i32
        %ne3A_1201 = arith.cmpi ne, %rem3A_1199, %ne3A_1200 : i32
        %and3A_1202 = arith.andi %ne3A_1198, %ne3A_1201 : i1
        %sub3A_1203 = arith.constant 1 : i32
        %sub3A_1204 = arith.subi %div3A_1183, %sub3A_1203 : i32
        %select_n3A_1205 = arith.select %and3A_1202, %sub3A_1204, %div3A_1183 : i32
        %add3A_1206 = arith.addi %add3A_4, %select_n3A_1205 : i32
        %jit3A_1207 = arith.constant 17 : i32
        %eq3A_1208 = arith.constant 0 : i32
        %eq3A_1209 = arith.cmpi eq, %jit3A_1207, %eq3A_1208 : i32
        %jit3A_1210 = arith.constant 1 : i32
        %select_n3A_1211 = arith.select %eq3A_1209, %jit3A_1210, %jit3A_1207 : i32
        %rem3A_1212 = arith.remsi %add3A_1181, %select_n3A_1211 : i32
        %ne3A_1213 = arith.constant 0 : i32
        %ne3A_1214 = arith.cmpi ne, %rem3A_1212, %ne3A_1213 : i32
        %lt3A_1215 = arith.constant 0 : i32
        %lt3A_1216 = arith.cmpi slt, %rem3A_1212, %lt3A_1215 : i32
        %lt3A_1217 = arith.constant 0 : i32
        %lt3A_1218 = arith.cmpi slt, %select_n3A_1211, %lt3A_1217 : i32
        %ne3A_1219 = arith.xori %lt3A_1216, %lt3A_1218 : i1
        %and3A_1220 = arith.andi %ne3A_1219, %ne3A_1214 : i1
        %add3A_1221 = arith.addi %rem3A_1212, %select_n3A_1211 : i32
        %select_n3A_1222 = arith.select %and3A_1220, %add3A_1221, %rem3A_1212 : i32
        %dma_start3A_1223 = arith.constant 0 : i32
        %dma_start3A_1224 = arith.constant 0 : i32
        %dma_start3A_1225 = tpu.memref_slice %arg2[%add3A_1206, %select_n3A_1222, %dma_start3A_1223, %dma_start3A_1224] : memref<128x17x96x96xf32, #tpu.memory_space<hbm>> -> memref<1x1x96x96xf32, #tpu.memory_space<hbm>>
        %dma_start3A_1226 = tpu.memref_squeeze %dma_start3A_1225 : memref<1x1x96x96xf32, #tpu.memory_space<hbm>> -> memref<96x96xf32, #tpu.memory_space<hbm>>
        %dma_start3A_1227 = arith.constant 0 : i32
        %dma_start3A_1228 = arith.constant 0 : i32
        %dma_start3A_1229 = tpu.memref_slice %arg2[%add3A_1206, %select_n3A_1222, %dma_start3A_1227, %dma_start3A_1228] : memref<128x17x96x96xf32, #tpu.memory_space<hbm>> -> memref<1x1x96x96xf32, #tpu.memory_space<hbm>>
        %dma_start3A_1230 = tpu.memref_squeeze %dma_start3A_1229 : memref<1x1x96x96xf32, #tpu.memory_space<hbm>> -> memref<96x96xf32, #tpu.memory_space<hbm>>
        tpu.enqueue_dma source(%dma_start3A_1230 : memref<96x96xf32, #tpu.memory_space<hbm>>) target(%arg8 : memref<96x96xf32, #tpu.memory_space<vmem>>) target_semaphore(%arg17 : memref<!tpu.dma_semaphore, #tpu.memory_space<semaphore_mem>>)
        %dma_start3A_1231 = arith.constant 0 : i32
        %dma_start3A_1232 = arith.constant 0 : i32
        %dma_start3A_1233 = tpu.memref_slice %arg3[%add3A_1206, %select_n3A_1222, %dma_start3A_1231, %dma_start3A_1232] : memref<128x17x96x96xf32, #tpu.memory_space<hbm>> -> memref<1x1x96x96xf32, #tpu.memory_space<hbm>>
        %dma_start3A_1234 = tpu.memref_squeeze %dma_start3A_1233 : memref<1x1x96x96xf32, #tpu.memory_space<hbm>> -> memref<96x96xf32, #tpu.memory_space<hbm>>
        %dma_start3A_1235 = arith.constant 0 : i32
        %dma_start3A_1236 = arith.constant 0 : i32
        %dma_start3A_1237 = tpu.memref_slice %arg3[%add3A_1206, %select_n3A_1222, %dma_start3A_1235, %dma_start3A_1236] : memref<128x17x96x96xf32, #tpu.memory_space<hbm>> -> memref<1x1x96x96xf32, #tpu.memory_space<hbm>>
        %dma_start3A_1238 = tpu.memref_squeeze %dma_start3A_1237 : memref<1x1x96x96xf32, #tpu.memory_space<hbm>> -> memref<96x96xf32, #tpu.memory_space<hbm>>
        tpu.enqueue_dma source(%dma_start3A_1238 : memref<96x96xf32, #tpu.memory_space<hbm>>) target(%arg12 : memref<96x96xf32, #tpu.memory_space<vmem>>) target_semaphore(%arg21 : memref<!tpu.dma_semaphore, #tpu.memory_space<semaphore_mem>>)
      } else {
      }
    }
    %scan3A_364 = arith.constant 8 : i32
    %jit3A = arith.constant 32 : i32
    %jit3A_365 = arith.constant 17 : i32
    %div3A = arith.divsi %jit3A, %jit3A_365 : i32
    %sign3A = arith.constant 0 : i32
    %sign3A_366 = arith.cmpi sgt, %jit3A, %sign3A : i32
    %sign3A_367 = arith.extui %sign3A_366 : i1 to i32
    %sign3A_368 = arith.constant 0 : i32
    %sign3A_369 = arith.cmpi slt, %jit3A, %sign3A_368 : i32
    %sign3A_370 = arith.extui %sign3A_369 : i1 to i32
    %sign3A_371 = arith.subi %sign3A_367, %sign3A_370 : i32
    %sign3A_372 = arith.constant 0 : i32
    %sign3A_373 = arith.cmpi sgt, %jit3A_365, %sign3A_372 : i32
    %sign3A_374 = arith.extui %sign3A_373 : i1 to i32
    %sign3A_375 = arith.constant 0 : i32
    %sign3A_376 = arith.cmpi slt, %jit3A_365, %sign3A_375 : i32
    %sign3A_377 = arith.extui %sign3A_376 : i1 to i32
    %sign3A_378 = arith.subi %sign3A_374, %sign3A_377 : i32
    %ne3A = arith.cmpi ne, %sign3A_371, %sign3A_378 : i32
    %rem3A = arith.remsi %jit3A, %jit3A_365 : i32
    %ne3A_379 = arith.constant 0 : i32
    %ne3A_380 = arith.cmpi ne, %rem3A, %ne3A_379 : i32
    %and3A = arith.andi %ne3A, %ne3A_380 : i1
    %sub3A = arith.constant 1 : i32
    %sub3A_381 = arith.subi %div3A, %sub3A : i32
    %select_n3A = arith.select %and3A, %sub3A_381, %div3A : i32
    %add3A_382 = arith.addi %add3A_4, %select_n3A : i32
    %jit3A_383 = arith.constant 32 : i32
    %jit3A_384 = arith.constant 17 : i32
    %eq3A = arith.constant 0 : i32
    %eq3A_385 = arith.cmpi eq, %jit3A_384, %eq3A : i32
    %jit3A_386 = arith.constant 1 : i32
    %select_n3A_387 = arith.select %eq3A_385, %jit3A_386, %jit3A_384 : i32
    %rem3A_388 = arith.remsi %jit3A_383, %select_n3A_387 : i32
    %ne3A_389 = arith.constant 0 : i32
    %ne3A_390 = arith.cmpi ne, %rem3A_388, %ne3A_389 : i32
    %lt3A = arith.constant 0 : i32
    %lt3A_391 = arith.cmpi slt, %rem3A_388, %lt3A : i32
    %lt3A_392 = arith.constant 0 : i32
    %lt3A_393 = arith.cmpi slt, %select_n3A_387, %lt3A_392 : i32
    %ne3A_394 = arith.xori %lt3A_391, %lt3A_393 : i1
    %and3A_395 = arith.andi %ne3A_394, %ne3A_390 : i1
    %add3A_396 = arith.addi %rem3A_388, %select_n3A_387 : i32
    %select_n3A_397 = arith.select %and3A_395, %add3A_396, %rem3A_388 : i32
    %dma_wait3A = arith.constant 0 : i32
    %dma_wait3A_398 = arith.constant 0 : i32
    %dma_wait3A_399 = tpu.memref_slice %arg2[%add3A_382, %select_n3A_397, %dma_wait3A, %dma_wait3A_398] : memref<128x17x96x96xf32, #tpu.memory_space<hbm>> -> memref<1x1x96x96xf32, #tpu.memory_space<hbm>>
    %dma_wait3A_400 = tpu.memref_squeeze %dma_wait3A_399 : memref<1x1x96x96xf32, #tpu.memory_space<hbm>> -> memref<96x96xf32, #tpu.memory_space<hbm>>
    %dma_wait3A_401 = arith.constant 0 : i32
    %dma_wait3A_402 = arith.constant 0 : i32
    %dma_wait3A_403 = tpu.memref_slice %arg2[%add3A_382, %select_n3A_397, %dma_wait3A_401, %dma_wait3A_402] : memref<128x17x96x96xf32, #tpu.memory_space<hbm>> -> memref<1x1x96x96xf32, #tpu.memory_space<hbm>>
    %dma_wait3A_404 = tpu.memref_squeeze %dma_wait3A_403 : memref<1x1x96x96xf32, #tpu.memory_space<hbm>> -> memref<96x96xf32, #tpu.memory_space<hbm>>
    tpu.wait_dma2 semaphore(%arg14 : memref<!tpu.dma_semaphore, #tpu.memory_space<semaphore_mem>>) src(%dma_wait3A_404 : memref<96x96xf32, #tpu.memory_space<hbm>>) dst(%arg5 : memref<96x96xf32, #tpu.memory_space<vmem>>)
    %dma_wait3A_405 = arith.constant 0 : i32
    %dma_wait3A_406 = arith.constant 0 : i32
    %dma_wait3A_407 = tpu.memref_slice %arg3[%add3A_382, %select_n3A_397, %dma_wait3A_405, %dma_wait3A_406] : memref<128x17x96x96xf32, #tpu.memory_space<hbm>> -> memref<1x1x96x96xf32, #tpu.memory_space<hbm>>
    %dma_wait3A_408 = tpu.memref_squeeze %dma_wait3A_407 : memref<1x1x96x96xf32, #tpu.memory_space<hbm>> -> memref<96x96xf32, #tpu.memory_space<hbm>>
    %dma_wait3A_409 = arith.constant 0 : i32
    %dma_wait3A_410 = arith.constant 0 : i32
    %dma_wait3A_411 = tpu.memref_slice %arg3[%add3A_382, %select_n3A_397, %dma_wait3A_409, %dma_wait3A_410] : memref<128x17x96x96xf32, #tpu.memory_space<hbm>> -> memref<1x1x96x96xf32, #tpu.memory_space<hbm>>
    %dma_wait3A_412 = tpu.memref_squeeze %dma_wait3A_411 : memref<1x1x96x96xf32, #tpu.memory_space<hbm>> -> memref<96x96xf32, #tpu.memory_space<hbm>>
    tpu.wait_dma2 semaphore(%arg18 : memref<!tpu.dma_semaphore, #tpu.memory_space<semaphore_mem>>) src(%dma_wait3A_412 : memref<96x96xf32, #tpu.memory_space<hbm>>) dst(%arg9 : memref<96x96xf32, #tpu.memory_space<vmem>>)
    %jit3A_413 = arith.constant 32 : i32
    %jit3A_414 = arith.constant 17 : i32
    %eq3A_415 = arith.constant 0 : i32
    %eq3A_416 = arith.cmpi eq, %jit3A_414, %eq3A_415 : i32
    %jit3A_417 = arith.constant 1 : i32
    %select_n3A_418 = arith.select %eq3A_416, %jit3A_417, %jit3A_414 : i32
    %rem3A_419 = arith.remsi %jit3A_413, %select_n3A_418 : i32
    %ne3A_420 = arith.constant 0 : i32
    %ne3A_421 = arith.cmpi ne, %rem3A_419, %ne3A_420 : i32
    %lt3A_422 = arith.constant 0 : i32
    %lt3A_423 = arith.cmpi slt, %rem3A_419, %lt3A_422 : i32
    %lt3A_424 = arith.constant 0 : i32
    %lt3A_425 = arith.cmpi slt, %select_n3A_418, %lt3A_424 : i32
    %ne3A_426 = arith.xori %lt3A_423, %lt3A_425 : i1
    %and3A_427 = arith.andi %ne3A_426, %ne3A_421 : i1
    %add3A_428 = arith.addi %rem3A_419, %select_n3A_418 : i32
    %select_n3A_429 = arith.select %and3A_427, %add3A_428, %rem3A_419 : i32
    %scan3A_430 = arith.constant 0 : i32
    %scan3A_431 = arith.constant 96 : i32
    %scan3A_432 = arith.addi %scan3A_430, %scan3A_431 : i32
    %scan3A_433 = arith.constant 1 : i32
    %scan3A_434:4 = scf.for %scan3A_627 = %scan3A_430 to %scan3A_432 step %scan3A_433 iter_args(%scan3A_628 = %broadcast_in_dim3A_5, %scan3A_629 = %broadcast_in_dim3A_5, %scan3A_630 = %broadcast_in_dim3A_7, %scan3A_631 = %broadcast_in_dim3A_9) -> (vector<16xf32>, vector<16xf32>, vector<16xf32>, vector<16xf32>)  : i32 {
      %get3A_632 = arith.index_cast %scan3A_627 : i32 to index
      %get3A_633 = arith.constant 0 : index
      %get3A_634 = tpu.vector_load %arg5[%get3A_632, %get3A_633] {strides = array<i32>} : memref<96x96xf32, #tpu.memory_space<vmem>>, vector<1x16xf32>,
      %get3A_635 = vector.shape_cast %get3A_634 : vector<1x16xf32> to vector<16xf32>
      %get3A_636 = arith.index_cast %scan3A_627 : i32 to index
      %get3A_637 = arith.constant 0 : index
      %get3A_638 = tpu.vector_load %arg9[%get3A_636, %get3A_637] {strides = array<i32>} : memref<96x96xf32, #tpu.memory_space<vmem>>, vector<1x16xf32>,
      %get3A_639 = vector.shape_cast %get3A_638 : vector<1x16xf32> to vector<16xf32>
      %sub3A_640 = arith.subf %get3A_635, %get3A_639 : vector<16xf32>
      %mul3A_641 = arith.mulf %sub3A_640, %sub3A_640 : vector<16xf32>
      %gt3A = arith.constant 0.000000e+00 : f32
      %gt3A_642 = vector.broadcast %gt3A : f32 to vector<16xf32>
      %gt3A_643 = arith.cmpf ogt, %get3A_639, %gt3A_642 : vector<16xf32>
      %jit3A_644 = arith.constant 0.000000e+00 : f32
      %broadcast_in_dim3A_645 = vector.broadcast %jit3A_644 : f32 to vector<16xf32>
      %select_n3A_646 = arith.select %gt3A_643, %mul3A_641, %broadcast_in_dim3A_645 : vector<16xi1>, vector<16xf32>
      %add3A_647 = arith.addf %scan3A_628, %select_n3A_646 : vector<16xf32>
      %jit3A_648 = arith.constant 1.000000e+00 : f32
      %jit3A_649 = arith.constant 0.000000e+00 : f32
      %broadcast_in_dim3A_650 = vector.broadcast %jit3A_648 : f32 to vector<16xf32>
      %broadcast_in_dim3A_651 = vector.broadcast %jit3A_649 : f32 to vector<16xf32>
      %select_n3A_652 = arith.select %gt3A_643, %broadcast_in_dim3A_650, %broadcast_in_dim3A_651 : vector<16xi1>, vector<16xf32>
      %add3A_653 = arith.addf %scan3A_629, %select_n3A_652 : vector<16xf32>
      %eq3A_654 = arith.constant 0.000000e+00 : f32
      %eq3A_655 = vector.broadcast %eq3A_654 : f32 to vector<16xf32>
      %eq3A_656 = arith.cmpf oeq, %get3A_639, %eq3A_655 : vector<16xf32>
      %jit3A_657 = arith.constant 0xFF800000 : f32
      %broadcast_in_dim3A_658 = vector.broadcast %jit3A_657 : f32 to vector<16xf32>
      %select_n3A_659 = arith.select %eq3A_656, %get3A_635, %broadcast_in_dim3A_658 : vector<16xi1>, vector<16xf32>
      %max3A_660 = arith.maximumf %scan3A_630, %select_n3A_659 : vector<16xf32>
      %abs3A = math.absf %get3A_639 : vector<16xf32>
      %min3A_661 = arith.minimumf %scan3A_631, %abs3A : vector<16xf32>
      %get3A_662 = arith.index_cast %scan3A_627 : i32 to index
      %get3A_663 = arith.constant 16 : index
      %get3A_664 = tpu.vector_load %arg5[%get3A_662, %get3A_663] {strides = array<i32>} : memref<96x96xf32, #tpu.memory_space<vmem>>, vector<1x16xf32>,
      %get3A_665 = vector.shape_cast %get3A_664 : vector<1x16xf32> to vector<16xf32>
      %get3A_666 = arith.index_cast %scan3A_627 : i32 to index
      %get3A_667 = arith.constant 16 : index
      %get3A_668 = tpu.vector_load %arg9[%get3A_666, %get3A_667] {strides = array<i32>} : memref<96x96xf32, #tpu.memory_space<vmem>>, vector<1x16xf32>,
      %get3A_669 = vector.shape_cast %get3A_668 : vector<1x16xf32> to vector<16xf32>
      %sub3A_670 = arith.subf %get3A_665, %get3A_669 : vector<16xf32>
      %mul3A_671 = arith.mulf %sub3A_670, %sub3A_670 : vector<16xf32>
      %gt3A_672 = arith.constant 0.000000e+00 : f32
      %gt3A_673 = vector.broadcast %gt3A_672 : f32 to vector<16xf32>
      %gt3A_674 = arith.cmpf ogt, %get3A_669, %gt3A_673 : vector<16xf32>
      %jit3A_675 = arith.constant 0.000000e+00 : f32
      %broadcast_in_dim3A_676 = vector.broadcast %jit3A_675 : f32 to vector<16xf32>
      %select_n3A_677 = arith.select %gt3A_674, %mul3A_671, %broadcast_in_dim3A_676 : vector<16xi1>, vector<16xf32>
      %add3A_678 = arith.addf %add3A_647, %select_n3A_677 : vector<16xf32>
      %jit3A_679 = arith.constant 1.000000e+00 : f32
      %jit3A_680 = arith.constant 0.000000e+00 : f32
      %broadcast_in_dim3A_681 = vector.broadcast %jit3A_679 : f32 to vector<16xf32>
      %broadcast_in_dim3A_682 = vector.broadcast %jit3A_680 : f32 to vector<16xf32>
      %select_n3A_683 = arith.select %gt3A_674, %broadcast_in_dim3A_681, %broadcast_in_dim3A_682 : vector<16xi1>, vector<16xf32>
      %add3A_684 = arith.addf %add3A_653, %select_n3A_683 : vector<16xf32>
      %eq3A_685 = arith.constant 0.000000e+00 : f32
      %eq3A_686 = vector.broadcast %eq3A_685 : f32 to vector<16xf32>
      %eq3A_687 = arith.cmpf oeq, %get3A_669, %eq3A_686 : vector<16xf32>
      %jit3A_688 = arith.constant 0xFF800000 : f32
      %broadcast_in_dim3A_689 = vector.broadcast %jit3A_688 : f32 to vector<16xf32>
      %select_n3A_690 = arith.select %eq3A_687, %get3A_665, %broadcast_in_dim3A_689 : vector<16xi1>, vector<16xf32>
      %max3A_691 = arith.maximumf %max3A_660, %select_n3A_690 : vector<16xf32>
      %abs3A_692 = math.absf %get3A_669 : vector<16xf32>
      %min3A_693 = arith.minimumf %min3A_661, %abs3A_692 : vector<16xf32>
      %get3A_694 = arith.index_cast %scan3A_627 : i32 to index
      %get3A_695 = arith.constant 32 : index
      %get3A_696 = tpu.vector_load %arg5[%get3A_694, %get3A_695] {strides = array<i32>} : memref<96x96xf32, #tpu.memory_space<vmem>>, vector<1x16xf32>,
      %get3A_697 = vector.shape_cast %get3A_696 : vector<1x16xf32> to vector<16xf32>
      %get3A_698 = arith.index_cast %scan3A_627 : i32 to index
      %get3A_699 = arith.constant 32 : index
      %get3A_700 = tpu.vector_load %arg9[%get3A_698, %get3A_699] {strides = array<i32>} : memref<96x96xf32, #tpu.memory_space<vmem>>, vector<1x16xf32>,
      %get3A_701 = vector.shape_cast %get3A_700 : vector<1x16xf32> to vector<16xf32>
      %sub3A_702 = arith.subf %get3A_697, %get3A_701 : vector<16xf32>
      %mul3A_703 = arith.mulf %sub3A_702, %sub3A_702 : vector<16xf32>
      %gt3A_704 = arith.constant 0.000000e+00 : f32
      %gt3A_705 = vector.broadcast %gt3A_704 : f32 to vector<16xf32>
      %gt3A_706 = arith.cmpf ogt, %get3A_701, %gt3A_705 : vector<16xf32>
      %jit3A_707 = arith.constant 0.000000e+00 : f32
      %broadcast_in_dim3A_708 = vector.broadcast %jit3A_707 : f32 to vector<16xf32>
      %select_n3A_709 = arith.select %gt3A_706, %mul3A_703, %broadcast_in_dim3A_708 : vector<16xi1>, vector<16xf32>
      %add3A_710 = arith.addf %add3A_678, %select_n3A_709 : vector<16xf32>
      %jit3A_711 = arith.constant 1.000000e+00 : f32
      %jit3A_712 = arith.constant 0.000000e+00 : f32
      %broadcast_in_dim3A_713 = vector.broadcast %jit3A_711 : f32 to vector<16xf32>
      %broadcast_in_dim3A_714 = vector.broadcast %jit3A_712 : f32 to vector<16xf32>
      %select_n3A_715 = arith.select %gt3A_706, %broadcast_in_dim3A_713, %broadcast_in_dim3A_714 : vector<16xi1>, vector<16xf32>
      %add3A_716 = arith.addf %add3A_684, %select_n3A_715 : vector<16xf32>
      %eq3A_717 = arith.constant 0.000000e+00 : f32
      %eq3A_718 = vector.broadcast %eq3A_717 : f32 to vector<16xf32>
      %eq3A_719 = arith.cmpf oeq, %get3A_701, %eq3A_718 : vector<16xf32>
      %jit3A_720 = arith.constant 0xFF800000 : f32
      %broadcast_in_dim3A_721 = vector.broadcast %jit3A_720 : f32 to vector<16xf32>
      %select_n3A_722 = arith.select %eq3A_719, %get3A_697, %broadcast_in_dim3A_721 : vector<16xi1>, vector<16xf32>
      %max3A_723 = arith.maximumf %max3A_691, %select_n3A_722 : vector<16xf32>
      %abs3A_724 = math.absf %get3A_701 : vector<16xf32>
      %min3A_725 = arith.minimumf %min3A_693, %abs3A_724 : vector<16xf32>
      %get3A_726 = arith.index_cast %scan3A_627 : i32 to index
      %get3A_727 = arith.constant 48 : index
      %get3A_728 = tpu.vector_load %arg5[%get3A_726, %get3A_727] {strides = array<i32>} : memref<96x96xf32, #tpu.memory_space<vmem>>, vector<1x16xf32>,
      %get3A_729 = vector.shape_cast %get3A_728 : vector<1x16xf32> to vector<16xf32>
      %get3A_730 = arith.index_cast %scan3A_627 : i32 to index
      %get3A_731 = arith.constant 48 : index
      %get3A_732 = tpu.vector_load %arg9[%get3A_730, %get3A_731] {strides = array<i32>} : memref<96x96xf32, #tpu.memory_space<vmem>>, vector<1x16xf32>,
      %get3A_733 = vector.shape_cast %get3A_732 : vector<1x16xf32> to vector<16xf32>
      %sub3A_734 = arith.subf %get3A_729, %get3A_733 : vector<16xf32>
      %mul3A_735 = arith.mulf %sub3A_734, %sub3A_734 : vector<16xf32>
      %gt3A_736 = arith.constant 0.000000e+00 : f32
      %gt3A_737 = vector.broadcast %gt3A_736 : f32 to vector<16xf32>
      %gt3A_738 = arith.cmpf ogt, %get3A_733, %gt3A_737 : vector<16xf32>
      %jit3A_739 = arith.constant 0.000000e+00 : f32
      %broadcast_in_dim3A_740 = vector.broadcast %jit3A_739 : f32 to vector<16xf32>
      %select_n3A_741 = arith.select %gt3A_738, %mul3A_735, %broadcast_in_dim3A_740 : vector<16xi1>, vector<16xf32>
      %add3A_742 = arith.addf %add3A_710, %select_n3A_741 : vector<16xf32>
      %jit3A_743 = arith.constant 1.000000e+00 : f32
      %jit3A_744 = arith.constant 0.000000e+00 : f32
      %broadcast_in_dim3A_745 = vector.broadcast %jit3A_743 : f32 to vector<16xf32>
      %broadcast_in_dim3A_746 = vector.broadcast %jit3A_744 : f32 to vector<16xf32>
      %select_n3A_747 = arith.select %gt3A_738, %broadcast_in_dim3A_745, %broadcast_in_dim3A_746 : vector<16xi1>, vector<16xf32>
      %add3A_748 = arith.addf %add3A_716, %select_n3A_747 : vector<16xf32>
      %eq3A_749 = arith.constant 0.000000e+00 : f32
      %eq3A_750 = vector.broadcast %eq3A_749 : f32 to vector<16xf32>
      %eq3A_751 = arith.cmpf oeq, %get3A_733, %eq3A_750 : vector<16xf32>
      %jit3A_752 = arith.constant 0xFF800000 : f32
      %broadcast_in_dim3A_753 = vector.broadcast %jit3A_752 : f32 to vector<16xf32>
      %select_n3A_754 = arith.select %eq3A_751, %get3A_729, %broadcast_in_dim3A_753 : vector<16xi1>, vector<16xf32>
      %max3A_755 = arith.maximumf %max3A_723, %select_n3A_754 : vector<16xf32>
      %abs3A_756 = math.absf %get3A_733 : vector<16xf32>
      %min3A_757 = arith.minimumf %min3A_725, %abs3A_756 : vector<16xf32>
      %get3A_758 = arith.index_cast %scan3A_627 : i32 to index
      %get3A_759 = arith.constant 64 : index
      %get3A_760 = tpu.vector_load %arg5[%get3A_758, %get3A_759] {strides = array<i32>} : memref<96x96xf32, #tpu.memory_space<vmem>>, vector<1x16xf32>,
      %get3A_761 = vector.shape_cast %get3A_760 : vector<1x16xf32> to vector<16xf32>
      %get3A_762 = arith.index_cast %scan3A_627 : i32 to index
      %get3A_763 = arith.constant 64 : index
      %get3A_764 = tpu.vector_load %arg9[%get3A_762, %get3A_763] {strides = array<i32>} : memref<96x96xf32, #tpu.memory_space<vmem>>, vector<1x16xf32>,
      %get3A_765 = vector.shape_cast %get3A_764 : vector<1x16xf32> to vector<16xf32>
      %sub3A_766 = arith.subf %get3A_761, %get3A_765 : vector<16xf32>
      %mul3A_767 = arith.mulf %sub3A_766, %sub3A_766 : vector<16xf32>
      %gt3A_768 = arith.constant 0.000000e+00 : f32
      %gt3A_769 = vector.broadcast %gt3A_768 : f32 to vector<16xf32>
      %gt3A_770 = arith.cmpf ogt, %get3A_765, %gt3A_769 : vector<16xf32>
      %jit3A_771 = arith.constant 0.000000e+00 : f32
      %broadcast_in_dim3A_772 = vector.broadcast %jit3A_771 : f32 to vector<16xf32>
      %select_n3A_773 = arith.select %gt3A_770, %mul3A_767, %broadcast_in_dim3A_772 : vector<16xi1>, vector<16xf32>
      %add3A_774 = arith.addf %add3A_742, %select_n3A_773 : vector<16xf32>
      %jit3A_775 = arith.constant 1.000000e+00 : f32
      %jit3A_776 = arith.constant 0.000000e+00 : f32
      %broadcast_in_dim3A_777 = vector.broadcast %jit3A_775 : f32 to vector<16xf32>
      %broadcast_in_dim3A_778 = vector.broadcast %jit3A_776 : f32 to vector<16xf32>
      %select_n3A_779 = arith.select %gt3A_770, %broadcast_in_dim3A_777, %broadcast_in_dim3A_778 : vector<16xi1>, vector<16xf32>
      %add3A_780 = arith.addf %add3A_748, %select_n3A_779 : vector<16xf32>
      %eq3A_781 = arith.constant 0.000000e+00 : f32
      %eq3A_782 = vector.broadcast %eq3A_781 : f32 to vector<16xf32>
      %eq3A_783 = arith.cmpf oeq, %get3A_765, %eq3A_782 : vector<16xf32>
      %jit3A_784 = arith.constant 0xFF800000 : f32
      %broadcast_in_dim3A_785 = vector.broadcast %jit3A_784 : f32 to vector<16xf32>
      %select_n3A_786 = arith.select %eq3A_783, %get3A_761, %broadcast_in_dim3A_785 : vector<16xi1>, vector<16xf32>
      %max3A_787 = arith.maximumf %max3A_755, %select_n3A_786 : vector<16xf32>
      %abs3A_788 = math.absf %get3A_765 : vector<16xf32>
      %min3A_789 = arith.minimumf %min3A_757, %abs3A_788 : vector<16xf32>
      %get3A_790 = arith.index_cast %scan3A_627 : i32 to index
      %get3A_791 = arith.constant 80 : index
      %get3A_792 = tpu.vector_load %arg5[%get3A_790, %get3A_791] {strides = array<i32>} : memref<96x96xf32, #tpu.memory_space<vmem>>, vector<1x16xf32>,
      %get3A_793 = vector.shape_cast %get3A_792 : vector<1x16xf32> to vector<16xf32>
      %get3A_794 = arith.index_cast %scan3A_627 : i32 to index
      %get3A_795 = arith.constant 80 : index
      %get3A_796 = tpu.vector_load %arg9[%get3A_794, %get3A_795] {strides = array<i32>} : memref<96x96xf32, #tpu.memory_space<vmem>>, vector<1x16xf32>,
      %get3A_797 = vector.shape_cast %get3A_796 : vector<1x16xf32> to vector<16xf32>
      %sub3A_798 = arith.subf %get3A_793, %get3A_797 : vector<16xf32>
      %mul3A_799 = arith.mulf %sub3A_798, %sub3A_798 : vector<16xf32>
      %gt3A_800 = arith.constant 0.000000e+00 : f32
      %gt3A_801 = vector.broadcast %gt3A_800 : f32 to vector<16xf32>
      %gt3A_802 = arith.cmpf ogt, %get3A_797, %gt3A_801 : vector<16xf32>
      %jit3A_803 = arith.constant 0.000000e+00 : f32
      %broadcast_in_dim3A_804 = vector.broadcast %jit3A_803 : f32 to vector<16xf32>
      %select_n3A_805 = arith.select %gt3A_802, %mul3A_799, %broadcast_in_dim3A_804 : vector<16xi1>, vector<16xf32>
      %add3A_806 = arith.addf %add3A_774, %select_n3A_805 : vector<16xf32>
      %jit3A_807 = arith.constant 1.000000e+00 : f32
      %jit3A_808 = arith.constant 0.000000e+00 : f32
      %broadcast_in_dim3A_809 = vector.broadcast %jit3A_807 : f32 to vector<16xf32>
      %broadcast_in_dim3A_810 = vector.broadcast %jit3A_808 : f32 to vector<16xf32>
      %select_n3A_811 = arith.select %gt3A_802, %broadcast_in_dim3A_809, %broadcast_in_dim3A_810 : vector<16xi1>, vector<16xf32>
      %add3A_812 = arith.addf %add3A_780, %select_n3A_811 : vector<16xf32>
      %eq3A_813 = arith.constant 0.000000e+00 : f32
      %eq3A_814 = vector.broadcast %eq3A_813 : f32 to vector<16xf32>
      %eq3A_815 = arith.cmpf oeq, %get3A_797, %eq3A_814 : vector<16xf32>
      %jit3A_816 = arith.constant 0xFF800000 : f32
      %broadcast_in_dim3A_817 = vector.broadcast %jit3A_816 : f32 to vector<16xf32>
      %select_n3A_818 = arith.select %eq3A_815, %get3A_793, %broadcast_in_dim3A_817 : vector<16xi1>, vector<16xf32>
      %max3A_819 = arith.maximumf %max3A_787, %select_n3A_818 : vector<16xf32>
      %abs3A_820 = math.absf %get3A_797 : vector<16xf32>
      %min3A_821 = arith.minimumf %min3A_789, %abs3A_820 : vector<16xf32>
      scf.yield %add3A_806, %add3A_812, %max3A_819, %min3A_821 : vector<16xf32>, vector<16xf32>, vector<16xf32>, vector<16xf32>
    }
    %scan3A_435 = arith.constant 96 : i32
    %mul3A_436 = arith.constant 16 : i32
    %mul3A_437 = arith.muli %select_n3A_429, %mul3A_436 : i32
    %add3A_438 = arith.constant 0 : i32
    %add3A_439 = arith.addi %add3A_438, %mul3A_437 : i32
    %mul3A_440 = arith.constant 16 : i32
    %mul3A_441 = arith.muli %select_n3A_429, %mul3A_440 : i32
    %add3A_442 = arith.constant 272 : i32
    %add3A_443 = arith.addi %add3A_442, %mul3A_441 : i32
    %mul3A_444 = arith.constant 16 : i32
    %mul3A_445 = arith.muli %select_n3A_429, %mul3A_444 : i32
    %add3A_446 = arith.constant 544 : i32
    %add3A_447 = arith.addi %add3A_446, %mul3A_445 : i32
    %mul3A_448 = arith.constant 16 : i32
    %mul3A_449 = arith.muli %select_n3A_429, %mul3A_448 : i32
    %add3A_450 = arith.constant 816 : i32
    %add3A_451 = arith.addi %add3A_450, %mul3A_449 : i32
    %get3A = arith.index_cast %add3A_439 : i32 to index
    %get3A_452 = tpu.vector_load %arg13[%get3A] {strides = array<i32>} : memref<1088xf32, #tpu.memory_space<vmem>>, vector<16xf32>,
    %get3A_453 = vector.shape_cast %get3A_452 : vector<16xf32> to vector<16xf32>
    %add3A_454 = arith.addf %get3A_453, %scan3A_434#0 : vector<16xf32>
    %swap3A_455 = arith.index_cast %add3A_439 : i32 to index
    %swap3A_456 = tpu.vector_load %arg13[%swap3A_455] {strides = array<i32>} : memref<1088xf32, #tpu.memory_space<vmem>>, vector<16xf32>,
    %swap3A_457 = vector.shape_cast %swap3A_456 : vector<16xf32> to vector<16xf32>
    %swap3A_458 = vector.shape_cast %add3A_454 : vector<16xf32> to vector<16xf32>
    tpu.vector_store %arg13[%swap3A_455], %swap3A_458 {strides = array<i32>} : memref<1088xf32, #tpu.memory_space<vmem>>, vector<16xf32>,
    %get3A_459 = arith.index_cast %add3A_443 : i32 to index
    %get3A_460 = tpu.vector_load %arg13[%get3A_459] {strides = array<i32>} : memref<1088xf32, #tpu.memory_space<vmem>>, vector<16xf32>,
    %get3A_461 = vector.shape_cast %get3A_460 : vector<16xf32> to vector<16xf32>
    %add3A_462 = arith.addf %get3A_461, %scan3A_434#1 : vector<16xf32>
    %swap3A_463 = arith.index_cast %add3A_443 : i32 to index
    %swap3A_464 = tpu.vector_load %arg13[%swap3A_463] {strides = array<i32>} : memref<1088xf32, #tpu.memory_space<vmem>>, vector<16xf32>,
    %swap3A_465 = vector.shape_cast %swap3A_464 : vector<16xf32> to vector<16xf32>
    %swap3A_466 = vector.shape_cast %add3A_462 : vector<16xf32> to vector<16xf32>
    tpu.vector_store %arg13[%swap3A_463], %swap3A_466 {strides = array<i32>} : memref<1088xf32, #tpu.memory_space<vmem>>, vector<16xf32>,
    %get3A_467 = arith.index_cast %add3A_447 : i32 to index
    %get3A_468 = tpu.vector_load %arg13[%get3A_467] {strides = array<i32>} : memref<1088xf32, #tpu.memory_space<vmem>>, vector<16xf32>,
    %get3A_469 = vector.shape_cast %get3A_468 : vector<16xf32> to vector<16xf32>
    %max3A = arith.maximumf %get3A_469, %scan3A_434#2 : vector<16xf32>
    %swap3A_470 = arith.index_cast %add3A_447 : i32 to index
    %swap3A_471 = tpu.vector_load %arg13[%swap3A_470] {strides = array<i32>} : memref<1088xf32, #tpu.memory_space<vmem>>, vector<16xf32>,
    %swap3A_472 = vector.shape_cast %swap3A_471 : vector<16xf32> to vector<16xf32>
    %swap3A_473 = vector.shape_cast %max3A : vector<16xf32> to vector<16xf32>
    tpu.vector_store %arg13[%swap3A_470], %swap3A_473 {strides = array<i32>} : memref<1088xf32, #tpu.memory_space<vmem>>, vector<16xf32>,
    %get3A_474 = arith.index_cast %add3A_451 : i32 to index
    %get3A_475 = tpu.vector_load %arg13[%get3A_474] {strides = array<i32>} : memref<1088xf32, #tpu.memory_space<vmem>>, vector<16xf32>,
    %get3A_476 = vector.shape_cast %get3A_475 : vector<16xf32> to vector<16xf32>
    %min3A = arith.minimumf %get3A_476, %scan3A_434#3 : vector<16xf32>
    %swap3A_477 = arith.index_cast %add3A_451 : i32 to index
    %swap3A_478 = tpu.vector_load %arg13[%swap3A_477] {strides = array<i32>} : memref<1088xf32, #tpu.memory_space<vmem>>, vector<16xf32>,
    %swap3A_479 = vector.shape_cast %swap3A_478 : vector<16xf32> to vector<16xf32>
    %swap3A_480 = vector.shape_cast %min3A : vector<16xf32> to vector<16xf32>
    tpu.vector_store %arg13[%swap3A_477], %swap3A_480 {strides = array<i32>} : memref<1088xf32, #tpu.memory_space<vmem>>, vector<16xf32>,
    %add3A_481 = arith.constant 32 : i32
    %add3A_482 = arith.constant 4 : i32
    %add3A_483 = arith.addi %add3A_481, %add3A_482 : i32
    %lt3A_484 = arith.constant 34 : i32
    %lt3A_485 = arith.cmpi slt, %add3A_483, %lt3A_484 : i32
    %convert_element_type3A = arith.extui %lt3A_485 : i1 to i32
    %cond3A = arith.constant 32 : i32
    %cond3A_486 = arith.constant 0 : i32
    %cond3A_487 = arith.cmpi ne, %convert_element_type3A, %cond3A_486 : i32
    scf.if %cond3A_487 {
      %add3A_627 = arith.constant 4 : i32
      %add3A_628 = arith.addi %cond3A, %add3A_627 : i32
      %jit3A_629 = arith.constant 17 : i32
      %div3A_630 = arith.divsi %add3A_628, %jit3A_629 : i32
      %sign3A_631 = arith.constant 0 : i32
      %sign3A_632 = arith.cmpi sgt, %add3A_628, %sign3A_631 : i32
      %sign3A_633 = arith.extui %sign3A_632 : i1 to i32
      %sign3A_634 = arith.constant 0 : i32
      %sign3A_635 = arith.cmpi slt, %add3A_628, %sign3A_634 : i32
      %sign3A_636 = arith.extui %sign3A_635 : i1 to i32
      %sign3A_637 = arith.subi %sign3A_633, %sign3A_636 : i32
      %sign3A_638 = arith.constant 0 : i32
      %sign3A_639 = arith.cmpi sgt, %jit3A_629, %sign3A_638 : i32
      %sign3A_640 = arith.extui %sign3A_639 : i1 to i32
      %sign3A_641 = arith.constant 0 : i32
      %sign3A_642 = arith.cmpi slt, %jit3A_629, %sign3A_641 : i32
      %sign3A_643 = arith.extui %sign3A_642 : i1 to i32
      %sign3A_644 = arith.subi %sign3A_640, %sign3A_643 : i32
      %ne3A_645 = arith.cmpi ne, %sign3A_637, %sign3A_644 : i32
      %rem3A_646 = arith.remsi %add3A_628, %jit3A_629 : i32
      %ne3A_647 = arith.constant 0 : i32
      %ne3A_648 = arith.cmpi ne, %rem3A_646, %ne3A_647 : i32
      %and3A_649 = arith.andi %ne3A_645, %ne3A_648 : i1
      %sub3A_650 = arith.constant 1 : i32
      %sub3A_651 = arith.subi %div3A_630, %sub3A_650 : i32
      %select_n3A_652 = arith.select %and3A_649, %sub3A_651, %div3A_630 : i32
      %add3A_653 = arith.addi %add3A_4, %select_n3A_652 : i32
      %jit3A_654 = arith.constant 17 : i32
      %eq3A_655 = arith.constant 0 : i32
      %eq3A_656 = arith.cmpi eq, %jit3A_654, %eq3A_655 : i32
      %jit3A_657 = arith.constant 1 : i32
      %select_n3A_658 = arith.select %eq3A_656, %jit3A_657, %jit3A_654 : i32
      %rem3A_659 = arith.remsi %add3A_628, %select_n3A_658 : i32
      %ne3A_660 = arith.constant 0 : i32
      %ne3A_661 = arith.cmpi ne, %rem3A_659, %ne3A_660 : i32
      %lt3A_662 = arith.constant 0 : i32
      %lt3A_663 = arith.cmpi slt, %rem3A_659, %lt3A_662 : i32
      %lt3A_664 = arith.constant 0 : i32
      %lt3A_665 = arith.cmpi slt, %select_n3A_658, %lt3A_664 : i32
      %ne3A_666 = arith.xori %lt3A_663, %lt3A_665 : i1
      %and3A_667 = arith.andi %ne3A_666, %ne3A_661 : i1
      %add3A_668 = arith.addi %rem3A_659, %select_n3A_658 : i32
      %select_n3A_669 = arith.select %and3A_667, %add3A_668, %rem3A_659 : i32
      %dma_start3A_670 = arith.constant 0 : i32
      %dma_start3A_671 = arith.constant 0 : i32
      %dma_start3A_672 = tpu.memref_slice %arg2[%add3A_653, %select_n3A_669, %dma_start3A_670, %dma_start3A_671] : memref<128x17x96x96xf32, #tpu.memory_space<hbm>> -> memref<1x1x96x96xf32, #tpu.memory_space<hbm>>
      %dma_start3A_673 = tpu.memref_squeeze %dma_start3A_672 : memref<1x1x96x96xf32, #tpu.memory_space<hbm>> -> memref<96x96xf32, #tpu.memory_space<hbm>>
      %dma_start3A_674 = arith.constant 0 : i32
      %dma_start3A_675 = arith.constant 0 : i32
      %dma_start3A_676 = tpu.memref_slice %arg2[%add3A_653, %select_n3A_669, %dma_start3A_674, %dma_start3A_675] : memref<128x17x96x96xf32, #tpu.memory_space<hbm>> -> memref<1x1x96x96xf32, #tpu.memory_space<hbm>>
      %dma_start3A_677 = tpu.memref_squeeze %dma_start3A_676 : memref<1x1x96x96xf32, #tpu.memory_space<hbm>> -> memref<96x96xf32, #tpu.memory_space<hbm>>
      tpu.enqueue_dma source(%dma_start3A_677 : memref<96x96xf32, #tpu.memory_space<hbm>>) target(%arg5 : memref<96x96xf32, #tpu.memory_space<vmem>>) target_semaphore(%arg14 : memref<!tpu.dma_semaphore, #tpu.memory_space<semaphore_mem>>)
      %dma_start3A_678 = arith.constant 0 : i32
      %dma_start3A_679 = arith.constant 0 : i32
      %dma_start3A_680 = tpu.memref_slice %arg3[%add3A_653, %select_n3A_669, %dma_start3A_678, %dma_start3A_679] : memref<128x17x96x96xf32, #tpu.memory_space<hbm>> -> memref<1x1x96x96xf32, #tpu.memory_space<hbm>>
      %dma_start3A_681 = tpu.memref_squeeze %dma_start3A_680 : memref<1x1x96x96xf32, #tpu.memory_space<hbm>> -> memref<96x96xf32, #tpu.memory_space<hbm>>
      %dma_start3A_682 = arith.constant 0 : i32
      %dma_start3A_683 = arith.constant 0 : i32
      %dma_start3A_684 = tpu.memref_slice %arg3[%add3A_653, %select_n3A_669, %dma_start3A_682, %dma_start3A_683] : memref<128x17x96x96xf32, #tpu.memory_space<hbm>> -> memref<1x1x96x96xf32, #tpu.memory_space<hbm>>
      %dma_start3A_685 = tpu.memref_squeeze %dma_start3A_684 : memref<1x1x96x96xf32, #tpu.memory_space<hbm>> -> memref<96x96xf32, #tpu.memory_space<hbm>>
      tpu.enqueue_dma source(%dma_start3A_685 : memref<96x96xf32, #tpu.memory_space<hbm>>) target(%arg9 : memref<96x96xf32, #tpu.memory_space<vmem>>) target_semaphore(%arg18 : memref<!tpu.dma_semaphore, #tpu.memory_space<semaphore_mem>>)
    } else {
    }
    %jit3A_488 = arith.constant 33 : i32
    %jit3A_489 = arith.constant 17 : i32
    %div3A_490 = arith.divsi %jit3A_488, %jit3A_489 : i32
    %sign3A_491 = arith.constant 0 : i32
    %sign3A_492 = arith.cmpi sgt, %jit3A_488, %sign3A_491 : i32
    %sign3A_493 = arith.extui %sign3A_492 : i1 to i32
    %sign3A_494 = arith.constant 0 : i32
    %sign3A_495 = arith.cmpi slt, %jit3A_488, %sign3A_494 : i32
    %sign3A_496 = arith.extui %sign3A_495 : i1 to i32
    %sign3A_497 = arith.subi %sign3A_493, %sign3A_496 : i32
    %sign3A_498 = arith.constant 0 : i32
    %sign3A_499 = arith.cmpi sgt, %jit3A_489, %sign3A_498 : i32
    %sign3A_500 = arith.extui %sign3A_499 : i1 to i32
    %sign3A_501 = arith.constant 0 : i32
    %sign3A_502 = arith.cmpi slt, %jit3A_489, %sign3A_501 : i32
    %sign3A_503 = arith.extui %sign3A_502 : i1 to i32
    %sign3A_504 = arith.subi %sign3A_500, %sign3A_503 : i32
    %ne3A_505 = arith.cmpi ne, %sign3A_497, %sign3A_504 : i32
    %rem3A_506 = arith.remsi %jit3A_488, %jit3A_489 : i32
    %ne3A_507 = arith.constant 0 : i32
    %ne3A_508 = arith.cmpi ne, %rem3A_506, %ne3A_507 : i32
    %and3A_509 = arith.andi %ne3A_505, %ne3A_508 : i1
    %sub3A_510 = arith.constant 1 : i32
    %sub3A_511 = arith.subi %div3A_490, %sub3A_510 : i32
    %select_n3A_512 = arith.select %and3A_509, %sub3A_511, %div3A_490 : i32
    %add3A_513 = arith.addi %add3A_4, %select_n3A_512 : i32
    %jit3A_514 = arith.constant 33 : i32
    %jit3A_515 = arith.constant 17 : i32
    %eq3A_516 = arith.constant 0 : i32
    %eq3A_517 = arith.cmpi eq, %jit3A_515, %eq3A_516 : i32
    %jit3A_518 = arith.constant 1 : i32
    %select_n3A_519 = arith.select %eq3A_517, %jit3A_518, %jit3A_515 : i32
    %rem3A_520 = arith.remsi %jit3A_514, %select_n3A_519 : i32
    %ne3A_521 = arith.constant 0 : i32
    %ne3A_522 = arith.cmpi ne, %rem3A_520, %ne3A_521 : i32
    %lt3A_523 = arith.constant 0 : i32
    %lt3A_524 = arith.cmpi slt, %rem3A_520, %lt3A_523 : i32
    %lt3A_525 = arith.constant 0 : i32
    %lt3A_526 = arith.cmpi slt, %select_n3A_519, %lt3A_525 : i32
    %ne3A_527 = arith.xori %lt3A_524, %lt3A_526 : i1
    %and3A_528 = arith.andi %ne3A_527, %ne3A_522 : i1
    %add3A_529 = arith.addi %rem3A_520, %select_n3A_519 : i32
    %select_n3A_530 = arith.select %and3A_528, %add3A_529, %rem3A_520 : i32
    %dma_wait3A_531 = arith.constant 0 : i32
    %dma_wait3A_532 = arith.constant 0 : i32
    %dma_wait3A_533 = tpu.memref_slice %arg2[%add3A_513, %select_n3A_530, %dma_wait3A_531, %dma_wait3A_532] : memref<128x17x96x96xf32, #tpu.memory_space<hbm>> -> memref<1x1x96x96xf32, #tpu.memory_space<hbm>>
    %dma_wait3A_534 = tpu.memref_squeeze %dma_wait3A_533 : memref<1x1x96x96xf32, #tpu.memory_space<hbm>> -> memref<96x96xf32, #tpu.memory_space<hbm>>
    %dma_wait3A_535 = arith.constant 0 : i32
    %dma_wait3A_536 = arith.constant 0 : i32
    %dma_wait3A_537 = tpu.memref_slice %arg2[%add3A_513, %select_n3A_530, %dma_wait3A_535, %dma_wait3A_536] : memref<128x17x96x96xf32, #tpu.memory_space<hbm>> -> memref<1x1x96x96xf32, #tpu.memory_space<hbm>>
    %dma_wait3A_538 = tpu.memref_squeeze %dma_wait3A_537 : memref<1x1x96x96xf32, #tpu.memory_space<hbm>> -> memref<96x96xf32, #tpu.memory_space<hbm>>
    tpu.wait_dma2 semaphore(%arg15 : memref<!tpu.dma_semaphore, #tpu.memory_space<semaphore_mem>>) src(%dma_wait3A_538 : memref<96x96xf32, #tpu.memory_space<hbm>>) dst(%arg6 : memref<96x96xf32, #tpu.memory_space<vmem>>)
    %dma_wait3A_539 = arith.constant 0 : i32
    %dma_wait3A_540 = arith.constant 0 : i32
    %dma_wait3A_541 = tpu.memref_slice %arg3[%add3A_513, %select_n3A_530, %dma_wait3A_539, %dma_wait3A_540] : memref<128x17x96x96xf32, #tpu.memory_space<hbm>> -> memref<1x1x96x96xf32, #tpu.memory_space<hbm>>
    %dma_wait3A_542 = tpu.memref_squeeze %dma_wait3A_541 : memref<1x1x96x96xf32, #tpu.memory_space<hbm>> -> memref<96x96xf32, #tpu.memory_space<hbm>>
    %dma_wait3A_543 = arith.constant 0 : i32
    %dma_wait3A_544 = arith.constant 0 : i32
    %dma_wait3A_545 = tpu.memref_slice %arg3[%add3A_513, %select_n3A_530, %dma_wait3A_543, %dma_wait3A_544] : memref<128x17x96x96xf32, #tpu.memory_space<hbm>> -> memref<1x1x96x96xf32, #tpu.memory_space<hbm>>
    %dma_wait3A_546 = tpu.memref_squeeze %dma_wait3A_545 : memref<1x1x96x96xf32, #tpu.memory_space<hbm>> -> memref<96x96xf32, #tpu.memory_space<hbm>>
    tpu.wait_dma2 semaphore(%arg19 : memref<!tpu.dma_semaphore, #tpu.memory_space<semaphore_mem>>) src(%dma_wait3A_546 : memref<96x96xf32, #tpu.memory_space<hbm>>) dst(%arg10 : memref<96x96xf32, #tpu.memory_space<vmem>>)
    %jit3A_547 = arith.constant 33 : i32
    %jit3A_548 = arith.constant 17 : i32
    %eq3A_549 = arith.constant 0 : i32
    %eq3A_550 = arith.cmpi eq, %jit3A_548, %eq3A_549 : i32
    %jit3A_551 = arith.constant 1 : i32
    %select_n3A_552 = arith.select %eq3A_550, %jit3A_551, %jit3A_548 : i32
    %rem3A_553 = arith.remsi %jit3A_547, %select_n3A_552 : i32
    %ne3A_554 = arith.constant 0 : i32
    %ne3A_555 = arith.cmpi ne, %rem3A_553, %ne3A_554 : i32
    %lt3A_556 = arith.constant 0 : i32
    %lt3A_557 = arith.cmpi slt, %rem3A_553, %lt3A_556 : i32
    %lt3A_558 = arith.constant 0 : i32
    %lt3A_559 = arith.cmpi slt, %select_n3A_552, %lt3A_558 : i32
    %ne3A_560 = arith.xori %lt3A_557, %lt3A_559 : i1
    %and3A_561 = arith.andi %ne3A_560, %ne3A_555 : i1
    %add3A_562 = arith.addi %rem3A_553, %select_n3A_552 : i32
    %select_n3A_563 = arith.select %and3A_561, %add3A_562, %rem3A_553 : i32
    %scan3A_564 = arith.constant 0 : i32
    %scan3A_565 = arith.constant 96 : i32
    %scan3A_566 = arith.addi %scan3A_564, %scan3A_565 : i32
    %scan3A_567 = arith.constant 1 : i32
    %scan3A_568:4 = scf.for %scan3A_627 = %scan3A_564 to %scan3A_566 step %scan3A_567 iter_args(%scan3A_628 = %broadcast_in_dim3A_5, %scan3A_629 = %broadcast_in_dim3A_5, %scan3A_630 = %broadcast_in_dim3A_7, %scan3A_631 = %broadcast_in_dim3A_9) -> (vector<16xf32>, vector<16xf32>, vector<16xf32>, vector<16xf32>)  : i32 {
      %get3A_632 = arith.index_cast %scan3A_627 : i32 to index
      %get3A_633 = arith.constant 0 : index
      %get3A_634 = tpu.vector_load %arg6[%get3A_632, %get3A_633] {strides = array<i32>} : memref<96x96xf32, #tpu.memory_space<vmem>>, vector<1x16xf32>,
      %get3A_635 = vector.shape_cast %get3A_634 : vector<1x16xf32> to vector<16xf32>
      %get3A_636 = arith.index_cast %scan3A_627 : i32 to index
      %get3A_637 = arith.constant 0 : index
      %get3A_638 = tpu.vector_load %arg10[%get3A_636, %get3A_637] {strides = array<i32>} : memref<96x96xf32, #tpu.memory_space<vmem>>, vector<1x16xf32>,
      %get3A_639 = vector.shape_cast %get3A_638 : vector<1x16xf32> to vector<16xf32>
      %sub3A_640 = arith.subf %get3A_635, %get3A_639 : vector<16xf32>
      %mul3A_641 = arith.mulf %sub3A_640, %sub3A_640 : vector<16xf32>
      %gt3A = arith.constant 0.000000e+00 : f32
      %gt3A_642 = vector.broadcast %gt3A : f32 to vector<16xf32>
      %gt3A_643 = arith.cmpf ogt, %get3A_639, %gt3A_642 : vector<16xf32>
      %jit3A_644 = arith.constant 0.000000e+00 : f32
      %broadcast_in_dim3A_645 = vector.broadcast %jit3A_644 : f32 to vector<16xf32>
      %select_n3A_646 = arith.select %gt3A_643, %mul3A_641, %broadcast_in_dim3A_645 : vector<16xi1>, vector<16xf32>
      %add3A_647 = arith.addf %scan3A_628, %select_n3A_646 : vector<16xf32>
      %jit3A_648 = arith.constant 1.000000e+00 : f32
      %jit3A_649 = arith.constant 0.000000e+00 : f32
      %broadcast_in_dim3A_650 = vector.broadcast %jit3A_648 : f32 to vector<16xf32>
      %broadcast_in_dim3A_651 = vector.broadcast %jit3A_649 : f32 to vector<16xf32>
      %select_n3A_652 = arith.select %gt3A_643, %broadcast_in_dim3A_650, %broadcast_in_dim3A_651 : vector<16xi1>, vector<16xf32>
      %add3A_653 = arith.addf %scan3A_629, %select_n3A_652 : vector<16xf32>
      %eq3A_654 = arith.constant 0.000000e+00 : f32
      %eq3A_655 = vector.broadcast %eq3A_654 : f32 to vector<16xf32>
      %eq3A_656 = arith.cmpf oeq, %get3A_639, %eq3A_655 : vector<16xf32>
      %jit3A_657 = arith.constant 0xFF800000 : f32
      %broadcast_in_dim3A_658 = vector.broadcast %jit3A_657 : f32 to vector<16xf32>
      %select_n3A_659 = arith.select %eq3A_656, %get3A_635, %broadcast_in_dim3A_658 : vector<16xi1>, vector<16xf32>
      %max3A_660 = arith.maximumf %scan3A_630, %select_n3A_659 : vector<16xf32>
      %abs3A = math.absf %get3A_639 : vector<16xf32>
      %min3A_661 = arith.minimumf %scan3A_631, %abs3A : vector<16xf32>
      %get3A_662 = arith.index_cast %scan3A_627 : i32 to index
      %get3A_663 = arith.constant 16 : index
      %get3A_664 = tpu.vector_load %arg6[%get3A_662, %get3A_663] {strides = array<i32>} : memref<96x96xf32, #tpu.memory_space<vmem>>, vector<1x16xf32>,
      %get3A_665 = vector.shape_cast %get3A_664 : vector<1x16xf32> to vector<16xf32>
      %get3A_666 = arith.index_cast %scan3A_627 : i32 to index
      %get3A_667 = arith.constant 16 : index
      %get3A_668 = tpu.vector_load %arg10[%get3A_666, %get3A_667] {strides = array<i32>} : memref<96x96xf32, #tpu.memory_space<vmem>>, vector<1x16xf32>,
      %get3A_669 = vector.shape_cast %get3A_668 : vector<1x16xf32> to vector<16xf32>
      %sub3A_670 = arith.subf %get3A_665, %get3A_669 : vector<16xf32>
      %mul3A_671 = arith.mulf %sub3A_670, %sub3A_670 : vector<16xf32>
      %gt3A_672 = arith.constant 0.000000e+00 : f32
      %gt3A_673 = vector.broadcast %gt3A_672 : f32 to vector<16xf32>
      %gt3A_674 = arith.cmpf ogt, %get3A_669, %gt3A_673 : vector<16xf32>
      %jit3A_675 = arith.constant 0.000000e+00 : f32
      %broadcast_in_dim3A_676 = vector.broadcast %jit3A_675 : f32 to vector<16xf32>
      %select_n3A_677 = arith.select %gt3A_674, %mul3A_671, %broadcast_in_dim3A_676 : vector<16xi1>, vector<16xf32>
      %add3A_678 = arith.addf %add3A_647, %select_n3A_677 : vector<16xf32>
      %jit3A_679 = arith.constant 1.000000e+00 : f32
      %jit3A_680 = arith.constant 0.000000e+00 : f32
      %broadcast_in_dim3A_681 = vector.broadcast %jit3A_679 : f32 to vector<16xf32>
      %broadcast_in_dim3A_682 = vector.broadcast %jit3A_680 : f32 to vector<16xf32>
      %select_n3A_683 = arith.select %gt3A_674, %broadcast_in_dim3A_681, %broadcast_in_dim3A_682 : vector<16xi1>, vector<16xf32>
      %add3A_684 = arith.addf %add3A_653, %select_n3A_683 : vector<16xf32>
      %eq3A_685 = arith.constant 0.000000e+00 : f32
      %eq3A_686 = vector.broadcast %eq3A_685 : f32 to vector<16xf32>
      %eq3A_687 = arith.cmpf oeq, %get3A_669, %eq3A_686 : vector<16xf32>
      %jit3A_688 = arith.constant 0xFF800000 : f32
      %broadcast_in_dim3A_689 = vector.broadcast %jit3A_688 : f32 to vector<16xf32>
      %select_n3A_690 = arith.select %eq3A_687, %get3A_665, %broadcast_in_dim3A_689 : vector<16xi1>, vector<16xf32>
      %max3A_691 = arith.maximumf %max3A_660, %select_n3A_690 : vector<16xf32>
      %abs3A_692 = math.absf %get3A_669 : vector<16xf32>
      %min3A_693 = arith.minimumf %min3A_661, %abs3A_692 : vector<16xf32>
      %get3A_694 = arith.index_cast %scan3A_627 : i32 to index
      %get3A_695 = arith.constant 32 : index
      %get3A_696 = tpu.vector_load %arg6[%get3A_694, %get3A_695] {strides = array<i32>} : memref<96x96xf32, #tpu.memory_space<vmem>>, vector<1x16xf32>,
      %get3A_697 = vector.shape_cast %get3A_696 : vector<1x16xf32> to vector<16xf32>
      %get3A_698 = arith.index_cast %scan3A_627 : i32 to index
      %get3A_699 = arith.constant 32 : index
      %get3A_700 = tpu.vector_load %arg10[%get3A_698, %get3A_699] {strides = array<i32>} : memref<96x96xf32, #tpu.memory_space<vmem>>, vector<1x16xf32>,
      %get3A_701 = vector.shape_cast %get3A_700 : vector<1x16xf32> to vector<16xf32>
      %sub3A_702 = arith.subf %get3A_697, %get3A_701 : vector<16xf32>
      %mul3A_703 = arith.mulf %sub3A_702, %sub3A_702 : vector<16xf32>
      %gt3A_704 = arith.constant 0.000000e+00 : f32
      %gt3A_705 = vector.broadcast %gt3A_704 : f32 to vector<16xf32>
      %gt3A_706 = arith.cmpf ogt, %get3A_701, %gt3A_705 : vector<16xf32>
      %jit3A_707 = arith.constant 0.000000e+00 : f32
      %broadcast_in_dim3A_708 = vector.broadcast %jit3A_707 : f32 to vector<16xf32>
      %select_n3A_709 = arith.select %gt3A_706, %mul3A_703, %broadcast_in_dim3A_708 : vector<16xi1>, vector<16xf32>
      %add3A_710 = arith.addf %add3A_678, %select_n3A_709 : vector<16xf32>
      %jit3A_711 = arith.constant 1.000000e+00 : f32
      %jit3A_712 = arith.constant 0.000000e+00 : f32
      %broadcast_in_dim3A_713 = vector.broadcast %jit3A_711 : f32 to vector<16xf32>
      %broadcast_in_dim3A_714 = vector.broadcast %jit3A_712 : f32 to vector<16xf32>
      %select_n3A_715 = arith.select %gt3A_706, %broadcast_in_dim3A_713, %broadcast_in_dim3A_714 : vector<16xi1>, vector<16xf32>
      %add3A_716 = arith.addf %add3A_684, %select_n3A_715 : vector<16xf32>
      %eq3A_717 = arith.constant 0.000000e+00 : f32
      %eq3A_718 = vector.broadcast %eq3A_717 : f32 to vector<16xf32>
      %eq3A_719 = arith.cmpf oeq, %get3A_701, %eq3A_718 : vector<16xf32>
      %jit3A_720 = arith.constant 0xFF800000 : f32
      %broadcast_in_dim3A_721 = vector.broadcast %jit3A_720 : f32 to vector<16xf32>
      %select_n3A_722 = arith.select %eq3A_719, %get3A_697, %broadcast_in_dim3A_721 : vector<16xi1>, vector<16xf32>
      %max3A_723 = arith.maximumf %max3A_691, %select_n3A_722 : vector<16xf32>
      %abs3A_724 = math.absf %get3A_701 : vector<16xf32>
      %min3A_725 = arith.minimumf %min3A_693, %abs3A_724 : vector<16xf32>
      %get3A_726 = arith.index_cast %scan3A_627 : i32 to index
      %get3A_727 = arith.constant 48 : index
      %get3A_728 = tpu.vector_load %arg6[%get3A_726, %get3A_727] {strides = array<i32>} : memref<96x96xf32, #tpu.memory_space<vmem>>, vector<1x16xf32>,
      %get3A_729 = vector.shape_cast %get3A_728 : vector<1x16xf32> to vector<16xf32>
      %get3A_730 = arith.index_cast %scan3A_627 : i32 to index
      %get3A_731 = arith.constant 48 : index
      %get3A_732 = tpu.vector_load %arg10[%get3A_730, %get3A_731] {strides = array<i32>} : memref<96x96xf32, #tpu.memory_space<vmem>>, vector<1x16xf32>,
      %get3A_733 = vector.shape_cast %get3A_732 : vector<1x16xf32> to vector<16xf32>
      %sub3A_734 = arith.subf %get3A_729, %get3A_733 : vector<16xf32>
      %mul3A_735 = arith.mulf %sub3A_734, %sub3A_734 : vector<16xf32>
      %gt3A_736 = arith.constant 0.000000e+00 : f32
      %gt3A_737 = vector.broadcast %gt3A_736 : f32 to vector<16xf32>
      %gt3A_738 = arith.cmpf ogt, %get3A_733, %gt3A_737 : vector<16xf32>
      %jit3A_739 = arith.constant 0.000000e+00 : f32
      %broadcast_in_dim3A_740 = vector.broadcast %jit3A_739 : f32 to vector<16xf32>
      %select_n3A_741 = arith.select %gt3A_738, %mul3A_735, %broadcast_in_dim3A_740 : vector<16xi1>, vector<16xf32>
      %add3A_742 = arith.addf %add3A_710, %select_n3A_741 : vector<16xf32>
      %jit3A_743 = arith.constant 1.000000e+00 : f32
      %jit3A_744 = arith.constant 0.000000e+00 : f32
      %broadcast_in_dim3A_745 = vector.broadcast %jit3A_743 : f32 to vector<16xf32>
      %broadcast_in_dim3A_746 = vector.broadcast %jit3A_744 : f32 to vector<16xf32>
      %select_n3A_747 = arith.select %gt3A_738, %broadcast_in_dim3A_745, %broadcast_in_dim3A_746 : vector<16xi1>, vector<16xf32>
      %add3A_748 = arith.addf %add3A_716, %select_n3A_747 : vector<16xf32>
      %eq3A_749 = arith.constant 0.000000e+00 : f32
      %eq3A_750 = vector.broadcast %eq3A_749 : f32 to vector<16xf32>
      %eq3A_751 = arith.cmpf oeq, %get3A_733, %eq3A_750 : vector<16xf32>
      %jit3A_752 = arith.constant 0xFF800000 : f32
      %broadcast_in_dim3A_753 = vector.broadcast %jit3A_752 : f32 to vector<16xf32>
      %select_n3A_754 = arith.select %eq3A_751, %get3A_729, %broadcast_in_dim3A_753 : vector<16xi1>, vector<16xf32>
      %max3A_755 = arith.maximumf %max3A_723, %select_n3A_754 : vector<16xf32>
      %abs3A_756 = math.absf %get3A_733 : vector<16xf32>
      %min3A_757 = arith.minimumf %min3A_725, %abs3A_756 : vector<16xf32>
      %get3A_758 = arith.index_cast %scan3A_627 : i32 to index
      %get3A_759 = arith.constant 64 : index
      %get3A_760 = tpu.vector_load %arg6[%get3A_758, %get3A_759] {strides = array<i32>} : memref<96x96xf32, #tpu.memory_space<vmem>>, vector<1x16xf32>,
      %get3A_761 = vector.shape_cast %get3A_760 : vector<1x16xf32> to vector<16xf32>
      %get3A_762 = arith.index_cast %scan3A_627 : i32 to index
      %get3A_763 = arith.constant 64 : index
      %get3A_764 = tpu.vector_load %arg10[%get3A_762, %get3A_763] {strides = array<i32>} : memref<96x96xf32, #tpu.memory_space<vmem>>, vector<1x16xf32>,
      %get3A_765 = vector.shape_cast %get3A_764 : vector<1x16xf32> to vector<16xf32>
      %sub3A_766 = arith.subf %get3A_761, %get3A_765 : vector<16xf32>
      %mul3A_767 = arith.mulf %sub3A_766, %sub3A_766 : vector<16xf32>
      %gt3A_768 = arith.constant 0.000000e+00 : f32
      %gt3A_769 = vector.broadcast %gt3A_768 : f32 to vector<16xf32>
      %gt3A_770 = arith.cmpf ogt, %get3A_765, %gt3A_769 : vector<16xf32>
      %jit3A_771 = arith.constant 0.000000e+00 : f32
      %broadcast_in_dim3A_772 = vector.broadcast %jit3A_771 : f32 to vector<16xf32>
      %select_n3A_773 = arith.select %gt3A_770, %mul3A_767, %broadcast_in_dim3A_772 : vector<16xi1>, vector<16xf32>
      %add3A_774 = arith.addf %add3A_742, %select_n3A_773 : vector<16xf32>
      %jit3A_775 = arith.constant 1.000000e+00 : f32
      %jit3A_776 = arith.constant 0.000000e+00 : f32
      %broadcast_in_dim3A_777 = vector.broadcast %jit3A_775 : f32 to vector<16xf32>
      %broadcast_in_dim3A_778 = vector.broadcast %jit3A_776 : f32 to vector<16xf32>
      %select_n3A_779 = arith.select %gt3A_770, %broadcast_in_dim3A_777, %broadcast_in_dim3A_778 : vector<16xi1>, vector<16xf32>
      %add3A_780 = arith.addf %add3A_748, %select_n3A_779 : vector<16xf32>
      %eq3A_781 = arith.constant 0.000000e+00 : f32
      %eq3A_782 = vector.broadcast %eq3A_781 : f32 to vector<16xf32>
      %eq3A_783 = arith.cmpf oeq, %get3A_765, %eq3A_782 : vector<16xf32>
      %jit3A_784 = arith.constant 0xFF800000 : f32
      %broadcast_in_dim3A_785 = vector.broadcast %jit3A_784 : f32 to vector<16xf32>
      %select_n3A_786 = arith.select %eq3A_783, %get3A_761, %broadcast_in_dim3A_785 : vector<16xi1>, vector<16xf32>
      %max3A_787 = arith.maximumf %max3A_755, %select_n3A_786 : vector<16xf32>
      %abs3A_788 = math.absf %get3A_765 : vector<16xf32>
      %min3A_789 = arith.minimumf %min3A_757, %abs3A_788 : vector<16xf32>
      %get3A_790 = arith.index_cast %scan3A_627 : i32 to index
      %get3A_791 = arith.constant 80 : index
      %get3A_792 = tpu.vector_load %arg6[%get3A_790, %get3A_791] {strides = array<i32>} : memref<96x96xf32, #tpu.memory_space<vmem>>, vector<1x16xf32>,
      %get3A_793 = vector.shape_cast %get3A_792 : vector<1x16xf32> to vector<16xf32>
      %get3A_794 = arith.index_cast %scan3A_627 : i32 to index
      %get3A_795 = arith.constant 80 : index
      %get3A_796 = tpu.vector_load %arg10[%get3A_794, %get3A_795] {strides = array<i32>} : memref<96x96xf32, #tpu.memory_space<vmem>>, vector<1x16xf32>,
      %get3A_797 = vector.shape_cast %get3A_796 : vector<1x16xf32> to vector<16xf32>
      %sub3A_798 = arith.subf %get3A_793, %get3A_797 : vector<16xf32>
      %mul3A_799 = arith.mulf %sub3A_798, %sub3A_798 : vector<16xf32>
      %gt3A_800 = arith.constant 0.000000e+00 : f32
      %gt3A_801 = vector.broadcast %gt3A_800 : f32 to vector<16xf32>
      %gt3A_802 = arith.cmpf ogt, %get3A_797, %gt3A_801 : vector<16xf32>
      %jit3A_803 = arith.constant 0.000000e+00 : f32
      %broadcast_in_dim3A_804 = vector.broadcast %jit3A_803 : f32 to vector<16xf32>
      %select_n3A_805 = arith.select %gt3A_802, %mul3A_799, %broadcast_in_dim3A_804 : vector<16xi1>, vector<16xf32>
      %add3A_806 = arith.addf %add3A_774, %select_n3A_805 : vector<16xf32>
      %jit3A_807 = arith.constant 1.000000e+00 : f32
      %jit3A_808 = arith.constant 0.000000e+00 : f32
      %broadcast_in_dim3A_809 = vector.broadcast %jit3A_807 : f32 to vector<16xf32>
      %broadcast_in_dim3A_810 = vector.broadcast %jit3A_808 : f32 to vector<16xf32>
      %select_n3A_811 = arith.select %gt3A_802, %broadcast_in_dim3A_809, %broadcast_in_dim3A_810 : vector<16xi1>, vector<16xf32>
      %add3A_812 = arith.addf %add3A_780, %select_n3A_811 : vector<16xf32>
      %eq3A_813 = arith.constant 0.000000e+00 : f32
      %eq3A_814 = vector.broadcast %eq3A_813 : f32 to vector<16xf32>
      %eq3A_815 = arith.cmpf oeq, %get3A_797, %eq3A_814 : vector<16xf32>
      %jit3A_816 = arith.constant 0xFF800000 : f32
      %broadcast_in_dim3A_817 = vector.broadcast %jit3A_816 : f32 to vector<16xf32>
      %select_n3A_818 = arith.select %eq3A_815, %get3A_793, %broadcast_in_dim3A_817 : vector<16xi1>, vector<16xf32>
      %max3A_819 = arith.maximumf %max3A_787, %select_n3A_818 : vector<16xf32>
      %abs3A_820 = math.absf %get3A_797 : vector<16xf32>
      %min3A_821 = arith.minimumf %min3A_789, %abs3A_820 : vector<16xf32>
      scf.yield %add3A_806, %add3A_812, %max3A_819, %min3A_821 : vector<16xf32>, vector<16xf32>, vector<16xf32>, vector<16xf32>
    }
    %scan3A_569 = arith.constant 96 : i32
    %mul3A_570 = arith.constant 16 : i32
    %mul3A_571 = arith.muli %select_n3A_563, %mul3A_570 : i32
    %add3A_572 = arith.constant 0 : i32
    %add3A_573 = arith.addi %add3A_572, %mul3A_571 : i32
    %mul3A_574 = arith.constant 16 : i32
    %mul3A_575 = arith.muli %select_n3A_563, %mul3A_574 : i32
    %add3A_576 = arith.constant 272 : i32
    %add3A_577 = arith.addi %add3A_576, %mul3A_575 : i32
    %mul3A_578 = arith.constant 16 : i32
    %mul3A_579 = arith.muli %select_n3A_563, %mul3A_578 : i32
    %add3A_580 = arith.constant 544 : i32
    %add3A_581 = arith.addi %add3A_580, %mul3A_579 : i32
    %mul3A_582 = arith.constant 16 : i32
    %mul3A_583 = arith.muli %select_n3A_563, %mul3A_582 : i32
    %add3A_584 = arith.constant 816 : i32
    %add3A_585 = arith.addi %add3A_584, %mul3A_583 : i32
    %get3A_586 = arith.index_cast %add3A_573 : i32 to index
    %get3A_587 = tpu.vector_load %arg13[%get3A_586] {strides = array<i32>} : memref<1088xf32, #tpu.memory_space<vmem>>, vector<16xf32>,
    %get3A_588 = vector.shape_cast %get3A_587 : vector<16xf32> to vector<16xf32>
    %add3A_589 = arith.addf %get3A_588, %scan3A_568#0 : vector<16xf32>
    %swap3A_590 = arith.index_cast %add3A_573 : i32 to index
    %swap3A_591 = tpu.vector_load %arg13[%swap3A_590] {strides = array<i32>} : memref<1088xf32, #tpu.memory_space<vmem>>, vector<16xf32>,
    %swap3A_592 = vector.shape_cast %swap3A_591 : vector<16xf32> to vector<16xf32>
    %swap3A_593 = vector.shape_cast %add3A_589 : vector<16xf32> to vector<16xf32>
    tpu.vector_store %arg13[%swap3A_590], %swap3A_593 {strides = array<i32>} : memref<1088xf32, #tpu.memory_space<vmem>>, vector<16xf32>,
    %get3A_594 = arith.index_cast %add3A_577 : i32 to index
    %get3A_595 = tpu.vector_load %arg13[%get3A_594] {strides = array<i32>} : memref<1088xf32, #tpu.memory_space<vmem>>, vector<16xf32>,
    %get3A_596 = vector.shape_cast %get3A_595 : vector<16xf32> to vector<16xf32>
    %add3A_597 = arith.addf %get3A_596, %scan3A_568#1 : vector<16xf32>
    %swap3A_598 = arith.index_cast %add3A_577 : i32 to index
    %swap3A_599 = tpu.vector_load %arg13[%swap3A_598] {strides = array<i32>} : memref<1088xf32, #tpu.memory_space<vmem>>, vector<16xf32>,
    %swap3A_600 = vector.shape_cast %swap3A_599 : vector<16xf32> to vector<16xf32>
    %swap3A_601 = vector.shape_cast %add3A_597 : vector<16xf32> to vector<16xf32>
    tpu.vector_store %arg13[%swap3A_598], %swap3A_601 {strides = array<i32>} : memref<1088xf32, #tpu.memory_space<vmem>>, vector<16xf32>,
    %get3A_602 = arith.index_cast %add3A_581 : i32 to index
    %get3A_603 = tpu.vector_load %arg13[%get3A_602] {strides = array<i32>} : memref<1088xf32, #tpu.memory_space<vmem>>, vector<16xf32>,
    %get3A_604 = vector.shape_cast %get3A_603 : vector<16xf32> to vector<16xf32>
    %max3A_605 = arith.maximumf %get3A_604, %scan3A_568#2 : vector<16xf32>
    %swap3A_606 = arith.index_cast %add3A_581 : i32 to index
    %swap3A_607 = tpu.vector_load %arg13[%swap3A_606] {strides = array<i32>} : memref<1088xf32, #tpu.memory_space<vmem>>, vector<16xf32>,
    %swap3A_608 = vector.shape_cast %swap3A_607 : vector<16xf32> to vector<16xf32>
    %swap3A_609 = vector.shape_cast %max3A_605 : vector<16xf32> to vector<16xf32>
    tpu.vector_store %arg13[%swap3A_606], %swap3A_609 {strides = array<i32>} : memref<1088xf32, #tpu.memory_space<vmem>>, vector<16xf32>,
    %get3A_610 = arith.index_cast %add3A_585 : i32 to index
    %get3A_611 = tpu.vector_load %arg13[%get3A_610] {strides = array<i32>} : memref<1088xf32, #tpu.memory_space<vmem>>, vector<16xf32>,
    %get3A_612 = vector.shape_cast %get3A_611 : vector<16xf32> to vector<16xf32>
    %min3A_613 = arith.minimumf %get3A_612, %scan3A_568#3 : vector<16xf32>
    %swap3A_614 = arith.index_cast %add3A_585 : i32 to index
    %swap3A_615 = tpu.vector_load %arg13[%swap3A_614] {strides = array<i32>} : memref<1088xf32, #tpu.memory_space<vmem>>, vector<16xf32>,
    %swap3A_616 = vector.shape_cast %swap3A_615 : vector<16xf32> to vector<16xf32>
    %swap3A_617 = vector.shape_cast %min3A_613 : vector<16xf32> to vector<16xf32>
    tpu.vector_store %arg13[%swap3A_614], %swap3A_617 {strides = array<i32>} : memref<1088xf32, #tpu.memory_space<vmem>>, vector<16xf32>,
    %add3A_618 = arith.constant 33 : i32
    %add3A_619 = arith.constant 4 : i32
    %add3A_620 = arith.addi %add3A_618, %add3A_619 : i32
    %lt3A_621 = arith.constant 34 : i32
    %lt3A_622 = arith.cmpi slt, %add3A_620, %lt3A_621 : i32
    %convert_element_type3A_623 = arith.extui %lt3A_622 : i1 to i32
    %cond3A_624 = arith.constant 33 : i32
    %cond3A_625 = arith.constant 0 : i32
    %cond3A_626 = arith.cmpi ne, %convert_element_type3A_623, %cond3A_625 : i32
    scf.if %cond3A_626 {
      %add3A_627 = arith.constant 4 : i32
      %add3A_628 = arith.addi %cond3A_624, %add3A_627 : i32
      %jit3A_629 = arith.constant 17 : i32
      %div3A_630 = arith.divsi %add3A_628, %jit3A_629 : i32
      %sign3A_631 = arith.constant 0 : i32
      %sign3A_632 = arith.cmpi sgt, %add3A_628, %sign3A_631 : i32
      %sign3A_633 = arith.extui %sign3A_632 : i1 to i32
      %sign3A_634 = arith.constant 0 : i32
      %sign3A_635 = arith.cmpi slt, %add3A_628, %sign3A_634 : i32
      %sign3A_636 = arith.extui %sign3A_635 : i1 to i32
      %sign3A_637 = arith.subi %sign3A_633, %sign3A_636 : i32
      %sign3A_638 = arith.constant 0 : i32
      %sign3A_639 = arith.cmpi sgt, %jit3A_629, %sign3A_638 : i32
      %sign3A_640 = arith.extui %sign3A_639 : i1 to i32
      %sign3A_641 = arith.constant 0 : i32
      %sign3A_642 = arith.cmpi slt, %jit3A_629, %sign3A_641 : i32
      %sign3A_643 = arith.extui %sign3A_642 : i1 to i32
      %sign3A_644 = arith.subi %sign3A_640, %sign3A_643 : i32
      %ne3A_645 = arith.cmpi ne, %sign3A_637, %sign3A_644 : i32
      %rem3A_646 = arith.remsi %add3A_628, %jit3A_629 : i32
      %ne3A_647 = arith.constant 0 : i32
      %ne3A_648 = arith.cmpi ne, %rem3A_646, %ne3A_647 : i32
      %and3A_649 = arith.andi %ne3A_645, %ne3A_648 : i1
      %sub3A_650 = arith.constant 1 : i32
      %sub3A_651 = arith.subi %div3A_630, %sub3A_650 : i32
      %select_n3A_652 = arith.select %and3A_649, %sub3A_651, %div3A_630 : i32
      %add3A_653 = arith.addi %add3A_4, %select_n3A_652 : i32
      %jit3A_654 = arith.constant 17 : i32
      %eq3A_655 = arith.constant 0 : i32
      %eq3A_656 = arith.cmpi eq, %jit3A_654, %eq3A_655 : i32
      %jit3A_657 = arith.constant 1 : i32
      %select_n3A_658 = arith.select %eq3A_656, %jit3A_657, %jit3A_654 : i32
      %rem3A_659 = arith.remsi %add3A_628, %select_n3A_658 : i32
      %ne3A_660 = arith.constant 0 : i32
      %ne3A_661 = arith.cmpi ne, %rem3A_659, %ne3A_660 : i32
      %lt3A_662 = arith.constant 0 : i32
      %lt3A_663 = arith.cmpi slt, %rem3A_659, %lt3A_662 : i32
      %lt3A_664 = arith.constant 0 : i32
      %lt3A_665 = arith.cmpi slt, %select_n3A_658, %lt3A_664 : i32
      %ne3A_666 = arith.xori %lt3A_663, %lt3A_665 : i1
      %and3A_667 = arith.andi %ne3A_666, %ne3A_661 : i1
      %add3A_668 = arith.addi %rem3A_659, %select_n3A_658 : i32
      %select_n3A_669 = arith.select %and3A_667, %add3A_668, %rem3A_659 : i32
      %dma_start3A_670 = arith.constant 0 : i32
      %dma_start3A_671 = arith.constant 0 : i32
      %dma_start3A_672 = tpu.memref_slice %arg2[%add3A_653, %select_n3A_669, %dma_start3A_670, %dma_start3A_671] : memref<128x17x96x96xf32, #tpu.memory_space<hbm>> -> memref<1x1x96x96xf32, #tpu.memory_space<hbm>>
      %dma_start3A_673 = tpu.memref_squeeze %dma_start3A_672 : memref<1x1x96x96xf32, #tpu.memory_space<hbm>> -> memref<96x96xf32, #tpu.memory_space<hbm>>
      %dma_start3A_674 = arith.constant 0 : i32
      %dma_start3A_675 = arith.constant 0 : i32
      %dma_start3A_676 = tpu.memref_slice %arg2[%add3A_653, %select_n3A_669, %dma_start3A_674, %dma_start3A_675] : memref<128x17x96x96xf32, #tpu.memory_space<hbm>> -> memref<1x1x96x96xf32, #tpu.memory_space<hbm>>
      %dma_start3A_677 = tpu.memref_squeeze %dma_start3A_676 : memref<1x1x96x96xf32, #tpu.memory_space<hbm>> -> memref<96x96xf32, #tpu.memory_space<hbm>>
      tpu.enqueue_dma source(%dma_start3A_677 : memref<96x96xf32, #tpu.memory_space<hbm>>) target(%arg6 : memref<96x96xf32, #tpu.memory_space<vmem>>) target_semaphore(%arg15 : memref<!tpu.dma_semaphore, #tpu.memory_space<semaphore_mem>>)
      %dma_start3A_678 = arith.constant 0 : i32
      %dma_start3A_679 = arith.constant 0 : i32
      %dma_start3A_680 = tpu.memref_slice %arg3[%add3A_653, %select_n3A_669, %dma_start3A_678, %dma_start3A_679] : memref<128x17x96x96xf32, #tpu.memory_space<hbm>> -> memref<1x1x96x96xf32, #tpu.memory_space<hbm>>
      %dma_start3A_681 = tpu.memref_squeeze %dma_start3A_680 : memref<1x1x96x96xf32, #tpu.memory_space<hbm>> -> memref<96x96xf32, #tpu.memory_space<hbm>>
      %dma_start3A_682 = arith.constant 0 : i32
      %dma_start3A_683 = arith.constant 0 : i32
      %dma_start3A_684 = tpu.memref_slice %arg3[%add3A_653, %select_n3A_669, %dma_start3A_682, %dma_start3A_683] : memref<128x17x96x96xf32, #tpu.memory_space<hbm>> -> memref<1x1x96x96xf32, #tpu.memory_space<hbm>>
      %dma_start3A_685 = tpu.memref_squeeze %dma_start3A_684 : memref<1x1x96x96xf32, #tpu.memory_space<hbm>> -> memref<96x96xf32, #tpu.memory_space<hbm>>
      tpu.enqueue_dma source(%dma_start3A_685 : memref<96x96xf32, #tpu.memory_space<hbm>>) target(%arg10 : memref<96x96xf32, #tpu.memory_space<vmem>>) target_semaphore(%arg19 : memref<!tpu.dma_semaphore, #tpu.memory_space<semaphore_mem>>)
    } else {
    }
    "tpu.region"() ({
      %run_scoped3A = tpu.sem_alloc : memref<!tpu.dma_semaphore, #tpu.memory_space<semaphore_mem>>
      %dma_start3A_627 = arith.constant 0 : i32
      %dma_start3A_628 = tpu.memref_slice %arg4[%add3A, %dma_start3A_627] : memref<32x1088xf32, #tpu.memory_space<hbm>> -> memref<1x1088xf32, #tpu.memory_space<hbm>>
      %dma_start3A_629 = tpu.memref_squeeze %dma_start3A_628 : memref<1x1088xf32, #tpu.memory_space<hbm>> -> memref<1088xf32, #tpu.memory_space<hbm>>
      %dma_start3A_630 = arith.constant 0 : i32
      %dma_start3A_631 = tpu.memref_slice %arg4[%add3A, %dma_start3A_630] : memref<32x1088xf32, #tpu.memory_space<hbm>> -> memref<1x1088xf32, #tpu.memory_space<hbm>>
      %dma_start3A_632 = tpu.memref_squeeze %dma_start3A_631 : memref<1x1088xf32, #tpu.memory_space<hbm>> -> memref<1088xf32, #tpu.memory_space<hbm>>
      tpu.enqueue_dma source(%arg13 : memref<1088xf32, #tpu.memory_space<vmem>>) target(%dma_start3A_632 : memref<1088xf32, #tpu.memory_space<hbm>>) target_semaphore(%run_scoped3A : memref<!tpu.dma_semaphore, #tpu.memory_space<semaphore_mem>>)
      %dma_wait3A_633 = arith.constant 0 : i32
      %dma_wait3A_634 = tpu.memref_slice %arg4[%add3A, %dma_wait3A_633] : memref<32x1088xf32, #tpu.memory_space<hbm>> -> memref<1x1088xf32, #tpu.memory_space<hbm>>
      %dma_wait3A_635 = tpu.memref_squeeze %dma_wait3A_634 : memref<1x1088xf32, #tpu.memory_space<hbm>> -> memref<1088xf32, #tpu.memory_space<hbm>>
      %dma_wait3A_636 = arith.constant 0 : i32
      %dma_wait3A_637 = tpu.memref_slice %arg4[%add3A, %dma_wait3A_636] : memref<32x1088xf32, #tpu.memory_space<hbm>> -> memref<1x1088xf32, #tpu.memory_space<hbm>>
      %dma_wait3A_638 = tpu.memref_squeeze %dma_wait3A_637 : memref<1x1088xf32, #tpu.memory_space<hbm>> -> memref<1088xf32, #tpu.memory_space<hbm>>
      tpu.wait_dma2 semaphore(%run_scoped3A : memref<!tpu.dma_semaphore, #tpu.memory_space<semaphore_mem>>) src(%arg13 : memref<1088xf32, #tpu.memory_space<vmem>>) dst(%dma_wait3A_638 : memref<1088xf32, #tpu.memory_space<hbm>>)
      tpu.yield
    }) : () -> ()
    return
  }
}

module attributes {stable_mosaic.version = 14 : i64} {
  func.func @tc_body(%arg0: i32, %arg1: memref<34x96x96xf32, #tpu.memory_space<vmem>>, %arg2: memref<34x96x96xf32, #tpu.memory_space<vmem>>, %arg3: memref<34x96x96xf32, #tpu.memory_space<vmem>>, %arg4: memref<34x96x96xf32, #tpu.memory_space<vmem>>, %arg5: memref<34x96x96xf32, #tpu.memory_space<vmem>>, %arg6: memref<34x96x96xf32, #tpu.memory_space<vmem>>, %arg7: memref<34x96x96xf32, #tpu.memory_space<vmem>>, %arg8: memref<34x96x96xf32, #tpu.memory_space<vmem>>, %arg9: memref<17x128xf32, #tpu.memory_space<vmem>>, %arg10: memref<17x128xf32, #tpu.memory_space<vmem>>, %arg11: memref<17x128xf32, #tpu.memory_space<vmem>>, %arg12: memref<17x128xf32, #tpu.memory_space<vmem>>) attributes {dimension_semantics = [#tpu.dimension_semantics<arbitrary>], iteration_bounds = array<i64: 8>, scalar_prefetch = 0 : i64, scratch_operands = 0 : i64, tpu.core_type = #tpu.core_type<tc>, window_params = [{transform_indices = @transform_0, window_bounds = array<i64: 34, 96, 96>}, {transform_indices = @transform_1, window_bounds = array<i64: 34, 96, 96>}, {transform_indices = @transform_2, window_bounds = array<i64: 34, 96, 96>}, {transform_indices = @transform_3, window_bounds = array<i64: 34, 96, 96>}, {transform_indices = @transform_4, window_bounds = array<i64: 34, 96, 96>}, {transform_indices = @transform_5, window_bounds = array<i64: 34, 96, 96>}, {transform_indices = @transform_6, window_bounds = array<i64: 34, 96, 96>}, {transform_indices = @transform_7, window_bounds = array<i64: 34, 96, 96>}, {pipeline_mode = #tpu.pipeline_mode<synchronous>, transform_indices = @transform_8, window_bounds = array<i64: 17, 128>}, {pipeline_mode = #tpu.pipeline_mode<synchronous>, transform_indices = @transform_9, window_bounds = array<i64: 17, 128>}, {pipeline_mode = #tpu.pipeline_mode<synchronous>, transform_indices = @transform_10, window_bounds = array<i64: 17, 128>}, {pipeline_mode = #tpu.pipeline_mode<synchronous>, transform_indices = @transform_11, window_bounds = array<i64: 17, 128>}]} {
    %broadcast_in_dim3A = arith.constant 0.000000e+00 : f32
    %broadcast_in_dim3A_0 = vector.broadcast %broadcast_in_dim3A : f32 to vector<17x128xf32>
    %broadcast_in_dim3A_1 = arith.constant 0.000000e+00 : f32
    %broadcast_in_dim3A_2 = vector.broadcast %broadcast_in_dim3A_1 : f32 to vector<17x128xf32>
    %broadcast_in_dim3A_3 = arith.constant 0xFF800000 : f32
    %broadcast_in_dim3A_4 = vector.broadcast %broadcast_in_dim3A_3 : f32 to vector<17x128xf32>
    %broadcast_in_dim3A_5 = arith.constant 0x7F800000 : f32
    %broadcast_in_dim3A_6 = vector.broadcast %broadcast_in_dim3A_5 : f32 to vector<17x128xf32>
    %get3A = arith.constant 0 : index
    %get3A_7 = arith.constant 0 : index
    %get3A_8 = arith.constant 0 : index
    %get3A_9 = vector.load %arg1[%get3A, %get3A_7, %get3A_8] : memref<34x96x96xf32, #tpu.memory_space<vmem>>, vector<34x96x96xf32>
    %reshape3A = vector.shape_cast %get3A_9 : vector<34x96x96xf32> to vector<2x17x96x96xf32>
    %get3A_10 = arith.constant 0 : index
    %get3A_11 = arith.constant 0 : index
    %get3A_12 = arith.constant 0 : index
    %get3A_13 = vector.load %arg5[%get3A_10, %get3A_11, %get3A_12] : memref<34x96x96xf32, #tpu.memory_space<vmem>>, vector<34x96x96xf32>
    %reshape3A_14 = vector.shape_cast %get3A_13 : vector<34x96x96xf32> to vector<2x17x96x96xf32>
    %gt3A = arith.constant 0.000000e+00 : f32
    %gt3A_15 = vector.broadcast %gt3A : f32 to vector<2x17x96x96xf32>
    %gt3A_16 = arith.cmpf ogt, %reshape3A_14, %gt3A_15 : vector<2x17x96x96xf32>
    %sub3A = arith.subf %reshape3A, %reshape3A_14 : vector<2x17x96x96xf32>
    %mul3A = arith.mulf %sub3A, %sub3A : vector<2x17x96x96xf32>
    %jit3A = arith.constant 0.000000e+00 : f32
    %broadcast_in_dim3A_17 = vector.broadcast %jit3A : f32 to vector<2x17x96x96xf32>
    %select_n3A = arith.select %gt3A_16, %mul3A, %broadcast_in_dim3A_17 : vector<2x17x96x96xi1>, vector<2x17x96x96xf32>
    %reduce_sum3A = arith.constant dense<0.000000e+00> : vector<2x17x96xf32>
    %reduce_sum3A_18 = vector.multi_reduction <add>, %select_n3A, %reduce_sum3A [2] : vector<2x17x96x96xf32> to vector<2x17x96xf32>
    %broadcast_in_dim3A_19 = vector.shape_cast %reduce_sum3A_18 : vector<2x17x96xf32> to vector<2x17x1x96xf32>
    %reduce_sum3A_20 = arith.constant dense<0.000000e+00> : vector<17x1x96xf32>
    %reduce_sum3A_21 = vector.multi_reduction <add>, %broadcast_in_dim3A_19, %reduce_sum3A_20 [0] : vector<2x17x1x96xf32> to vector<17x1x96xf32>
    %broadcast_in_dim3A_22 = vector.shape_cast %reduce_sum3A_21 : vector<17x1x96xf32> to vector<1x17x1x96xf32>
    %reduce_sum3A_23 = arith.constant dense<0.000000e+00> : vector<1x17x1xf32>
    %reduce_sum3A_24 = vector.multi_reduction <add>, %broadcast_in_dim3A_22, %reduce_sum3A_23 [3] : vector<1x17x1x96xf32> to vector<1x17x1xf32>
    %broadcast_in_dim3A_25 = vector.shape_cast %reduce_sum3A_24 : vector<1x17x1xf32> to vector<1x17x1x1xf32>
    %reshape3A_26 = vector.shape_cast %broadcast_in_dim3A_25 : vector<1x17x1x1xf32> to vector<17x1xf32>
    %broadcast_in_dim3A_27 = vector.shape_cast %reshape3A_26 : vector<17x1xf32> to vector<17x1xf32>
    %broadcast_in_dim3A_28 = vector.broadcast %broadcast_in_dim3A_27 : vector<17x1xf32> to vector<17x128xf32>
    %add3A = arith.addf %broadcast_in_dim3A_0, %broadcast_in_dim3A_28 : vector<17x128xf32>
    %jit3A_29 = arith.constant 1.000000e+00 : f32
    %jit3A_30 = arith.constant 0.000000e+00 : f32
    %broadcast_in_dim3A_31 = vector.broadcast %jit3A_29 : f32 to vector<2x17x96x96xf32>
    %broadcast_in_dim3A_32 = vector.broadcast %jit3A_30 : f32 to vector<2x17x96x96xf32>
    %select_n3A_33 = arith.select %gt3A_16, %broadcast_in_dim3A_31, %broadcast_in_dim3A_32 : vector<2x17x96x96xi1>, vector<2x17x96x96xf32>
    %reduce_sum3A_34 = arith.constant dense<0.000000e+00> : vector<2x17x96xf32>
    %reduce_sum3A_35 = vector.multi_reduction <add>, %select_n3A_33, %reduce_sum3A_34 [2] : vector<2x17x96x96xf32> to vector<2x17x96xf32>
    %broadcast_in_dim3A_36 = vector.shape_cast %reduce_sum3A_35 : vector<2x17x96xf32> to vector<2x17x1x96xf32>
    %reduce_sum3A_37 = arith.constant dense<0.000000e+00> : vector<17x1x96xf32>
    %reduce_sum3A_38 = vector.multi_reduction <add>, %broadcast_in_dim3A_36, %reduce_sum3A_37 [0] : vector<2x17x1x96xf32> to vector<17x1x96xf32>
    %broadcast_in_dim3A_39 = vector.shape_cast %reduce_sum3A_38 : vector<17x1x96xf32> to vector<1x17x1x96xf32>
    %reduce_sum3A_40 = arith.constant dense<0.000000e+00> : vector<1x17x1xf32>
    %reduce_sum3A_41 = vector.multi_reduction <add>, %broadcast_in_dim3A_39, %reduce_sum3A_40 [3] : vector<1x17x1x96xf32> to vector<1x17x1xf32>
    %broadcast_in_dim3A_42 = vector.shape_cast %reduce_sum3A_41 : vector<1x17x1xf32> to vector<1x17x1x1xf32>
    %reshape3A_43 = vector.shape_cast %broadcast_in_dim3A_42 : vector<1x17x1x1xf32> to vector<17x1xf32>
    %broadcast_in_dim3A_44 = vector.shape_cast %reshape3A_43 : vector<17x1xf32> to vector<17x1xf32>
    %broadcast_in_dim3A_45 = vector.broadcast %broadcast_in_dim3A_44 : vector<17x1xf32> to vector<17x128xf32>
    %add3A_46 = arith.addf %broadcast_in_dim3A_2, %broadcast_in_dim3A_45 : vector<17x128xf32>
    %eq3A = arith.constant 0.000000e+00 : f32
    %eq3A_47 = vector.broadcast %eq3A : f32 to vector<2x17x96x96xf32>
    %eq3A_48 = arith.cmpf oeq, %reshape3A_14, %eq3A_47 : vector<2x17x96x96xf32>
    %jit3A_49 = arith.constant 0xFF800000 : f32
    %broadcast_in_dim3A_50 = vector.broadcast %jit3A_49 : f32 to vector<2x17x96x96xf32>
    %select_n3A_51 = arith.select %eq3A_48, %reshape3A, %broadcast_in_dim3A_50 : vector<2x17x96x96xi1>, vector<2x17x96x96xf32>
    %reduce_max3A = arith.constant dense<0xFF800000> : vector<2x17x96xf32>
    %reduce_max3A_52 = vector.multi_reduction <maximumf>, %select_n3A_51, %reduce_max3A [2] : vector<2x17x96x96xf32> to vector<2x17x96xf32>
    %broadcast_in_dim3A_53 = vector.shape_cast %reduce_max3A_52 : vector<2x17x96xf32> to vector<2x17x1x96xf32>
    %reduce_max3A_54 = arith.constant dense<0xFF800000> : vector<17x1x96xf32>
    %reduce_max3A_55 = vector.multi_reduction <maximumf>, %broadcast_in_dim3A_53, %reduce_max3A_54 [0] : vector<2x17x1x96xf32> to vector<17x1x96xf32>
    %broadcast_in_dim3A_56 = vector.shape_cast %reduce_max3A_55 : vector<17x1x96xf32> to vector<1x17x1x96xf32>
    %reduce_max3A_57 = arith.constant dense<0xFF800000> : vector<1x17x1xf32>
    %reduce_max3A_58 = vector.multi_reduction <maximumf>, %broadcast_in_dim3A_56, %reduce_max3A_57 [3] : vector<1x17x1x96xf32> to vector<1x17x1xf32>
    %broadcast_in_dim3A_59 = vector.shape_cast %reduce_max3A_58 : vector<1x17x1xf32> to vector<1x17x1x1xf32>
    %reshape3A_60 = vector.shape_cast %broadcast_in_dim3A_59 : vector<1x17x1x1xf32> to vector<17x1xf32>
    %broadcast_in_dim3A_61 = vector.shape_cast %reshape3A_60 : vector<17x1xf32> to vector<17x1xf32>
    %broadcast_in_dim3A_62 = vector.broadcast %broadcast_in_dim3A_61 : vector<17x1xf32> to vector<17x128xf32>
    %max3A = arith.maximumf %broadcast_in_dim3A_4, %broadcast_in_dim3A_62 : vector<17x128xf32>
    %abs3A = math.absf %reshape3A_14 : vector<2x17x96x96xf32>
    %reduce_min3A = arith.constant dense<0x7F800000> : vector<2x17x96xf32>
    %reduce_min3A_63 = vector.multi_reduction <minimumf>, %abs3A, %reduce_min3A [2] : vector<2x17x96x96xf32> to vector<2x17x96xf32>
    %broadcast_in_dim3A_64 = vector.shape_cast %reduce_min3A_63 : vector<2x17x96xf32> to vector<2x17x1x96xf32>
    %reduce_min3A_65 = arith.constant dense<0x7F800000> : vector<17x1x96xf32>
    %reduce_min3A_66 = vector.multi_reduction <minimumf>, %broadcast_in_dim3A_64, %reduce_min3A_65 [0] : vector<2x17x1x96xf32> to vector<17x1x96xf32>
    %broadcast_in_dim3A_67 = vector.shape_cast %reduce_min3A_66 : vector<17x1x96xf32> to vector<1x17x1x96xf32>
    %reduce_min3A_68 = arith.constant dense<0x7F800000> : vector<1x17x1xf32>
    %reduce_min3A_69 = vector.multi_reduction <minimumf>, %broadcast_in_dim3A_67, %reduce_min3A_68 [3] : vector<1x17x1x96xf32> to vector<1x17x1xf32>
    %broadcast_in_dim3A_70 = vector.shape_cast %reduce_min3A_69 : vector<1x17x1xf32> to vector<1x17x1x1xf32>
    %reshape3A_71 = vector.shape_cast %broadcast_in_dim3A_70 : vector<1x17x1x1xf32> to vector<17x1xf32>
    %broadcast_in_dim3A_72 = vector.shape_cast %reshape3A_71 : vector<17x1xf32> to vector<17x1xf32>
    %broadcast_in_dim3A_73 = vector.broadcast %broadcast_in_dim3A_72 : vector<17x1xf32> to vector<17x128xf32>
    %min3A = arith.minimumf %broadcast_in_dim3A_6, %broadcast_in_dim3A_73 : vector<17x128xf32>
    %get3A_74 = arith.constant 0 : index
    %get3A_75 = arith.constant 0 : index
    %get3A_76 = arith.constant 0 : index
    %get3A_77 = vector.load %arg2[%get3A_74, %get3A_75, %get3A_76] : memref<34x96x96xf32, #tpu.memory_space<vmem>>, vector<34x96x96xf32>
    %reshape3A_78 = vector.shape_cast %get3A_77 : vector<34x96x96xf32> to vector<2x17x96x96xf32>
    %get3A_79 = arith.constant 0 : index
    %get3A_80 = arith.constant 0 : index
    %get3A_81 = arith.constant 0 : index
    %get3A_82 = vector.load %arg6[%get3A_79, %get3A_80, %get3A_81] : memref<34x96x96xf32, #tpu.memory_space<vmem>>, vector<34x96x96xf32>
    %reshape3A_83 = vector.shape_cast %get3A_82 : vector<34x96x96xf32> to vector<2x17x96x96xf32>
    %gt3A_84 = arith.constant 0.000000e+00 : f32
    %gt3A_85 = vector.broadcast %gt3A_84 : f32 to vector<2x17x96x96xf32>
    %gt3A_86 = arith.cmpf ogt, %reshape3A_83, %gt3A_85 : vector<2x17x96x96xf32>
    %sub3A_87 = arith.subf %reshape3A_78, %reshape3A_83 : vector<2x17x96x96xf32>
    %mul3A_88 = arith.mulf %sub3A_87, %sub3A_87 : vector<2x17x96x96xf32>
    %jit3A_89 = arith.constant 0.000000e+00 : f32
    %broadcast_in_dim3A_90 = vector.broadcast %jit3A_89 : f32 to vector<2x17x96x96xf32>
    %select_n3A_91 = arith.select %gt3A_86, %mul3A_88, %broadcast_in_dim3A_90 : vector<2x17x96x96xi1>, vector<2x17x96x96xf32>
    %reduce_sum3A_92 = arith.constant dense<0.000000e+00> : vector<2x17x96xf32>
    %reduce_sum3A_93 = vector.multi_reduction <add>, %select_n3A_91, %reduce_sum3A_92 [2] : vector<2x17x96x96xf32> to vector<2x17x96xf32>
    %broadcast_in_dim3A_94 = vector.shape_cast %reduce_sum3A_93 : vector<2x17x96xf32> to vector<2x17x1x96xf32>
    %reduce_sum3A_95 = arith.constant dense<0.000000e+00> : vector<17x1x96xf32>
    %reduce_sum3A_96 = vector.multi_reduction <add>, %broadcast_in_dim3A_94, %reduce_sum3A_95 [0] : vector<2x17x1x96xf32> to vector<17x1x96xf32>
    %broadcast_in_dim3A_97 = vector.shape_cast %reduce_sum3A_96 : vector<17x1x96xf32> to vector<1x17x1x96xf32>
    %reduce_sum3A_98 = arith.constant dense<0.000000e+00> : vector<1x17x1xf32>
    %reduce_sum3A_99 = vector.multi_reduction <add>, %broadcast_in_dim3A_97, %reduce_sum3A_98 [3] : vector<1x17x1x96xf32> to vector<1x17x1xf32>
    %broadcast_in_dim3A_100 = vector.shape_cast %reduce_sum3A_99 : vector<1x17x1xf32> to vector<1x17x1x1xf32>
    %reshape3A_101 = vector.shape_cast %broadcast_in_dim3A_100 : vector<1x17x1x1xf32> to vector<17x1xf32>
    %broadcast_in_dim3A_102 = vector.shape_cast %reshape3A_101 : vector<17x1xf32> to vector<17x1xf32>
    %broadcast_in_dim3A_103 = vector.broadcast %broadcast_in_dim3A_102 : vector<17x1xf32> to vector<17x128xf32>
    %add3A_104 = arith.addf %add3A, %broadcast_in_dim3A_103 : vector<17x128xf32>
    %jit3A_105 = arith.constant 1.000000e+00 : f32
    %jit3A_106 = arith.constant 0.000000e+00 : f32
    %broadcast_in_dim3A_107 = vector.broadcast %jit3A_105 : f32 to vector<2x17x96x96xf32>
    %broadcast_in_dim3A_108 = vector.broadcast %jit3A_106 : f32 to vector<2x17x96x96xf32>
    %select_n3A_109 = arith.select %gt3A_86, %broadcast_in_dim3A_107, %broadcast_in_dim3A_108 : vector<2x17x96x96xi1>, vector<2x17x96x96xf32>
    %reduce_sum3A_110 = arith.constant dense<0.000000e+00> : vector<2x17x96xf32>
    %reduce_sum3A_111 = vector.multi_reduction <add>, %select_n3A_109, %reduce_sum3A_110 [2] : vector<2x17x96x96xf32> to vector<2x17x96xf32>
    %broadcast_in_dim3A_112 = vector.shape_cast %reduce_sum3A_111 : vector<2x17x96xf32> to vector<2x17x1x96xf32>
    %reduce_sum3A_113 = arith.constant dense<0.000000e+00> : vector<17x1x96xf32>
    %reduce_sum3A_114 = vector.multi_reduction <add>, %broadcast_in_dim3A_112, %reduce_sum3A_113 [0] : vector<2x17x1x96xf32> to vector<17x1x96xf32>
    %broadcast_in_dim3A_115 = vector.shape_cast %reduce_sum3A_114 : vector<17x1x96xf32> to vector<1x17x1x96xf32>
    %reduce_sum3A_116 = arith.constant dense<0.000000e+00> : vector<1x17x1xf32>
    %reduce_sum3A_117 = vector.multi_reduction <add>, %broadcast_in_dim3A_115, %reduce_sum3A_116 [3] : vector<1x17x1x96xf32> to vector<1x17x1xf32>
    %broadcast_in_dim3A_118 = vector.shape_cast %reduce_sum3A_117 : vector<1x17x1xf32> to vector<1x17x1x1xf32>
    %reshape3A_119 = vector.shape_cast %broadcast_in_dim3A_118 : vector<1x17x1x1xf32> to vector<17x1xf32>
    %broadcast_in_dim3A_120 = vector.shape_cast %reshape3A_119 : vector<17x1xf32> to vector<17x1xf32>
    %broadcast_in_dim3A_121 = vector.broadcast %broadcast_in_dim3A_120 : vector<17x1xf32> to vector<17x128xf32>
    %add3A_122 = arith.addf %add3A_46, %broadcast_in_dim3A_121 : vector<17x128xf32>
    %eq3A_123 = arith.constant 0.000000e+00 : f32
    %eq3A_124 = vector.broadcast %eq3A_123 : f32 to vector<2x17x96x96xf32>
    %eq3A_125 = arith.cmpf oeq, %reshape3A_83, %eq3A_124 : vector<2x17x96x96xf32>
    %jit3A_126 = arith.constant 0xFF800000 : f32
    %broadcast_in_dim3A_127 = vector.broadcast %jit3A_126 : f32 to vector<2x17x96x96xf32>
    %select_n3A_128 = arith.select %eq3A_125, %reshape3A_78, %broadcast_in_dim3A_127 : vector<2x17x96x96xi1>, vector<2x17x96x96xf32>
    %reduce_max3A_129 = arith.constant dense<0xFF800000> : vector<2x17x96xf32>
    %reduce_max3A_130 = vector.multi_reduction <maximumf>, %select_n3A_128, %reduce_max3A_129 [2] : vector<2x17x96x96xf32> to vector<2x17x96xf32>
    %broadcast_in_dim3A_131 = vector.shape_cast %reduce_max3A_130 : vector<2x17x96xf32> to vector<2x17x1x96xf32>
    %reduce_max3A_132 = arith.constant dense<0xFF800000> : vector<17x1x96xf32>
    %reduce_max3A_133 = vector.multi_reduction <maximumf>, %broadcast_in_dim3A_131, %reduce_max3A_132 [0] : vector<2x17x1x96xf32> to vector<17x1x96xf32>
    %broadcast_in_dim3A_134 = vector.shape_cast %reduce_max3A_133 : vector<17x1x96xf32> to vector<1x17x1x96xf32>
    %reduce_max3A_135 = arith.constant dense<0xFF800000> : vector<1x17x1xf32>
    %reduce_max3A_136 = vector.multi_reduction <maximumf>, %broadcast_in_dim3A_134, %reduce_max3A_135 [3] : vector<1x17x1x96xf32> to vector<1x17x1xf32>
    %broadcast_in_dim3A_137 = vector.shape_cast %reduce_max3A_136 : vector<1x17x1xf32> to vector<1x17x1x1xf32>
    %reshape3A_138 = vector.shape_cast %broadcast_in_dim3A_137 : vector<1x17x1x1xf32> to vector<17x1xf32>
    %broadcast_in_dim3A_139 = vector.shape_cast %reshape3A_138 : vector<17x1xf32> to vector<17x1xf32>
    %broadcast_in_dim3A_140 = vector.broadcast %broadcast_in_dim3A_139 : vector<17x1xf32> to vector<17x128xf32>
    %max3A_141 = arith.maximumf %max3A, %broadcast_in_dim3A_140 : vector<17x128xf32>
    %abs3A_142 = math.absf %reshape3A_83 : vector<2x17x96x96xf32>
    %reduce_min3A_143 = arith.constant dense<0x7F800000> : vector<2x17x96xf32>
    %reduce_min3A_144 = vector.multi_reduction <minimumf>, %abs3A_142, %reduce_min3A_143 [2] : vector<2x17x96x96xf32> to vector<2x17x96xf32>
    %broadcast_in_dim3A_145 = vector.shape_cast %reduce_min3A_144 : vector<2x17x96xf32> to vector<2x17x1x96xf32>
    %reduce_min3A_146 = arith.constant dense<0x7F800000> : vector<17x1x96xf32>
    %reduce_min3A_147 = vector.multi_reduction <minimumf>, %broadcast_in_dim3A_145, %reduce_min3A_146 [0] : vector<2x17x1x96xf32> to vector<17x1x96xf32>
    %broadcast_in_dim3A_148 = vector.shape_cast %reduce_min3A_147 : vector<17x1x96xf32> to vector<1x17x1x96xf32>
    %reduce_min3A_149 = arith.constant dense<0x7F800000> : vector<1x17x1xf32>
    %reduce_min3A_150 = vector.multi_reduction <minimumf>, %broadcast_in_dim3A_148, %reduce_min3A_149 [3] : vector<1x17x1x96xf32> to vector<1x17x1xf32>
    %broadcast_in_dim3A_151 = vector.shape_cast %reduce_min3A_150 : vector<1x17x1xf32> to vector<1x17x1x1xf32>
    %reshape3A_152 = vector.shape_cast %broadcast_in_dim3A_151 : vector<1x17x1x1xf32> to vector<17x1xf32>
    %broadcast_in_dim3A_153 = vector.shape_cast %reshape3A_152 : vector<17x1xf32> to vector<17x1xf32>
    %broadcast_in_dim3A_154 = vector.broadcast %broadcast_in_dim3A_153 : vector<17x1xf32> to vector<17x128xf32>
    %min3A_155 = arith.minimumf %min3A, %broadcast_in_dim3A_154 : vector<17x128xf32>
    %get3A_156 = arith.constant 0 : index
    %get3A_157 = arith.constant 0 : index
    %get3A_158 = arith.constant 0 : index
    %get3A_159 = vector.load %arg3[%get3A_156, %get3A_157, %get3A_158] : memref<34x96x96xf32, #tpu.memory_space<vmem>>, vector<34x96x96xf32>
    %reshape3A_160 = vector.shape_cast %get3A_159 : vector<34x96x96xf32> to vector<2x17x96x96xf32>
    %get3A_161 = arith.constant 0 : index
    %get3A_162 = arith.constant 0 : index
    %get3A_163 = arith.constant 0 : index
    %get3A_164 = vector.load %arg7[%get3A_161, %get3A_162, %get3A_163] : memref<34x96x96xf32, #tpu.memory_space<vmem>>, vector<34x96x96xf32>
    %reshape3A_165 = vector.shape_cast %get3A_164 : vector<34x96x96xf32> to vector<2x17x96x96xf32>
    %gt3A_166 = arith.constant 0.000000e+00 : f32
    %gt3A_167 = vector.broadcast %gt3A_166 : f32 to vector<2x17x96x96xf32>
    %gt3A_168 = arith.cmpf ogt, %reshape3A_165, %gt3A_167 : vector<2x17x96x96xf32>
    %sub3A_169 = arith.subf %reshape3A_160, %reshape3A_165 : vector<2x17x96x96xf32>
    %mul3A_170 = arith.mulf %sub3A_169, %sub3A_169 : vector<2x17x96x96xf32>
    %jit3A_171 = arith.constant 0.000000e+00 : f32
    %broadcast_in_dim3A_172 = vector.broadcast %jit3A_171 : f32 to vector<2x17x96x96xf32>
    %select_n3A_173 = arith.select %gt3A_168, %mul3A_170, %broadcast_in_dim3A_172 : vector<2x17x96x96xi1>, vector<2x17x96x96xf32>
    %reduce_sum3A_174 = arith.constant dense<0.000000e+00> : vector<2x17x96xf32>
    %reduce_sum3A_175 = vector.multi_reduction <add>, %select_n3A_173, %reduce_sum3A_174 [2] : vector<2x17x96x96xf32> to vector<2x17x96xf32>
    %broadcast_in_dim3A_176 = vector.shape_cast %reduce_sum3A_175 : vector<2x17x96xf32> to vector<2x17x1x96xf32>
    %reduce_sum3A_177 = arith.constant dense<0.000000e+00> : vector<17x1x96xf32>
    %reduce_sum3A_178 = vector.multi_reduction <add>, %broadcast_in_dim3A_176, %reduce_sum3A_177 [0] : vector<2x17x1x96xf32> to vector<17x1x96xf32>
    %broadcast_in_dim3A_179 = vector.shape_cast %reduce_sum3A_178 : vector<17x1x96xf32> to vector<1x17x1x96xf32>
    %reduce_sum3A_180 = arith.constant dense<0.000000e+00> : vector<1x17x1xf32>
    %reduce_sum3A_181 = vector.multi_reduction <add>, %broadcast_in_dim3A_179, %reduce_sum3A_180 [3] : vector<1x17x1x96xf32> to vector<1x17x1xf32>
    %broadcast_in_dim3A_182 = vector.shape_cast %reduce_sum3A_181 : vector<1x17x1xf32> to vector<1x17x1x1xf32>
    %reshape3A_183 = vector.shape_cast %broadcast_in_dim3A_182 : vector<1x17x1x1xf32> to vector<17x1xf32>
    %broadcast_in_dim3A_184 = vector.shape_cast %reshape3A_183 : vector<17x1xf32> to vector<17x1xf32>
    %broadcast_in_dim3A_185 = vector.broadcast %broadcast_in_dim3A_184 : vector<17x1xf32> to vector<17x128xf32>
    %add3A_186 = arith.addf %add3A_104, %broadcast_in_dim3A_185 : vector<17x128xf32>
    %jit3A_187 = arith.constant 1.000000e+00 : f32
    %jit3A_188 = arith.constant 0.000000e+00 : f32
    %broadcast_in_dim3A_189 = vector.broadcast %jit3A_187 : f32 to vector<2x17x96x96xf32>
    %broadcast_in_dim3A_190 = vector.broadcast %jit3A_188 : f32 to vector<2x17x96x96xf32>
    %select_n3A_191 = arith.select %gt3A_168, %broadcast_in_dim3A_189, %broadcast_in_dim3A_190 : vector<2x17x96x96xi1>, vector<2x17x96x96xf32>
    %reduce_sum3A_192 = arith.constant dense<0.000000e+00> : vector<2x17x96xf32>
    %reduce_sum3A_193 = vector.multi_reduction <add>, %select_n3A_191, %reduce_sum3A_192 [2] : vector<2x17x96x96xf32> to vector<2x17x96xf32>
    %broadcast_in_dim3A_194 = vector.shape_cast %reduce_sum3A_193 : vector<2x17x96xf32> to vector<2x17x1x96xf32>
    %reduce_sum3A_195 = arith.constant dense<0.000000e+00> : vector<17x1x96xf32>
    %reduce_sum3A_196 = vector.multi_reduction <add>, %broadcast_in_dim3A_194, %reduce_sum3A_195 [0] : vector<2x17x1x96xf32> to vector<17x1x96xf32>
    %broadcast_in_dim3A_197 = vector.shape_cast %reduce_sum3A_196 : vector<17x1x96xf32> to vector<1x17x1x96xf32>
    %reduce_sum3A_198 = arith.constant dense<0.000000e+00> : vector<1x17x1xf32>
    %reduce_sum3A_199 = vector.multi_reduction <add>, %broadcast_in_dim3A_197, %reduce_sum3A_198 [3] : vector<1x17x1x96xf32> to vector<1x17x1xf32>
    %broadcast_in_dim3A_200 = vector.shape_cast %reduce_sum3A_199 : vector<1x17x1xf32> to vector<1x17x1x1xf32>
    %reshape3A_201 = vector.shape_cast %broadcast_in_dim3A_200 : vector<1x17x1x1xf32> to vector<17x1xf32>
    %broadcast_in_dim3A_202 = vector.shape_cast %reshape3A_201 : vector<17x1xf32> to vector<17x1xf32>
    %broadcast_in_dim3A_203 = vector.broadcast %broadcast_in_dim3A_202 : vector<17x1xf32> to vector<17x128xf32>
    %add3A_204 = arith.addf %add3A_122, %broadcast_in_dim3A_203 : vector<17x128xf32>
    %eq3A_205 = arith.constant 0.000000e+00 : f32
    %eq3A_206 = vector.broadcast %eq3A_205 : f32 to vector<2x17x96x96xf32>
    %eq3A_207 = arith.cmpf oeq, %reshape3A_165, %eq3A_206 : vector<2x17x96x96xf32>
    %jit3A_208 = arith.constant 0xFF800000 : f32
    %broadcast_in_dim3A_209 = vector.broadcast %jit3A_208 : f32 to vector<2x17x96x96xf32>
    %select_n3A_210 = arith.select %eq3A_207, %reshape3A_160, %broadcast_in_dim3A_209 : vector<2x17x96x96xi1>, vector<2x17x96x96xf32>
    %reduce_max3A_211 = arith.constant dense<0xFF800000> : vector<2x17x96xf32>
    %reduce_max3A_212 = vector.multi_reduction <maximumf>, %select_n3A_210, %reduce_max3A_211 [2] : vector<2x17x96x96xf32> to vector<2x17x96xf32>
    %broadcast_in_dim3A_213 = vector.shape_cast %reduce_max3A_212 : vector<2x17x96xf32> to vector<2x17x1x96xf32>
    %reduce_max3A_214 = arith.constant dense<0xFF800000> : vector<17x1x96xf32>
    %reduce_max3A_215 = vector.multi_reduction <maximumf>, %broadcast_in_dim3A_213, %reduce_max3A_214 [0] : vector<2x17x1x96xf32> to vector<17x1x96xf32>
    %broadcast_in_dim3A_216 = vector.shape_cast %reduce_max3A_215 : vector<17x1x96xf32> to vector<1x17x1x96xf32>
    %reduce_max3A_217 = arith.constant dense<0xFF800000> : vector<1x17x1xf32>
    %reduce_max3A_218 = vector.multi_reduction <maximumf>, %broadcast_in_dim3A_216, %reduce_max3A_217 [3] : vector<1x17x1x96xf32> to vector<1x17x1xf32>
    %broadcast_in_dim3A_219 = vector.shape_cast %reduce_max3A_218 : vector<1x17x1xf32> to vector<1x17x1x1xf32>
    %reshape3A_220 = vector.shape_cast %broadcast_in_dim3A_219 : vector<1x17x1x1xf32> to vector<17x1xf32>
    %broadcast_in_dim3A_221 = vector.shape_cast %reshape3A_220 : vector<17x1xf32> to vector<17x1xf32>
    %broadcast_in_dim3A_222 = vector.broadcast %broadcast_in_dim3A_221 : vector<17x1xf32> to vector<17x128xf32>
    %max3A_223 = arith.maximumf %max3A_141, %broadcast_in_dim3A_222 : vector<17x128xf32>
    %abs3A_224 = math.absf %reshape3A_165 : vector<2x17x96x96xf32>
    %reduce_min3A_225 = arith.constant dense<0x7F800000> : vector<2x17x96xf32>
    %reduce_min3A_226 = vector.multi_reduction <minimumf>, %abs3A_224, %reduce_min3A_225 [2] : vector<2x17x96x96xf32> to vector<2x17x96xf32>
    %broadcast_in_dim3A_227 = vector.shape_cast %reduce_min3A_226 : vector<2x17x96xf32> to vector<2x17x1x96xf32>
    %reduce_min3A_228 = arith.constant dense<0x7F800000> : vector<17x1x96xf32>
    %reduce_min3A_229 = vector.multi_reduction <minimumf>, %broadcast_in_dim3A_227, %reduce_min3A_228 [0] : vector<2x17x1x96xf32> to vector<17x1x96xf32>
    %broadcast_in_dim3A_230 = vector.shape_cast %reduce_min3A_229 : vector<17x1x96xf32> to vector<1x17x1x96xf32>
    %reduce_min3A_231 = arith.constant dense<0x7F800000> : vector<1x17x1xf32>
    %reduce_min3A_232 = vector.multi_reduction <minimumf>, %broadcast_in_dim3A_230, %reduce_min3A_231 [3] : vector<1x17x1x96xf32> to vector<1x17x1xf32>
    %broadcast_in_dim3A_233 = vector.shape_cast %reduce_min3A_232 : vector<1x17x1xf32> to vector<1x17x1x1xf32>
    %reshape3A_234 = vector.shape_cast %broadcast_in_dim3A_233 : vector<1x17x1x1xf32> to vector<17x1xf32>
    %broadcast_in_dim3A_235 = vector.shape_cast %reshape3A_234 : vector<17x1xf32> to vector<17x1xf32>
    %broadcast_in_dim3A_236 = vector.broadcast %broadcast_in_dim3A_235 : vector<17x1xf32> to vector<17x128xf32>
    %min3A_237 = arith.minimumf %min3A_155, %broadcast_in_dim3A_236 : vector<17x128xf32>
    %get3A_238 = arith.constant 0 : index
    %get3A_239 = arith.constant 0 : index
    %get3A_240 = arith.constant 0 : index
    %get3A_241 = vector.load %arg4[%get3A_238, %get3A_239, %get3A_240] : memref<34x96x96xf32, #tpu.memory_space<vmem>>, vector<34x96x96xf32>
    %reshape3A_242 = vector.shape_cast %get3A_241 : vector<34x96x96xf32> to vector<2x17x96x96xf32>
    %get3A_243 = arith.constant 0 : index
    %get3A_244 = arith.constant 0 : index
    %get3A_245 = arith.constant 0 : index
    %get3A_246 = vector.load %arg8[%get3A_243, %get3A_244, %get3A_245] : memref<34x96x96xf32, #tpu.memory_space<vmem>>, vector<34x96x96xf32>
    %reshape3A_247 = vector.shape_cast %get3A_246 : vector<34x96x96xf32> to vector<2x17x96x96xf32>
    %gt3A_248 = arith.constant 0.000000e+00 : f32
    %gt3A_249 = vector.broadcast %gt3A_248 : f32 to vector<2x17x96x96xf32>
    %gt3A_250 = arith.cmpf ogt, %reshape3A_247, %gt3A_249 : vector<2x17x96x96xf32>
    %sub3A_251 = arith.subf %reshape3A_242, %reshape3A_247 : vector<2x17x96x96xf32>
    %mul3A_252 = arith.mulf %sub3A_251, %sub3A_251 : vector<2x17x96x96xf32>
    %jit3A_253 = arith.constant 0.000000e+00 : f32
    %broadcast_in_dim3A_254 = vector.broadcast %jit3A_253 : f32 to vector<2x17x96x96xf32>
    %select_n3A_255 = arith.select %gt3A_250, %mul3A_252, %broadcast_in_dim3A_254 : vector<2x17x96x96xi1>, vector<2x17x96x96xf32>
    %reduce_sum3A_256 = arith.constant dense<0.000000e+00> : vector<2x17x96xf32>
    %reduce_sum3A_257 = vector.multi_reduction <add>, %select_n3A_255, %reduce_sum3A_256 [2] : vector<2x17x96x96xf32> to vector<2x17x96xf32>
    %broadcast_in_dim3A_258 = vector.shape_cast %reduce_sum3A_257 : vector<2x17x96xf32> to vector<2x17x1x96xf32>
    %reduce_sum3A_259 = arith.constant dense<0.000000e+00> : vector<17x1x96xf32>
    %reduce_sum3A_260 = vector.multi_reduction <add>, %broadcast_in_dim3A_258, %reduce_sum3A_259 [0] : vector<2x17x1x96xf32> to vector<17x1x96xf32>
    %broadcast_in_dim3A_261 = vector.shape_cast %reduce_sum3A_260 : vector<17x1x96xf32> to vector<1x17x1x96xf32>
    %reduce_sum3A_262 = arith.constant dense<0.000000e+00> : vector<1x17x1xf32>
    %reduce_sum3A_263 = vector.multi_reduction <add>, %broadcast_in_dim3A_261, %reduce_sum3A_262 [3] : vector<1x17x1x96xf32> to vector<1x17x1xf32>
    %broadcast_in_dim3A_264 = vector.shape_cast %reduce_sum3A_263 : vector<1x17x1xf32> to vector<1x17x1x1xf32>
    %reshape3A_265 = vector.shape_cast %broadcast_in_dim3A_264 : vector<1x17x1x1xf32> to vector<17x1xf32>
    %broadcast_in_dim3A_266 = vector.shape_cast %reshape3A_265 : vector<17x1xf32> to vector<17x1xf32>
    %broadcast_in_dim3A_267 = vector.broadcast %broadcast_in_dim3A_266 : vector<17x1xf32> to vector<17x128xf32>
    %add3A_268 = arith.addf %add3A_186, %broadcast_in_dim3A_267 : vector<17x128xf32>
    %jit3A_269 = arith.constant 1.000000e+00 : f32
    %jit3A_270 = arith.constant 0.000000e+00 : f32
    %broadcast_in_dim3A_271 = vector.broadcast %jit3A_269 : f32 to vector<2x17x96x96xf32>
    %broadcast_in_dim3A_272 = vector.broadcast %jit3A_270 : f32 to vector<2x17x96x96xf32>
    %select_n3A_273 = arith.select %gt3A_250, %broadcast_in_dim3A_271, %broadcast_in_dim3A_272 : vector<2x17x96x96xi1>, vector<2x17x96x96xf32>
    %reduce_sum3A_274 = arith.constant dense<0.000000e+00> : vector<2x17x96xf32>
    %reduce_sum3A_275 = vector.multi_reduction <add>, %select_n3A_273, %reduce_sum3A_274 [2] : vector<2x17x96x96xf32> to vector<2x17x96xf32>
    %broadcast_in_dim3A_276 = vector.shape_cast %reduce_sum3A_275 : vector<2x17x96xf32> to vector<2x17x1x96xf32>
    %reduce_sum3A_277 = arith.constant dense<0.000000e+00> : vector<17x1x96xf32>
    %reduce_sum3A_278 = vector.multi_reduction <add>, %broadcast_in_dim3A_276, %reduce_sum3A_277 [0] : vector<2x17x1x96xf32> to vector<17x1x96xf32>
    %broadcast_in_dim3A_279 = vector.shape_cast %reduce_sum3A_278 : vector<17x1x96xf32> to vector<1x17x1x96xf32>
    %reduce_sum3A_280 = arith.constant dense<0.000000e+00> : vector<1x17x1xf32>
    %reduce_sum3A_281 = vector.multi_reduction <add>, %broadcast_in_dim3A_279, %reduce_sum3A_280 [3] : vector<1x17x1x96xf32> to vector<1x17x1xf32>
    %broadcast_in_dim3A_282 = vector.shape_cast %reduce_sum3A_281 : vector<1x17x1xf32> to vector<1x17x1x1xf32>
    %reshape3A_283 = vector.shape_cast %broadcast_in_dim3A_282 : vector<1x17x1x1xf32> to vector<17x1xf32>
    %broadcast_in_dim3A_284 = vector.shape_cast %reshape3A_283 : vector<17x1xf32> to vector<17x1xf32>
    %broadcast_in_dim3A_285 = vector.broadcast %broadcast_in_dim3A_284 : vector<17x1xf32> to vector<17x128xf32>
    %add3A_286 = arith.addf %add3A_204, %broadcast_in_dim3A_285 : vector<17x128xf32>
    %eq3A_287 = arith.constant 0.000000e+00 : f32
    %eq3A_288 = vector.broadcast %eq3A_287 : f32 to vector<2x17x96x96xf32>
    %eq3A_289 = arith.cmpf oeq, %reshape3A_247, %eq3A_288 : vector<2x17x96x96xf32>
    %jit3A_290 = arith.constant 0xFF800000 : f32
    %broadcast_in_dim3A_291 = vector.broadcast %jit3A_290 : f32 to vector<2x17x96x96xf32>
    %select_n3A_292 = arith.select %eq3A_289, %reshape3A_242, %broadcast_in_dim3A_291 : vector<2x17x96x96xi1>, vector<2x17x96x96xf32>
    %reduce_max3A_293 = arith.constant dense<0xFF800000> : vector<2x17x96xf32>
    %reduce_max3A_294 = vector.multi_reduction <maximumf>, %select_n3A_292, %reduce_max3A_293 [2] : vector<2x17x96x96xf32> to vector<2x17x96xf32>
    %broadcast_in_dim3A_295 = vector.shape_cast %reduce_max3A_294 : vector<2x17x96xf32> to vector<2x17x1x96xf32>
    %reduce_max3A_296 = arith.constant dense<0xFF800000> : vector<17x1x96xf32>
    %reduce_max3A_297 = vector.multi_reduction <maximumf>, %broadcast_in_dim3A_295, %reduce_max3A_296 [0] : vector<2x17x1x96xf32> to vector<17x1x96xf32>
    %broadcast_in_dim3A_298 = vector.shape_cast %reduce_max3A_297 : vector<17x1x96xf32> to vector<1x17x1x96xf32>
    %reduce_max3A_299 = arith.constant dense<0xFF800000> : vector<1x17x1xf32>
    %reduce_max3A_300 = vector.multi_reduction <maximumf>, %broadcast_in_dim3A_298, %reduce_max3A_299 [3] : vector<1x17x1x96xf32> to vector<1x17x1xf32>
    %broadcast_in_dim3A_301 = vector.shape_cast %reduce_max3A_300 : vector<1x17x1xf32> to vector<1x17x1x1xf32>
    %reshape3A_302 = vector.shape_cast %broadcast_in_dim3A_301 : vector<1x17x1x1xf32> to vector<17x1xf32>
    %broadcast_in_dim3A_303 = vector.shape_cast %reshape3A_302 : vector<17x1xf32> to vector<17x1xf32>
    %broadcast_in_dim3A_304 = vector.broadcast %broadcast_in_dim3A_303 : vector<17x1xf32> to vector<17x128xf32>
    %max3A_305 = arith.maximumf %max3A_223, %broadcast_in_dim3A_304 : vector<17x128xf32>
    %abs3A_306 = math.absf %reshape3A_247 : vector<2x17x96x96xf32>
    %reduce_min3A_307 = arith.constant dense<0x7F800000> : vector<2x17x96xf32>
    %reduce_min3A_308 = vector.multi_reduction <minimumf>, %abs3A_306, %reduce_min3A_307 [2] : vector<2x17x96x96xf32> to vector<2x17x96xf32>
    %broadcast_in_dim3A_309 = vector.shape_cast %reduce_min3A_308 : vector<2x17x96xf32> to vector<2x17x1x96xf32>
    %reduce_min3A_310 = arith.constant dense<0x7F800000> : vector<17x1x96xf32>
    %reduce_min3A_311 = vector.multi_reduction <minimumf>, %broadcast_in_dim3A_309, %reduce_min3A_310 [0] : vector<2x17x1x96xf32> to vector<17x1x96xf32>
    %broadcast_in_dim3A_312 = vector.shape_cast %reduce_min3A_311 : vector<17x1x96xf32> to vector<1x17x1x96xf32>
    %reduce_min3A_313 = arith.constant dense<0x7F800000> : vector<1x17x1xf32>
    %reduce_min3A_314 = vector.multi_reduction <minimumf>, %broadcast_in_dim3A_312, %reduce_min3A_313 [3] : vector<1x17x1x96xf32> to vector<1x17x1xf32>
    %broadcast_in_dim3A_315 = vector.shape_cast %reduce_min3A_314 : vector<1x17x1xf32> to vector<1x17x1x1xf32>
    %reshape3A_316 = vector.shape_cast %broadcast_in_dim3A_315 : vector<1x17x1x1xf32> to vector<17x1xf32>
    %broadcast_in_dim3A_317 = vector.shape_cast %reshape3A_316 : vector<17x1xf32> to vector<17x1xf32>
    %broadcast_in_dim3A_318 = vector.broadcast %broadcast_in_dim3A_317 : vector<17x1xf32> to vector<17x128xf32>
    %min3A_319 = arith.minimumf %min3A_237, %broadcast_in_dim3A_318 : vector<17x128xf32>
    %eq3A_320 = arith.constant 0 : i32
    %eq3A_321 = arith.cmpi eq, %arg0, %eq3A_320 : i32
    %convert_element_type3A = arith.extui %eq3A_321 : i1 to i32
    %cond3A = arith.constant 0 : i32
    %cond3A_322 = arith.cmpi ne, %convert_element_type3A, %cond3A : i32
    scf.if %cond3A_322 {
      %swap3A = arith.constant 0 : index
      %swap3A_328 = arith.constant 0 : index
      %swap3A_329 = vector.load %arg9[%swap3A, %swap3A_328] : memref<17x128xf32, #tpu.memory_space<vmem>>, vector<17x128xf32>
      tpu.vector_store %arg9[%swap3A, %swap3A_328], %add3A_268 {strides = array<i32>} : memref<17x128xf32, #tpu.memory_space<vmem>>, vector<17x128xf32>,
      %swap3A_330 = arith.constant 0 : index
      %swap3A_331 = arith.constant 0 : index
      %swap3A_332 = vector.load %arg10[%swap3A_330, %swap3A_331] : memref<17x128xf32, #tpu.memory_space<vmem>>, vector<17x128xf32>
      tpu.vector_store %arg10[%swap3A_330, %swap3A_331], %add3A_286 {strides = array<i32>} : memref<17x128xf32, #tpu.memory_space<vmem>>, vector<17x128xf32>,
      %swap3A_333 = arith.constant 0 : index
      %swap3A_334 = arith.constant 0 : index
      %swap3A_335 = vector.load %arg11[%swap3A_333, %swap3A_334] : memref<17x128xf32, #tpu.memory_space<vmem>>, vector<17x128xf32>
      tpu.vector_store %arg11[%swap3A_333, %swap3A_334], %max3A_305 {strides = array<i32>} : memref<17x128xf32, #tpu.memory_space<vmem>>, vector<17x128xf32>,
      %swap3A_336 = arith.constant 0 : index
      %swap3A_337 = arith.constant 0 : index
      %swap3A_338 = vector.load %arg12[%swap3A_336, %swap3A_337] : memref<17x128xf32, #tpu.memory_space<vmem>>, vector<17x128xf32>
      tpu.vector_store %arg12[%swap3A_336, %swap3A_337], %min3A_319 {strides = array<i32>} : memref<17x128xf32, #tpu.memory_space<vmem>>, vector<17x128xf32>,
    } else {
    }
    %gt3A_323 = arith.constant 0 : i32
    %gt3A_324 = arith.cmpi sgt, %arg0, %gt3A_323 : i32
    %convert_element_type3A_325 = arith.extui %gt3A_324 : i1 to i32
    %cond3A_326 = arith.constant 0 : i32
    %cond3A_327 = arith.cmpi ne, %convert_element_type3A_325, %cond3A_326 : i32
    scf.if %cond3A_327 {
      %get3A_328 = arith.constant 0 : index
      %get3A_329 = arith.constant 0 : index
      %get3A_330 = vector.load %arg9[%get3A_328, %get3A_329] : memref<17x128xf32, #tpu.memory_space<vmem>>, vector<17x128xf32>
      %add3A_331 = arith.addf %get3A_330, %add3A_268 : vector<17x128xf32>
      %swap3A = arith.constant 0 : index
      %swap3A_332 = arith.constant 0 : index
      %swap3A_333 = vector.load %arg9[%swap3A, %swap3A_332] : memref<17x128xf32, #tpu.memory_space<vmem>>, vector<17x128xf32>
      tpu.vector_store %arg9[%swap3A, %swap3A_332], %add3A_331 {strides = array<i32>} : memref<17x128xf32, #tpu.memory_space<vmem>>, vector<17x128xf32>,
      %get3A_334 = arith.constant 0 : index
      %get3A_335 = arith.constant 0 : index
      %get3A_336 = vector.load %arg10[%get3A_334, %get3A_335] : memref<17x128xf32, #tpu.memory_space<vmem>>, vector<17x128xf32>
      %add3A_337 = arith.addf %get3A_336, %add3A_286 : vector<17x128xf32>
      %swap3A_338 = arith.constant 0 : index
      %swap3A_339 = arith.constant 0 : index
      %swap3A_340 = vector.load %arg10[%swap3A_338, %swap3A_339] : memref<17x128xf32, #tpu.memory_space<vmem>>, vector<17x128xf32>
      tpu.vector_store %arg10[%swap3A_338, %swap3A_339], %add3A_337 {strides = array<i32>} : memref<17x128xf32, #tpu.memory_space<vmem>>, vector<17x128xf32>,
      %get3A_341 = arith.constant 0 : index
      %get3A_342 = arith.constant 0 : index
      %get3A_343 = vector.load %arg11[%get3A_341, %get3A_342] : memref<17x128xf32, #tpu.memory_space<vmem>>, vector<17x128xf32>
      %max3A_344 = arith.maximumf %get3A_343, %max3A_305 : vector<17x128xf32>
      %swap3A_345 = arith.constant 0 : index
      %swap3A_346 = arith.constant 0 : index
      %swap3A_347 = vector.load %arg11[%swap3A_345, %swap3A_346] : memref<17x128xf32, #tpu.memory_space<vmem>>, vector<17x128xf32>
      tpu.vector_store %arg11[%swap3A_345, %swap3A_346], %max3A_344 {strides = array<i32>} : memref<17x128xf32, #tpu.memory_space<vmem>>, vector<17x128xf32>,
      %get3A_348 = arith.constant 0 : index
      %get3A_349 = arith.constant 0 : index
      %get3A_350 = vector.load %arg12[%get3A_348, %get3A_349] : memref<17x128xf32, #tpu.memory_space<vmem>>, vector<17x128xf32>
      %min3A_351 = arith.minimumf %get3A_350, %min3A_319 : vector<17x128xf32>
      %swap3A_352 = arith.constant 0 : index
      %swap3A_353 = arith.constant 0 : index
      %swap3A_354 = vector.load %arg12[%swap3A_352, %swap3A_353] : memref<17x128xf32, #tpu.memory_space<vmem>>, vector<17x128xf32>
      tpu.vector_store %arg12[%swap3A_352, %swap3A_353], %min3A_351 {strides = array<i32>} : memref<17x128xf32, #tpu.memory_space<vmem>>, vector<17x128xf32>,
    } else {
    }
    return
  }
  func.func @transform_0(%arg0: i32) -> (i32, i32, i32) {
    %add3A = arith.constant 0 : i32
    %add3A_0 = arith.addi %add3A, %arg0 : i32
    %c0_i32 = arith.constant 0 : i32
    %c0_i32_1 = arith.constant 0 : i32
    %c0_i32_2 = arith.constant 0 : i32
    return %add3A_0, %c0_i32, %c0_i32_1 : i32, i32, i32
  }
  func.func @transform_1(%arg0: i32) -> (i32, i32, i32) {
    %add3A = arith.constant 8 : i32
    %add3A_0 = arith.addi %add3A, %arg0 : i32
    %c0_i32 = arith.constant 0 : i32
    %c0_i32_1 = arith.constant 0 : i32
    %c0_i32_2 = arith.constant 0 : i32
    return %add3A_0, %c0_i32, %c0_i32_1 : i32, i32, i32
  }
  func.func @transform_2(%arg0: i32) -> (i32, i32, i32) {
    %add3A = arith.constant 16 : i32
    %add3A_0 = arith.addi %add3A, %arg0 : i32
    %c0_i32 = arith.constant 0 : i32
    %c0_i32_1 = arith.constant 0 : i32
    %c0_i32_2 = arith.constant 0 : i32
    return %add3A_0, %c0_i32, %c0_i32_1 : i32, i32, i32
  }
  func.func @transform_3(%arg0: i32) -> (i32, i32, i32) {
    %add3A = arith.constant 24 : i32
    %add3A_0 = arith.addi %add3A, %arg0 : i32
    %c0_i32 = arith.constant 0 : i32
    %c0_i32_1 = arith.constant 0 : i32
    %c0_i32_2 = arith.constant 0 : i32
    return %add3A_0, %c0_i32, %c0_i32_1 : i32, i32, i32
  }
  func.func @transform_4(%arg0: i32) -> (i32, i32, i32) {
    %add3A = arith.constant 0 : i32
    %add3A_0 = arith.addi %add3A, %arg0 : i32
    %c0_i32 = arith.constant 0 : i32
    %c0_i32_1 = arith.constant 0 : i32
    %c0_i32_2 = arith.constant 0 : i32
    return %add3A_0, %c0_i32, %c0_i32_1 : i32, i32, i32
  }
  func.func @transform_5(%arg0: i32) -> (i32, i32, i32) {
    %add3A = arith.constant 8 : i32
    %add3A_0 = arith.addi %add3A, %arg0 : i32
    %c0_i32 = arith.constant 0 : i32
    %c0_i32_1 = arith.constant 0 : i32
    %c0_i32_2 = arith.constant 0 : i32
    return %add3A_0, %c0_i32, %c0_i32_1 : i32, i32, i32
  }
  func.func @transform_6(%arg0: i32) -> (i32, i32, i32) {
    %add3A = arith.constant 16 : i32
    %add3A_0 = arith.addi %add3A, %arg0 : i32
    %c0_i32 = arith.constant 0 : i32
    %c0_i32_1 = arith.constant 0 : i32
    %c0_i32_2 = arith.constant 0 : i32
    return %add3A_0, %c0_i32, %c0_i32_1 : i32, i32, i32
  }
  func.func @transform_7(%arg0: i32) -> (i32, i32, i32) {
    %add3A = arith.constant 24 : i32
    %add3A_0 = arith.addi %add3A, %arg0 : i32
    %c0_i32 = arith.constant 0 : i32
    %c0_i32_1 = arith.constant 0 : i32
    %c0_i32_2 = arith.constant 0 : i32
    return %add3A_0, %c0_i32, %c0_i32_1 : i32, i32, i32
  }
  func.func @transform_8(%arg0: i32) -> (i32, i32) {
    %c0_i32 = arith.constant 0 : i32
    %c0_i32_0 = arith.constant 0 : i32
    %c0_i32_1 = arith.constant 0 : i32
    return %c0_i32, %c0_i32_0 : i32, i32
  }
  func.func @transform_9(%arg0: i32) -> (i32, i32) {
    %c0_i32 = arith.constant 0 : i32
    %c0_i32_0 = arith.constant 0 : i32
    %c0_i32_1 = arith.constant 0 : i32
    return %c0_i32, %c0_i32_0 : i32, i32
  }
  func.func @transform_10(%arg0: i32) -> (i32, i32) {
    %c0_i32 = arith.constant 0 : i32
    %c0_i32_0 = arith.constant 0 : i32
    %c0_i32_1 = arith.constant 0 : i32
    return %c0_i32, %c0_i32_0 : i32, i32
  }
  func.func @transform_11(%arg0: i32) -> (i32, i32) {
    %c0_i32 = arith.constant 0 : i32
    %c0_i32_0 = arith.constant 0 : i32
    %c0_i32_1 = arith.constant 0 : i32
    return %c0_i32, %c0_i32_0 : i32, i32
  }
}

module attributes {stable_mosaic.version = 14 : i64} {
  func.func @fin_body(%arg0: memref<68x512xf32, #tpu.memory_space<vmem>>, %arg1: memref<17x128xf32, #tpu.memory_space<vmem>>, %arg2: memref<17x128xf32, #tpu.memory_space<vmem>>, %arg3: memref<17x128xf32, #tpu.memory_space<vmem>>, %arg4: memref<17x128xf32, #tpu.memory_space<vmem>>, %arg5: memref<1x1xf32, #tpu.memory_space<vmem>>) attributes {dimension_semantics = [], scalar_prefetch = 0 : i64, scratch_operands = 0 : i64, tpu.core_type = #tpu.core_type<tc>} {
    %get3A = arith.constant 0 : index
    %get3A_0 = arith.constant 0 : index
    %get3A_1 = vector.load %arg0[%get3A, %get3A_0] : memref<68x512xf32, #tpu.memory_space<vmem>>, vector<68x512xf32>
    %slice3A = vector.extract_strided_slice %get3A_1 {offsets = [0, 0], sizes = [17, 512], strides = [1, 1]} : vector<68x512xf32> to vector<17x512xf32>
    %reduce_sum3A = arith.constant dense<0.000000e+00> : vector<17xf32>
    %reduce_sum3A_2 = vector.multi_reduction <add>, %slice3A, %reduce_sum3A [1] : vector<17x512xf32> to vector<17xf32>
    %broadcast_in_dim3A = vector.shape_cast %reduce_sum3A_2 : vector<17xf32> to vector<17x1xf32>
    %get3A_3 = arith.constant 0 : index
    %get3A_4 = arith.constant 0 : index
    %get3A_5 = vector.load %arg1[%get3A_3, %get3A_4] : memref<17x128xf32, #tpu.memory_space<vmem>>, vector<17x128xf32>
    %slice3A_6 = vector.extract_strided_slice %get3A_5 {offsets = [0, 0], sizes = [17, 1], strides = [1, 1]} : vector<17x128xf32> to vector<17x1xf32>
    %add3A = arith.addf %broadcast_in_dim3A, %slice3A_6 : vector<17x1xf32>
    %slice3A_7 = vector.extract_strided_slice %get3A_1 {offsets = [17, 0], sizes = [17, 512], strides = [1, 1]} : vector<68x512xf32> to vector<17x512xf32>
    %reduce_sum3A_8 = arith.constant dense<0.000000e+00> : vector<17xf32>
    %reduce_sum3A_9 = vector.multi_reduction <add>, %slice3A_7, %reduce_sum3A_8 [1] : vector<17x512xf32> to vector<17xf32>
    %broadcast_in_dim3A_10 = vector.shape_cast %reduce_sum3A_9 : vector<17xf32> to vector<17x1xf32>
    %get3A_11 = arith.constant 0 : index
    %get3A_12 = arith.constant 0 : index
    %get3A_13 = vector.load %arg2[%get3A_11, %get3A_12] : memref<17x128xf32, #tpu.memory_space<vmem>>, vector<17x128xf32>
    %slice3A_14 = vector.extract_strided_slice %get3A_13 {offsets = [0, 0], sizes = [17, 1], strides = [1, 1]} : vector<17x128xf32> to vector<17x1xf32>
    %add3A_15 = arith.addf %broadcast_in_dim3A_10, %slice3A_14 : vector<17x1xf32>
    %slice3A_16 = vector.extract_strided_slice %get3A_1 {offsets = [34, 0], sizes = [17, 512], strides = [1, 1]} : vector<68x512xf32> to vector<17x512xf32>
    %reduce_max3A = arith.constant dense<0xFF800000> : vector<17xf32>
    %reduce_max3A_17 = vector.multi_reduction <maximumf>, %slice3A_16, %reduce_max3A [1] : vector<17x512xf32> to vector<17xf32>
    %broadcast_in_dim3A_18 = vector.shape_cast %reduce_max3A_17 : vector<17xf32> to vector<17x1xf32>
    %get3A_19 = arith.constant 0 : index
    %get3A_20 = arith.constant 0 : index
    %get3A_21 = vector.load %arg3[%get3A_19, %get3A_20] : memref<17x128xf32, #tpu.memory_space<vmem>>, vector<17x128xf32>
    %slice3A_22 = vector.extract_strided_slice %get3A_21 {offsets = [0, 0], sizes = [17, 1], strides = [1, 1]} : vector<17x128xf32> to vector<17x1xf32>
    %max3A = arith.maximumf %broadcast_in_dim3A_18, %slice3A_22 : vector<17x1xf32>
    %slice3A_23 = vector.extract_strided_slice %get3A_1 {offsets = [51, 0], sizes = [17, 512], strides = [1, 1]} : vector<68x512xf32> to vector<17x512xf32>
    %reduce_min3A = arith.constant dense<0x7F800000> : vector<17xf32>
    %reduce_min3A_24 = vector.multi_reduction <minimumf>, %slice3A_23, %reduce_min3A [1] : vector<17x512xf32> to vector<17xf32>
    %broadcast_in_dim3A_25 = vector.shape_cast %reduce_min3A_24 : vector<17xf32> to vector<17x1xf32>
    %get3A_26 = arith.constant 0 : index
    %get3A_27 = arith.constant 0 : index
    %get3A_28 = vector.load %arg4[%get3A_26, %get3A_27] : memref<17x128xf32, #tpu.memory_space<vmem>>, vector<17x128xf32>
    %slice3A_29 = vector.extract_strided_slice %get3A_28 {offsets = [0, 0], sizes = [17, 1], strides = [1, 1]} : vector<17x128xf32> to vector<17x1xf32>
    %min3A = arith.minimumf %broadcast_in_dim3A_25, %slice3A_29 : vector<17x1xf32>
    %eq3A = arith.constant 0.000000e+00 : f32
    %eq3A_30 = vector.broadcast %eq3A : f32 to vector<17x1xf32>
    %eq3A_31 = arith.cmpf oeq, %min3A, %eq3A_30 : vector<17x1xf32>
    %jit3A = arith.constant 0.000000e+00 : f32
    %broadcast_in_dim3A_32 = vector.broadcast %jit3A : f32 to vector<17x1xf32>
    %select_n3A = arith.select %eq3A_31, %max3A, %broadcast_in_dim3A_32 : vector<17x1xi1>, vector<17x1xf32>
    %max3A_33 = arith.constant 1.000000e+00 : f32
    %max3A_34 = vector.broadcast %max3A_33 : f32 to vector<17x1xf32>
    %max3A_35 = arith.maximumf %add3A_15, %max3A_34 : vector<17x1xf32>
    %div3A = arith.divf %add3A, %max3A_35 : vector<17x1xf32>
    %mul3A = arith.mulf %select_n3A, %select_n3A : vector<17x1xf32>
    %add3A_36 = arith.addf %div3A, %mul3A : vector<17x1xf32>
    %reduce_sum3A_37 = arith.constant dense<0.000000e+00> : vector<1xf32>
    %reduce_sum3A_38 = vector.multi_reduction <add>, %add3A_36, %reduce_sum3A_37 [0] : vector<17x1xf32> to vector<1xf32>
    %broadcast_in_dim3A_39 = vector.shape_cast %reduce_sum3A_38 : vector<1xf32> to vector<1x1xf32>
    %div3A_40 = arith.constant 1.700000e+01 : f32
    %div3A_41 = vector.broadcast %div3A_40 : f32 to vector<1x1xf32>
    %div3A_42 = arith.divf %broadcast_in_dim3A_39, %div3A_41 : vector<1x1xf32>
    %swap3A = arith.constant 0 : index
    %swap3A_43 = arith.constant 0 : index
    %swap3A_44 = vector.load %arg5[%swap3A, %swap3A_43] : memref<1x1xf32, #tpu.memory_space<vmem>>, vector<1x1xf32>
    tpu.vector_store %arg5[%swap3A, %swap3A_43], %div3A_42 {strides = array<i32>} : memref<1x1xf32, #tpu.memory_space<vmem>>, vector<1x1xf32>,
    return
  }
}

</mosaic_0001>

<sc_bundles>
// kernel: kernel.5.cloned.1.call-start
scs
__scs_entry_jumppad:
0x0: {  	(pc) =	sbr.rel $0x88, $3  }
0x1: {  	(tag) =	ssettag $0x0;
	lr =	simm.s32 $0x1  }
0x2: {  	[smem:$0x3F9F] =	sst lr;
	_ =	strace $0xD0000000  }
0x3: {  	_ = 	snop  }
0x4: {  	_ = 	snop  }
0x5: {  	_ = 	snop  }
0x6: {  	_ = 	snop  }
0x7: {  	_ = 	snop  }
__scs_overlays_trampoline_lowered:
0x8: {  	[smem:$0x3FAE] =	sst s0  }
0x9: {  	[smem:$0x3FAF] =	sst s1  }
0xa: {  	[smem:$0x3FB0] =	sst s2  }
0xb: {  	[smem:$0x3FB1] =	sst s3  }
0xc: {  	[smem:$0x3FB2] =	sst s4  }
0xd: {  	[smem:$0x3FB3] =	sst s5  }
0xe: {  	[smem:$0x3FB4] =	sst s6  }
0xf: {  	[smem:$0x3FB5] =	sst s7  }
0x10: {  	[smem:$0x3FB6] =	sst s8  }
0x11: {  	[smem:$0x3FB7] =	sst s9;
	s0 =	simm.s32 @!p0 $0x0  }
0x12: {  	s1 =	sld [smem:$0x3F9D];
	s0 =	simm.s32 @p0 $0x1  }
0x13: {  	[smem:$0x3FB8] =	sst s0;
	s0 =	simm.s32 @!p1 $0x0  }
0x14: {  	s2 =	sld [smem:$0x3F9C];
	s0 =	simm.s32 @p1 $0x1  }
0x15: {  	[smem:$0x3FB9] =	sst s0;
	s0 =	simm.s32 @!p2 $0x0  }
0x16: {  	s3 =	sld [smem:$0x3FDB];
	s0 =	simm.s32 @p2 $0x1  }
0x17: {  	s4 =	simm.s32 $0x1BF5;
	[smem:$0x3FBB] =	sst s0  }
0x18: {  	s0 =	sld [smem:$0x3F9E];
	_ =	swait.ge [sflag:s4], $0x0  }
0x19: {  	s7 =	sld [smem:$0x3F9F]  }
0x1a: {  	s8 =	sadd.s32 $0xFFFFE003, lr  }
0x1b: {  	s9 =	sadd.s32 $0xFFFFFEF7, lr;
	s5 =	simm.s32 $0xFFFFFFFF;
	p2 =	slt.u32 s8, $0xFFFFF086  }
0x1c: {  	p1 =	slt.u32 s9, $0xF7A;
	s5 =	simm.s32 @!p2 $0x0  }
0x1d: {  	s5 =	simm.s32 @p1 $0x1;
	p0 =	seq.s32 s7, s2  }
0x1e: {  	s7 =	smul.u32 @!p0 $0xF7A, s2;
	p2 =	seq.s32 @!p0 s5, $0x0  }
0x1f: {  	s9 =	smul.u32 $0xF7A, s1;
	s8 =	simm.s32 @!p0 $0x1BF5;
	p2 =	por !p2, p0  }
0x20: {  	[sflag:s8] =	ssyncset.s32 @!p0 $0xFFFFF086;
	s6 =	sadd.s32 @!p0 s3, s7;
	s7 =	simm.s32 @!p0 $0x108  }
0x21: {  	s3 =	sadd.s32 s3, s9;
	s6 =	sadd.s32 @!p0 $0x88, s6;
	s7 =	simm.s32 @p2 $0x1082  }
0x22: {  	[simem:s7], [sflag:s8] =	dma.local @!p0 [hbm:s6], $0xF7A  }
0x23: {  	s9 =	sor.u32 $0xD0000000, s2;
	s6 =	simm.s32 $0x108;
	_ =	swait.ge @!p0 [sflag:s8], $0x0  }
0x24: {  	s3 =	sadd.s32 $0x88, s3;
	s6 =	simm.s32 @!p1 $0x1082;
	[sflag:s4] =	ssyncset.s32 $0xFFFFF086  }
0x25: {  	[simem:s6], [sflag:s4] =	dma.local [hbm:s3], $0xF7A  }
0x26: {  	[smem:$0x3F9F] =	sst s1;
	(tag) =	ssettag s2;
	_ =	strace s9  }
0x27: {  	s1 =	sld [smem:$0x3FAF]  }
0x28: {  	s2 =	sld [smem:$0x3FB0]  }
0x29: {  	s4 =	sld [smem:$0x3FB2]  }
0x2a: {  	p0 =	seq.s32 s5, $0x0;
	s5 =	sld [smem:$0x3FB3]  }
0x2b: {  	s6 =	sld [smem:$0x3FB4]  }
0x2c: {  	s7 =	sld [smem:$0x3FB5]  }
0x2d: {  	s3 =	simm.s32 $0x108;
	s8 =	sld [smem:$0x3FB6]  }
0x2e: {  	s3 =	simm.s32 @!p0 $0x1082;
	s9 =	sld [smem:$0x3FB7]  }
0x2f: {  	lr =	sadd.s32 s0, s3;
	s0 =	sld [smem:$0x3FAE]  }
0x30: {  	s3 =	sld [smem:$0x3FB1]  }
0x31: {  	[smem:$0x3FBA] =	sst s10  }
0x32: {  	s10 =	sld [smem:$0x3FB8];
	_ =	sdelay $0x3  }
0x33: {  	p0 =	seq.s32 s10, $0x1;
	s10 =	sld [smem:$0x3FBA];
	_ =	sdelay $0x3  }
0x34: {  	[smem:$0x3FBA] =	sst s10  }
0x35: {  	s10 =	sld [smem:$0x3FB9];
	_ =	sdelay $0x3  }
0x36: {  	p1 =	seq.s32 s10, $0x1;
	s10 =	sld [smem:$0x3FBA];
	_ =	sdelay $0x3  }
0x37: {  	[smem:$0x3FBA] =	sst s10  }
0x38: {  	s10 =	sld [smem:$0x3FBB]  }
0x39: {  	_ = 	snop;
	(pc) =	sbr.ind lr, $3  }
0x3a: {  	_ = 	snop  }
0x3b: {  	_ = 	snop  }
0x3c: {  	p2 =	seq.s32 s10, $0x1;
	s10 =	sld [smem:$0x3FBA]  }
0x3d: {  	_ =	shalt  }
0x3e: {  	_ =	shalt  }
0x3f: {  	_ =	shalt  }
0x40: {  	_ =	shalt  }
0x41: {  	_ =	shalt  }
0x42: {  	_ =	shalt  }
0x43: {  	_ =	shalt  }
0x44: {  	_ =	shalt  }
0x45: {  	_ =	shalt  }
0x46: {  	_ =	shalt  }
0x47: {  	_ =	shalt  }
0x48: {  	_ =	shalt  }
0x49: {  	_ =	shalt  }
0x4a: {  	_ =	shalt  }
0x4b: {  	_ =	shalt  }
0x4c: {  	_ =	shalt  }
0x4d: {  	_ =	shalt  }
0x4e: {  	_ =	shalt  }
0x4f: {  	_ =	shalt  }
0x50: {  	_ =	shalt  }
0x51: {  	_ =	shalt  }
0x52: {  	_ =	shalt  }
0x53: {  	_ =	shalt  }
0x54: {  	_ =	shalt  }
0x55: {  	_ =	shalt  }
0x56: {  	_ =	shalt  }
0x57: {  	_ =	shalt  }
0x58: {  	_ =	shalt  }
0x59: {  	_ =	shalt  }
0x5a: {  	_ =	shalt  }
0x5b: {  	_ =	shalt  }
0x5c: {  	_ =	shalt  }
0x5d: {  	_ =	shalt  }
0x5e: {  	_ =	shalt  }
0x5f: {  	_ =	shalt  }
0x60: {  	_ =	shalt  }
0x61: {  	_ =	shalt  }
0x62: {  	_ =	shalt  }
0x63: {  	_ =	shalt  }
0x64: {  	_ =	shalt  }
0x65: {  	_ =	shalt  }
0x66: {  	_ =	shalt  }
0x67: {  	_ =	shalt  }
0x68: {  	_ =	shalt  }
0x69: {  	_ =	shalt  }
0x6a: {  	_ =	shalt  }
0x6b: {  	_ =	shalt  }
0x6c: {  	_ =	shalt  }
0x6d: {  	_ =	shalt  }
0x6e: {  	_ =	shalt  }
0x6f: {  	_ =	shalt  }
0x70: {  	_ =	shalt  }
0x71: {  	_ =	shalt  }
0x72: {  	_ =	shalt  }
0x73: {  	_ =	shalt  }
0x74: {  	_ =	shalt  }
0x75: {  	_ =	shalt  }
0x76: {  	_ =	shalt  }
0x77: {  	_ =	shalt  }
0x78: {  	_ =	shalt  }
0x79: {  	_ =	shalt  }
0x7a: {  	_ =	shalt  }
0x7b: {  	_ =	shalt  }
0x7c: {  	_ =	shalt  }
0x7d: {  	_ =	shalt  }
0x7e: {  	_ =	shalt  }
0x7f: {  	_ =	shalt  }
0x80: {  	_ =	shalt  }
0x81: {  	_ =	shalt  }
0x82: {  	_ =	shalt  }
0x83: {  	_ =	shalt  }
0x84: {  	_ =	shalt  }
0x85: {  	_ =	shalt  }
0x86: {  	_ =	shalt  }
0x87: {  	_ =	shalt  }
.Lfunc_end0:
.L_simem_size_0:
called_computation_lowered:
.L_overlay_start_0:
0x88: {  	s2 =	sld [smem:$0x3FD9]  }
0x89: {  	s3 =	sld [smem:$0x3FFE];
	_ =	sdelay $0x1  }
0x8a: {  	s1 =	srdreg.scid  }
0x8b: {  	s0 =	sand.u32 $0x1, s1  }
0x8c: {  	s16 =	sshll.u32 s0, $0xA;
	s2 =	sadd.s32 s3, s2  }
0x8d: {  	s2 =	sadd.s32 s2, s16  }
0x8e: {  	[smem:$0x3FC6] =	sst s2  }
0x8f: {  	_ = 	snop  }
0x90: {  	(tm) =	ssettm $0x1  }
0x91: {  	s17 =	sld [smem:$0x3FFB];
	_ =	sdelay $0x3  }
0x92: {  	_ =	strace s17  }
0x93: {  	s2 =	sld [smem:$0x3FFC];
	_ =	sdelay $0x3  }
0x94: {  	_ =	strace s2  }
0x95: {  	s2 =	sld [smem:$0x3FFD];
	_ =	sdelay $0x3  }
0x96: {  	_ =	strace s2  }
0x97: {  	_ =	strace $0x8FFFFFFF  }
0x98: {  	s18 =	sld [smem:$0x3FDB];
	_ =	sdelay $0x1  }
0x99: {  	s19 =	simm.s32 $_scs_section_size  }
0x9a: {  	s4 =	simm.s32 $_size__tile_overlayer_lowered;
	s5 =	simm.s32 $_tile_overlayer_lowered  }
0x9b: {  	s22 =	simm.s32 $0x1BFF;
	s21 =	sshll.u32 s5, $0x1;
	s2 =	sadd.s32 s19, s18  }
0x9c: {  	s6 =	simm.s32 $0x0;
	s20 =	sshll.u32 s4, $0x1;
	s4 =	sadd.s32 s21, s2  }
0x9d: {  	[timem:s6], [sflag:s22] =	dma.local [hbm:s4], s20  }
0x9e: {  	_ =	swait.ge [sflag:s22], s20  }
0x9f: {  	s3 =	ssub.s32 $0x0, s20;
	[sflag:s22] =	ssyncset.done $0x0  }
0xa0: {  	[sflag:s22] =	ssyncadd.s32 s3;
	_ =	sdelay $0x1  }
0xa1: {  	s23 =	simm.s32 $0x1B8B  }
0xa2: {  	_ =	swait.ge [sflag:s23], $0x1  }
0xa3: {  	[sflag:s23] =	ssyncset.done $0x0  }
0xa4: {  	s25 =	simm.s32 $0x1B8E;
	s24 =	sld [smem:$0x3FFE];
	[sflag:s23] =	ssyncadd.s32 $0xFFFFFFFF  }
0xa5: {  	s26 =	simm.s32 $execute0_lowered;
	[smem:$0x3FD2] =	sst s25  }
0xa6: {  	s4 =	sshll.u32 s26, $0x1;
	_ =	strace $0x80000046;
	[dreg:$0x1] =	wrdreg $0xFFFFFFFF  }
0xa7: {  	s28 =	simm.s32 $_size_execute0_lowered;
	s2 =	sadd.s32 s2, s4;
	[dreg:$0x0] =	wrdreg $0x0  }
0xa8: {  	s4 =	sshll.u32 s28, $0x1;
	[dreg:$0x2] =	wrdreg s2  }
0xa9: {  	[dreg:$0x3] =	wrdreg s4  }
0xaa: {  	[dreg:$0x4] =	wrdreg $0xC0  }
0xab: {  	_ =	task [dreg:s6], $0x5FFFF  }
0xac: {  	[dreg:$0x1] =	wrdreg $0xFFFFFFFF  }
0xad: {  	[dreg:$0x0] =	wrdreg $0x60  }
0xae: {  	[dreg:$0x2] =	wrdreg s24  }
0xaf: {  	[dreg:$0x3] =	wrdreg $0x9  }
0xb0: {  	_ =	task.clear_ibuf [dreg:s6], $0x4FFFF;
	_ =	strace $0x90000046  }
0xb1: {  	s29 =	simm.s32 $0x9;
	_ =	strace $0x80000048  }
0xb2: {  	_ =	swait.ge [sflag:s29], $0x1  }
0xb3: {  	[sflag:s29] =	ssyncadd.s32 $0xFFFFFFFF  }
0xb4: {  	_ =	strace $0x90000048  }
0xb5: {  	_ =	sfence  }
0xb6: {  	s30 =	sld [smem:$0x0];
	_ =	sdelay $0x2  }
0xb7: {  	s31 =	sshll.u32 s1, $0xD;
	s1 =	sshrl.u32 s1, $0x2  }
0xb8: {  	s3 =	sand.u32 $0x4000, s31;
	s1 =	sadd.s32 s1, s30  }
0xb9: {  	s0 =	sor.u32 s3, s0;
	s1 =	sshll.u32 s1, $0x11  }
0xba: {  	s0 =	sor.u32 s1, s0  }
0xbb: {  	s0 =	sadd.s32 $0x8F2B, s0  }
0xbc: {  	[sflag:s0] =	ssyncadd.remote.s32 $0x1  }
0xbd: {  	_ =	sfence.sel $0xFFFF  }
0xbe: {  	[dreg:$0x0] =	wrdreg $0xFFFFFFFF;
	(pc) =	sbr.abs _section_cstart, $3  }
0xbf: {  	[dreg:$0x1] =	wrdreg $0xFFFFFFFF  }
0xc0: {  	_ =	task.clear_ibuf [dreg:s6], $0x2FFFF;
	_ =	strace $0x9FFFFFFF  }
0xc1: {  	(tm) =	ssettm $0x7FFFFFFF  }
tec
execute0_lowered:
.L_overlay_start_1:
0x0: {  	(tag) =	ssettag $0x1  }
0x1: {  	s0 =	rddreg [dreg:$0x0];
	s2 =	simm.s32 $0x0;
	s1 =	srdreg.scid  }
0x2: {  	s4 =	stileid.u32;
	s16 =	simm.s32 $0xC000;
	s17 =	simm.s32 $0x3000  }
0x3: {  	s18 =	simm.s32 $0xF000;
	s28 =	simm.s32 $0x3;
	s29 =	simm.s32 $0x7  }
0x4: {  	s30 =	simm.s32 $0x4;
	s31 =	simm.s32 $0x8;
	[smem:$0x7FF] =	sst s2  }
0x5: {  	s1 =	sand.u32 $0x1, s1;
	s3 =	sshll.u32 s4, $0x1;
	s4 =	sshrl.u32 s4, $0x2  }
0x6: {  	_ =	strace $0x80000047;
	s3 =	sor.u32 s1, s3;
	s5 =	smul.u32 $0x2400, s4  }
0x7: {  	s1 =	ssub.s32 $0x2, s1;
	s20 =	sshll.u32 s3, $0x7;
	s6 =	sshll.u32 s3, $0x1  }
0x8: {  	s3 =	sadd.s32 $0x600, s0;
	s8 =	sshrl.u32 s1, $0x1;
	s7 =	sand.u32 $0x380, s20  }
0x9: {  	s4 =	sor.u32 $0x40, s6;
	s1 =	ssub.s32 s1, s8;
	s20 =	simm.s32 $0x9  }
0xa: {  	s21 =	sor.u32 s5, s7;
	s22 =	smul.u32 $0x33000, s4;
	s5 =	sadd.s32 $0x330600, s0  }
0xb: {  	s15 =	smax.u32 s1, $0x1;
	s6 =	sshrl.u32 s21, $0x3;
	s21 =	simm.s32 $0x9000  }
0xc: {  	s0 =	sadd.s32 s6, s0;
	s23 =	sshrl.u32 s22, $0x3;
	s22 =	simm.s32 $0x15000  }
0xd: {  	s7 =	sadd.s32 s3, s23;
	s24 =	sadd.s32 s5, s23;
	s9 =	sadd.s32 $0x600, s23  }
0xe: {  	s11 =	sadd.s32 $0xC00, s23;
	s6 =	sadd.s32 $0x1200, s23;
	s14 =	sadd.s32 $0x660600, s0  }
0xf: {  	s23 =	simm.s32 $0x1;
	s0 =	simm.s32 $0x0;
	[dreg:$0x2] =	wrdreg s7  }
0x10: {  	[dreg:$0x3] =	wrdreg s24;
	s25 =	sadd.s32 s3, s9;
	s26 =	sadd.s32 s5, s9  }
0x11: {  	s10 =	sadd.s32 s3, s11;
	s11 =	sadd.s32 s5, s11;
	s12 =	sadd.s32 s3, s6  }
0x12: {  	s13 =	sadd.s32 s5, s6;
	s24 =	simm.s32 $0x5;
	[dreg:$0x4] =	wrdreg s25  }
0x13: {  	v0 =	vimm.f32 $0.0e+00;
	v1 =	vimm.f32 $-Inf;
	v2 =	vimm.f32 $+Inf;
	[dreg:$0x5] =	wrdreg s26;
	s25 =	simm.s32 $0x2;
	s26 =	simm.s32 $0x6  }
.LBB2_1:
0x14: {  	[tilespmem:$0x18000] =	vst v0  }
0x15: {  	[tilespmem:$0x18110] =	vst v0  }
0x16: {  	[tilespmem:$0x18220] =	vst v1  }
0x17: {  	[tilespmem:$0x18330] =	vst v2  }
0x18: {  	[tilespmem:$0x18010] =	vst v0  }
0x19: {  	[tilespmem:$0x18120] =	vst v0  }
0x1a: {  	[tilespmem:$0x18230] =	vst v1  }
0x1b: {  	[tilespmem:$0x18340] =	vst v2  }
0x1c: {  	[tilespmem:$0x18020] =	vst v0  }
0x1d: {  	[tilespmem:$0x18130] =	vst v0  }
0x1e: {  	[tilespmem:$0x18240] =	vst v1  }
0x1f: {  	[tilespmem:$0x18350] =	vst v2  }
0x20: {  	[tilespmem:$0x18030] =	vst v0  }
0x21: {  	[tilespmem:$0x18140] =	vst v0  }
0x22: {  	[tilespmem:$0x18250] =	vst v1  }
0x23: {  	[tilespmem:$0x18360] =	vst v2  }
0x24: {  	[tilespmem:$0x18040] =	vst v0  }
0x25: {  	[tilespmem:$0x18150] =	vst v0  }
0x26: {  	[tilespmem:$0x18260] =	vst v1  }
0x27: {  	[tilespmem:$0x18370] =	vst v2  }
0x28: {  	[tilespmem:$0x18050] =	vst v0  }
0x29: {  	[tilespmem:$0x18160] =	vst v0  }
0x2a: {  	[tilespmem:$0x18270] =	vst v1  }
0x2b: {  	[tilespmem:$0x18380] =	vst v2  }
0x2c: {  	[tilespmem:$0x18060] =	vst v0  }
0x2d: {  	[tilespmem:$0x18170] =	vst v0  }
0x2e: {  	[tilespmem:$0x18280] =	vst v1  }
0x2f: {  	[tilespmem:$0x18390] =	vst v2  }
0x30: {  	[tilespmem:$0x18070] =	vst v0  }
0x31: {  	[tilespmem:$0x18180] =	vst v0  }
0x32: {  	[tilespmem:$0x18290] =	vst v1  }
0x33: {  	[tilespmem:$0x183A0] =	vst v2  }
0x34: {  	[tilespmem:$0x18080] =	vst v0  }
0x35: {  	[tilespmem:$0x18190] =	vst v0  }
0x36: {  	[tilespmem:$0x182A0] =	vst v1  }
0x37: {  	[tilespmem:$0x183B0] =	vst v2  }
0x38: {  	[tilespmem:$0x18090] =	vst v0  }
0x39: {  	[tilespmem:$0x181A0] =	vst v0  }
0x3a: {  	[tilespmem:$0x182B0] =	vst v1  }
0x3b: {  	[tilespmem:$0x183C0] =	vst v2  }
0x3c: {  	[tilespmem:$0x180A0] =	vst v0  }
0x3d: {  	[tilespmem:$0x181B0] =	vst v0  }
0x3e: {  	[tilespmem:$0x182C0] =	vst v1  }
0x3f: {  	[tilespmem:$0x183D0] =	vst v2  }
0x40: {  	[tilespmem:$0x180B0] =	vst v0  }
0x41: {  	[tilespmem:$0x181C0] =	vst v0  }
0x42: {  	[tilespmem:$0x182D0] =	vst v1  }
0x43: {  	[tilespmem:$0x183E0] =	vst v2  }
0x44: {  	[tilespmem:$0x180C0] =	vst v0  }
0x45: {  	[tilespmem:$0x181D0] =	vst v0  }
0x46: {  	[tilespmem:$0x182E0] =	vst v1  }
0x47: {  	[tilespmem:$0x183F0] =	vst v2  }
0x48: {  	[tilespmem:$0x180D0] =	vst v0  }
0x49: {  	[tilespmem:$0x181E0] =	vst v0  }
0x4a: {  	[tilespmem:$0x182F0] =	vst v1  }
0x4b: {  	[tilespmem:$0x18400] =	vst v2  }
0x4c: {  	[tilespmem:$0x180E0] =	vst v0  }
0x4d: {  	[tilespmem:$0x181F0] =	vst v0  }
0x4e: {  	[tilespmem:$0x18300] =	vst v1  }
0x4f: {  	[tilespmem:$0x18410] =	vst v2  }
0x50: {  	[tilespmem:$0x180F0] =	vst v0  }
0x51: {  	[tilespmem:$0x18200] =	vst v0  }
0x52: {  	[tilespmem:$0x18310] =	vst v1  }
0x53: {  	[tilespmem:$0x18420] =	vst v2  }
0x54: {  	[tilespmem:$0x18100] =	vst v0  }
0x55: {  	[tilespmem:$0x18210] =	vst v0  }
0x56: {  	[tilespmem:$0x18320] =	vst v1  }
0x57: {  	[tilespmem:$0x18430] =	vst v2;
	s1 =	rddreg [dreg:$0x2]  }
0x58: {  	[tilespmem:s2], [sflag:$0x1] =	stream.linear.gather [hbm4b:s1+s2], $0x3000, $0x38;
	[tilespmem:$0x18480] =	vst v63  }
0x59: {  	s6 =	rddreg [dreg:$0x3]  }
0x5a: {  	[tilespmem:s16], [sflag:$0x5] =	stream.linear.gather [hbm4b:s6+s2], $0x3000, $0x38;
	[tilespmem:$0x18480] =	vst v63  }
0x5b: {  	s7 =	rddreg [dreg:$0x4]  }
0x5c: {  	[tilespmem:s17], [sflag:$0x2] =	stream.linear.gather [hbm4b:s7+s2], $0x3000, $0x38;
	[tilespmem:$0x18480] =	vst v63  }
0x5d: {  	s8 =	rddreg [dreg:$0x5]  }
0x5e: {  	[tilespmem:s18], [sflag:$0x6] =	stream.linear.gather [hbm4b:s8+s2], $0x3000, $0x38;
	[tilespmem:$0x18480] =	vst v63  }
0x5f: {  	s9 =	simm.s32 $0x6000  }
0x60: {  	[tilespmem:s9], [sflag:$0x3] =	stream.linear.gather [hbm4b:s10+s2], $0x3000, $0x38;
	[tilespmem:$0x18480] =	vst v63  }
0x61: {  	s19 =	simm.s32 $0x12000  }
0x62: {  	[tilespmem:s19], [sflag:$0x7] =	stream.linear.gather [hbm4b:s11+s2], $0x3000, $0x38;
	[tilespmem:$0x18480] =	vst v63  }
0x63: {  	_ = 	snop  }
0x64: {  	[tilespmem:s21], [sflag:$0x4] =	stream.linear.gather [hbm4b:s12+s2], $0x3000, $0x38;
	[tilespmem:$0x18480] =	vst v63  }
0x65: {  	s1 =	simm.s32 $0x0  }
0x66: {  	[tilespmem:s22], [sflag:$0x8] =	stream.linear.gather [hbm4b:s13+s2], $0x3000, $0x38;
	[tilespmem:$0x18480] =	vst v63  }
.LBB2_2:
0x67: {  	_ =	swait.ge [sflag:s23], $0x3000  }
0x68: {  	[sflag:s23] =	ssyncset.done $0x0  }
0x69: {  	[sflag:s23] =	ssyncadd.s32 $0xFFFFD000  }
0x6a: {  	_ =	swait.ge [sflag:s24], $0x3000  }
0x6b: {  	[sflag:s24] =	ssyncset.done $0x0  }
0x6c: {  	s6 =	simm.s32 $0x0;
	[sflag:s24] =	ssyncadd.s32 $0xFFFFD000  }
0x6d: {  	v3 =	vld [tilespmem:s6+$0x50]  }
0x6e: {  	v19 =	vld [tilespmem:s6+$0xC050]  }
0x6f: {  	v6 =	vld [tilespmem:s6+$0x40]  }
0x70: {  	v22 =	vld [tilespmem:s6+$0xC040]  }
0x71: {  	v14 =	vld [tilespmem:s6+$0xC030]  }
0x72: {  	v17 =	vld [tilespmem:s6+$0xC010]  }
0x73: {  	v16 =	vld [tilespmem:s6+$0xC020]  }
0x74: {  	v23 =	vimm.f32 $0.0e+00;
	v13 =	vld [tilespmem:s6+$0xC000]  }
0x75: {  	v15 =	vimm.f32 $-Inf;
	v8 =	vimm.f32 $+Inf;
	v21 =	vimm.f32 $0.0e+00;
	v9 =	vld [tilespmem:s6+$0x30]  }
0x76: {  	v12 =	vld [tilespmem:s6+$0x20];
	v5 =	vand.u32 $0x7FFFFFFF, v22;
	vm0 =	veq.f32 v19, $0.0e+00;
	v4 =	vand.u32 $0x7FFFFFFF, v19  }
0x77: {  	v18 =	vld [tilespmem:s6+$0x10];
	v7 =	vand.u32 $0x7FFFFFFF, v14;
	vm1 =	veq.f32 v22, $0.0e+00;
	vm2 =	vgt.f32 v19, $0.0e+00  }
0x78: {  	s19 =	simm.s32 $0x200;
	v20 =	vld [tilespmem:s6+$0x0];
	v11 =	vand.u32 $0x7FFFFFFF, v17;
	v10 =	vand.u32 $0x7FFFFFFF, v16;
	vm3 =	vgt.f32 v22, $0.0e+00  }
.LBB2_3:
0x79: {  	p0 =	sne.s32 s19, $0xBE00;
	v24 =	vand.u32 $0x7FFFFFFF, v13;
	vm4 =	veq.f32 v14, $0.0e+00;
	v19 =	vsub.f32 v3, v19  }
0x7a: {  	vm5 =	veq.f32 v16, $0.0e+00;
	vm6 =	vgt.f32 v14, $0.0e+00;
	v22 =	vsub.f32 v6, v22  }
0x7b: {  	vm7 =	veq.f32 v17, $0.0e+00;
	vm8 =	vgt.f32 v16, $0.0e+00;
	v14 =	vsub.f32 v9, v14  }
0x7c: {  	vm9 =	veq.f32 v13, $0.0e+00;
	vm10 =	vgt.f32 v17, $0.0e+00;
	v16 =	vsub.f32 v12, v16  }
0x7d: {  	vm11 =	vgt.f32 v13, $0.0e+00;
	v25 =	vsub.f32 v20, v13;
	v13 =	vsub.f32 v18, v17  }
0x7e: {  	v26 =	vsel vm3, $0x3F800000, v0;
	v27 =	vsel vm2, $0x3F800000, v0;
	v17 =	vsel vm6, $0x3F800000, v0  }
0x7f: {  	v28 =	vsel vm10, $0x3F800000, v0;
	v29 =	vsel vm8, $0x3F800000, v0;
	v25 =	vmul.f32 v25, v25  }
0x80: {  	v30 =	vsel vm11, $0x3F800000, v0;
	v22 =	vmul.f32 v22, v22;
	v19 =	vmul.f32 v19, v19  }
0x81: {  	v14 =	vmul.f32 v14, v14;
	v13 =	vmul.f32 v13, v13;
	v25 =	vnsel vm11, $0x0, v25  }
0x82: {  	v20 =	vmax.f32 v15, v20;
	v16 =	vmul.f32 v16, v16;
	v23 =	vadd.f32 v25, v23  }
0x83: {  	v21 =	vadd.f32 v30, v21;
	v15 =	vsel vm9, v20, v15;
	v13 =	vnsel vm10, $0x0, v13  }
0x84: {  	s6 =	sshra.s32 s19, $0x2;
	v20 =	vnsel vm2, $0x0, v19;
	v18 =	vmax.f32 v15, v18;
	v13 =	vadd.f32 v13, v23  }
0x85: {  	v21 =	vadd.f32 v28, v21;
	v16 =	vnsel vm8, $0x0, v16;
	v15 =	vsel vm7, v18, v15;
	v25 =	vld [tilespmem:s6+$0x50]  }
0x86: {  	v18 =	vnsel vm3, $0x0, v22;
	v12 =	vmax.f32 v15, v12;
	v19 =	vld [tilespmem:s6+$0xC050];
	v13 =	vadd.f32 v16, v13  }
0x87: {  	v14 =	vnsel vm6, $0x0, v14;
	v12 =	vsel vm5, v12, v15;
	v16 =	vadd.f32 v29, v21;
	v28 =	vld [tilespmem:s6+$0x40]  }
0x88: {  	v8 =	vmin.f32 v8, v24;
	v9 =	vmax.f32 v12, v9;
	v22 =	vld [tilespmem:s6+$0xC040];
	v13 =	vadd.f32 v14, v13  }
0x89: {  	v8 =	vmin.f32 v8, v11;
	v9 =	vsel vm4, v9, v12;
	v11 =	vadd.f32 v17, v16;
	v14 =	vld [tilespmem:s6+$0xC030]  }
0x8a: {  	v8 =	vmin.f32 v8, v10;
	v6 =	vmax.f32 v9, v6;
	v16 =	vld [tilespmem:s6+$0xC020];
	v10 =	vadd.f32 v18, v13  }
0x8b: {  	v7 =	vmin.f32 v8, v7;
	v8 =	vadd.f32 v26, v11;
	v11 =	vsel vm1, v6, v9;
	v17 =	vld [tilespmem:s6+$0xC010]  }
.Ltmp0:
0x8c: {  	v5 =	vmin.f32 v7, v5;
	v7 =	vmax.f32 v11, v3;
	v3 =	vmovc v25;
	v13 =	vld [tilespmem:s6+$0xC000];
	v23 =	vadd.f32 v20, v10;
	(pc) =	sbr.rel @p0 .LBB2_3-.Ltmp0, $4  }
0x8d: {  	v21 =	vadd.f32 v27, v8;
	v15 =	vsel vm0, v7, v11;
	v8 =	vmin.f32 v5, v4;
	v6 =	vmovc v28;
	v9 =	vld [tilespmem:s6+$0x30]  }
0x8e: {  	vm0 =	veq.f32 v19, $0.0e+00;
	v4 =	vand.u32 $0x7FFFFFFF, v19;
	v5 =	vand.u32 $0x7FFFFFFF, v22;
	v12 =	vld [tilespmem:s6+$0x20]  }
0x8f: {  	vm2 =	vgt.f32 v19, $0.0e+00;
	vm1 =	veq.f32 v22, $0.0e+00;
	v7 =	vand.u32 $0x7FFFFFFF, v14;
	v18 =	vld [tilespmem:s6+$0x10]  }
0x90: {  	s19 =	sadd.s32 $0x200, s19;
	vm3 =	vgt.f32 v22, $0.0e+00;
	v10 =	vand.u32 $0x7FFFFFFF, v16;
	v20 =	vld [tilespmem:s6+$0x0];
	v11 =	vand.u32 $0x7FFFFFFF, v17  }
0x91: {  	_ =	sdelay $0x3  }
0x92: {  	v24 =	vsub.f32 v20, v13;
	_ =	sdelay $0x1  }
0x93: {  	v25 =	vsub.f32 v18, v17;
	v24 =	vmul.f32 v24, v24  }
0x94: {  	vm4 =	vgt.f32 v13, $0.0e+00  }
0x95: {  	v26 =	vsub.f32 v12, v16;
	v25 =	vmul.f32 v25, v25;
	v24 =	vnsel vm4, $0x0, v24  }
0x96: {  	vm5 =	vgt.f32 v17, $0.0e+00;
	v23 =	vadd.f32 v24, v23  }
0x97: {  	v60 =	vsub.f32 v9, v14;
	v26 =	vmul.f32 v26, v26;
	v25 =	vnsel vm5, $0x0, v25  }
0x98: {  	vm6 =	vgt.f32 v16, $0.0e+00;
	v23 =	vadd.f32 v25, v23  }
0x99: {  	v22 =	vsub.f32 v6, v22;
	v61 =	vnsel vm6, $0x0, v26;
	v24 =	vmul.f32 v60, v60  }
0x9a: {  	vm7 =	vgt.f32 v14, $0.0e+00;
	s19 =	sshll.u32 s1, $0x6;
	v23 =	vadd.f32 v61, v23  }
0x9b: {  	v19 =	vsub.f32 v3, v19;
	p0 =	slt.u32 s1, $0x5;
	s6 =	sadd.s32 $0xFFFFFEF0, s19;
	v22 =	vmul.f32 v22, v22;
	v24 =	vnsel vm7, $0x0, v24  }
0x9c: {  	v62 =	vsel vm4, $0x3F800000, v0;
	s6 =	smov.u32 @p0 s19;
	v23 =	vadd.f32 v24, v23  }
0x9d: {  	v19 =	vmul.f32 v19, v19;
	v21 =	vadd.f32 v62, v21;
	v63 =	vld [tilespmem:s6+$0x18000];
	v22 =	vnsel vm3, $0x0, v22  }
0x9e: {  	v22 =	vadd.f32 v22, v23;
	v23 =	vsel vm5, $0x3F800000, v0  }
0x9f: {  	v19 =	vnsel vm2, $0x0, v19;
	v21 =	vadd.f32 v23, v21  }
0xa0: {  	v19 =	vadd.f32 v19, v22;
	v22 =	vsel vm6, $0x3F800000, v0  }
0xa1: {  	v21 =	vadd.f32 v22, v21  }
0xa2: {  	v22 =	vsel vm7, $0x3F800000, v0;
	v19 =	vadd.f32 v63, v19  }
0xa3: {  	v21 =	vadd.f32 v22, v21  }
0xa4: {  	v20 =	vmax.f32 v15, v20;
	[tilespmem:s6+$0x18000] =	vst v19;
	v19 =	vsel vm3, $0x3F800000, v0;
	vm3 =	veq.f32 v13, $0.0e+00  }
0xa5: {  	v19 =	vadd.f32 v19, v21;
	v15 =	vsel vm3, v20, v15  }
0xa6: {  	v21 =	vsel vm2, $0x3F800000, v0;
	vm2 =	veq.f32 v17, $0.0e+00;
	v17 =	vmax.f32 v15, v18  }
0xa7: {  	v15 =	vsel vm2, v17, v15  }
0xa8: {  	vm2 =	veq.f32 v16, $0.0e+00;
	v12 =	vmax.f32 v15, v12  }
0xa9: {  	v12 =	vsel vm2, v12, v15  }
0xaa: {  	vm2 =	veq.f32 v14, $0.0e+00;
	v9 =	vmax.f32 v12, v9  }
0xab: {  	s19 =	sshll.u32 s1, $0x2;
	v9 =	vsel vm2, v9, v12;
	v12 =	vld [tilespmem:s6+$0x18220]  }
0xac: {  	s7 =	sadd.s32 $0x4, s19;
	v6 =	vmax.f32 v9, v6  }
0xad: {  	s8 =	smulhi.u32 $0x78787879, s7;
	v6 =	vsel vm1, v6, v9  }
0xae: {  	v3 =	vmax.f32 v6, v3  }
0xaf: {  	s8 =	sshrl.u32 s8, $0x3;
	v22 =	vld [tilespmem:s6+$0x18110];
	v3 =	vsel vm0, v3, v6;
	v6 =	vand.u32 $0x7FFFFFFF, v13  }
0xb0: {  	s9 =	smul.u32 $0x11, s8;
	v3 =	vmax.f32 v12, v3;
	v6 =	vmin.f32 v8, v6  }
0xb1: {  	s8 =	sadd.s32 s4, s8;
	[tilespmem:s6+$0x18220] =	vst v3;
	v3 =	vmin.f32 v6, v11;
	v6 =	vld [tilespmem:s6+$0x18330]  }
0xb2: {  	s8 =	smul.u32 $0x33000, s8;
	s7 =	ssub.s32 s7, s9;
	v18 =	vadd.f32 v21, v19;
	v3 =	vmin.f32 v3, v10  }
0xb3: {  	s7 =	smul.u32 $0x3000, s7;
	v3 =	vmin.f32 v3, v7  }
0xb4: {  	v16 =	vadd.f32 v22, v18;
	v3 =	vmin.f32 v3, v5  }
0xb5: {  	s7 =	sadd.s32 s7, s8;
	v3 =	vmin.f32 v3, v4  }
0xb6: {  	s7 =	sshrl.u32 s7, $0x3;
	[tilespmem:s6+$0x18110] =	vst v16;
	v3 =	vmin.f32 v6, v3  }
0xb7: {  	s9 =	simm.s32 $0x0;
	s8 =	sadd.s32 s3, s7;
	[tilespmem:s6+$0x18330] =	vst v3  }
0xb8: {  	[tilespmem:s9], [sflag:$0x1] =	stream.linear.gather [hbm4b:s8+s9], $0x3000, $0x38;
	[tilespmem:$0x18480] =	vst v63  }
0xb9: {  	s7 =	sadd.s32 s5, s7  }
0xba: {  	[tilespmem:s16], [sflag:$0x5] =	stream.linear.gather [hbm4b:s7+s9], $0x3000, $0x38;
	[tilespmem:$0x18480] =	vst v63  }
0xbb: {  	_ =	swait.ge [sflag:s25], $0x3000  }
0xbc: {  	[sflag:s25] =	ssyncset.done $0x0  }
0xbd: {  	[sflag:s25] =	ssyncadd.s32 $0xFFFFD000  }
0xbe: {  	_ =	swait.ge [sflag:s26], $0x3000  }
0xbf: {  	[sflag:s26] =	ssyncset.done $0x0  }
0xc0: {  	s9 =	simm.s32 $0x0;
	[sflag:s26] =	ssyncadd.s32 $0xFFFFD000  }
0xc1: {  	v3 =	vld [tilespmem:s9+$0x3050]  }
0xc2: {  	v19 =	vld [tilespmem:s9+$0xF050]  }
0xc3: {  	v6 =	vld [tilespmem:s9+$0x3040]  }
0xc4: {  	v21 =	vld [tilespmem:s9+$0xF040]  }
0xc5: {  	v13 =	vld [tilespmem:s9+$0xF030]  }
0xc6: {  	v17 =	vld [tilespmem:s9+$0xF010]  }
0xc7: {  	v14 =	vld [tilespmem:s9+$0xF020]  }
0xc8: {  	v20 =	vimm.f32 $0.0e+00;
	v16 =	vld [tilespmem:s9+$0xF000]  }
0xc9: {  	v22 =	vimm.f32 $0.0e+00;
	v15 =	vimm.f32 $-Inf;
	v9 =	vimm.f32 $+Inf;
	v8 =	vld [tilespmem:s9+$0x3030]  }
0xca: {  	v12 =	vld [tilespmem:s9+$0x3020];
	v5 =	vand.u32 $0x7FFFFFFF, v21;
	vm0 =	veq.f32 v19, $0.0e+00;
	v4 =	vand.u32 $0x7FFFFFFF, v19  }
0xcb: {  	v18 =	vld [tilespmem:s9+$0x3010];
	v7 =	vand.u32 $0x7FFFFFFF, v13;
	vm1 =	veq.f32 v21, $0.0e+00;
	vm2 =	vgt.f32 v19, $0.0e+00  }
0xcc: {  	s6 =	simm.s32 $0x200;
	v23 =	vld [tilespmem:s9+$0x3000];
	v11 =	vand.u32 $0x7FFFFFFF, v17;
	v10 =	vand.u32 $0x7FFFFFFF, v14;
	vm3 =	vgt.f32 v21, $0.0e+00  }
.LBB2_5:
0xcd: {  	p0 =	sne.s32 s6, $0xBE00;
	v24 =	vand.u32 $0x7FFFFFFF, v16;
	vm4 =	veq.f32 v13, $0.0e+00;
	v19 =	vsub.f32 v3, v19  }
0xce: {  	vm5 =	veq.f32 v14, $0.0e+00;
	vm6 =	vgt.f32 v13, $0.0e+00;
	v21 =	vsub.f32 v6, v21  }
0xcf: {  	vm7 =	veq.f32 v17, $0.0e+00;
	vm8 =	vgt.f32 v14, $0.0e+00;
	v13 =	vsub.f32 v8, v13  }
0xd0: {  	vm9 =	veq.f32 v16, $0.0e+00;
	vm10 =	vgt.f32 v17, $0.0e+00;
	v14 =	vsub.f32 v12, v14  }
0xd1: {  	vm11 =	vgt.f32 v16, $0.0e+00;
	v25 =	vsub.f32 v23, v16;
	v16 =	vsub.f32 v18, v17  }
0xd2: {  	v26 =	vsel vm3, $0x3F800000, v0;
	v27 =	vsel vm2, $0x3F800000, v0;
	v17 =	vsel vm6, $0x3F800000, v0  }
0xd3: {  	v28 =	vsel vm10, $0x3F800000, v0;
	v29 =	vsel vm8, $0x3F800000, v0;
	v25 =	vmul.f32 v25, v25  }
0xd4: {  	v30 =	vsel vm11, $0x3F800000, v0;
	v21 =	vmul.f32 v21, v21;
	v19 =	vmul.f32 v19, v19  }
0xd5: {  	v13 =	vmul.f32 v13, v13;
	v16 =	vmul.f32 v16, v16;
	v25 =	vnsel vm11, $0x0, v25  }
0xd6: {  	v23 =	vmax.f32 v15, v23;
	v14 =	vmul.f32 v14, v14;
	v22 =	vadd.f32 v25, v22  }
0xd7: {  	v20 =	vadd.f32 v30, v20;
	v15 =	vsel vm9, v23, v15;
	v16 =	vnsel vm10, $0x0, v16  }
0xd8: {  	s7 =	sshra.s32 s6, $0x2;
	v18 =	vmax.f32 v15, v18;
	v16 =	vadd.f32 v16, v22;
	v22 =	vnsel vm2, $0x0, v19  }
0xd9: {  	v20 =	vadd.f32 v28, v20;
	v14 =	vnsel vm8, $0x0, v14;
	v15 =	vsel vm7, v18, v15;
	v23 =	vld [tilespmem:s7+$0x3050]  }
0xda: {  	v12 =	vmax.f32 v15, v12;
	v19 =	vld [tilespmem:s7+$0xF050];
	v14 =	vadd.f32 v14, v16;
	v16 =	vnsel vm3, $0x0, v21  }
0xdb: {  	v13 =	vnsel vm6, $0x0, v13;
	v20 =	vadd.f32 v29, v20;
	v12 =	vsel vm5, v12, v15;
	v18 =	vld [tilespmem:s7+$0x3040]  }
0xdc: {  	v9 =	vmin.f32 v9, v24;
	v8 =	vmax.f32 v12, v8;
	v21 =	vld [tilespmem:s7+$0xF040];
	v15 =	vadd.f32 v13, v14  }
0xdd: {  	v9 =	vmin.f32 v9, v11;
	v11 =	vadd.f32 v17, v20;
	v8 =	vsel vm4, v8, v12;
	v13 =	vld [tilespmem:s7+$0xF030]  }
0xde: {  	v9 =	vmin.f32 v9, v10;
	v6 =	vmax.f32 v8, v6;
	v14 =	vld [tilespmem:s7+$0xF020];
	v10 =	vadd.f32 v16, v15  }
0xdf: {  	v7 =	vmin.f32 v9, v7;
	v9 =	vadd.f32 v26, v11;
	v11 =	vsel vm1, v6, v8;
	v17 =	vld [tilespmem:s7+$0xF010]  }
.Ltmp1:
0xe0: {  	v5 =	vmin.f32 v7, v5;
	v7 =	vmax.f32 v11, v3;
	v3 =	vmovc v23;
	v16 =	vld [tilespmem:s7+$0xF000];
	v22 =	vadd.f32 v22, v10;
	(pc) =	sbr.rel @p0 .LBB2_5-.Ltmp1, $4  }
0xe1: {  	v20 =	vadd.f32 v27, v9;
	v9 =	vmin.f32 v5, v4;
	v15 =	vsel vm0, v7, v11;
	v6 =	vmovc v18;
	v8 =	vld [tilespmem:s7+$0x3030]  }
0xe2: {  	vm0 =	veq.f32 v19, $0.0e+00;
	v4 =	vand.u32 $0x7FFFFFFF, v19;
	v5 =	vand.u32 $0x7FFFFFFF, v21;
	v12 =	vld [tilespmem:s7+$0x3020]  }
0xe3: {  	vm2 =	vgt.f32 v19, $0.0e+00;
	vm1 =	veq.f32 v21, $0.0e+00;
	v7 =	vand.u32 $0x7FFFFFFF, v13;
	v18 =	vld [tilespmem:s7+$0x3010]  }
0xe4: {  	s6 =	sadd.s32 $0x200, s6;
	vm3 =	vgt.f32 v21, $0.0e+00;
	v10 =	vand.u32 $0x7FFFFFFF, v14;
	v23 =	vld [tilespmem:s7+$0x3000];
	v11 =	vand.u32 $0x7FFFFFFF, v17  }
0xe5: {  	_ =	sdelay $0x3  }
0xe6: {  	v24 =	vsub.f32 v23, v16;
	_ =	sdelay $0x1  }
0xe7: {  	v25 =	vsub.f32 v18, v17;
	v24 =	vmul.f32 v24, v24  }
0xe8: {  	vm4 =	vgt.f32 v16, $0.0e+00;
	s6 =	sor.u32 $0x1, s19  }
0xe9: {  	s7 =	smulhi.u32 $0x78787879, s6;
	v26 =	vsub.f32 v12, v14;
	v25 =	vmul.f32 v25, v25;
	v24 =	vnsel vm4, $0x0, v24  }
0xea: {  	vm5 =	vgt.f32 v17, $0.0e+00;
	v22 =	vadd.f32 v24, v22  }
0xeb: {  	v60 =	vsub.f32 v8, v13;
	s7 =	sshrl.u32 s7, $0x3;
	v26 =	vmul.f32 v26, v26;
	v25 =	vnsel vm5, $0x0, v25  }
0xec: {  	vm6 =	vgt.f32 v14, $0.0e+00;
	s7 =	smul.u32 $0x11, s7;
	v22 =	vadd.f32 v25, v22  }
0xed: {  	v21 =	vsub.f32 v6, v21;
	v61 =	vnsel vm6, $0x0, v26;
	v24 =	vmul.f32 v60, v60  }
0xee: {  	vm7 =	vgt.f32 v13, $0.0e+00;
	v19 =	vsub.f32 v3, v19;
	s6 =	ssub.s32 s6, s7;
	v22 =	vadd.f32 v61, v22  }
0xef: {  	v21 =	vmul.f32 v21, v21;
	s6 =	sshll.u32 s6, $0x4;
	v24 =	vnsel vm7, $0x0, v24  }
0xf0: {  	v19 =	vmul.f32 v19, v19;
	s9 =	sor.u32 $0x18000, s6;
	v22 =	vadd.f32 v24, v22  }
0xf1: {  	v62 =	vsel vm4, $0x3F800000, v0;
	v21 =	vnsel vm3, $0x0, v21;
	v63 =	vld [tilespmem:s9+$0x0]  }
0xf2: {  	v20 =	vadd.f32 v62, v20;
	v19 =	vnsel vm2, $0x0, v19;
	v21 =	vadd.f32 v21, v22  }
0xf3: {  	v23 =	vmax.f32 v15, v23;
	vm4 =	veq.f32 v16, $0.0e+00;
	v22 =	vsel vm5, $0x3F800000, v0  }
0xf4: {  	v15 =	vsel vm4, v23, v15;
	v20 =	vadd.f32 v22, v20;
	v19 =	vadd.f32 v19, v21  }
0xf5: {  	v18 =	vmax.f32 v15, v18;
	vm5 =	veq.f32 v17, $0.0e+00;
	v17 =	vsel vm6, $0x3F800000, v0  }
0xf6: {  	v15 =	vsel vm5, v18, v15;
	v17 =	vadd.f32 v17, v20;
	v19 =	vadd.f32 v63, v19  }
0xf7: {  	s8 =	sadd.s32 $0x5, s19;
	vm4 =	veq.f32 v14, $0.0e+00;
	v12 =	vmax.f32 v15, v12;
	v20 =	vsel vm7, $0x3F800000, v0  }
0xf8: {  	v12 =	vsel vm4, v12, v15;
	v14 =	vadd.f32 v20, v17;
	[tilespmem:s9+$0x0] =	vst v19;
	s9 =	smulhi.u32 $0x78787879, s8  }
0xf9: {  	v8 =	vmax.f32 v12, v8;
	v17 =	vsel vm3, $0x3F800000, v0;
	vm3 =	veq.f32 v13, $0.0e+00;
	v15 =	vld [tilespmem:s6+$0x18110]  }
0xfa: {  	v16 =	vand.u32 $0x7FFFFFFF, v16;
	v8 =	vsel vm3, v8, v12;
	v13 =	vadd.f32 v17, v14;
	v12 =	vld [tilespmem:s6+$0x18220];
	s7 =	sshrl.u32 s9, $0x3  }
0xfb: {  	v9 =	vmin.f32 v9, v16;
	v14 =	vsel vm2, $0x3F800000, v0;
	v6 =	vmax.f32 v8, v6;
	s9 =	smul.u32 $0x11, s7  }
0xfc: {  	v9 =	vmin.f32 v9, v11;
	v6 =	vsel vm1, v6, v8;
	v11 =	vadd.f32 v14, v13;
	v13 =	vld [tilespmem:s6+$0x18330];
	s7 =	sadd.s32 s4, s7  }
0xfd: {  	v9 =	vmin.f32 v9, v10;
	v3 =	vmax.f32 v6, v3;
	s7 =	smul.u32 $0x33000, s7;
	s8 =	ssub.s32 s8, s9  }
0xfe: {  	v7 =	vmin.f32 v9, v7;
	v3 =	vsel vm0, v3, v6;
	s8 =	smul.u32 $0x3000, s8  }
0xff: {  	v5 =	vmin.f32 v7, v5;
	v8 =	vadd.f32 v15, v11;
	v3 =	vmax.f32 v12, v3  }
0x100: {  	v4 =	vmin.f32 v5, v4;
	[tilespmem:s6+$0x18220] =	vst v3;
	s7 =	sadd.s32 s8, s7  }
0x101: {  	[tilespmem:s6+$0x18110] =	vst v8;
	v3 =	vmin.f32 v13, v4;
	s7 =	sshrl.u32 s7, $0x3  }
0x102: {  	s9 =	simm.s32 $0x0;
	[tilespmem:s6+$0x18330] =	vst v3;
	s8 =	sadd.s32 s3, s7  }
0x103: {  	[tilespmem:s17], [sflag:$0x2] =	stream.linear.gather [hbm4b:s8+s9], $0x3000, $0x38;
	[tilespmem:$0x18480] =	vst v63  }
0x104: {  	s7 =	sadd.s32 s5, s7  }
0x105: {  	[tilespmem:s18], [sflag:$0x6] =	stream.linear.gather [hbm4b:s7+s9], $0x3000, $0x38;
	[tilespmem:$0x18480] =	vst v63  }
0x106: {  	_ =	swait.ge [sflag:s28], $0x3000  }
0x107: {  	[sflag:s28] =	ssyncset.done $0x0  }
0x108: {  	[sflag:s28] =	ssyncadd.s32 $0xFFFFD000  }
0x109: {  	_ =	swait.ge [sflag:s29], $0x3000  }
0x10a: {  	[sflag:s29] =	ssyncset.done $0x0  }
0x10b: {  	s9 =	simm.s32 $0x0;
	[sflag:s29] =	ssyncadd.s32 $0xFFFFD000  }
0x10c: {  	v3 =	vld [tilespmem:s9+$0x6050]  }
0x10d: {  	v19 =	vld [tilespmem:s9+$0x12050]  }
0x10e: {  	v6 =	vld [tilespmem:s9+$0x6040]  }
0x10f: {  	v21 =	vld [tilespmem:s9+$0x12040]  }
0x110: {  	v13 =	vld [tilespmem:s9+$0x12030]  }
0x111: {  	v17 =	vld [tilespmem:s9+$0x12010]  }
0x112: {  	v14 =	vld [tilespmem:s9+$0x12020]  }
0x113: {  	v9 =	vimm.f32 $+Inf;
	v16 =	vld [tilespmem:s9+$0x12000]  }
0x114: {  	v22 =	vimm.f32 $0.0e+00;
	v20 =	vimm.f32 $0.0e+00;
	v15 =	vimm.f32 $-Inf;
	v8 =	vld [tilespmem:s9+$0x6030]  }
0x115: {  	v12 =	vld [tilespmem:s9+$0x6020];
	v5 =	vand.u32 $0x7FFFFFFF, v21;
	vm0 =	veq.f32 v19, $0.0e+00;
	v4 =	vand.u32 $0x7FFFFFFF, v19  }
0x116: {  	v18 =	vld [tilespmem:s9+$0x6010];
	v7 =	vand.u32 $0x7FFFFFFF, v13;
	vm1 =	veq.f32 v21, $0.0e+00;
	vm2 =	vgt.f32 v19, $0.0e+00  }
0x117: {  	s6 =	simm.s32 $0x200;
	v23 =	vld [tilespmem:s9+$0x6000];
	v11 =	vand.u32 $0x7FFFFFFF, v17;
	v10 =	vand.u32 $0x7FFFFFFF, v14;
	vm3 =	vgt.f32 v21, $0.0e+00  }
.LBB2_7:
0x118: {  	p0 =	sne.s32 s6, $0xBE00;
	v24 =	vand.u32 $0x7FFFFFFF, v16;
	vm4 =	veq.f32 v13, $0.0e+00;
	v19 =	vsub.f32 v3, v19  }
0x119: {  	vm5 =	veq.f32 v14, $0.0e+00;
	vm6 =	vgt.f32 v13, $0.0e+00;
	v21 =	vsub.f32 v6, v21  }
0x11a: {  	vm7 =	veq.f32 v17, $0.0e+00;
	vm8 =	vgt.f32 v14, $0.0e+00;
	v13 =	vsub.f32 v8, v13  }
0x11b: {  	vm9 =	veq.f32 v16, $0.0e+00;
	vm10 =	vgt.f32 v17, $0.0e+00;
	v14 =	vsub.f32 v12, v14  }
0x11c: {  	vm11 =	vgt.f32 v16, $0.0e+00;
	v25 =	vsub.f32 v23, v16;
	v16 =	vsub.f32 v18, v17  }
0x11d: {  	v26 =	vsel vm3, $0x3F800000, v0;
	v27 =	vsel vm2, $0x3F800000, v0;
	v17 =	vsel vm6, $0x3F800000, v0  }
0x11e: {  	v28 =	vsel vm10, $0x3F800000, v0;
	v29 =	vsel vm8, $0x3F800000, v0;
	v25 =	vmul.f32 v25, v25  }
0x11f: {  	v30 =	vsel vm11, $0x3F800000, v0;
	v21 =	vmul.f32 v21, v21;
	v19 =	vmul.f32 v19, v19  }
0x120: {  	v13 =	vmul.f32 v13, v13;
	v16 =	vmul.f32 v16, v16;
	v25 =	vnsel vm11, $0x0, v25  }
0x121: {  	v23 =	vmax.f32 v15, v23;
	v14 =	vmul.f32 v14, v14;
	v22 =	vadd.f32 v25, v22  }
0x122: {  	v20 =	vadd.f32 v30, v20;
	v15 =	vsel vm9, v23, v15;
	v16 =	vnsel vm10, $0x0, v16  }
0x123: {  	s7 =	sshra.s32 s6, $0x2;
	v18 =	vmax.f32 v15, v18;
	v16 =	vadd.f32 v16, v22;
	v22 =	vnsel vm2, $0x0, v19  }
0x124: {  	v20 =	vadd.f32 v28, v20;
	v14 =	vnsel vm8, $0x0, v14;
	v15 =	vsel vm7, v18, v15;
	v23 =	vld [tilespmem:s7+$0x6050]  }
0x125: {  	v12 =	vmax.f32 v15, v12;
	v19 =	vld [tilespmem:s7+$0x12050];
	v14 =	vadd.f32 v14, v16;
	v16 =	vnsel vm3, $0x0, v21  }
0x126: {  	v13 =	vnsel vm6, $0x0, v13;
	v20 =	vadd.f32 v29, v20;
	v12 =	vsel vm5, v12, v15;
	v18 =	vld [tilespmem:s7+$0x6040]  }
0x127: {  	v9 =	vmin.f32 v9, v24;
	v8 =	vmax.f32 v12, v8;
	v21 =	vld [tilespmem:s7+$0x12040];
	v15 =	vadd.f32 v13, v14  }
0x128: {  	v9 =	vmin.f32 v9, v11;
	v11 =	vadd.f32 v17, v20;
	v8 =	vsel vm4, v8, v12;
	v13 =	vld [tilespmem:s7+$0x12030]  }
0x129: {  	v9 =	vmin.f32 v9, v10;
	v6 =	vmax.f32 v8, v6;
	v14 =	vld [tilespmem:s7+$0x12020];
	v10 =	vadd.f32 v16, v15  }
0x12a: {  	v7 =	vmin.f32 v9, v7;
	v9 =	vadd.f32 v26, v11;
	v11 =	vsel vm1, v6, v8;
	v17 =	vld [tilespmem:s7+$0x12010]  }
.Ltmp2:
0x12b: {  	v5 =	vmin.f32 v7, v5;
	v7 =	vmax.f32 v11, v3;
	v3 =	vmovc v23;
	v16 =	vld [tilespmem:s7+$0x12000];
	v22 =	vadd.f32 v22, v10;
	(pc) =	sbr.rel @p0 .LBB2_7-.Ltmp2, $4  }
0x12c: {  	v20 =	vadd.f32 v27, v9;
	v9 =	vmin.f32 v5, v4;
	v15 =	vsel vm0, v7, v11;
	v6 =	vmovc v18;
	v8 =	vld [tilespmem:s7+$0x6030]  }
0x12d: {  	vm0 =	veq.f32 v19, $0.0e+00;
	v4 =	vand.u32 $0x7FFFFFFF, v19;
	v5 =	vand.u32 $0x7FFFFFFF, v21;
	v12 =	vld [tilespmem:s7+$0x6020]  }
0x12e: {  	vm2 =	vgt.f32 v19, $0.0e+00;
	vm1 =	veq.f32 v21, $0.0e+00;
	v7 =	vand.u32 $0x7FFFFFFF, v13;
	v18 =	vld [tilespmem:s7+$0x6010]  }
0x12f: {  	s6 =	sadd.s32 $0x200, s6;
	vm3 =	vgt.f32 v21, $0.0e+00;
	v10 =	vand.u32 $0x7FFFFFFF, v14;
	v23 =	vld [tilespmem:s7+$0x6000];
	v11 =	vand.u32 $0x7FFFFFFF, v17  }
0x130: {  	_ =	sdelay $0x3  }
0x131: {  	v24 =	vsub.f32 v23, v16;
	_ =	sdelay $0x1  }
0x132: {  	v25 =	vsub.f32 v18, v17;
	v24 =	vmul.f32 v24, v24  }
0x133: {  	vm4 =	vgt.f32 v16, $0.0e+00;
	s6 =	sor.u32 $0x2, s19  }
0x134: {  	s7 =	smulhi.u32 $0x78787879, s6;
	v26 =	vsub.f32 v12, v14;
	v25 =	vmul.f32 v25, v25;
	v24 =	vnsel vm4, $0x0, v24  }
0x135: {  	vm5 =	vgt.f32 v17, $0.0e+00;
	v22 =	vadd.f32 v24, v22  }
0x136: {  	v60 =	vsub.f32 v8, v13;
	s7 =	sshrl.u32 s7, $0x3;
	v26 =	vmul.f32 v26, v26;
	v25 =	vnsel vm5, $0x0, v25  }
0x137: {  	vm6 =	vgt.f32 v14, $0.0e+00;
	s7 =	smul.u32 $0x11, s7;
	v22 =	vadd.f32 v25, v22  }
0x138: {  	v21 =	vsub.f32 v6, v21;
	v61 =	vnsel vm6, $0x0, v26;
	v24 =	vmul.f32 v60, v60  }
0x139: {  	vm7 =	vgt.f32 v13, $0.0e+00;
	v19 =	vsub.f32 v3, v19;
	s6 =	ssub.s32 s6, s7;
	v22 =	vadd.f32 v61, v22  }
0x13a: {  	v21 =	vmul.f32 v21, v21;
	s6 =	sshll.u32 s6, $0x4;
	v24 =	vnsel vm7, $0x0, v24  }
0x13b: {  	v19 =	vmul.f32 v19, v19;
	s9 =	sor.u32 $0x18000, s6;
	v22 =	vadd.f32 v24, v22  }
0x13c: {  	v62 =	vsel vm4, $0x3F800000, v0;
	v21 =	vnsel vm3, $0x0, v21;
	v63 =	vld [tilespmem:s9+$0x0]  }
0x13d: {  	v20 =	vadd.f32 v62, v20;
	v19 =	vnsel vm2, $0x0, v19;
	v21 =	vadd.f32 v21, v22  }
0x13e: {  	v23 =	vmax.f32 v15, v23;
	vm4 =	veq.f32 v16, $0.0e+00;
	v22 =	vsel vm5, $0x3F800000, v0  }
0x13f: {  	v15 =	vsel vm4, v23, v15;
	v20 =	vadd.f32 v22, v20;
	v19 =	vadd.f32 v19, v21  }
0x140: {  	v18 =	vmax.f32 v15, v18;
	vm5 =	veq.f32 v17, $0.0e+00;
	v17 =	vsel vm6, $0x3F800000, v0  }
0x141: {  	p0 =	seq.s32 s1, $0x7;
	v15 =	vsel vm5, v18, v15;
	v17 =	vadd.f32 v17, v20;
	v19 =	vadd.f32 v63, v19  }
0x142: {  	s8 =	sadd.s32 @!p0 $0x6, s19;
	vm4 =	veq.f32 v14, $0.0e+00;
	v12 =	vmax.f32 v15, v12;
	v20 =	vsel vm7, $0x3F800000, v0  }
0x143: {  	s7 =	smulhi.u32 @!p0 $0x78787879, s8;
	v12 =	vsel vm4, v12, v15;
	v14 =	vadd.f32 v20, v17;
	[tilespmem:s9+$0x0] =	vst v19  }
0x144: {  	v8 =	vmax.f32 v12, v8;
	v17 =	vsel vm3, $0x3F800000, v0;
	vm3 =	veq.f32 v13, $0.0e+00;
	v15 =	vld [tilespmem:s6+$0x18110]  }
0x145: {  	v16 =	vand.u32 $0x7FFFFFFF, v16;
	s7 =	sshrl.u32 @!p0 s7, $0x3;
	v8 =	vsel vm3, v8, v12;
	v13 =	vadd.f32 v17, v14;
	v12 =	vld [tilespmem:s6+$0x18220]  }
0x146: {  	v9 =	vmin.f32 v9, v16;
	s9 =	smul.u32 @!p0 $0x11, s7;
	v14 =	vsel vm2, $0x3F800000, v0;
	v6 =	vmax.f32 v8, v6  }
0x147: {  	v9 =	vmin.f32 v9, v11;
	s7 =	sadd.s32 @!p0 s4, s7;
	v6 =	vsel vm1, v6, v8;
	v11 =	vadd.f32 v14, v13;
	v13 =	vld [tilespmem:s6+$0x18330]  }
0x148: {  	v9 =	vmin.f32 v9, v10;
	s7 =	smul.u32 @!p0 $0x33000, s7;
	s8 =	ssub.s32 @!p0 s8, s9;
	v3 =	vmax.f32 v6, v3  }
0x149: {  	v7 =	vmin.f32 v9, v7;
	s8 =	smul.u32 @!p0 $0x3000, s8;
	v3 =	vsel vm0, v3, v6  }
0x14a: {  	v5 =	vmin.f32 v7, v5;
	v8 =	vadd.f32 v15, v11;
	v3 =	vmax.f32 v12, v3  }
0x14b: {  	v4 =	vmin.f32 v5, v4;
	s7 =	sadd.s32 @!p0 s8, s7;
	[tilespmem:s6+$0x18220] =	vst v3  }
0x14c: {  	s7 =	sshrl.u32 @!p0 s7, $0x3;
	[tilespmem:s6+$0x18110] =	vst v8;
	v3 =	vmin.f32 v13, v4  }
0x14d: {  	s9 =	simm.s32 @!p0 $0x6000;
	s8 =	simm.s32 @!p0 $0x0;
	[tilespmem:s6+$0x18330] =	vst v3;
	s6 =	sadd.s32 @!p0 s3, s7  }
0x14e: {  	[tilespmem:s9], [sflag:$0x3] =	stream.linear.gather @!p0 [hbm4b:s6+s8], $0x3000, $0x38;
	[tilespmem:$0x18480] =	vst v63  }
0x14f: {  	s6 =	sadd.s32 @!p0 s5, s7;
	s7 =	simm.s32 @!p0 $0x12000  }
0x150: {  	[tilespmem:s7], [sflag:$0x7] =	stream.linear.gather @!p0 [hbm4b:s6+s8], $0x3000, $0x38;
	[tilespmem:$0x18480] =	vst v63  }
0x151: {  	_ =	swait.ge [sflag:s30], $0x3000  }
0x152: {  	[sflag:s30] =	ssyncset.done $0x0  }
0x153: {  	[sflag:s30] =	ssyncadd.s32 $0xFFFFD000  }
0x154: {  	_ =	swait.ge [sflag:s31], $0x3000  }
0x155: {  	[sflag:s31] =	ssyncset.done $0x0  }
0x156: {  	s9 =	simm.s32 $0x0;
	[sflag:s31] =	ssyncadd.s32 $0xFFFFD000  }
0x157: {  	v3 =	vld [tilespmem:s9+$0x9050]  }
0x158: {  	v19 =	vld [tilespmem:s9+$0x15050]  }
0x159: {  	v6 =	vld [tilespmem:s9+$0x9040]  }
0x15a: {  	v21 =	vld [tilespmem:s9+$0x15040]  }
0x15b: {  	v13 =	vld [tilespmem:s9+$0x15030]  }
0x15c: {  	v17 =	vld [tilespmem:s9+$0x15010]  }
0x15d: {  	v14 =	vld [tilespmem:s9+$0x15020]  }
0x15e: {  	v9 =	vimm.f32 $+Inf;
	v16 =	vld [tilespmem:s9+$0x15000]  }
0x15f: {  	v22 =	vimm.f32 $0.0e+00;
	v20 =	vimm.f32 $0.0e+00;
	v15 =	vimm.f32 $-Inf;
	v8 =	vld [tilespmem:s9+$0x9030]  }
0x160: {  	v12 =	vld [tilespmem:s9+$0x9020];
	v5 =	vand.u32 $0x7FFFFFFF, v21;
	vm0 =	veq.f32 v19, $0.0e+00;
	v4 =	vand.u32 $0x7FFFFFFF, v19  }
0x161: {  	v18 =	vld [tilespmem:s9+$0x9010];
	v7 =	vand.u32 $0x7FFFFFFF, v13;
	vm1 =	veq.f32 v21, $0.0e+00;
	vm2 =	vgt.f32 v19, $0.0e+00  }
0x162: {  	s6 =	simm.s32 $0x200;
	v23 =	vld [tilespmem:s9+$0x9000];
	v11 =	vand.u32 $0x7FFFFFFF, v17;
	v10 =	vand.u32 $0x7FFFFFFF, v14;
	vm3 =	vgt.f32 v21, $0.0e+00  }
.LBB2_9:
0x163: {  	p1 =	sne.s32 s6, $0xBE00;
	v24 =	vand.u32 $0x7FFFFFFF, v16;
	vm4 =	veq.f32 v13, $0.0e+00;
	v19 =	vsub.f32 v3, v19  }
0x164: {  	vm5 =	veq.f32 v14, $0.0e+00;
	vm6 =	vgt.f32 v13, $0.0e+00;
	v21 =	vsub.f32 v6, v21  }
0x165: {  	vm7 =	veq.f32 v17, $0.0e+00;
	vm8 =	vgt.f32 v14, $0.0e+00;
	v13 =	vsub.f32 v8, v13  }
0x166: {  	vm9 =	veq.f32 v16, $0.0e+00;
	vm10 =	vgt.f32 v17, $0.0e+00;
	v14 =	vsub.f32 v12, v14  }
0x167: {  	vm11 =	vgt.f32 v16, $0.0e+00;
	v25 =	vsub.f32 v23, v16;
	v16 =	vsub.f32 v18, v17  }
0x168: {  	v26 =	vsel vm3, $0x3F800000, v0;
	v27 =	vsel vm2, $0x3F800000, v0;
	v17 =	vsel vm6, $0x3F800000, v0  }
0x169: {  	v28 =	vsel vm10, $0x3F800000, v0;
	v29 =	vsel vm8, $0x3F800000, v0;
	v25 =	vmul.f32 v25, v25  }
0x16a: {  	v30 =	vsel vm11, $0x3F800000, v0;
	v21 =	vmul.f32 v21, v21;
	v19 =	vmul.f32 v19, v19  }
0x16b: {  	v13 =	vmul.f32 v13, v13;
	v16 =	vmul.f32 v16, v16;
	v25 =	vnsel vm11, $0x0, v25  }
0x16c: {  	v23 =	vmax.f32 v15, v23;
	v14 =	vmul.f32 v14, v14;
	v22 =	vadd.f32 v25, v22  }
0x16d: {  	v20 =	vadd.f32 v30, v20;
	v15 =	vsel vm9, v23, v15;
	v16 =	vnsel vm10, $0x0, v16  }
0x16e: {  	s7 =	sshra.s32 s6, $0x2;
	v18 =	vmax.f32 v15, v18;
	v16 =	vadd.f32 v16, v22;
	v22 =	vnsel vm2, $0x0, v19  }
0x16f: {  	v20 =	vadd.f32 v28, v20;
	v14 =	vnsel vm8, $0x0, v14;
	v15 =	vsel vm7, v18, v15;
	v23 =	vld [tilespmem:s7+$0x9050]  }
0x170: {  	v12 =	vmax.f32 v15, v12;
	v19 =	vld [tilespmem:s7+$0x15050];
	v14 =	vadd.f32 v14, v16;
	v16 =	vnsel vm3, $0x0, v21  }
0x171: {  	v13 =	vnsel vm6, $0x0, v13;
	v20 =	vadd.f32 v29, v20;
	v12 =	vsel vm5, v12, v15;
	v18 =	vld [tilespmem:s7+$0x9040]  }
0x172: {  	v9 =	vmin.f32 v9, v24;
	v8 =	vmax.f32 v12, v8;
	v21 =	vld [tilespmem:s7+$0x15040];
	v15 =	vadd.f32 v13, v14  }
0x173: {  	v9 =	vmin.f32 v9, v11;
	v11 =	vadd.f32 v17, v20;
	v8 =	vsel vm4, v8, v12;
	v13 =	vld [tilespmem:s7+$0x15030]  }
0x174: {  	v9 =	vmin.f32 v9, v10;
	v6 =	vmax.f32 v8, v6;
	v14 =	vld [tilespmem:s7+$0x15020];
	v10 =	vadd.f32 v16, v15  }
0x175: {  	v7 =	vmin.f32 v9, v7;
	v9 =	vadd.f32 v26, v11;
	v11 =	vsel vm1, v6, v8;
	v17 =	vld [tilespmem:s7+$0x15010]  }
.Ltmp3:
0x176: {  	v5 =	vmin.f32 v7, v5;
	v7 =	vmax.f32 v11, v3;
	v3 =	vmovc v23;
	v16 =	vld [tilespmem:s7+$0x15000];
	v22 =	vadd.f32 v22, v10;
	(pc) =	sbr.rel @p1 .LBB2_9-.Ltmp3, $4  }
0x177: {  	v20 =	vadd.f32 v27, v9;
	v9 =	vmin.f32 v5, v4;
	v15 =	vsel vm0, v7, v11;
	v6 =	vmovc v18;
	v8 =	vld [tilespmem:s7+$0x9030]  }
0x178: {  	vm0 =	veq.f32 v19, $0.0e+00;
	v4 =	vand.u32 $0x7FFFFFFF, v19;
	v5 =	vand.u32 $0x7FFFFFFF, v21;
	v12 =	vld [tilespmem:s7+$0x9020]  }
0x179: {  	vm2 =	vgt.f32 v19, $0.0e+00;
	vm1 =	veq.f32 v21, $0.0e+00;
	v7 =	vand.u32 $0x7FFFFFFF, v13;
	v18 =	vld [tilespmem:s7+$0x9010]  }
0x17a: {  	s6 =	sadd.s32 $0x200, s6;
	vm3 =	vgt.f32 v21, $0.0e+00;
	v10 =	vand.u32 $0x7FFFFFFF, v14;
	v23 =	vld [tilespmem:s7+$0x9000];
	v11 =	vand.u32 $0x7FFFFFFF, v17  }
0x17b: {  	_ =	sdelay $0x3  }
0x17c: {  	v24 =	vsub.f32 v23, v16;
	_ =	sdelay $0x1  }
0x17d: {  	v25 =	vsub.f32 v18, v17;
	v24 =	vmul.f32 v24, v24  }
0x17e: {  	vm4 =	vgt.f32 v16, $0.0e+00;
	s6 =	sor.u32 $0x3, s19  }
0x17f: {  	s7 =	smulhi.u32 $0x78787879, s6;
	v26 =	vsub.f32 v12, v14;
	v25 =	vmul.f32 v25, v25;
	v24 =	vnsel vm4, $0x0, v24  }
0x180: {  	vm5 =	vgt.f32 v17, $0.0e+00;
	v22 =	vadd.f32 v24, v22  }
0x181: {  	v42 =	vsub.f32 v8, v13;
	s7 =	sshrl.u32 s7, $0x3;
	v26 =	vmul.f32 v26, v26;
	v25 =	vnsel vm5, $0x0, v25  }
0x182: {  	vm6 =	vgt.f32 v14, $0.0e+00;
	s7 =	smul.u32 $0x11, s7;
	v22 =	vadd.f32 v25, v22  }
0x183: {  	v21 =	vsub.f32 v6, v21;
	v43 =	vnsel vm6, $0x0, v26;
	v24 =	vmul.f32 v42, v42  }
0x184: {  	vm7 =	vgt.f32 v13, $0.0e+00;
	s6 =	ssub.s32 s6, s7;
	v22 =	vadd.f32 v43, v22  }
0x185: {  	v19 =	vsub.f32 v3, v19;
	v21 =	vmul.f32 v21, v21;
	s6 =	sshll.u32 s6, $0x4;
	v24 =	vnsel vm7, $0x0, v24  }
0x186: {  	s9 =	sor.u32 $0x18000, s6;
	v22 =	vadd.f32 v24, v22  }
0x187: {  	v19 =	vmul.f32 v19, v19;
	v21 =	vnsel vm3, $0x0, v21;
	v45 =	vld [tilespmem:s9+$0x0]  }
0x188: {  	vm12 =	veq.f32 v16, $0.0e+00;
	v44 =	vsel vm4, $0x3F800000, v0;
	v21 =	vadd.f32 v21, v22  }
0x189: {  	v20 =	vadd.f32 v44, v20;
	v19 =	vnsel vm2, $0x0, v19;
	v47 =	vmax.f32 v15, v23  }
0x18a: {  	v46 =	vsel vm5, $0x3F800000, v0;
	v15 =	vsel vm12, v47, v15;
	v19 =	vadd.f32 v19, v21  }
0x18b: {  	vm13 =	veq.f32 v17, $0.0e+00;
	v20 =	vadd.f32 v46, v20;
	v49 =	vmax.f32 v15, v18  }
0x18c: {  	v48 =	vsel vm6, $0x3F800000, v0;
	v15 =	vsel vm13, v49, v15;
	v19 =	vadd.f32 v45, v19  }
0x18d: {  	vm14 =	veq.f32 v14, $0.0e+00;
	v17 =	vadd.f32 v48, v20;
	v51 =	vmax.f32 v15, v12  }
0x18e: {  	v50 =	vsel vm7, $0x3F800000, v0;
	v12 =	vsel vm14, v51, v15;
	[tilespmem:s9+$0x0] =	vst v19  }
0x18f: {  	vm15 =	veq.f32 v13, $0.0e+00;
	v52 =	vadd.f32 v50, v17;
	v56 =	vmax.f32 v12, v8;
	v55 =	vld [tilespmem:s6+$0x18110]  }
0x190: {  	v53 =	vand.u32 $0x7FFFFFFF, v16;
	v54 =	vsel vm3, $0x3F800000, v0;
	v8 =	vsel vm15, v56, v12;
	v59 =	vld [tilespmem:s6+$0x18220]  }
0x191: {  	v9 =	vmin.f32 v9, v53;
	v57 =	vadd.f32 v54, v52;
	v60 =	vmax.f32 v8, v6  }
0x192: {  	v58 =	vsel vm2, $0x3F800000, v0;
	v9 =	vmin.f32 v9, v11;
	v6 =	vsel vm1, v60, v8;
	v62 =	vld [tilespmem:s6+$0x18330]  }
0x193: {  	v9 =	vmin.f32 v9, v10;
	v61 =	vadd.f32 v58, v57;
	v3 =	vmax.f32 v6, v3  }
.Ltmp4:
0x194: {  	v7 =	vmin.f32 v9, v7;
	v3 =	vsel vm0, v3, v6;
	(pc) =	sbr.rel @p0 .LBB2_12-.Ltmp4, $4  }
0x195: {  	v5 =	vmin.f32 v7, v5;
	v63 =	vadd.f32 v55, v61;
	v3 =	vmax.f32 v59, v3  }
0x196: {  	v4 =	vmin.f32 v5, v4;
	[tilespmem:s6+$0x18220] =	vst v3  }
0x197: {  	v3 =	vmin.f32 v62, v4;
	[tilespmem:s6+$0x18110] =	vst v63  }
0x198: {  	[tilespmem:s6+$0x18330] =	vst v3  }
0x199: {  	s6 =	sadd.s32 $0x7, s19  }
0x19a: {  	s7 =	smulhi.u32 $0x78787879, s6;
	_ =	sdelay $0x1  }
0x19b: {  	s7 =	sshrl.u32 s7, $0x3  }
0x19c: {  	s8 =	smul.u32 $0x11, s7  }
0x19d: {  	s7 =	sadd.s32 s4, s7  }
0x19e: {  	s7 =	smul.u32 $0x33000, s7;
	s6 =	ssub.s32 s6, s8  }
0x19f: {  	s6 =	smul.u32 $0x3000, s6;
	_ =	sdelay $0x1  }
0x1a0: {  	s6 =	sadd.s32 s6, s7  }
.Ltmp5:
0x1a1: {  	s6 =	sshrl.u32 s6, $0x3;
	(pc) =	sbr.rel .LBB2_2-.Ltmp5, $4  }
0x1a2: {  	s19 =	sadd.s32 s3, s6  }
0x1a3: {  	[tilespmem:s21], [sflag:$0x4] =	stream.linear.gather [hbm4b:s19+s2], $0x3000, $0x38;
	[tilespmem:$0x18480] =	vst v63  }
0x1a4: {  	s1 =	sadd.s32 $0x1, s1;
	s6 =	sadd.s32 s5, s6  }
0x1a5: {  	[tilespmem:s22], [sflag:$0x8] =	stream.linear.gather [hbm4b:s6+s2], $0x3000, $0x38;
	[tilespmem:$0x18480] =	vst v63  }
.LBB2_12:
0x1a6: {  	_ =	swait.ge [sflag:s23], $0x3000  }
0x1a7: {  	[sflag:s23] =	ssyncset.done $0x0  }
0x1a8: {  	[sflag:s23] =	ssyncadd.s32 $0xFFFFD000  }
0x1a9: {  	_ =	swait.ge [sflag:s24], $0x3000  }
0x1aa: {  	[sflag:s24] =	ssyncset.done $0x0  }
0x1ab: {  	s1 =	simm.s32 $0x0;
	[sflag:s24] =	ssyncadd.s32 $0xFFFFD000  }
0x1ac: {  	v3 =	vld [tilespmem:s1+$0x50]  }
0x1ad: {  	v16 =	vld [tilespmem:s1+$0xC050]  }
0x1ae: {  	v6 =	vld [tilespmem:s1+$0x40]  }
0x1af: {  	v21 =	vld [tilespmem:s1+$0xC040]  }
0x1b0: {  	v19 =	vld [tilespmem:s1+$0xC030]  }
0x1b1: {  	v20 =	vld [tilespmem:s1+$0xC010]  }
0x1b2: {  	v17 =	vld [tilespmem:s1+$0xC020]  }
0x1b3: {  	v14 =	vimm.f32 $0.0e+00;
	v22 =	vld [tilespmem:s1+$0xC000]  }
0x1b4: {  	v13 =	vimm.f32 $-Inf;
	v9 =	vimm.f32 $+Inf;
	v18 =	vimm.f32 $0.0e+00;
	v8 =	vld [tilespmem:s1+$0x30]  }
0x1b5: {  	v12 =	vld [tilespmem:s1+$0x20];
	v5 =	vand.u32 $0x7FFFFFFF, v21;
	vm0 =	veq.f32 v16, $0.0e+00;
	v4 =	vand.u32 $0x7FFFFFFF, v16  }
0x1b6: {  	v15 =	vld [tilespmem:s1+$0x10];
	v7 =	vand.u32 $0x7FFFFFFF, v19;
	vm1 =	veq.f32 v21, $0.0e+00;
	vm2 =	vgt.f32 v16, $0.0e+00  }
0x1b7: {  	v23 =	vld [tilespmem:s1+$0x0];
	s1 =	simm.s32 $0x200;
	v11 =	vand.u32 $0x7FFFFFFF, v20;
	v10 =	vand.u32 $0x7FFFFFFF, v17;
	vm3 =	vgt.f32 v21, $0.0e+00  }
.LBB2_13:
0x1b8: {  	p0 =	sne.s32 s1, $0xBE00;
	v24 =	vand.u32 $0x7FFFFFFF, v22;
	vm4 =	veq.f32 v19, $0.0e+00;
	v16 =	vsub.f32 v3, v16  }
0x1b9: {  	vm5 =	veq.f32 v17, $0.0e+00;
	vm6 =	vgt.f32 v19, $0.0e+00;
	v21 =	vsub.f32 v6, v21  }
0x1ba: {  	vm7 =	veq.f32 v20, $0.0e+00;
	vm8 =	vgt.f32 v17, $0.0e+00;
	v19 =	vsub.f32 v8, v19  }
0x1bb: {  	vm9 =	veq.f32 v22, $0.0e+00;
	vm10 =	vgt.f32 v20, $0.0e+00;
	v17 =	vsub.f32 v12, v17  }
0x1bc: {  	vm11 =	vgt.f32 v22, $0.0e+00;
	v20 =	vsub.f32 v15, v20;
	v25 =	vsub.f32 v23, v22  }
0x1bd: {  	v26 =	vsel vm3, $0x3F800000, v0;
	v27 =	vsel vm2, $0x3F800000, v0;
	v22 =	vsel vm6, $0x3F800000, v0  }
0x1be: {  	v28 =	vsel vm10, $0x3F800000, v0;
	v29 =	vsel vm8, $0x3F800000, v0;
	v25 =	vmul.f32 v25, v25  }
0x1bf: {  	v30 =	vsel vm11, $0x3F800000, v0;
	v21 =	vmul.f32 v21, v21;
	v16 =	vmul.f32 v16, v16  }
0x1c0: {  	v19 =	vmul.f32 v19, v19;
	v20 =	vmul.f32 v20, v20;
	v25 =	vnsel vm11, $0x0, v25  }
0x1c1: {  	v23 =	vmax.f32 v13, v23;
	v17 =	vmul.f32 v17, v17;
	v14 =	vadd.f32 v25, v14  }
0x1c2: {  	v18 =	vadd.f32 v30, v18;
	v13 =	vsel vm9, v23, v13;
	v20 =	vnsel vm10, $0x0, v20  }
0x1c3: {  	s6 =	sshra.s32 s1, $0x2;
	v23 =	vnsel vm2, $0x0, v16;
	v15 =	vmax.f32 v13, v15;
	v14 =	vadd.f32 v20, v14  }
0x1c4: {  	v18 =	vadd.f32 v28, v18;
	v13 =	vsel vm7, v15, v13;
	v15 =	vnsel vm8, $0x0, v17;
	v25 =	vld [tilespmem:s6+$0x50]  }
0x1c5: {  	v12 =	vmax.f32 v13, v12;
	v16 =	vld [tilespmem:s6+$0xC050];
	v14 =	vadd.f32 v15, v14;
	v15 =	vnsel vm3, $0x0, v21  }
0x1c6: {  	v17 =	vadd.f32 v29, v18;
	v12 =	vsel vm5, v12, v13;
	v13 =	vnsel vm6, $0x0, v19;
	v28 =	vld [tilespmem:s6+$0x40]  }
0x1c7: {  	v9 =	vmin.f32 v9, v24;
	v8 =	vmax.f32 v12, v8;
	v21 =	vld [tilespmem:s6+$0xC040];
	v13 =	vadd.f32 v13, v14  }
0x1c8: {  	v9 =	vmin.f32 v9, v11;
	v11 =	vadd.f32 v22, v17;
	v8 =	vsel vm4, v8, v12;
	v19 =	vld [tilespmem:s6+$0xC030]  }
0x1c9: {  	v9 =	vmin.f32 v9, v10;
	v6 =	vmax.f32 v8, v6;
	v17 =	vld [tilespmem:s6+$0xC020];
	v10 =	vadd.f32 v15, v13  }
0x1ca: {  	v7 =	vmin.f32 v9, v7;
	v9 =	vadd.f32 v26, v11;
	v11 =	vsel vm1, v6, v8;
	v20 =	vld [tilespmem:s6+$0xC010]  }
.Ltmp6:
0x1cb: {  	v5 =	vmin.f32 v7, v5;
	v7 =	vmax.f32 v11, v3;
	v3 =	vmovc v25;
	v22 =	vld [tilespmem:s6+$0xC000];
	v14 =	vadd.f32 v23, v10;
	(pc) =	sbr.rel @p0 .LBB2_13-.Ltmp6, $4  }
0x1cc: {  	v18 =	vadd.f32 v27, v9;
	v9 =	vmin.f32 v5, v4;
	v13 =	vsel vm0, v7, v11;
	v6 =	vmovc v28;
	v8 =	vld [tilespmem:s6+$0x30]  }
0x1cd: {  	vm0 =	veq.f32 v16, $0.0e+00;
	v4 =	vand.u32 $0x7FFFFFFF, v16;
	v5 =	vand.u32 $0x7FFFFFFF, v21;
	v12 =	vld [tilespmem:s6+$0x20]  }
0x1ce: {  	vm2 =	vgt.f32 v16, $0.0e+00;
	vm1 =	veq.f32 v21, $0.0e+00;
	v7 =	vand.u32 $0x7FFFFFFF, v19;
	v15 =	vld [tilespmem:s6+$0x10]  }
0x1cf: {  	s1 =	sadd.s32 $0x200, s1;
	vm3 =	vgt.f32 v21, $0.0e+00;
	v10 =	vand.u32 $0x7FFFFFFF, v17;
	v23 =	vld [tilespmem:s6+$0x0];
	v11 =	vand.u32 $0x7FFFFFFF, v20  }
0x1d0: {  	_ =	sdelay $0x1  }
0x1d1: {  	v24 =	vand.u32 $0x7FFFFFFF, v22;
	vm4 =	veq.f32 v19, $0.0e+00  }
0x1d2: {  	v16 =	vsub.f32 v3, v16;
	vm5 =	veq.f32 v17, $0.0e+00;
	vm6 =	vgt.f32 v19, $0.0e+00  }
0x1d3: {  	v21 =	vsub.f32 v6, v21;
	vm7 =	veq.f32 v20, $0.0e+00;
	v25 =	vsub.f32 v23, v22  }
0x1d4: {  	vm8 =	vgt.f32 v17, $0.0e+00;
	vm9 =	veq.f32 v22, $0.0e+00;
	vm10 =	vgt.f32 v20, $0.0e+00  }
0x1d5: {  	vm11 =	vgt.f32 v22, $0.0e+00;
	v20 =	vsub.f32 v15, v20;
	v25 =	vmul.f32 v25, v25  }
0x1d6: {  	v26 =	vsel vm3, $0x3F800000, v0;
	v19 =	vsub.f32 v8, v19;
	v27 =	vsel vm10, $0x3F800000, v0  }
0x1d7: {  	v17 =	vsub.f32 v12, v17;
	v20 =	vmul.f32 v20, v20;
	v25 =	vnsel vm11, $0x0, v25  }
0x1d8: {  	v28 =	vsel vm11, $0x3F800000, v0;
	v63 =	vsel vm8, $0x3F800000, v0;
	v14 =	vadd.f32 v25, v14  }
0x1d9: {  	v18 =	vadd.f32 v28, v18;
	v17 =	vmul.f32 v17, v17;
	v20 =	vnsel vm10, $0x0, v20  }
0x1da: {  	v21 =	vmul.f32 v21, v21;
	v19 =	vmul.f32 v19, v19;
	v14 =	vadd.f32 v20, v14  }
0x1db: {  	v18 =	vadd.f32 v27, v18;
	v17 =	vnsel vm8, $0x0, v17;
	v20 =	vmax.f32 v13, v23  }
0x1dc: {  	v16 =	vmul.f32 v16, v16;
	v13 =	vsel vm9, v20, v13;
	v14 =	vadd.f32 v17, v14  }
0x1dd: {  	v15 =	vmax.f32 v13, v15;
	v17 =	vadd.f32 v63, v18;
	v18 =	vnsel vm6, $0x0, v19  }
0x1de: {  	v22 =	vsel vm6, $0x3F800000, v0;
	v13 =	vsel vm7, v15, v13;
	v14 =	vadd.f32 v18, v14  }
0x1df: {  	v15 =	vnsel vm3, $0x0, v21;
	v12 =	vmax.f32 v13, v12;
	v17 =	vadd.f32 v22, v17;
	v18 =	vld [tilespmem:$0x180F0]  }
0x1e0: {  	v9 =	vmin.f32 v9, v24;
	v12 =	vsel vm5, v12, v13;
	v13 =	vadd.f32 v15, v14;
	v14 =	vld [tilespmem:$0x18200]  }
0x1e1: {  	v15 =	vnsel vm2, $0x0, v16;
	v8 =	vmax.f32 v12, v8;
	v16 =	vadd.f32 v26, v17  }
0x1e2: {  	v19 =	vsel vm2, $0x3F800000, v0;
	v8 =	vsel vm4, v8, v12;
	v12 =	vadd.f32 v15, v13;
	v13 =	vld [tilespmem:$0x18310]  }
0x1e3: {  	v9 =	vmin.f32 v9, v11;
	v6 =	vmax.f32 v8, v6;
	v11 =	vadd.f32 v19, v16;
	v15 =	vld [tilespmem:$0x18420]  }
0x1e4: {  	v9 =	vmin.f32 v9, v10;
	v6 =	vsel vm1, v6, v8;
	v8 =	vadd.f32 v18, v12  }
0x1e5: {  	v7 =	vmin.f32 v9, v7;
	v3 =	vmax.f32 v6, v3;
	v9 =	vadd.f32 v14, v11  }
0x1e6: {  	v5 =	vmin.f32 v7, v5;
	v3 =	vsel vm0, v3, v6;
	[tilespmem:$0x180F0] =	vst v8  }
0x1e7: {  	v4 =	vmin.f32 v5, v4;
	[tilespmem:$0x18200] =	vst v9;
	v3 =	vmax.f32 v13, v3  }
0x1e8: {  	[tilespmem:$0x18310] =	vst v3;
	v3 =	vmin.f32 v15, v4  }
0x1e9: {  	[tilespmem:$0x18420] =	vst v3  }
0x1ea: {  	_ =	swait.ge [sflag:s25], $0x3000  }
0x1eb: {  	[sflag:s25] =	ssyncset.done $0x0  }
0x1ec: {  	[sflag:s25] =	ssyncadd.s32 $0xFFFFD000  }
0x1ed: {  	_ =	swait.ge [sflag:s26], $0x3000  }
0x1ee: {  	[sflag:s26] =	ssyncset.done $0x0  }
0x1ef: {  	s1 =	simm.s32 $0x0;
	[sflag:s26] =	ssyncadd.s32 $0xFFFFD000  }
0x1f0: {  	v3 =	vld [tilespmem:s1+$0x3050]  }
0x1f1: {  	v16 =	vld [tilespmem:s1+$0xF050]  }
0x1f2: {  	v6 =	vld [tilespmem:s1+$0x3040]  }
0x1f3: {  	v21 =	vld [tilespmem:s1+$0xF040]  }
0x1f4: {  	v19 =	vld [tilespmem:s1+$0xF030]  }
0x1f5: {  	v20 =	vld [tilespmem:s1+$0xF010]  }
0x1f6: {  	v17 =	vld [tilespmem:s1+$0xF020]  }
0x1f7: {  	v18 =	vimm.f32 $0.0e+00;
	v22 =	vld [tilespmem:s1+$0xF000]  }
0x1f8: {  	v14 =	vimm.f32 $0.0e+00;
	v13 =	vimm.f32 $-Inf;
	v9 =	vimm.f32 $+Inf;
	v8 =	vld [tilespmem:s1+$0x3030]  }
0x1f9: {  	v12 =	vld [tilespmem:s1+$0x3020];
	v5 =	vand.u32 $0x7FFFFFFF, v21;
	vm0 =	veq.f32 v16, $0.0e+00;
	v4 =	vand.u32 $0x7FFFFFFF, v16  }
0x1fa: {  	v15 =	vld [tilespmem:s1+$0x3010];
	v7 =	vand.u32 $0x7FFFFFFF, v19;
	vm1 =	veq.f32 v21, $0.0e+00;
	vm2 =	vgt.f32 v16, $0.0e+00  }
0x1fb: {  	v23 =	vld [tilespmem:s1+$0x3000];
	s1 =	simm.s32 $0x200;
	v11 =	vand.u32 $0x7FFFFFFF, v20;
	v10 =	vand.u32 $0x7FFFFFFF, v17;
	vm3 =	vgt.f32 v21, $0.0e+00  }
.LBB2_15:
0x1fc: {  	p0 =	sne.s32 s1, $0xBE00;
	v24 =	vand.u32 $0x7FFFFFFF, v22;
	vm4 =	veq.f32 v19, $0.0e+00;
	v16 =	vsub.f32 v3, v16  }
0x1fd: {  	vm5 =	veq.f32 v17, $0.0e+00;
	vm6 =	vgt.f32 v19, $0.0e+00;
	v21 =	vsub.f32 v6, v21  }
0x1fe: {  	vm7 =	veq.f32 v20, $0.0e+00;
	vm8 =	vgt.f32 v17, $0.0e+00;
	v19 =	vsub.f32 v8, v19  }
0x1ff: {  	vm9 =	veq.f32 v22, $0.0e+00;
	vm10 =	vgt.f32 v20, $0.0e+00;
	v17 =	vsub.f32 v12, v17  }
0x200: {  	vm11 =	vgt.f32 v22, $0.0e+00;
	v20 =	vsub.f32 v15, v20;
	v25 =	vsub.f32 v23, v22  }
0x201: {  	v26 =	vsel vm3, $0x3F800000, v0;
	v27 =	vsel vm2, $0x3F800000, v0;
	v22 =	vsel vm6, $0x3F800000, v0  }
0x202: {  	v28 =	vsel vm10, $0x3F800000, v0;
	v29 =	vsel vm8, $0x3F800000, v0;
	v25 =	vmul.f32 v25, v25  }
0x203: {  	v30 =	vsel vm11, $0x3F800000, v0;
	v21 =	vmul.f32 v21, v21;
	v16 =	vmul.f32 v16, v16  }
0x204: {  	v19 =	vmul.f32 v19, v19;
	v20 =	vmul.f32 v20, v20;
	v25 =	vnsel vm11, $0x0, v25  }
0x205: {  	v23 =	vmax.f32 v13, v23;
	v17 =	vmul.f32 v17, v17;
	v14 =	vadd.f32 v25, v14  }
0x206: {  	v18 =	vadd.f32 v30, v18;
	v13 =	vsel vm9, v23, v13;
	v20 =	vnsel vm10, $0x0, v20  }
0x207: {  	s6 =	sshra.s32 s1, $0x2;
	v23 =	vnsel vm2, $0x0, v16;
	v15 =	vmax.f32 v13, v15;
	v14 =	vadd.f32 v20, v14  }
0x208: {  	v18 =	vadd.f32 v28, v18;
	v13 =	vsel vm7, v15, v13;
	v15 =	vnsel vm8, $0x0, v17;
	v25 =	vld [tilespmem:s6+$0x3050]  }
0x209: {  	v12 =	vmax.f32 v13, v12;
	v16 =	vld [tilespmem:s6+$0xF050];
	v14 =	vadd.f32 v15, v14;
	v15 =	vnsel vm3, $0x0, v21  }
0x20a: {  	v17 =	vadd.f32 v29, v18;
	v12 =	vsel vm5, v12, v13;
	v13 =	vnsel vm6, $0x0, v19;
	v28 =	vld [tilespmem:s6+$0x3040]  }
0x20b: {  	v9 =	vmin.f32 v9, v24;
	v8 =	vmax.f32 v12, v8;
	v21 =	vld [tilespmem:s6+$0xF040];
	v13 =	vadd.f32 v13, v14  }
0x20c: {  	v9 =	vmin.f32 v9, v11;
	v11 =	vadd.f32 v22, v17;
	v8 =	vsel vm4, v8, v12;
	v19 =	vld [tilespmem:s6+$0xF030]  }
0x20d: {  	v9 =	vmin.f32 v9, v10;
	v6 =	vmax.f32 v8, v6;
	v17 =	vld [tilespmem:s6+$0xF020];
	v10 =	vadd.f32 v15, v13  }
0x20e: {  	v7 =	vmin.f32 v9, v7;
	v9 =	vadd.f32 v26, v11;
	v11 =	vsel vm1, v6, v8;
	v20 =	vld [tilespmem:s6+$0xF010]  }
.Ltmp7:
0x20f: {  	v5 =	vmin.f32 v7, v5;
	v7 =	vmax.f32 v11, v3;
	v3 =	vmovc v25;
	v22 =	vld [tilespmem:s6+$0xF000];
	v14 =	vadd.f32 v23, v10;
	(pc) =	sbr.rel @p0 .LBB2_15-.Ltmp7, $4  }
0x210: {  	v18 =	vadd.f32 v27, v9;
	v9 =	vmin.f32 v5, v4;
	v13 =	vsel vm0, v7, v11;
	v6 =	vmovc v28;
	v8 =	vld [tilespmem:s6+$0x3030]  }
0x211: {  	vm0 =	veq.f32 v16, $0.0e+00;
	v4 =	vand.u32 $0x7FFFFFFF, v16;
	v5 =	vand.u32 $0x7FFFFFFF, v21;
	v12 =	vld [tilespmem:s6+$0x3020]  }
0x212: {  	vm2 =	vgt.f32 v16, $0.0e+00;
	vm1 =	veq.f32 v21, $0.0e+00;
	v7 =	vand.u32 $0x7FFFFFFF, v19;
	v15 =	vld [tilespmem:s6+$0x3010]  }
0x213: {  	s1 =	sadd.s32 $0x200, s1;
	vm3 =	vgt.f32 v21, $0.0e+00;
	v10 =	vand.u32 $0x7FFFFFFF, v17;
	v23 =	vld [tilespmem:s6+$0x3000];
	v11 =	vand.u32 $0x7FFFFFFF, v20  }
0x214: {  	v24 =	vand.u32 $0x7FFFFFFF, v22  }
0x215: {  	vm4 =	veq.f32 v19, $0.0e+00;
	v16 =	vsub.f32 v3, v16;
	vm5 =	veq.f32 v17, $0.0e+00  }
0x216: {  	vm6 =	vgt.f32 v19, $0.0e+00;
	v21 =	vsub.f32 v6, v21;
	vm7 =	veq.f32 v20, $0.0e+00  }
0x217: {  	vm8 =	vgt.f32 v17, $0.0e+00;
	vm9 =	veq.f32 v22, $0.0e+00;
	vm10 =	vgt.f32 v20, $0.0e+00  }
0x218: {  	vm11 =	vgt.f32 v22, $0.0e+00;
	v26 =	vsel vm3, $0x3F800000, v0;
	v51 =	vsel vm2, $0x3F800000, v0  }
0x219: {  	v39 =	vsub.f32 v8, v19;
	v42 =	vsel vm6, $0x3F800000, v0;
	v27 =	vsel vm10, $0x3F800000, v0  }
0x21a: {  	v28 =	vsel vm11, $0x3F800000, v0;
	v43 =	vsel vm8, $0x3F800000, v0;
	v25 =	vsub.f32 v23, v22  }
0x21b: {  	v9 =	vmin.f32 v9, v24;
	v41 =	vsub.f32 v12, v17;
	v18 =	vadd.f32 v28, v18  }
0x21c: {  	v21 =	vmul.f32 v21, v21;
	v40 =	vsub.f32 v15, v20;
	v25 =	vmul.f32 v25, v25  }
0x21d: {  	v16 =	vmul.f32 v16, v16;
	v9 =	vmin.f32 v9, v11;
	v44 =	vmax.f32 v13, v23  }
0x21e: {  	v20 =	vmul.f32 v40, v40;
	v13 =	vsel vm9, v44, v13;
	v25 =	vnsel vm11, $0x0, v25  }
0x21f: {  	v17 =	vmul.f32 v41, v41;
	v45 =	vmax.f32 v13, v15;
	v14 =	vadd.f32 v25, v14  }
0x220: {  	v18 =	vadd.f32 v27, v18;
	v20 =	vnsel vm10, $0x0, v20;
	v13 =	vsel vm7, v45, v13  }
0x221: {  	v19 =	vmul.f32 v39, v39;
	v48 =	vmax.f32 v13, v12;
	v14 =	vadd.f32 v20, v14  }
0x222: {  	v17 =	vnsel vm8, $0x0, v17;
	v46 =	vadd.f32 v43, v18;
	v12 =	vsel vm5, v48, v13  }
0x223: {  	v53 =	vld [tilespmem:$0x18210];
	v9 =	vmin.f32 v9, v10;
	v55 =	vmax.f32 v12, v8;
	v14 =	vadd.f32 v17, v14  }
0x224: {  	v58 =	vld [tilespmem:$0x18320];
	v47 =	vnsel vm6, $0x0, v19;
	v8 =	vsel vm4, v55, v12;
	v17 =	vadd.f32 v42, v46  }
0x225: {  	v61 =	vld [tilespmem:$0x18430];
	v49 =	vnsel vm3, $0x0, v21;
	v59 =	vmax.f32 v8, v6;
	v14 =	vadd.f32 v47, v14  }
0x226: {  	v50 =	vld [tilespmem:$0x18100];
	v54 =	vnsel vm2, $0x0, v16;
	v6 =	vsel vm1, v59, v8;
	v56 =	vadd.f32 v26, v17  }
0x227: {  	v7 =	vmin.f32 v9, v7;
	v3 =	vmax.f32 v6, v3;
	v52 =	vadd.f32 v49, v14  }
0x228: {  	v5 =	vmin.f32 v7, v5;
	v3 =	vsel vm0, v3, v6;
	v60 =	vadd.f32 v51, v56  }
0x229: {  	v4 =	vmin.f32 v5, v4;
	v3 =	vmax.f32 v58, v3;
	v57 =	vadd.f32 v54, v52  }
0x22a: {  	[tilespmem:$0x18320] =	vst v3;
	v3 =	vmin.f32 v61, v4;
	v63 =	vadd.f32 v53, v60  }
0x22b: {  	s0 =	sadd.s32 $0x1, s0;
	[tilespmem:$0x18430] =	vst v3;
	v62 =	vadd.f32 v50, v57  }
0x22c: {  	s1 =	simm.s32 $0x80;
	p0 =	sne.s32 s0, s15;
	[tilespmem:$0x18210] =	vst v63  }
.Ltmp8:
0x22d: {  	s6 =	simm.s32 $0x400;
	s7 =	simm.s32 $0x18000;
	[tilespmem:$0x18100] =	vst v62;
	(pc) =	sbr.rel @p0 .LBB2_1-.Ltmp8, $4  }
0x22e: {  	[hbm4b:s14+s1] =	stream.strided.scatter [tilespmem:s7], [sflag:$0x9], $0x480, s6, s1, $0x38;
	[tilespmem:$0x18480] =	vst v63  }
0x22f: {  	_ =	swait.ge [sflag:s20], $0x480  }
0x230: {  	[sflag:s20] =	ssyncset.done $0x0  }
0x231: {  	[sflag:s20] =	ssyncadd.s32 $0xFFFFFB80  }
0x232: {  	_ =	sfence.sel $0x180000  }
0x233: {  	[bflag:$0x0] =	sbarrier.arrive $0xFFFF  }
0x234: {  	_ =	strace $0x90000047  }
0x235: {  	s0 =	stileid.u32;
	[bflag:$0x2] =	sbarrier.arrive $0xFFFF  }
0x236: {  	p0 =	sne.s32 s0, $0x0;
	s0 =	rddreg [dreg:$0x1]  }
0x237: {  	s0 =	sadd.s32 @!p0 $0x100000, s0  }
0x238: {  	[sflag:s0] =	ssyncadd.tile.s32 @!p0 $0x1;
	_ =	shalt  }
.Lfunc_end2:
_tile_overlayer_lowered:
.L_overlay_start_2:
0x239: {  	(tag) =	ssettag $0x2  }
0x23a: {  	s0 =	rddreg [dreg:$0x0];
	s2 =	stileid.u32  }
0x23b: {  	s1 =	rddreg [dreg:$0x1];
	p0 =	sne.s32 s2, $0x0  }
0x23c: {  	s3 =	rddreg [dreg:$0x2];
	[bflag:$0x3] =	sbarrier.arrive $0xFFFF;
	s2 =	simm.s32 @!p0 $0x1C09  }
0x23d: {  	[timem:s3], [sflag:s2] =	dma.local @!p0 [hbm:s0], s1  }
0x23e: {  	s0 =	simm.s32 @!p0 $0x9  }
0x23f: {  	_ =	swait.ge @!p0 [sflag:s0], s1  }
0x240: {  	s1 =	ssub.s32 @!p0 $0x0, s1;
	[sflag:s0] =	ssyncset.done @!p0 $0x0  }
0x241: {  	[sflag:s0] =	ssyncadd.s32 @!p0 s1  }
0x242: {  	[bflag:$0x3] =	sbarrier.arrive $0xFFFF  }
0x243: {  	_ =	shalt  }

</sc_bundles>
